<compile_context>
chip_gen: v7x
topology: tpu7x:2x2x1
jax: 0.10.2.dev20260603
libtpu: 0.0.44.dev20260713+nightly
codegen_flags: <defaults>
</compile_context>

<pallas_src>
import functools

import jax
import jax.numpy as jnp
from jax import lax
from jax.experimental import pallas as pl
from jax.experimental.pallas import tpu as pltpu
from jax.experimental.pallas import tpu_sc as plsc

_NUM_EXPERTS = 64
_TOP_K = 8
_RHO = 0.5
_NUM_NULL = 64
_TB = 1024
_NW = 32
_N_TOKENS = 8192
_TPW = _N_TOKENS // _NW


def _tc_logits_kernel(x_ref, wt_ref, b_ref, null_ref,
                      logits_ref, accP_ref, accS_ref):
    t = pl.program_id(0)
    logits = jnp.dot(x_ref[...], wt_ref[...],
                     preferred_element_type=jnp.float32) + b_ref[...]
    logits_ref[...] = logits
    null = null_ref[0, 0]
    m = jnp.maximum(jnp.max(logits, axis=1, keepdims=True), null)
    e = jnp.exp(logits - m)
    s_real = jnp.sum(e, axis=1, keepdims=True)
    z = s_real + _NUM_NULL * jnp.exp(null - m)
    lse = m + jnp.log(z)
    lane = jax.lax.broadcasted_iota(jnp.int32, (1, _NUM_EXPERTS), 1)

    @pl.when(t == 0)
    def _init():
        accP_ref[...] = jnp.zeros_like(accP_ref)
        accS_ref[...] = jnp.zeros_like(accS_ref)

    accP_ref[...] += jnp.sum(e * (1.0 / s_real), axis=0, keepdims=True)
    accS_ref[...] += jnp.where(lane == 0, jnp.sum(lse * lse), 0.0)


def _merge16(ka, va, kb, vb):
    kr = lax.rev(kb, (0,))
    vr = lax.rev(vb, (0,))
    ta = ka >= kr
    kc = jnp.where(ta, ka, kr)
    vc = jnp.where(ta, va, vr)
    return plsc.sort_key_val(kc, vc, descending=True)


def _sc_route_body(logits_hbm, null_hbm, idx_hbm, w_hbm, isn_hbm, cnt_hbm,
                   lv, nullv, idxb, wb, isnb, cnt):
    c = lax.axis_index("c")
    s = lax.axis_index("s")
    wid = s * 2 + c
    pltpu.sync_copy(logits_hbm.at[pl.ds(wid * _TPW * 64, _TPW * 64)], lv)
    pltpu.sync_copy(null_hbm, nullv)
    null_v = nullv[...]
    lane = lax.iota(jnp.int32, 16)
    zeros16 = jnp.zeros((16,), jnp.float32)
    for i in range(4):
        cnt[pl.ds(i * 16, 16)] = zeros16
    valid = lane < _TOP_K
    ones16 = jnp.ones((16,), jnp.float32)

    lane0 = jnp.zeros((16,), jnp.int32)

    @plsc.parallel_loop(0, _TPW, 1, unroll=8)
    def _token_body(t):
        base = t * 64
        k0 = lv[pl.ds(base, 16)]
        k1 = lv[pl.ds(base + 16, 16)]
        k2 = lv[pl.ds(base + 32, 16)]
        k3 = lv[pl.ds(base + 48, 16)]

        s0 = plsc.sort_key_val(k0, lane, descending=True)
        s1 = plsc.sort_key_val(k1, lane + 16, descending=True)
        s2 = plsc.sort_key_val(k2, lane + 32, descending=True)
        s3 = plsc.sort_key_val(k3, lane + 48, descending=True)
        mk, mvv = _merge16(s0[0], s0[1], s1[0], s1[1])
        nk, nvv = _merge16(s2[0], s2[1], s3[0], s3[1])
        fk, fv = _merge16(mk, mvv, nk, nvv)

        m_bcast = lax.gather(
            fk, lane0[:, None],
            dimension_numbers=lax.GatherDimensionNumbers(
                offset_dims=(), collapsed_slice_dims=(0,),
                start_index_map=(0,)),
            slice_sizes=(1,),
            mode=lax.GatherScatterMode.PROMISE_IN_BOUNDS)
        m_v = jnp.maximum(m_bcast, null_v)
        e_sum = (jnp.exp(k0 - m_v) + jnp.exp(k1 - m_v)
                 + jnp.exp(k2 - m_v) + jnp.exp(k3 - m_v))
        s_real = jnp.sum(e_sum, axis=0)
        z_v = s_real + 64.0 * jnp.exp(null_v - m_v)

        isnull = (fk < null_v) & valid
        real = valid & (~isnull)
        nreal = plsc.all_reduce_population_count(real)
        out_idx = jnp.where(isnull, _NUM_EXPERTS + lane - nreal, fv)
        w_pre = jnp.exp(fk - m_v) / z_v
        w_real = jnp.where(real, w_pre, 0.0)
        wsum = jnp.sum(w_real, axis=0)
        w_out = w_real / jnp.maximum(wsum, 1e-6)

        off = t * _TOP_K
        plsc.store_compressed(idxb.at[pl.ds(off, 16)], out_idx, mask=valid)
        plsc.store_compressed(wb.at[pl.ds(off, 16)], w_out, mask=valid)
        plsc.store_compressed(isnb.at[pl.ds(off, 16)],
                              isnull.astype(jnp.int32), mask=valid)
        plsc.addupdate_scatter(cnt, [fv], ones16, mask=real)

    n_out = _TPW * _TOP_K
    pltpu.sync_copy(idxb.at[pl.ds(0, n_out)],
                    idx_hbm.at[pl.ds(wid * n_out, n_out)])
    pltpu.sync_copy(wb.at[pl.ds(0, n_out)],
                    w_hbm.at[pl.ds(wid * n_out, n_out)])
    pltpu.sync_copy(isnb.at[pl.ds(0, n_out)],
                    isn_hbm.at[pl.ds(wid * n_out, n_out)])
    pltpu.sync_copy(cnt, cnt_hbm.at[pl.ds(wid * 64, 64)])


_sc_route = functools.partial(
    pl.kernel,
    out_type=(
        jax.ShapeDtypeStruct((_N_TOKENS * _TOP_K,), jnp.int32),
        jax.ShapeDtypeStruct((_N_TOKENS * _TOP_K,), jnp.float32),
        jax.ShapeDtypeStruct((_N_TOKENS * _TOP_K,), jnp.int32),
        jax.ShapeDtypeStruct((_NW * 64,), jnp.float32),
    ),
    mesh=plsc.VectorSubcoreMesh(core_axis_name="c", subcore_axis_name="s",
                                num_cores=2, num_subcores=16),
    compiler_params=pltpu.CompilerParams(needs_layout_passes=False),
    scratch_types=[
        pltpu.VMEM((_TPW * 64,), jnp.float32),
        pltpu.VMEM((16,), jnp.float32),
        pltpu.VMEM((_TPW * _TOP_K + 8,), jnp.int32),
        pltpu.VMEM((_TPW * _TOP_K + 8,), jnp.float32),
        pltpu.VMEM((_TPW * _TOP_K + 8,), jnp.int32),
        pltpu.VMEM((64,), jnp.float32),
    ],
)(_sc_route_body)


def _combine_kernel(accP_ref, accS_ref, cnt_ref, aux_ref):
    counts = jnp.sum(cnt_ref[...], axis=0, keepdims=True)
    csum = jnp.sum(counts)
    total = jnp.maximum(csum, 1e-6)
    p_real = accP_ref[...] / _N_TOKENS
    l_bal = _NUM_EXPERTS * jnp.sum((counts / total) * p_real)
    lane = jax.lax.broadcasted_iota(jnp.int32, (1, _NUM_EXPERTS), 1)
    l_z = jnp.sum(jnp.where(lane == 0, accS_ref[...], 0.0)) / _N_TOKENS
    null_rate = (_N_TOKENS * _TOP_K - csum) / (_N_TOKENS * _TOP_K)
    l_null = (null_rate - _RHO) ** 2
    aux = 0.02 * l_bal + 0.001 * l_z + 0.01 * l_null
    aux_ref[...] = jnp.broadcast_to(aux, (1, 1))


@jax.jit
def kernel(x, W, logit_bias, null_logit):
    B, T, D = x.shape
    xf = x.reshape(_N_TOKENS, D)
    wt = W.T
    bias = logit_bias.reshape(1, _NUM_EXPERTS)
    null11 = jnp.reshape(null_logit, (1, 1)).astype(jnp.float32)
    null16 = jnp.broadcast_to(null_logit.astype(jnp.float32), (16,))

    n_blocks = _N_TOKENS // _TB
    tok_spec = lambda w: pl.BlockSpec((_TB, w), lambda i: (i, 0))
    fix_spec = lambda s: pl.BlockSpec(s, lambda i: (0, 0))
    logits, accP, accS = pl.pallas_call(
        _tc_logits_kernel,
        grid=(n_blocks,),
        in_specs=[tok_spec(D), fix_spec((D, _NUM_EXPERTS)),
                  fix_spec((1, _NUM_EXPERTS)), fix_spec((1, 1))],
        out_specs=(tok_spec(_NUM_EXPERTS), fix_spec((1, _NUM_EXPERTS)),
                   fix_spec((1, _NUM_EXPERTS))),
        out_shape=(
            jax.ShapeDtypeStruct((_N_TOKENS, _NUM_EXPERTS), jnp.float32),
            jax.ShapeDtypeStruct((1, _NUM_EXPERTS), jnp.float32),
            jax.ShapeDtypeStruct((1, _NUM_EXPERTS), jnp.float32),
        ),
    )(xf, wt, bias, null11)

    idxf, wf, isnf, cnt = _sc_route(logits.reshape(-1), null16)

    aux = pl.pallas_call(
        _combine_kernel,
        grid=(1,),
        in_specs=[fix_spec((1, _NUM_EXPERTS)), fix_spec((1, _NUM_EXPERTS)),
                  pl.BlockSpec((_NW, 64), lambda i: (0, 0))],
        out_specs=fix_spec((1, 1)),
        out_shape=jax.ShapeDtypeStruct((1, 1), jnp.float32),
    )(accP, accS, cnt.reshape(_NW, 64))

    return (idxf.reshape(B, T, _TOP_K),
            wf.reshape(B, T, _TOP_K),
            (isnf != 0).reshape(B, T, _TOP_K),
            aux[0, 0])

# --- scband reference (transcript-rebuilt; emitter-appended) ---
"""Pipeline reference for scband-mo-egate-25640954757689 (READ-ONLY COPY).

The authoritative reference and input builder live on the scoring server;
editing this copy changes nothing except your own understanding.
"""

import jax, jax.numpy as jnp
import numpy as np

NUM_EXPERTS = 64
TOP_K = 8
D_MODEL = 2048
RHO = 0.5
NUM_NULL = int(NUM_EXPERTS * (1 - RHO) / RHO)  # 64 null copies


def setup_inputs(seed: int = 0) -> dict:
    key = jax.random.key(seed)
    k1, k2 = jax.random.split(key)
    x = jax.random.normal(k1, (4, 2048, D_MODEL), dtype=jnp.float32)
    # learned params per init_kwargs
    W = jax.random.normal(k2, (NUM_EXPERTS, D_MODEL), dtype=jnp.float32) * 0.02
    logit_bias = jnp.zeros((NUM_EXPERTS,), dtype=jnp.float32)
    null_logit = jnp.zeros((), dtype=jnp.float32)
    return {"x": x, "W": W, "logit_bias": logit_bias, "null_logit": null_logit}


def reference(x, W, logit_bias, null_logit):
    B, T, D = x.shape
    real_logits = jnp.einsum('btd,ed->bte', x, W) + logit_bias
    null_logits = jnp.broadcast_to(null_logit, (B, T, NUM_NULL))
    logits = jnp.concatenate([real_logits, null_logits], axis=-1)
    probs = jax.nn.softmax(logits, axis=-1)
    topk_weight, topk_idx = jax.lax.top_k(probs, TOP_K)
    is_null = topk_idx >= NUM_EXPERTS
    real_weights = topk_weight * (~is_null).astype(jnp.float32)
    weight_sum = jnp.maximum(real_weights.sum(axis=-1, keepdims=True), 1e-6)
    topk_weight = real_weights / weight_sum
    # load-balance aux loss
    logits_real = logits[:, :, :NUM_EXPERTS]
    probs_real = jax.nn.softmax(logits_real, axis=-1)
    P_real = probs_real.mean(axis=(0, 1))
    idx_flat = topk_idx.reshape(-1)
    is_null_flat = idx_flat >= NUM_EXPERTS
    idx_real = jnp.where(is_null_flat, 0, idx_flat)
    counts_real = jnp.bincount(idx_real, minlength=NUM_EXPERTS, length=NUM_EXPERTS).astype(jnp.float32)
    counts_real = counts_real.at[0].add(-is_null_flat.sum().astype(jnp.float32))
    total_real = jnp.maximum(counts_real.sum(), 1e-6)
    f_real = counts_real / total_real
    L_bal = NUM_EXPERTS * jnp.sum(f_real * P_real)
    null_rate = is_null.astype(jnp.float32).mean()
    L_null = (null_rate - RHO) ** 2
    lse = jax.nn.logsumexp(logits, axis=-1)
    L_z = jnp.mean(lse ** 2)
    aux_loss = 0.02 * L_bal + 0.001 * L_z + 0.01 * L_null
    return (topk_idx, topk_weight, is_null, aux_loss)

if __name__ == "__main__":
    import jax
    _d = setup_inputs()
    print(jax.jit(kernel)(*tuple(_d.values())))

</pallas_src>

<mosaic_0001>
#map = affine_map<(d0, d1) -> (0)>
module attributes {stable_mosaic.version = 14 : i64} {
  func.func @_sc_route_body(%arg0: i32, %arg1: i32, %arg2: memref<524288xf32, #tpu.memory_space<hbm>>, %arg3: memref<16xf32, #tpu.memory_space<hbm>>, %arg4: memref<65536xi32, #tpu.memory_space<hbm>>, %arg5: memref<65536xf32, #tpu.memory_space<hbm>>, %arg6: memref<65536xi32, #tpu.memory_space<hbm>>, %arg7: memref<2048xf32, #tpu.memory_space<hbm>>, %arg8: memref<16384xf32, #tpu.memory_space<vmem>>, %arg9: memref<16xf32, #tpu.memory_space<vmem>>, %arg10: memref<2056xi32, #tpu.memory_space<vmem>>, %arg11: memref<2056xf32, #tpu.memory_space<vmem>>, %arg12: memref<2056xi32, #tpu.memory_space<vmem>>, %arg13: memref<64xf32, #tpu.memory_space<vmem>>) attributes {dimension_semantics = [#tpu.dimension_semantics<core_parallel>, #tpu.dimension_semantics<subcore_parallel>], iteration_bounds = array<i64: 2, 16>, scalar_prefetch = 0 : i64, scratch_operands = 6 : i64, tpu.core_type = #tpu.core_type<sc_vector_subcore>, window_params = [{transform_indices = #map}, {transform_indices = #map}, {transform_indices = #map}, {transform_indices = #map}, {transform_indices = #map}, {transform_indices = #map}]} {
    %mul3A = arith.constant 2 : i32
    %mul3A_0 = arith.muli %arg1, %mul3A : i32
    %add3A = arith.addi %mul3A_0, %arg0 : i32
    %mul3A_1 = arith.constant 256 : i32
    %mul3A_2 = arith.muli %add3A, %mul3A_1 : i32
    %mul3A_3 = arith.constant 64 : i32
    %mul3A_4 = arith.muli %mul3A_2, %mul3A_3 : i32
    "tpu.region"() ({
      %run_scoped3A = tpu.sem_alloc : memref<!tpu.dma_semaphore, #tpu.memory_space<semaphore_mem>>
      %dma_start3A = tpu.memref_slice %arg2[%mul3A_4] : memref<524288xf32, #tpu.memory_space<hbm>> -> memref<16384xf32, #tpu.memory_space<hbm>>
      %dma_start3A_30 = tpu.memref_slice %arg2[%mul3A_4] : memref<524288xf32, #tpu.memory_space<hbm>> -> memref<16384xf32, #tpu.memory_space<hbm>>
      tpu.enqueue_dma source(%dma_start3A_30 : memref<16384xf32, #tpu.memory_space<hbm>>) target(%arg8 : memref<16384xf32, #tpu.memory_space<vmem>>) target_semaphore(%run_scoped3A : memref<!tpu.dma_semaphore, #tpu.memory_space<semaphore_mem>>)
      %dma_wait3A = tpu.memref_slice %arg2[%mul3A_4] : memref<524288xf32, #tpu.memory_space<hbm>> -> memref<16384xf32, #tpu.memory_space<hbm>>
      %dma_wait3A_31 = tpu.memref_slice %arg2[%mul3A_4] : memref<524288xf32, #tpu.memory_space<hbm>> -> memref<16384xf32, #tpu.memory_space<hbm>>
      tpu.wait_dma2 semaphore(%run_scoped3A : memref<!tpu.dma_semaphore, #tpu.memory_space<semaphore_mem>>) src(%dma_wait3A_31 : memref<16384xf32, #tpu.memory_space<hbm>>) dst(%arg8 : memref<16384xf32, #tpu.memory_space<vmem>>)
      tpu.yield
    }) : () -> ()
    "tpu.region"() ({
      %run_scoped3A = tpu.sem_alloc : memref<!tpu.dma_semaphore, #tpu.memory_space<semaphore_mem>>
      tpu.enqueue_dma source(%arg3 : memref<16xf32, #tpu.memory_space<hbm>>) target(%arg9 : memref<16xf32, #tpu.memory_space<vmem>>) target_semaphore(%run_scoped3A : memref<!tpu.dma_semaphore, #tpu.memory_space<semaphore_mem>>)
      tpu.wait_dma2 semaphore(%run_scoped3A : memref<!tpu.dma_semaphore, #tpu.memory_space<semaphore_mem>>) src(%arg3 : memref<16xf32, #tpu.memory_space<hbm>>) dst(%arg9 : memref<16xf32, #tpu.memory_space<vmem>>)
      tpu.yield
    }) : () -> ()
    %get3A = arith.constant 0 : index
    %get3A_5 = tpu.vector_load %arg9[%get3A] {strides = array<i32>} : memref<16xf32, #tpu.memory_space<vmem>>, vector<16xf32>,
    %iota3A = tpu.iota {dimensions = array<i32: 0>} : vector<16xi32>
    %broadcast_in_dim3A = arith.constant 0.000000e+00 : f32
    %broadcast_in_dim3A_6 = vector.broadcast %broadcast_in_dim3A : f32 to vector<16xf32>
    %swap3A = arith.constant 0 : index
    %swap3A_7 = tpu.vector_load %arg13[%swap3A] {strides = array<i32>} : memref<64xf32, #tpu.memory_space<vmem>>, vector<16xf32>,
    tpu.vector_store %arg13[%swap3A], %broadcast_in_dim3A_6 {strides = array<i32>} : memref<64xf32, #tpu.memory_space<vmem>>, vector<16xf32>,
    %swap3A_8 = arith.constant 16 : index
    %swap3A_9 = tpu.vector_load %arg13[%swap3A_8] {strides = array<i32>} : memref<64xf32, #tpu.memory_space<vmem>>, vector<16xf32>,
    tpu.vector_store %arg13[%swap3A_8], %broadcast_in_dim3A_6 {strides = array<i32>} : memref<64xf32, #tpu.memory_space<vmem>>, vector<16xf32>,
    %swap3A_10 = arith.constant 32 : index
    %swap3A_11 = tpu.vector_load %arg13[%swap3A_10] {strides = array<i32>} : memref<64xf32, #tpu.memory_space<vmem>>, vector<16xf32>,
    tpu.vector_store %arg13[%swap3A_10], %broadcast_in_dim3A_6 {strides = array<i32>} : memref<64xf32, #tpu.memory_space<vmem>>, vector<16xf32>,
    %swap3A_12 = arith.constant 48 : index
    %swap3A_13 = tpu.vector_load %arg13[%swap3A_12] {strides = array<i32>} : memref<64xf32, #tpu.memory_space<vmem>>, vector<16xf32>,
    tpu.vector_store %arg13[%swap3A_12], %broadcast_in_dim3A_6 {strides = array<i32>} : memref<64xf32, #tpu.memory_space<vmem>>, vector<16xf32>,
    %lt3A = arith.constant 8 : i32
    %lt3A_14 = vector.broadcast %lt3A : i32 to vector<16xi32>
    %lt3A_15 = arith.cmpi slt, %iota3A, %lt3A_14 : vector<16xi32>
    %broadcast_in_dim3A_16 = arith.constant 1.000000e+00 : f32
    %broadcast_in_dim3A_17 = vector.broadcast %broadcast_in_dim3A_16 : f32 to vector<16xf32>
    %broadcast_in_dim3A_18 = arith.constant 0 : i32
    %broadcast_in_dim3A_19 = vector.broadcast %broadcast_in_dim3A_18 : i32 to vector<16xi32>
    %parallel_loop3A = arith.constant 0 : i32
    %parallel_loop3A_20 = arith.constant 256 : i32
    %parallel_loop3A_21 = arith.constant 1 : i32
    scf.for %parallel_loop3A_30 = %parallel_loop3A to %parallel_loop3A_20 step %parallel_loop3A_21  : i32 {
      %parallel_loop3A_31 = arith.constant 64 : i32
      %parallel_loop3A_32 = arith.muli %parallel_loop3A_30, %parallel_loop3A_31 : i32
      %parallel_loop3A_33 = arith.index_cast %parallel_loop3A_32 : i32 to index
      %parallel_loop3A_34 = tpu.vector_load %arg8[%parallel_loop3A_33] {strides = array<i32>} : memref<16384xf32, #tpu.memory_space<vmem>>, vector<16xf32>,
      %parallel_loop3A_35 = arith.constant 16 : i32
      %parallel_loop3A_36 = arith.addi %parallel_loop3A_32, %parallel_loop3A_35 : i32
      %parallel_loop3A_37 = arith.index_cast %parallel_loop3A_36 : i32 to index
      %parallel_loop3A_38 = tpu.vector_load %arg8[%parallel_loop3A_37] {strides = array<i32>} : memref<16384xf32, #tpu.memory_space<vmem>>, vector<16xf32>,
      %parallel_loop3A_39 = arith.constant 32 : i32
      %parallel_loop3A_40 = arith.addi %parallel_loop3A_32, %parallel_loop3A_39 : i32
      %parallel_loop3A_41 = arith.index_cast %parallel_loop3A_40 : i32 to index
      %parallel_loop3A_42 = tpu.vector_load %arg8[%parallel_loop3A_41] {strides = array<i32>} : memref<16384xf32, #tpu.memory_space<vmem>>, vector<16xf32>,
      %parallel_loop3A_43 = arith.constant 48 : i32
      %parallel_loop3A_44 = arith.addi %parallel_loop3A_32, %parallel_loop3A_43 : i32
      %parallel_loop3A_45 = arith.index_cast %parallel_loop3A_44 : i32 to index
      %parallel_loop3A_46 = tpu.vector_load %arg8[%parallel_loop3A_45] {strides = array<i32>} : memref<16384xf32, #tpu.memory_space<vmem>>, vector<16xf32>,
      %parallel_loop3A_47 = arith.constant dense<true> : vector<16xi1>
      %parallel_loop3A_48, %parallel_loop3A_49, %parallel_loop3A_50 = tpu.sort %parallel_loop3A_34, %iota3A masked %parallel_loop3A_47 {descending = true} : (vector<16xf32>, vector<16xi32>, vector<16xi1>) -> (vector<16xi1>, vector<16xf32>, vector<16xi32>)
      %parallel_loop3A_51 = arith.constant 16 : i32
      %parallel_loop3A_52 = vector.broadcast %parallel_loop3A_51 : i32 to vector<16xi32>
      %parallel_loop3A_53 = arith.addi %iota3A, %parallel_loop3A_52 : vector<16xi32>
      %parallel_loop3A_54 = arith.constant dense<true> : vector<16xi1>
      %parallel_loop3A_55, %parallel_loop3A_56, %parallel_loop3A_57 = tpu.sort %parallel_loop3A_38, %parallel_loop3A_53 masked %parallel_loop3A_54 {descending = true} : (vector<16xf32>, vector<16xi32>, vector<16xi1>) -> (vector<16xi1>, vector<16xf32>, vector<16xi32>)
      %parallel_loop3A_58 = arith.constant 32 : i32
      %parallel_loop3A_59 = vector.broadcast %parallel_loop3A_58 : i32 to vector<16xi32>
      %parallel_loop3A_60 = arith.addi %iota3A, %parallel_loop3A_59 : vector<16xi32>
      %parallel_loop3A_61 = arith.constant dense<true> : vector<16xi1>
      %parallel_loop3A_62, %parallel_loop3A_63, %parallel_loop3A_64 = tpu.sort %parallel_loop3A_42, %parallel_loop3A_60 masked %parallel_loop3A_61 {descending = true} : (vector<16xf32>, vector<16xi32>, vector<16xi1>) -> (vector<16xi1>, vector<16xf32>, vector<16xi32>)
      %parallel_loop3A_65 = arith.constant 48 : i32
      %parallel_loop3A_66 = vector.broadcast %parallel_loop3A_65 : i32 to vector<16xi32>
      %parallel_loop3A_67 = arith.addi %iota3A, %parallel_loop3A_66 : vector<16xi32>
      %parallel_loop3A_68 = arith.constant dense<true> : vector<16xi1>
      %parallel_loop3A_69, %parallel_loop3A_70, %parallel_loop3A_71 = tpu.sort %parallel_loop3A_46, %parallel_loop3A_67 masked %parallel_loop3A_68 {descending = true} : (vector<16xf32>, vector<16xi32>, vector<16xi1>) -> (vector<16xi1>, vector<16xf32>, vector<16xi32>)
      %parallel_loop3A_72 = arith.constant 15 : i32
      %parallel_loop3A_73 = vector.broadcast %parallel_loop3A_72 : i32 to vector<16xi32>
      %parallel_loop3A_74 = tpu.iota {dimensions = array<i32: 0>} : vector<16xi32>
      %parallel_loop3A_75 = arith.subi %parallel_loop3A_73, %parallel_loop3A_74 : vector<16xi32>
      %parallel_loop3A_76 = tpu.dynamic_gather %parallel_loop3A_56[%parallel_loop3A_75] in [0] : vector<16xf32>, vector<16xi32> -> vector<16xf32>
      %parallel_loop3A_77 = arith.constant 15 : i32
      %parallel_loop3A_78 = vector.broadcast %parallel_loop3A_77 : i32 to vector<16xi32>
      %parallel_loop3A_79 = tpu.iota {dimensions = array<i32: 0>} : vector<16xi32>
      %parallel_loop3A_80 = arith.subi %parallel_loop3A_78, %parallel_loop3A_79 : vector<16xi32>
      %parallel_loop3A_81 = tpu.dynamic_gather %parallel_loop3A_57[%parallel_loop3A_80] in [0] : vector<16xi32>, vector<16xi32> -> vector<16xi32>
      %parallel_loop3A_82 = arith.cmpf oge, %parallel_loop3A_49, %parallel_loop3A_76 : vector<16xf32>
      %parallel_loop3A_83 = arith.select %parallel_loop3A_82, %parallel_loop3A_49, %parallel_loop3A_76 : vector<16xi1>, vector<16xf32>
      %parallel_loop3A_84 = arith.select %parallel_loop3A_82, %parallel_loop3A_50, %parallel_loop3A_81 : vector<16xi1>, vector<16xi32>
      %parallel_loop3A_85 = arith.constant dense<true> : vector<16xi1>
      %parallel_loop3A_86, %parallel_loop3A_87, %parallel_loop3A_88 = tpu.sort %parallel_loop3A_83, %parallel_loop3A_84 masked %parallel_loop3A_85 {descending = true} : (vector<16xf32>, vector<16xi32>, vector<16xi1>) -> (vector<16xi1>, vector<16xf32>, vector<16xi32>)
      %parallel_loop3A_89 = arith.constant 15 : i32
      %parallel_loop3A_90 = vector.broadcast %parallel_loop3A_89 : i32 to vector<16xi32>
      %parallel_loop3A_91 = tpu.iota {dimensions = array<i32: 0>} : vector<16xi32>
      %parallel_loop3A_92 = arith.subi %parallel_loop3A_90, %parallel_loop3A_91 : vector<16xi32>
      %parallel_loop3A_93 = tpu.dynamic_gather %parallel_loop3A_70[%parallel_loop3A_92] in [0] : vector<16xf32>, vector<16xi32> -> vector<16xf32>
      %parallel_loop3A_94 = arith.constant 15 : i32
      %parallel_loop3A_95 = vector.broadcast %parallel_loop3A_94 : i32 to vector<16xi32>
      %parallel_loop3A_96 = tpu.iota {dimensions = array<i32: 0>} : vector<16xi32>
      %parallel_loop3A_97 = arith.subi %parallel_loop3A_95, %parallel_loop3A_96 : vector<16xi32>
      %parallel_loop3A_98 = tpu.dynamic_gather %parallel_loop3A_71[%parallel_loop3A_97] in [0] : vector<16xi32>, vector<16xi32> -> vector<16xi32>
      %parallel_loop3A_99 = arith.cmpf oge, %parallel_loop3A_63, %parallel_loop3A_93 : vector<16xf32>
      %parallel_loop3A_100 = arith.select %parallel_loop3A_99, %parallel_loop3A_63, %parallel_loop3A_93 : vector<16xi1>, vector<16xf32>
      %parallel_loop3A_101 = arith.select %parallel_loop3A_99, %parallel_loop3A_64, %parallel_loop3A_98 : vector<16xi1>, vector<16xi32>
      %parallel_loop3A_102 = arith.constant dense<true> : vector<16xi1>
      %parallel_loop3A_103, %parallel_loop3A_104, %parallel_loop3A_105 = tpu.sort %parallel_loop3A_100, %parallel_loop3A_101 masked %parallel_loop3A_102 {descending = true} : (vector<16xf32>, vector<16xi32>, vector<16xi1>) -> (vector<16xi1>, vector<16xf32>, vector<16xi32>)
      %parallel_loop3A_106 = arith.constant 15 : i32
      %parallel_loop3A_107 = vector.broadcast %parallel_loop3A_106 : i32 to vector<16xi32>
      %parallel_loop3A_108 = tpu.iota {dimensions = array<i32: 0>} : vector<16xi32>
      %parallel_loop3A_109 = arith.subi %parallel_loop3A_107, %parallel_loop3A_108 : vector<16xi32>
      %parallel_loop3A_110 = tpu.dynamic_gather %parallel_loop3A_104[%parallel_loop3A_109] in [0] : vector<16xf32>, vector<16xi32> -> vector<16xf32>
      %parallel_loop3A_111 = arith.constant 15 : i32
      %parallel_loop3A_112 = vector.broadcast %parallel_loop3A_111 : i32 to vector<16xi32>
      %parallel_loop3A_113 = tpu.iota {dimensions = array<i32: 0>} : vector<16xi32>
      %parallel_loop3A_114 = arith.subi %parallel_loop3A_112, %parallel_loop3A_113 : vector<16xi32>
      %parallel_loop3A_115 = tpu.dynamic_gather %parallel_loop3A_105[%parallel_loop3A_114] in [0] : vector<16xi32>, vector<16xi32> -> vector<16xi32>
      %parallel_loop3A_116 = arith.cmpf oge, %parallel_loop3A_87, %parallel_loop3A_110 : vector<16xf32>
      %parallel_loop3A_117 = arith.select %parallel_loop3A_116, %parallel_loop3A_87, %parallel_loop3A_110 : vector<16xi1>, vector<16xf32>
      %parallel_loop3A_118 = arith.select %parallel_loop3A_116, %parallel_loop3A_88, %parallel_loop3A_115 : vector<16xi1>, vector<16xi32>
      %parallel_loop3A_119 = arith.constant dense<true> : vector<16xi1>
      %parallel_loop3A_120, %parallel_loop3A_121, %parallel_loop3A_122 = tpu.sort %parallel_loop3A_117, %parallel_loop3A_118 masked %parallel_loop3A_119 {descending = true} : (vector<16xf32>, vector<16xi32>, vector<16xi1>) -> (vector<16xi1>, vector<16xf32>, vector<16xi32>)
      %parallel_loop3A_123 = vector.shape_cast %broadcast_in_dim3A_19 : vector<16xi32> to vector<16x1xi32>
      %parallel_loop3A_124 = vector.shape_cast %parallel_loop3A_123 : vector<16x1xi32> to vector<16xi32>
      %parallel_loop3A_125 = tpu.dynamic_gather %parallel_loop3A_121[%parallel_loop3A_124] in [0] : vector<16xf32>, vector<16xi32> -> vector<16xf32>
      %parallel_loop3A_126 = arith.maximumf %parallel_loop3A_125, %get3A_5 : vector<16xf32>
      %parallel_loop3A_127 = arith.subf %parallel_loop3A_34, %parallel_loop3A_126 : vector<16xf32>
      %parallel_loop3A_128 = math.exp %parallel_loop3A_127 : vector<16xf32>
      %parallel_loop3A_129 = arith.subf %parallel_loop3A_38, %parallel_loop3A_126 : vector<16xf32>
      %parallel_loop3A_130 = math.exp %parallel_loop3A_129 : vector<16xf32>
      %parallel_loop3A_131 = arith.addf %parallel_loop3A_128, %parallel_loop3A_130 : vector<16xf32>
      %parallel_loop3A_132 = arith.subf %parallel_loop3A_42, %parallel_loop3A_126 : vector<16xf32>
      %parallel_loop3A_133 = math.exp %parallel_loop3A_132 : vector<16xf32>
      %parallel_loop3A_134 = arith.addf %parallel_loop3A_131, %parallel_loop3A_133 : vector<16xf32>
      %parallel_loop3A_135 = arith.subf %parallel_loop3A_46, %parallel_loop3A_126 : vector<16xf32>
      %parallel_loop3A_136 = math.exp %parallel_loop3A_135 : vector<16xf32>
      %parallel_loop3A_137 = arith.addf %parallel_loop3A_134, %parallel_loop3A_136 : vector<16xf32>
      %parallel_loop3A_138 = arith.constant true
      %parallel_loop3A_139 = vector.broadcast %parallel_loop3A_138 : i1 to vector<16xi1>
      %parallel_loop3A_140 = tpu.scan <sum>, %parallel_loop3A_137 masked %parallel_loop3A_139 : vector<16xf32>, vector<16xi1> -> vector<16xf32>
      %parallel_loop3A_141 = vector.extract %parallel_loop3A_140[15] : f32 from vector<16xf32>
      %parallel_loop3A_142 = arith.subf %get3A_5, %parallel_loop3A_126 : vector<16xf32>
      %parallel_loop3A_143 = math.exp %parallel_loop3A_142 : vector<16xf32>
      %parallel_loop3A_144 = arith.constant 6.400000e+01 : f32
      %parallel_loop3A_145 = vector.broadcast %parallel_loop3A_144 : f32 to vector<16xf32>
      %parallel_loop3A_146 = arith.mulf %parallel_loop3A_145, %parallel_loop3A_143 : vector<16xf32>
      %parallel_loop3A_147 = vector.broadcast %parallel_loop3A_141 : f32 to vector<16xf32>
      %parallel_loop3A_148 = arith.addf %parallel_loop3A_147, %parallel_loop3A_146 : vector<16xf32>
      %parallel_loop3A_149 = arith.cmpf olt, %parallel_loop3A_121, %get3A_5 : vector<16xf32>
      %parallel_loop3A_150 = arith.andi %parallel_loop3A_149, %lt3A_15 : vector<16xi1>
      %parallel_loop3A_151 = arith.constant dense<true> : vector<16xi1>
      %parallel_loop3A_152 = arith.xori %parallel_loop3A_150, %parallel_loop3A_151 : vector<16xi1>
      %parallel_loop3A_153 = arith.andi %lt3A_15, %parallel_loop3A_152 : vector<16xi1>
      %parallel_loop3A_154 = tpu.all_reduce %parallel_loop3A_153 {dim = 0 : i64, kind = #tpu.reduction_kind<sum>} : vector<16xi1> -> vector<16xi32>
      %parallel_loop3A_155 = arith.constant 64 : i32
      %parallel_loop3A_156 = vector.broadcast %parallel_loop3A_155 : i32 to vector<16xi32>
      %parallel_loop3A_157 = arith.addi %parallel_loop3A_156, %iota3A : vector<16xi32>
      %parallel_loop3A_158 = arith.subi %parallel_loop3A_157, %parallel_loop3A_154 : vector<16xi32>
      %parallel_loop3A_159 = arith.select %parallel_loop3A_150, %parallel_loop3A_158, %parallel_loop3A_122 : vector<16xi1>, vector<16xi32>
      %parallel_loop3A_160 = arith.subf %parallel_loop3A_121, %parallel_loop3A_126 : vector<16xf32>
      %parallel_loop3A_161 = math.exp %parallel_loop3A_160 : vector<16xf32>
      %parallel_loop3A_162 = arith.divf %parallel_loop3A_161, %parallel_loop3A_148 : vector<16xf32>
      %parallel_loop3A_163 = arith.constant 0.000000e+00 : f32
      %parallel_loop3A_164 = vector.broadcast %parallel_loop3A_163 : f32 to vector<16xf32>
      %parallel_loop3A_165 = arith.select %parallel_loop3A_153, %parallel_loop3A_162, %parallel_loop3A_164 : vector<16xi1>, vector<16xf32>
      %parallel_loop3A_166 = arith.constant true
      %parallel_loop3A_167 = vector.broadcast %parallel_loop3A_166 : i1 to vector<16xi1>
      %parallel_loop3A_168 = tpu.scan <sum>, %parallel_loop3A_165 masked %parallel_loop3A_167 : vector<16xf32>, vector<16xi1> -> vector<16xf32>
      %parallel_loop3A_169 = vector.extract %parallel_loop3A_168[15] : f32 from vector<16xf32>
      %parallel_loop3A_170 = arith.constant 9.99999997E-7 : f32
      %parallel_loop3A_171 = arith.maximumf %parallel_loop3A_169, %parallel_loop3A_170 : f32
      %parallel_loop3A_172 = vector.broadcast %parallel_loop3A_171 : f32 to vector<16xf32>
      %parallel_loop3A_173 = arith.divf %parallel_loop3A_165, %parallel_loop3A_172 : vector<16xf32>
      %parallel_loop3A_174 = arith.constant 8 : i32
      %parallel_loop3A_175 = arith.muli %parallel_loop3A_30, %parallel_loop3A_174 : i32
      %parallel_loop3A_176 = arith.index_cast %parallel_loop3A_175 : i32 to index
      %parallel_loop3A_177 = tpu.vector_load %arg10[%parallel_loop3A_176] masked %lt3A_15 {strides = array<i32>} : memref<2056xi32, #tpu.memory_space<vmem>>, vector<16xi32>, vector<16xi1>
      tpu.vector_store %arg10[%parallel_loop3A_176], %parallel_loop3A_159 masked %lt3A_15 {strides = array<i32>} : memref<2056xi32, #tpu.memory_space<vmem>>, vector<16xi32>, vector<16xi1>
      %parallel_loop3A_178 = arith.index_cast %parallel_loop3A_175 : i32 to index
      %parallel_loop3A_179 = tpu.vector_load %arg11[%parallel_loop3A_178] masked %lt3A_15 {strides = array<i32>} : memref<2056xf32, #tpu.memory_space<vmem>>, vector<16xf32>, vector<16xi1>
      tpu.vector_store %arg11[%parallel_loop3A_178], %parallel_loop3A_173 masked %lt3A_15 {strides = array<i32>} : memref<2056xf32, #tpu.memory_space<vmem>>, vector<16xf32>, vector<16xi1>
      %parallel_loop3A_180 = arith.extui %parallel_loop3A_150 : vector<16xi1> to vector<16xi32>
      %parallel_loop3A_181 = arith.index_cast %parallel_loop3A_175 : i32 to index
      %parallel_loop3A_182 = tpu.vector_load %arg12[%parallel_loop3A_181] masked %lt3A_15 {strides = array<i32>} : memref<2056xi32, #tpu.memory_space<vmem>>, vector<16xi32>, vector<16xi1>
      tpu.vector_store %arg12[%parallel_loop3A_181], %parallel_loop3A_180 masked %lt3A_15 {strides = array<i32>} : memref<2056xi32, #tpu.memory_space<vmem>>, vector<16xi32>, vector<16xi1>
      tpu.vector_store_idx %arg13[%parallel_loop3A_122], %broadcast_in_dim3A_17 masked %parallel_loop3A_153 {add = true} : memref<64xf32, #tpu.memory_space<vmem>>[vector<16xi32>], vector<16xf32>, vector<16xi1>
    } {sc.loop_unroll_factor = 8 : i64, sc.parallel_access}
    %mul3A_22 = arith.constant 2048 : i32
    %mul3A_23 = arith.muli %add3A, %mul3A_22 : i32
    "tpu.region"() ({
      %run_scoped3A = tpu.sem_alloc : memref<!tpu.dma_semaphore, #tpu.memory_space<semaphore_mem>>
      %dma_start3A = arith.constant 0 : i32
      %dma_start3A_30 = tpu.memref_slice %arg10[%dma_start3A] : memref<2056xi32, #tpu.memory_space<vmem>> -> memref<2048xi32, #tpu.memory_space<vmem>>
      %dma_start3A_31 = tpu.memref_slice %arg4[%mul3A_23] : memref<65536xi32, #tpu.memory_space<hbm>> -> memref<2048xi32, #tpu.memory_space<hbm>>
      %dma_start3A_32 = tpu.memref_slice %arg4[%mul3A_23] : memref<65536xi32, #tpu.memory_space<hbm>> -> memref<2048xi32, #tpu.memory_space<hbm>>
      %dma_start3A_33 = arith.constant 0 : i32
      %dma_start3A_34 = tpu.memref_slice %arg10[%dma_start3A_33] : memref<2056xi32, #tpu.memory_space<vmem>> -> memref<2048xi32, #tpu.memory_space<vmem>>
      tpu.enqueue_dma source(%dma_start3A_34 : memref<2048xi32, #tpu.memory_space<vmem>>) target(%dma_start3A_32 : memref<2048xi32, #tpu.memory_space<hbm>>) target_semaphore(%run_scoped3A : memref<!tpu.dma_semaphore, #tpu.memory_space<semaphore_mem>>)
      %dma_wait3A = arith.constant 0 : i32
      %dma_wait3A_35 = tpu.memref_slice %arg10[%dma_wait3A] : memref<2056xi32, #tpu.memory_space<vmem>> -> memref<2048xi32, #tpu.memory_space<vmem>>
      %dma_wait3A_36 = tpu.memref_slice %arg4[%mul3A_23] : memref<65536xi32, #tpu.memory_space<hbm>> -> memref<2048xi32, #tpu.memory_space<hbm>>
      %dma_wait3A_37 = tpu.memref_slice %arg4[%mul3A_23] : memref<65536xi32, #tpu.memory_space<hbm>> -> memref<2048xi32, #tpu.memory_space<hbm>>
      %dma_wait3A_38 = arith.constant 0 : i32
      %dma_wait3A_39 = tpu.memref_slice %arg10[%dma_wait3A_38] : memref<2056xi32, #tpu.memory_space<vmem>> -> memref<2048xi32, #tpu.memory_space<vmem>>
      tpu.wait_dma2 semaphore(%run_scoped3A : memref<!tpu.dma_semaphore, #tpu.memory_space<semaphore_mem>>) src(%dma_wait3A_39 : memref<2048xi32, #tpu.memory_space<vmem>>) dst(%dma_wait3A_37 : memref<2048xi32, #tpu.memory_space<hbm>>)
      tpu.yield
    }) : () -> ()
    %mul3A_24 = arith.constant 2048 : i32
    %mul3A_25 = arith.muli %add3A, %mul3A_24 : i32
    "tpu.region"() ({
      %run_scoped3A = tpu.sem_alloc : memref<!tpu.dma_semaphore, #tpu.memory_space<semaphore_mem>>
      %dma_start3A = arith.constant 0 : i32
      %dma_start3A_30 = tpu.memref_slice %arg11[%dma_start3A] : memref<2056xf32, #tpu.memory_space<vmem>> -> memref<2048xf32, #tpu.memory_space<vmem>>
      %dma_start3A_31 = tpu.memref_slice %arg5[%mul3A_25] : memref<65536xf32, #tpu.memory_space<hbm>> -> memref<2048xf32, #tpu.memory_space<hbm>>
      %dma_start3A_32 = tpu.memref_slice %arg5[%mul3A_25] : memref<65536xf32, #tpu.memory_space<hbm>> -> memref<2048xf32, #tpu.memory_space<hbm>>
      %dma_start3A_33 = arith.constant 0 : i32
      %dma_start3A_34 = tpu.memref_slice %arg11[%dma_start3A_33] : memref<2056xf32, #tpu.memory_space<vmem>> -> memref<2048xf32, #tpu.memory_space<vmem>>
      tpu.enqueue_dma source(%dma_start3A_34 : memref<2048xf32, #tpu.memory_space<vmem>>) target(%dma_start3A_32 : memref<2048xf32, #tpu.memory_space<hbm>>) target_semaphore(%run_scoped3A : memref<!tpu.dma_semaphore, #tpu.memory_space<semaphore_mem>>)
      %dma_wait3A = arith.constant 0 : i32
      %dma_wait3A_35 = tpu.memref_slice %arg11[%dma_wait3A] : memref<2056xf32, #tpu.memory_space<vmem>> -> memref<2048xf32, #tpu.memory_space<vmem>>
      %dma_wait3A_36 = tpu.memref_slice %arg5[%mul3A_25] : memref<65536xf32, #tpu.memory_space<hbm>> -> memref<2048xf32, #tpu.memory_space<hbm>>
      %dma_wait3A_37 = tpu.memref_slice %arg5[%mul3A_25] : memref<65536xf32, #tpu.memory_space<hbm>> -> memref<2048xf32, #tpu.memory_space<hbm>>
      %dma_wait3A_38 = arith.constant 0 : i32
      %dma_wait3A_39 = tpu.memref_slice %arg11[%dma_wait3A_38] : memref<2056xf32, #tpu.memory_space<vmem>> -> memref<2048xf32, #tpu.memory_space<vmem>>
      tpu.wait_dma2 semaphore(%run_scoped3A : memref<!tpu.dma_semaphore, #tpu.memory_space<semaphore_mem>>) src(%dma_wait3A_39 : memref<2048xf32, #tpu.memory_space<vmem>>) dst(%dma_wait3A_37 : memref<2048xf32, #tpu.memory_space<hbm>>)
      tpu.yield
    }) : () -> ()
    %mul3A_26 = arith.constant 2048 : i32
    %mul3A_27 = arith.muli %add3A, %mul3A_26 : i32
    "tpu.region"() ({
      %run_scoped3A = tpu.sem_alloc : memref<!tpu.dma_semaphore, #tpu.memory_space<semaphore_mem>>
      %dma_start3A = arith.constant 0 : i32
      %dma_start3A_30 = tpu.memref_slice %arg12[%dma_start3A] : memref<2056xi32, #tpu.memory_space<vmem>> -> memref<2048xi32, #tpu.memory_space<vmem>>
      %dma_start3A_31 = tpu.memref_slice %arg6[%mul3A_27] : memref<65536xi32, #tpu.memory_space<hbm>> -> memref<2048xi32, #tpu.memory_space<hbm>>
      %dma_start3A_32 = tpu.memref_slice %arg6[%mul3A_27] : memref<65536xi32, #tpu.memory_space<hbm>> -> memref<2048xi32, #tpu.memory_space<hbm>>
      %dma_start3A_33 = arith.constant 0 : i32
      %dma_start3A_34 = tpu.memref_slice %arg12[%dma_start3A_33] : memref<2056xi32, #tpu.memory_space<vmem>> -> memref<2048xi32, #tpu.memory_space<vmem>>
      tpu.enqueue_dma source(%dma_start3A_34 : memref<2048xi32, #tpu.memory_space<vmem>>) target(%dma_start3A_32 : memref<2048xi32, #tpu.memory_space<hbm>>) target_semaphore(%run_scoped3A : memref<!tpu.dma_semaphore, #tpu.memory_space<semaphore_mem>>)
      %dma_wait3A = arith.constant 0 : i32
      %dma_wait3A_35 = tpu.memref_slice %arg12[%dma_wait3A] : memref<2056xi32, #tpu.memory_space<vmem>> -> memref<2048xi32, #tpu.memory_space<vmem>>
      %dma_wait3A_36 = tpu.memref_slice %arg6[%mul3A_27] : memref<65536xi32, #tpu.memory_space<hbm>> -> memref<2048xi32, #tpu.memory_space<hbm>>
      %dma_wait3A_37 = tpu.memref_slice %arg6[%mul3A_27] : memref<65536xi32, #tpu.memory_space<hbm>> -> memref<2048xi32, #tpu.memory_space<hbm>>
      %dma_wait3A_38 = arith.constant 0 : i32
      %dma_wait3A_39 = tpu.memref_slice %arg12[%dma_wait3A_38] : memref<2056xi32, #tpu.memory_space<vmem>> -> memref<2048xi32, #tpu.memory_space<vmem>>
      tpu.wait_dma2 semaphore(%run_scoped3A : memref<!tpu.dma_semaphore, #tpu.memory_space<semaphore_mem>>) src(%dma_wait3A_39 : memref<2048xi32, #tpu.memory_space<vmem>>) dst(%dma_wait3A_37 : memref<2048xi32, #tpu.memory_space<hbm>>)
      tpu.yield
    }) : () -> ()
    %mul3A_28 = arith.constant 64 : i32
    %mul3A_29 = arith.muli %add3A, %mul3A_28 : i32
    "tpu.region"() ({
      %run_scoped3A = tpu.sem_alloc : memref<!tpu.dma_semaphore, #tpu.memory_space<semaphore_mem>>
      %dma_start3A = tpu.memref_slice %arg7[%mul3A_29] : memref<2048xf32, #tpu.memory_space<hbm>> -> memref<64xf32, #tpu.memory_space<hbm>>
      %dma_start3A_30 = tpu.memref_slice %arg7[%mul3A_29] : memref<2048xf32, #tpu.memory_space<hbm>> -> memref<64xf32, #tpu.memory_space<hbm>>
      tpu.enqueue_dma source(%arg13 : memref<64xf32, #tpu.memory_space<vmem>>) target(%dma_start3A_30 : memref<64xf32, #tpu.memory_space<hbm>>) target_semaphore(%run_scoped3A : memref<!tpu.dma_semaphore, #tpu.memory_space<semaphore_mem>>)
      %dma_wait3A = tpu.memref_slice %arg7[%mul3A_29] : memref<2048xf32, #tpu.memory_space<hbm>> -> memref<64xf32, #tpu.memory_space<hbm>>
      %dma_wait3A_31 = tpu.memref_slice %arg7[%mul3A_29] : memref<2048xf32, #tpu.memory_space<hbm>> -> memref<64xf32, #tpu.memory_space<hbm>>
      tpu.wait_dma2 semaphore(%run_scoped3A : memref<!tpu.dma_semaphore, #tpu.memory_space<semaphore_mem>>) src(%arg13 : memref<64xf32, #tpu.memory_space<vmem>>) dst(%dma_wait3A_31 : memref<64xf32, #tpu.memory_space<hbm>>)
      tpu.yield
    }) : () -> ()
    return
  }
}

module attributes {stable_mosaic.version = 14 : i64} {
  func.func @_tc_logits_kernel(%arg0: i32, %arg1: memref<1024x2048xf32, #tpu.memory_space<vmem>>, %arg2: memref<2048x64xf32, #tpu.memory_space<vmem>>, %arg3: memref<1x64xf32, #tpu.memory_space<vmem>>, %arg4: memref<1x1xf32, #tpu.memory_space<vmem>>, %arg5: memref<1024x64xf32, #tpu.memory_space<vmem>>, %arg6: memref<1x64xf32, #tpu.memory_space<vmem>>, %arg7: memref<1x64xf32, #tpu.memory_space<vmem>>) attributes {dimension_semantics = [#tpu.dimension_semantics<arbitrary>], iteration_bounds = array<i64: 8>, scalar_prefetch = 0 : i64, scratch_operands = 0 : i64, tpu.core_type = #tpu.core_type<tc>, window_params = [{transform_indices = @transform_0, window_bounds = array<i64: 1024, 2048>}, {pipeline_mode = #tpu.pipeline_mode<synchronous>, transform_indices = @transform_1, window_bounds = array<i64: 2048, 64>}, {pipeline_mode = #tpu.pipeline_mode<synchronous>, transform_indices = @transform_2, window_bounds = array<i64: 1, 64>}, {pipeline_mode = #tpu.pipeline_mode<synchronous>, transform_indices = @transform_3, window_bounds = array<i64: 1, 1>}, {transform_indices = @transform_4, window_bounds = array<i64: 1024, 64>}, {pipeline_mode = #tpu.pipeline_mode<synchronous>, transform_indices = @transform_5, window_bounds = array<i64: 1, 64>}, {pipeline_mode = #tpu.pipeline_mode<synchronous>, transform_indices = @transform_6, window_bounds = array<i64: 1, 64>}]} {
    %get3A = arith.constant 0 : index
    %get3A_0 = arith.constant 0 : index
    %get3A_1 = vector.load %arg1[%get3A, %get3A_0] : memref<1024x2048xf32, #tpu.memory_space<vmem>>, vector<1024x2048xf32>
    %get3A_2 = arith.constant 0 : index
    %get3A_3 = arith.constant 0 : index
    %get3A_4 = vector.load %arg2[%get3A_2, %get3A_3] : memref<2048x64xf32, #tpu.memory_space<vmem>>, vector<2048x64xf32>
    %dot_general3A = arith.constant dense<0.000000e+00> : vector<1024x64xf32>
    %dot_general3A_5 = tpu.matmul %get3A_1, %get3A_4, %dot_general3A {dimension_numbers = #tpu.dot_dimension_numbers<[1], [0], [0], [1], [0, 0, 1, 1], [], []>, transpose_lhs_hint = false} : vector<1024x2048xf32>, vector<2048x64xf32>, vector<1024x64xf32> -> vector<1024x64xf32>
    %get3A_6 = arith.constant 0 : index
    %get3A_7 = arith.constant 0 : index
    %get3A_8 = vector.load %arg3[%get3A_6, %get3A_7] : memref<1x64xf32, #tpu.memory_space<vmem>>, vector<1x64xf32>
    %add3A = vector.broadcast %get3A_8 : vector<1x64xf32> to vector<1024x64xf32>
    %add3A_9 = arith.addf %dot_general3A_5, %add3A : vector<1024x64xf32>
    %swap3A = arith.constant 0 : index
    %swap3A_10 = arith.constant 0 : index
    %swap3A_11 = vector.load %arg5[%swap3A, %swap3A_10] : memref<1024x64xf32, #tpu.memory_space<vmem>>, vector<1024x64xf32>
    tpu.vector_store %arg5[%swap3A, %swap3A_10], %add3A_9 {strides = array<i32>} : memref<1024x64xf32, #tpu.memory_space<vmem>>, vector<1024x64xf32>,
    %get3A_12 = arith.constant 0 : index
    %get3A_13 = arith.constant 0 : index
    %get3A_14 = vector.load %arg4[%get3A_12, %get3A_13] : memref<1x1xf32, #tpu.memory_space<vmem>>, vector<1x1xf32>
    %get3A_15 = vector.extract %get3A_14[0, 0] : f32 from vector<1x1xf32>
    %reduce_max3A = arith.constant dense<0xFF800000> : vector<1024xf32>
    %reduce_max3A_16 = vector.multi_reduction <maximumf>, %add3A_9, %reduce_max3A [1] : vector<1024x64xf32> to vector<1024xf32>
    %broadcast_in_dim3A = vector.shape_cast %reduce_max3A_16 : vector<1024xf32> to vector<1024x1xf32>
    %max3A = vector.broadcast %get3A_15 : f32 to vector<1024x1xf32>
    %max3A_17 = arith.maximumf %broadcast_in_dim3A, %max3A : vector<1024x1xf32>
    %sub3A = vector.broadcast %max3A_17 : vector<1024x1xf32> to vector<1024x64xf32>
    %sub3A_18 = arith.subf %add3A_9, %sub3A : vector<1024x64xf32>
    %exp3A = math.exp %sub3A_18 : vector<1024x64xf32>
    %reduce_sum3A = arith.constant dense<0.000000e+00> : vector<1024xf32>
    %reduce_sum3A_19 = vector.multi_reduction <add>, %exp3A, %reduce_sum3A [1] : vector<1024x64xf32> to vector<1024xf32>
    %broadcast_in_dim3A_20 = vector.shape_cast %reduce_sum3A_19 : vector<1024xf32> to vector<1024x1xf32>
    %sub3A_21 = vector.broadcast %get3A_15 : f32 to vector<1024x1xf32>
    %sub3A_22 = arith.subf %sub3A_21, %max3A_17 : vector<1024x1xf32>
    %exp3A_23 = math.exp %sub3A_22 : vector<1024x1xf32>
    %mul3A = arith.constant 6.400000e+01 : f32
    %mul3A_24 = vector.broadcast %mul3A : f32 to vector<1024x1xf32>
    %mul3A_25 = arith.mulf %mul3A_24, %exp3A_23 : vector<1024x1xf32>
    %add3A_26 = arith.addf %broadcast_in_dim3A_20, %mul3A_25 : vector<1024x1xf32>
    %log3A = math.log %add3A_26 : vector<1024x1xf32>
    %add3A_27 = arith.addf %max3A_17, %log3A : vector<1024x1xf32>
    %iota3A = tpu.iota {dimensions = array<i32: 1>} : vector<1x64xi32>
    %eq3A = arith.constant 0 : i32
    %eq3A_28 = arith.cmpi eq, %arg0, %eq3A : i32
    %convert_element_type3A = arith.extui %eq3A_28 : i1 to i32
    %cond3A = arith.constant 0 : i32
    %cond3A_29 = arith.cmpi ne, %convert_element_type3A, %cond3A : i32
    scf.if %cond3A_29 {
      %broadcast_in_dim3A_62 = arith.constant 0.000000e+00 : f32
      %broadcast_in_dim3A_63 = vector.broadcast %broadcast_in_dim3A_62 : f32 to vector<1x64xf32>
      %swap3A_64 = arith.constant 0 : index
      %swap3A_65 = arith.constant 0 : index
      %swap3A_66 = vector.load %arg6[%swap3A_64, %swap3A_65] : memref<1x64xf32, #tpu.memory_space<vmem>>, vector<1x64xf32>
      tpu.vector_store %arg6[%swap3A_64, %swap3A_65], %broadcast_in_dim3A_63 {strides = array<i32>} : memref<1x64xf32, #tpu.memory_space<vmem>>, vector<1x64xf32>,
      %broadcast_in_dim3A_67 = arith.constant 0.000000e+00 : f32
      %broadcast_in_dim3A_68 = vector.broadcast %broadcast_in_dim3A_67 : f32 to vector<1x64xf32>
      %swap3A_69 = arith.constant 0 : index
      %swap3A_70 = arith.constant 0 : index
      %swap3A_71 = vector.load %arg7[%swap3A_69, %swap3A_70] : memref<1x64xf32, #tpu.memory_space<vmem>>, vector<1x64xf32>
      tpu.vector_store %arg7[%swap3A_69, %swap3A_70], %broadcast_in_dim3A_68 {strides = array<i32>} : memref<1x64xf32, #tpu.memory_space<vmem>>, vector<1x64xf32>,
    } else {
    }
    %get3A_30 = arith.constant 0 : index
    %get3A_31 = arith.constant 0 : index
    %get3A_32 = vector.load %arg6[%get3A_30, %get3A_31] : memref<1x64xf32, #tpu.memory_space<vmem>>, vector<1x64xf32>
    %div3A = arith.constant 1.000000e+00 : f32
    %div3A_33 = vector.broadcast %div3A : f32 to vector<1024x1xf32>
    %div3A_34 = arith.divf %div3A_33, %broadcast_in_dim3A_20 : vector<1024x1xf32>
    %mul3A_35 = vector.broadcast %div3A_34 : vector<1024x1xf32> to vector<1024x64xf32>
    %mul3A_36 = arith.mulf %exp3A, %mul3A_35 : vector<1024x64xf32>
    %reduce_sum3A_37 = arith.constant dense<0.000000e+00> : vector<64xf32>
    %reduce_sum3A_38 = vector.multi_reduction <add>, %mul3A_36, %reduce_sum3A_37 [0] : vector<1024x64xf32> to vector<64xf32>
    %broadcast_in_dim3A_39 = vector.shape_cast %reduce_sum3A_38 : vector<64xf32> to vector<1x64xf32>
    %add3A_40 = arith.addf %get3A_32, %broadcast_in_dim3A_39 : vector<1x64xf32>
    %swap3A_41 = arith.constant 0 : index
    %swap3A_42 = arith.constant 0 : index
    %swap3A_43 = vector.load %arg6[%swap3A_41, %swap3A_42] : memref<1x64xf32, #tpu.memory_space<vmem>>, vector<1x64xf32>
    tpu.vector_store %arg6[%swap3A_41, %swap3A_42], %add3A_40 {strides = array<i32>} : memref<1x64xf32, #tpu.memory_space<vmem>>, vector<1x64xf32>,
    %get3A_44 = arith.constant 0 : index
    %get3A_45 = arith.constant 0 : index
    %get3A_46 = vector.load %arg7[%get3A_44, %get3A_45] : memref<1x64xf32, #tpu.memory_space<vmem>>, vector<1x64xf32>
    %eq3A_47 = arith.constant 0 : i32
    %eq3A_48 = vector.broadcast %eq3A_47 : i32 to vector<1x64xi32>
    %eq3A_49 = arith.cmpi eq, %iota3A, %eq3A_48 : vector<1x64xi32>
    %mul3A_50 = arith.mulf %add3A_27, %add3A_27 : vector<1024x1xf32>
    %reduce_sum3A_51 = vector.shape_cast %mul3A_50 : vector<1024x1xf32> to vector<1x1024x1xf32>
    %reduce_sum3A_52 = arith.constant dense<0.000000e+00> : vector<1xf32>
    %reduce_sum3A_53 = vector.multi_reduction <add>, %reduce_sum3A_51, %reduce_sum3A_52 [1, 2] : vector<1x1024x1xf32> to vector<1xf32>
    %reduce_sum3A_54 = vector.shape_cast %reduce_sum3A_53 : vector<1xf32> to vector<1x1x1xf32>
    %reduce_sum3A_55 = vector.extract %reduce_sum3A_54[0, 0, 0] : f32 from vector<1x1x1xf32>
    %jit3A = arith.constant 0.000000e+00 : f32
    %broadcast_in_dim3A_56 = vector.broadcast %reduce_sum3A_55 : f32 to vector<1x64xf32>
    %broadcast_in_dim3A_57 = vector.broadcast %jit3A : f32 to vector<1x64xf32>
    %select_n3A = arith.select %eq3A_49, %broadcast_in_dim3A_56, %broadcast_in_dim3A_57 : vector<1x64xi1>, vector<1x64xf32>
    %add3A_58 = arith.addf %get3A_46, %select_n3A : vector<1x64xf32>
    %swap3A_59 = arith.constant 0 : index
    %swap3A_60 = arith.constant 0 : index
    %swap3A_61 = vector.load %arg7[%swap3A_59, %swap3A_60] : memref<1x64xf32, #tpu.memory_space<vmem>>, vector<1x64xf32>
    tpu.vector_store %arg7[%swap3A_59, %swap3A_60], %add3A_58 {strides = array<i32>} : memref<1x64xf32, #tpu.memory_space<vmem>>, vector<1x64xf32>,
    return
  }
  func.func @transform_0(%arg0: i32) -> (i32, i32) {
    %c0_i32 = arith.constant 0 : i32
    %c0_i32_0 = arith.constant 0 : i32
    return %arg0, %c0_i32 : i32, i32
  }
  func.func @transform_1(%arg0: i32) -> (i32, i32) {
    %c0_i32 = arith.constant 0 : i32
    %c0_i32_0 = arith.constant 0 : i32
    %c0_i32_1 = arith.constant 0 : i32
    return %c0_i32, %c0_i32_0 : i32, i32
  }
  func.func @transform_2(%arg0: i32) -> (i32, i32) {
    %c0_i32 = arith.constant 0 : i32
    %c0_i32_0 = arith.constant 0 : i32
    %c0_i32_1 = arith.constant 0 : i32
    return %c0_i32, %c0_i32_0 : i32, i32
  }
  func.func @transform_3(%arg0: i32) -> (i32, i32) {
    %c0_i32 = arith.constant 0 : i32
    %c0_i32_0 = arith.constant 0 : i32
    %c0_i32_1 = arith.constant 0 : i32
    return %c0_i32, %c0_i32_0 : i32, i32
  }
  func.func @transform_4(%arg0: i32) -> (i32, i32) {
    %c0_i32 = arith.constant 0 : i32
    %c0_i32_0 = arith.constant 0 : i32
    return %arg0, %c0_i32 : i32, i32
  }
  func.func @transform_5(%arg0: i32) -> (i32, i32) {
    %c0_i32 = arith.constant 0 : i32
    %c0_i32_0 = arith.constant 0 : i32
    %c0_i32_1 = arith.constant 0 : i32
    return %c0_i32, %c0_i32_0 : i32, i32
  }
  func.func @transform_6(%arg0: i32) -> (i32, i32) {
    %c0_i32 = arith.constant 0 : i32
    %c0_i32_0 = arith.constant 0 : i32
    %c0_i32_1 = arith.constant 0 : i32
    return %c0_i32, %c0_i32_0 : i32, i32
  }
}

module attributes {stable_mosaic.version = 14 : i64} {
  func.func @_combine_kernel(%arg0: i32, %arg1: memref<1x64xf32, #tpu.memory_space<vmem>>, %arg2: memref<1x64xf32, #tpu.memory_space<vmem>>, %arg3: memref<32x64xf32, #tpu.memory_space<vmem>>, %arg4: memref<1x1xf32, #tpu.memory_space<vmem>>) attributes {dimension_semantics = [#tpu.dimension_semantics<arbitrary>], iteration_bounds = array<i64: 1>, scalar_prefetch = 0 : i64, scratch_operands = 0 : i64, tpu.core_type = #tpu.core_type<tc>, window_params = [{pipeline_mode = #tpu.pipeline_mode<synchronous>, transform_indices = @transform_0, window_bounds = array<i64: 1, 64>}, {pipeline_mode = #tpu.pipeline_mode<synchronous>, transform_indices = @transform_1, window_bounds = array<i64: 1, 64>}, {pipeline_mode = #tpu.pipeline_mode<synchronous>, transform_indices = @transform_2, window_bounds = array<i64: 32, 64>}, {pipeline_mode = #tpu.pipeline_mode<synchronous>, transform_indices = @transform_3, window_bounds = array<i64: 1, 1>}]} {
    %get3A = arith.constant 0 : index
    %get3A_0 = arith.constant 0 : index
    %get3A_1 = vector.load %arg3[%get3A, %get3A_0] : memref<32x64xf32, #tpu.memory_space<vmem>>, vector<32x64xf32>
    %reduce_sum3A = arith.constant dense<0.000000e+00> : vector<64xf32>
    %reduce_sum3A_2 = vector.multi_reduction <add>, %get3A_1, %reduce_sum3A [0] : vector<32x64xf32> to vector<64xf32>
    %broadcast_in_dim3A = vector.shape_cast %reduce_sum3A_2 : vector<64xf32> to vector<1x64xf32>
    %reduce_sum3A_3 = vector.shape_cast %broadcast_in_dim3A : vector<1x64xf32> to vector<1x1x64xf32>
    %reduce_sum3A_4 = arith.constant dense<0.000000e+00> : vector<1xf32>
    %reduce_sum3A_5 = vector.multi_reduction <add>, %reduce_sum3A_3, %reduce_sum3A_4 [1, 2] : vector<1x1x64xf32> to vector<1xf32>
    %reduce_sum3A_6 = vector.shape_cast %reduce_sum3A_5 : vector<1xf32> to vector<1x1x1xf32>
    %reduce_sum3A_7 = vector.extract %reduce_sum3A_6[0, 0, 0] : f32 from vector<1x1x1xf32>
    %max3A = arith.constant 9.99999997E-7 : f32
    %max3A_8 = arith.maximumf %reduce_sum3A_7, %max3A : f32
    %get3A_9 = arith.constant 0 : index
    %get3A_10 = arith.constant 0 : index
    %get3A_11 = vector.load %arg1[%get3A_9, %get3A_10] : memref<1x64xf32, #tpu.memory_space<vmem>>, vector<1x64xf32>
    %div3A = arith.constant 8.192000e+03 : f32
    %div3A_12 = vector.broadcast %div3A : f32 to vector<1x64xf32>
    %div3A_13 = arith.divf %get3A_11, %div3A_12 : vector<1x64xf32>
    %div3A_14 = vector.broadcast %max3A_8 : f32 to vector<1x64xf32>
    %div3A_15 = arith.divf %broadcast_in_dim3A, %div3A_14 : vector<1x64xf32>
    %mul3A = arith.mulf %div3A_15, %div3A_13 : vector<1x64xf32>
    %reduce_sum3A_16 = vector.shape_cast %mul3A : vector<1x64xf32> to vector<1x1x64xf32>
    %reduce_sum3A_17 = arith.constant dense<0.000000e+00> : vector<1xf32>
    %reduce_sum3A_18 = vector.multi_reduction <add>, %reduce_sum3A_16, %reduce_sum3A_17 [1, 2] : vector<1x1x64xf32> to vector<1xf32>
    %reduce_sum3A_19 = vector.shape_cast %reduce_sum3A_18 : vector<1xf32> to vector<1x1x1xf32>
    %reduce_sum3A_20 = vector.extract %reduce_sum3A_19[0, 0, 0] : f32 from vector<1x1x1xf32>
    %mul3A_21 = arith.constant 6.400000e+01 : f32
    %mul3A_22 = arith.mulf %mul3A_21, %reduce_sum3A_20 : f32
    %iota3A = tpu.iota {dimensions = array<i32: 1>} : vector<1x64xi32>
    %eq3A = arith.constant 0 : i32
    %eq3A_23 = vector.broadcast %eq3A : i32 to vector<1x64xi32>
    %eq3A_24 = arith.cmpi eq, %iota3A, %eq3A_23 : vector<1x64xi32>
    %get3A_25 = arith.constant 0 : index
    %get3A_26 = arith.constant 0 : index
    %get3A_27 = vector.load %arg2[%get3A_25, %get3A_26] : memref<1x64xf32, #tpu.memory_space<vmem>>, vector<1x64xf32>
    %jit3A = arith.constant 0.000000e+00 : f32
    %broadcast_in_dim3A_28 = vector.broadcast %jit3A : f32 to vector<1x64xf32>
    %select_n3A = arith.select %eq3A_24, %get3A_27, %broadcast_in_dim3A_28 : vector<1x64xi1>, vector<1x64xf32>
    %reduce_sum3A_29 = vector.shape_cast %select_n3A : vector<1x64xf32> to vector<1x1x64xf32>
    %reduce_sum3A_30 = arith.constant dense<0.000000e+00> : vector<1xf32>
    %reduce_sum3A_31 = vector.multi_reduction <add>, %reduce_sum3A_29, %reduce_sum3A_30 [1, 2] : vector<1x1x64xf32> to vector<1xf32>
    %reduce_sum3A_32 = vector.shape_cast %reduce_sum3A_31 : vector<1xf32> to vector<1x1x1xf32>
    %reduce_sum3A_33 = vector.extract %reduce_sum3A_32[0, 0, 0] : f32 from vector<1x1x1xf32>
    %div3A_34 = arith.constant 8.192000e+03 : f32
    %div3A_35 = arith.divf %reduce_sum3A_33, %div3A_34 : f32
    %sub3A = arith.constant 6.553600e+04 : f32
    %sub3A_36 = arith.subf %sub3A, %reduce_sum3A_7 : f32
    %div3A_37 = arith.constant 6.553600e+04 : f32
    %div3A_38 = arith.divf %sub3A_36, %div3A_37 : f32
    %sub3A_39 = arith.constant 5.000000e-01 : f32
    %sub3A_40 = arith.subf %div3A_38, %sub3A_39 : f32
    %integer_pow3A = arith.mulf %sub3A_40, %sub3A_40 : f32
    %mul3A_41 = arith.constant 2.000000e-02 : f32
    %mul3A_42 = arith.mulf %mul3A_41, %mul3A_22 : f32
    %mul3A_43 = arith.constant 1.000000e-03 : f32
    %mul3A_44 = arith.mulf %mul3A_43, %div3A_35 : f32
    %add3A = arith.addf %mul3A_42, %mul3A_44 : f32
    %mul3A_45 = arith.constant 0.00999999977 : f32
    %mul3A_46 = arith.mulf %mul3A_45, %integer_pow3A : f32
    %add3A_47 = arith.addf %add3A, %mul3A_46 : f32
    %broadcast_in_dim3A_48 = vector.broadcast %add3A_47 : f32 to vector<1x1xf32>
    %swap3A = arith.constant 0 : index
    %swap3A_49 = arith.constant 0 : index
    %swap3A_50 = vector.load %arg4[%swap3A, %swap3A_49] : memref<1x1xf32, #tpu.memory_space<vmem>>, vector<1x1xf32>
    tpu.vector_store %arg4[%swap3A, %swap3A_49], %broadcast_in_dim3A_48 {strides = array<i32>} : memref<1x1xf32, #tpu.memory_space<vmem>>, vector<1x1xf32>,
    return
  }
  func.func @transform_0(%arg0: i32) -> (i32, i32) {
    %c0_i32 = arith.constant 0 : i32
    %c0_i32_0 = arith.constant 0 : i32
    %c0_i32_1 = arith.constant 0 : i32
    return %c0_i32, %c0_i32_0 : i32, i32
  }
  func.func @transform_1(%arg0: i32) -> (i32, i32) {
    %c0_i32 = arith.constant 0 : i32
    %c0_i32_0 = arith.constant 0 : i32
    %c0_i32_1 = arith.constant 0 : i32
    return %c0_i32, %c0_i32_0 : i32, i32
  }
  func.func @transform_2(%arg0: i32) -> (i32, i32) {
    %c0_i32 = arith.constant 0 : i32
    %c0_i32_0 = arith.constant 0 : i32
    %c0_i32_1 = arith.constant 0 : i32
    return %c0_i32, %c0_i32_0 : i32, i32
  }
  func.func @transform_3(%arg0: i32) -> (i32, i32) {
    %c0_i32 = arith.constant 0 : i32
    %c0_i32_0 = arith.constant 0 : i32
    %c0_i32_1 = arith.constant 0 : i32
    return %c0_i32, %c0_i32_0 : i32, i32
  }
}

</mosaic_0001>

<sc_bundles>
// kernel: kernel.5.cloned.1.call-start
scs
__scs_entry_jumppad:
0x0: {  	(pc) =	sbr.rel $0x88, $3  }
0x1: {  	(tag) =	ssettag $0x0;
	lr =	simm.s32 $0x1  }
0x2: {  	[smem:$0x3F9D] =	sst lr;
	_ =	strace $0xD0000000  }
0x3: {  	_ = 	snop  }
0x4: {  	_ = 	snop  }
0x5: {  	_ = 	snop  }
0x6: {  	_ = 	snop  }
0x7: {  	_ = 	snop  }
__scs_overlays_trampoline_lowered:
0x8: {  	[smem:$0x3FAC] =	sst s0  }
0x9: {  	[smem:$0x3FAD] =	sst s1  }
0xa: {  	[smem:$0x3FAE] =	sst s2  }
0xb: {  	[smem:$0x3FAF] =	sst s3  }
0xc: {  	[smem:$0x3FB0] =	sst s4  }
0xd: {  	[smem:$0x3FB1] =	sst s5  }
0xe: {  	[smem:$0x3FB2] =	sst s6  }
0xf: {  	[smem:$0x3FB3] =	sst s7  }
0x10: {  	[smem:$0x3FB4] =	sst s8  }
0x11: {  	[smem:$0x3FB5] =	sst s9;
	s0 =	simm.s32 @!p0 $0x0  }
0x12: {  	s1 =	sld [smem:$0x3F9B];
	s0 =	simm.s32 @p0 $0x1  }
0x13: {  	[smem:$0x3FB6] =	sst s0;
	s0 =	simm.s32 @!p1 $0x0  }
0x14: {  	s2 =	sld [smem:$0x3F9A];
	s0 =	simm.s32 @p1 $0x1  }
0x15: {  	[smem:$0x3FB7] =	sst s0;
	s0 =	simm.s32 @!p2 $0x0  }
0x16: {  	s3 =	sld [smem:$0x3FDB];
	s0 =	simm.s32 @p2 $0x1  }
0x17: {  	s4 =	simm.s32 $0x1BF5;
	[smem:$0x3FB9] =	sst s0  }
0x18: {  	s0 =	sld [smem:$0x3F9C];
	_ =	swait.ge [sflag:s4], $0x0  }
0x19: {  	s7 =	sld [smem:$0x3F9D]  }
0x1a: {  	s8 =	sadd.s32 $0xFFFFE003, lr  }
0x1b: {  	s9 =	sadd.s32 $0xFFFFFEF7, lr;
	s5 =	simm.s32 $0xFFFFFFFF;
	p2 =	slt.u32 s8, $0xFFFFF086  }
0x1c: {  	p1 =	slt.u32 s9, $0xF7A;
	s5 =	simm.s32 @!p2 $0x0  }
0x1d: {  	s5 =	simm.s32 @p1 $0x1;
	p0 =	seq.s32 s7, s2  }
0x1e: {  	s7 =	smul.u32 @!p0 $0xF7A, s2;
	p2 =	seq.s32 @!p0 s5, $0x0  }
0x1f: {  	s9 =	smul.u32 $0xF7A, s1;
	s8 =	simm.s32 @!p0 $0x1BF5;
	p2 =	por !p2, p0  }
0x20: {  	[sflag:s8] =	ssyncset.s32 @!p0 $0xFFFFF086;
	s6 =	sadd.s32 @!p0 s3, s7;
	s7 =	simm.s32 @!p0 $0x108  }
0x21: {  	s3 =	sadd.s32 s3, s9;
	s6 =	sadd.s32 @!p0 $0x88, s6;
	s7 =	simm.s32 @p2 $0x1082  }
0x22: {  	[simem:s7], [sflag:s8] =	dma.local @!p0 [hbm:s6], $0xF7A  }
0x23: {  	s9 =	sor.u32 $0xD0000000, s2;
	s6 =	simm.s32 $0x108;
	_ =	swait.ge @!p0 [sflag:s8], $0x0  }
0x24: {  	s3 =	sadd.s32 $0x88, s3;
	s6 =	simm.s32 @!p1 $0x1082;
	[sflag:s4] =	ssyncset.s32 $0xFFFFF086  }
0x25: {  	[simem:s6], [sflag:s4] =	dma.local [hbm:s3], $0xF7A  }
0x26: {  	[smem:$0x3F9D] =	sst s1;
	(tag) =	ssettag s2;
	_ =	strace s9  }
0x27: {  	s1 =	sld [smem:$0x3FAD]  }
0x28: {  	s2 =	sld [smem:$0x3FAE]  }
0x29: {  	s4 =	sld [smem:$0x3FB0]  }
0x2a: {  	p0 =	seq.s32 s5, $0x0;
	s5 =	sld [smem:$0x3FB1]  }
0x2b: {  	s6 =	sld [smem:$0x3FB2]  }
0x2c: {  	s7 =	sld [smem:$0x3FB3]  }
0x2d: {  	s3 =	simm.s32 $0x108;
	s8 =	sld [smem:$0x3FB4]  }
0x2e: {  	s3 =	simm.s32 @!p0 $0x1082;
	s9 =	sld [smem:$0x3FB5]  }
0x2f: {  	lr =	sadd.s32 s0, s3;
	s0 =	sld [smem:$0x3FAC]  }
0x30: {  	s3 =	sld [smem:$0x3FAF]  }
0x31: {  	[smem:$0x3FB8] =	sst s10  }
0x32: {  	s10 =	sld [smem:$0x3FB6];
	_ =	sdelay $0x3  }
0x33: {  	p0 =	seq.s32 s10, $0x1;
	s10 =	sld [smem:$0x3FB8];
	_ =	sdelay $0x3  }
0x34: {  	[smem:$0x3FB8] =	sst s10  }
0x35: {  	s10 =	sld [smem:$0x3FB7];
	_ =	sdelay $0x3  }
0x36: {  	p1 =	seq.s32 s10, $0x1;
	s10 =	sld [smem:$0x3FB8];
	_ =	sdelay $0x3  }
0x37: {  	[smem:$0x3FB8] =	sst s10  }
0x38: {  	s10 =	sld [smem:$0x3FB9]  }
0x39: {  	_ = 	snop;
	(pc) =	sbr.ind lr, $3  }
0x3a: {  	_ = 	snop  }
0x3b: {  	_ = 	snop  }
0x3c: {  	p2 =	seq.s32 s10, $0x1;
	s10 =	sld [smem:$0x3FB8]  }
0x3d: {  	_ =	shalt  }
0x3e: {  	_ =	shalt  }
0x3f: {  	_ =	shalt  }
0x40: {  	_ =	shalt  }
0x41: {  	_ =	shalt  }
0x42: {  	_ =	shalt  }
0x43: {  	_ =	shalt  }
0x44: {  	_ =	shalt  }
0x45: {  	_ =	shalt  }
0x46: {  	_ =	shalt  }
0x47: {  	_ =	shalt  }
0x48: {  	_ =	shalt  }
0x49: {  	_ =	shalt  }
0x4a: {  	_ =	shalt  }
0x4b: {  	_ =	shalt  }
0x4c: {  	_ =	shalt  }
0x4d: {  	_ =	shalt  }
0x4e: {  	_ =	shalt  }
0x4f: {  	_ =	shalt  }
0x50: {  	_ =	shalt  }
0x51: {  	_ =	shalt  }
0x52: {  	_ =	shalt  }
0x53: {  	_ =	shalt  }
0x54: {  	_ =	shalt  }
0x55: {  	_ =	shalt  }
0x56: {  	_ =	shalt  }
0x57: {  	_ =	shalt  }
0x58: {  	_ =	shalt  }
0x59: {  	_ =	shalt  }
0x5a: {  	_ =	shalt  }
0x5b: {  	_ =	shalt  }
0x5c: {  	_ =	shalt  }
0x5d: {  	_ =	shalt  }
0x5e: {  	_ =	shalt  }
0x5f: {  	_ =	shalt  }
0x60: {  	_ =	shalt  }
0x61: {  	_ =	shalt  }
0x62: {  	_ =	shalt  }
0x63: {  	_ =	shalt  }
0x64: {  	_ =	shalt  }
0x65: {  	_ =	shalt  }
0x66: {  	_ =	shalt  }
0x67: {  	_ =	shalt  }
0x68: {  	_ =	shalt  }
0x69: {  	_ =	shalt  }
0x6a: {  	_ =	shalt  }
0x6b: {  	_ =	shalt  }
0x6c: {  	_ =	shalt  }
0x6d: {  	_ =	shalt  }
0x6e: {  	_ =	shalt  }
0x6f: {  	_ =	shalt  }
0x70: {  	_ =	shalt  }
0x71: {  	_ =	shalt  }
0x72: {  	_ =	shalt  }
0x73: {  	_ =	shalt  }
0x74: {  	_ =	shalt  }
0x75: {  	_ =	shalt  }
0x76: {  	_ =	shalt  }
0x77: {  	_ =	shalt  }
0x78: {  	_ =	shalt  }
0x79: {  	_ =	shalt  }
0x7a: {  	_ =	shalt  }
0x7b: {  	_ =	shalt  }
0x7c: {  	_ =	shalt  }
0x7d: {  	_ =	shalt  }
0x7e: {  	_ =	shalt  }
0x7f: {  	_ =	shalt  }
0x80: {  	_ =	shalt  }
0x81: {  	_ =	shalt  }
0x82: {  	_ =	shalt  }
0x83: {  	_ =	shalt  }
0x84: {  	_ =	shalt  }
0x85: {  	_ =	shalt  }
0x86: {  	_ =	shalt  }
0x87: {  	_ =	shalt  }
.Lfunc_end0:
.L_simem_size_0:
called_computation_lowered:
.L_overlay_start_0:
0x88: {  	s2 =	sld [smem:$0x3FD9]  }
0x89: {  	s3 =	sld [smem:$0x3FFE];
	_ =	sdelay $0x1  }
0x8a: {  	s1 =	srdreg.scid  }
0x8b: {  	s0 =	sand.u32 $0x1, s1  }
0x8c: {  	s14 =	sshll.u32 s0, $0xA;
	s2 =	sadd.s32 s3, s2  }
0x8d: {  	s2 =	sadd.s32 s2, s14  }
0x8e: {  	[smem:$0x3FC4] =	sst s2  }
0x8f: {  	_ = 	snop  }
0x90: {  	s2 =	sld [smem:$0x3FD0];
	_ =	sdelay $0x2  }
0x91: {  	s15 =	simm.s32 $0xA;
	s4 =	simm.s32 $0x10  }
0x92: {  	[smem:s4], [sflag:s15] =	dma.local [hbm:s2], $0x1  }
0x93: {  	_ =	swait.eq [sflag:s15], $0x1  }
0x94: {  	s16 =	sld [smem:$0x10];
	[sflag:s15] =	ssyncset.done $0x0  }
0x95: {  	s17 =	sld [smem:$0x11];
	[sflag:s15] =	ssyncadd.s32 $0xFFFFFFFF  }
0x96: {  	s18 =	sld [smem:$0x12];
	(tm) =	ssettm $0x1  }
0x97: {  	s5 =	sld [smem:$0x3FFB];
	_ =	sdelay $0x3  }
0x98: {  	_ =	strace s5  }
0x99: {  	s5 =	sld [smem:$0x3FFC];
	_ =	sdelay $0x3  }
0x9a: {  	_ =	strace s5  }
0x9b: {  	s5 =	sld [smem:$0x3FFD];
	_ =	sdelay $0x3  }
0x9c: {  	_ =	strace s5  }
0x9d: {  	_ =	strace $0x8FFFFFFF  }
0x9e: {  	s19 =	sld [smem:$0x3FDB];
	_ =	sdelay $0x1  }
0x9f: {  	s6 =	simm.s32 $_scs_section_size  }
0xa0: {  	s7 =	simm.s32 $_size__tile_overlayer_lowered;
	s8 =	simm.s32 $_tile_overlayer_lowered  }
0xa1: {  	s22 =	simm.s32 $0x1BFF;
	s21 =	sshll.u32 s8, $0x1;
	s5 =	sadd.s32 s6, s19  }
0xa2: {  	s9 =	simm.s32 $0x0;
	s20 =	sshll.u32 s7, $0x1;
	s7 =	sadd.s32 s21, s5  }
0xa3: {  	[timem:s9], [sflag:s22] =	dma.local [hbm:s7], s20  }
0xa4: {  	_ =	swait.ge [sflag:s22], s20  }
0xa5: {  	s6 =	ssub.s32 $0x0, s20;
	[sflag:s22] =	ssyncset.done $0x0  }
0xa6: {  	[sflag:s22] =	ssyncadd.s32 s6;
	_ =	sdelay $0x1  }
0xa7: {  	s23 =	simm.s32 $0x1B8B  }
0xa8: {  	_ =	swait.ge [sflag:s23], $0x1  }
0xa9: {  	[sflag:s23] =	ssyncset.done $0x0  }
0xaa: {  	s25 =	simm.s32 $0x1B8E;
	s24 =	sld [smem:$0x3FFE];
	[sflag:s23] =	ssyncadd.s32 $0xFFFFFFFF  }
0xab: {  	s26 =	simm.s32 $execute0_lowered;
	[smem:$0x3FD2] =	sst s25  }
0xac: {  	s7 =	sshll.u32 s26, $0x1;
	_ =	strace $0x80000046;
	[dreg:$0x1] =	wrdreg $0xFFFFFFFF  }
0xad: {  	s28 =	simm.s32 $_size_execute0_lowered;
	s5 =	sadd.s32 s5, s7;
	[dreg:$0x0] =	wrdreg $0x0  }
0xae: {  	s7 =	sshll.u32 s28, $0x1;
	[dreg:$0x2] =	wrdreg s5  }
0xaf: {  	[dreg:$0x3] =	wrdreg s7  }
0xb0: {  	[dreg:$0x4] =	wrdreg $0xC0  }
0xb1: {  	_ =	task [dreg:s9], $0x5FFFF  }
0xb2: {  	[dreg:$0x1] =	wrdreg $0xFFFFFFFF  }
0xb3: {  	[dreg:$0x0] =	wrdreg $0x60  }
0xb4: {  	[dreg:$0x2] =	wrdreg s24  }
0xb5: {  	[dreg:$0x3] =	wrdreg s17  }
0xb6: {  	[dreg:$0x4] =	wrdreg s16  }
0xb7: {  	[dreg:$0x5] =	wrdreg s18  }
0xb8: {  	[dreg:$0x6] =	wrdreg $0x9  }
0xb9: {  	_ =	task.clear_ibuf [dreg:s9], $0x7FFFF;
	_ =	strace $0x90000046  }
0xba: {  	s29 =	simm.s32 $0x9;
	_ =	strace $0x80000048  }
0xbb: {  	_ =	swait.ge [sflag:s29], $0x1  }
0xbc: {  	[sflag:s29] =	ssyncadd.s32 $0xFFFFFFFF  }
0xbd: {  	_ =	strace $0x90000048  }
0xbe: {  	_ =	sfence  }
0xbf: {  	s30 =	sld [smem:$0x0];
	_ =	sdelay $0x2  }
0xc0: {  	s31 =	sshll.u32 s1, $0xD;
	s1 =	sshrl.u32 s1, $0x2  }
0xc1: {  	s3 =	sand.u32 $0x4000, s31;
	s1 =	sadd.s32 s1, s30  }
0xc2: {  	s0 =	sor.u32 s3, s0;
	s1 =	sshll.u32 s1, $0x11  }
0xc3: {  	s0 =	sor.u32 s1, s0  }
0xc4: {  	s0 =	sadd.s32 $0x8F2B, s0  }
0xc5: {  	[sflag:s0] =	ssyncadd.remote.s32 $0x1  }
0xc6: {  	_ =	sfence.sel $0xFFFF  }
0xc7: {  	[dreg:$0x0] =	wrdreg $0xFFFFFFFF;
	(pc) =	sbr.abs _section_cstart, $3  }
0xc8: {  	[dreg:$0x1] =	wrdreg $0xFFFFFFFF  }
0xc9: {  	_ =	task.clear_ibuf [dreg:s9], $0x2FFFF;
	_ =	strace $0x9FFFFFFF  }
0xca: {  	(tm) =	ssettm $0x7FFFFFFF  }
0xcb: {  	_ =	shalt  }
tec
execute0_lowered:
.L_overlay_start_1:
0x0: {  	(tag) =	ssettag $0x1  }
0x1: {  	s0 =	rddreg [dreg:$0x0]  }
0x2: {  	s1 =	rddreg [dreg:$0x1]  }
0x3: {  	s2 =	rddreg [dreg:$0x2]  }
0x4: {  	s3 =	rddreg [dreg:$0x3]  }
0x5: {  	s4 =	srdreg.scid;
	s5 =	stileid.u32;
	s9 =	simm.s32 $0x0  }
0x6: {  	s4 =	sand.u32 $0x1, s4;
	s5 =	sshll.u32 s5, $0x1;
	[smem:$0x7FF] =	sst s9  }
0x7: {  	s8 =	sadd.s32 $0x10E00, s0;
	s5 =	sor.u32 s4, s5;
	_ =	strace $0x80000047  }
0x8: {  	s4 =	ssub.s32 $0x2, s4;
	[dreg:$0x14] =	wrdreg s8;
	s7 =	sshll.u32 s5, $0x8  }
0x9: {  	s6 =	sshll.u32 s5, $0xB;
	s28 =	sshrl.u32 s4, $0x1;
	s1 =	sadd.s32 s1, s7  }
0xa: {  	s6 =	sadd.s32 s6, s0;
	s29 =	sadd.s32 s2, s7;
	[dreg:$0x16] =	wrdreg s1  }
0xb: {  	v0 =	vlaneseq.u32;
	s0 =	sadd.s32 s7, s0;
	s6 =	sadd.s32 $0xE00, s6;
	[dreg:$0x18] =	wrdreg s29  }
0xc: {  	v1 =	vimm.f32 $0.0e+00;
	v6 =	vimm.s32 $0x0;
	vm0 =	vmmov $0xff;
	s4 =	ssub.s32 s4, s28;
	s0 =	sadd.s32 $0x11000, s0;
	[dreg:$0x15] =	wrdreg s6  }
0xd: {  	v7 =	vimm.s32 $0x0;
	v8 =	vimm.f32 $1.000000000e+00;
	v5 =	vmul.u32 $0xFFFFFFFF, v0;
	s30 =	sshll.u32 s5, $0x3;
	s31 =	smax.u32 s4, $0x1;
	[dreg:$0x17] =	wrdreg s0  }
0xe: {  	v2 =	vor.u32 $0x10, v0;
	v3 =	vor.u32 $0x20, v0;
	v7 =	vsel vm0, $0xFFFFFFFF, v7;
	s0 =	sadd.s32 s3, s30;
	[dreg:$0x1a] =	wrdreg s31  }
0xf: {  	v4 =	vor.u32 $0x30, v0;
	[tilespmem:$0x1FFF0] =	vst v7;
	v7 =	vor.u32 $0x40, v0;
	v5 =	vadd.s32 $0xF, v5;
	s2 =	simm.s32 $0x0;
	s1 =	simm.s32 $0x1;
	[dreg:$0x19] =	wrdreg s0  }
.LBB2_1:
0x10: {  	[dreg:$0x1b] =	wrdreg s2  }
0x11: {  	s0 =	rddreg [dreg:$0x15]  }
0x12: {  	[tilespmem:s9], [sflag:$0x1] =	stream.linear.gather [hbm4b:s0+s9], $0x4000, $0x38;
	[tilespmem:$0x5A80] =	vst v63  }
0x13: {  	_ =	swait.ge [sflag:s1], $0x4000  }
0x14: {  	[sflag:s1] =	ssyncset.done $0x0  }
0x15: {  	s31 =	simm.s32 $0x4000;
	s30 =	rddreg [dreg:$0x14];
	[sflag:s1] =	ssyncadd.s32 $0xFFFFC000  }
0x16: {  	[tilespmem:s31], [sflag:$0x1] =	stream.linear.gather [hbm4b:s30+s9], $0x80, $0x38;
	[tilespmem:$0x5A80] =	vst v63  }
0x17: {  	_ =	swait.ge [sflag:s1], $0x80  }
0x18: {  	[sflag:s1] =	ssyncset.done $0x0  }
0x19: {  	[sflag:s1] =	ssyncadd.s32 $0xFFFFFF80  }
0x1a: {  	[tilespmem:$0x5A00] =	vst v1  }
0x1b: {  	[tilespmem:$0x5A10] =	vst v1  }
0x1c: {  	[tilespmem:$0x5A20] =	vst v1  }
0x1d: {  	s28 =	simm.s32 $0x100;
	[tilespmem:$0x5A30] =	vst v1  }
0x1e: {  	v10 =	vld [tilespmem:s28+$0xFFFFFF00]  }
0x1f: {  	v12 =	vld [tilespmem:s28+$0xFFFFFF10]  }
0x20: {  	v13 =	vld [tilespmem:s28+$0xFFFFFF20]  }
0x21: {  	v14 =	vld [tilespmem:s28+$0xFFFFFF30];
	_ =	sdelay $0x1  }
0x22: {  	(xrf1) =	vsort.dscd.msk.f32 $0xffff, v10, v0  }
0x23: {  	(xrf1) =	vsort.dscd.msk.f32 $0xffff, v12, v2  }
0x24: {  	(xrf1) =	vsort.dscd.msk.f32 $0xffff, v13, v3  }
0x25: {  	(xrf1) =	vsort.dscd.msk.f32 $0xffff, v14, v4;
	_ =	sdelay $0xa  }
0x26: {  	v9, v11, _ =	vpop (xrf1)  }
0x27: {  	v15, v16, _ =	vpop (xrf1)  }
0x28: {  	v17, v18, _ =	vpop (xrf1)  }
0x29: {  	v15 =	vperm.xlane v15, v5;
	v19, v20, _ =	vpop (xrf1)  }
0x2a: {  	v16 =	vperm.xlane v16, v5;
	v19 =	vperm.xlane v19, v5  }
0x2b: {  	vm1 =	vge.f32 v9, v15;
	v20 =	vperm.xlane v20, v5  }
0x2c: {  	v9 =	vsel vm1, v9, v15;
	v11 =	vsel vm1, v11, v16;
	vm2 =	vge.f32 v17, v19  }
0x2d: {  	(xrf1) =	vsort.dscd.msk.f32 $0xffff, v9, v11;
	v15 =	vsel vm2, v17, v19;
	v9 =	vsel vm2, v18, v20  }
0x2e: {  	(xrf1) =	vsort.dscd.msk.f32 $0xffff, v15, v9;
	_ =	sdelay $0xc  }
0x2f: {  	v9, v11, _ =	vpop (xrf1)  }
0x30: {  	v15, v16, _ =	vpop (xrf1)  }
0x31: {  	v15 =	vperm.xlane v15, v5  }
0x32: {  	v16 =	vperm.xlane v16, v5  }
0x33: {  	vm1 =	vge.f32 v9, v15  }
0x34: {  	v9 =	vsel vm1, v9, v15;
	v11 =	vsel vm1, v11, v16  }
0x35: {  	(xrf1) =	vsort.dscd.msk.f32 $0xffff, v9, v11;
	_ =	sdelay $0xb  }
0x36: {  	v9 =	vld [tilespmem:$0x4000];
	_ =	sdelay $0x1  }
0x37: {  	v15, v11, _ =	vpop (xrf1)  }
0x38: {  	v16 =	vperm.xlane v15, v6;
	_ =	sdelay $0x1  }
0x39: {  	v16 =	vmax.f32 v16, v9  }
0x3a: {  	v10 =	vsub.f32 v10, v16  }
0x3b: {  	v12 =	vsub.f32 v12, v16  }
0x3c: {  	v10 =	vmul.f32 $1.442695020e+00, v10  }
0x3d: {  	v13 =	vsub.f32 v13, v16;
	v12 =	vmul.f32 $1.442695020e+00, v12  }
0x3e: {  	(erf) = vpow2.f32 v10  }
0x3f: {  	v10 =	vsub.f32 v14, v16;
	(erf) = vpow2.f32 v12;
	v12 =	vmul.f32 $1.442695020e+00, v13;
	_ =	sdelay $0x1  }
0x40: {  	v10 =	vmul.f32 $1.442695020e+00, v10;
	(erf) = vpow2.f32 v12;
	_ =	sdelay $0x1  }
0x41: {  	(erf) = vpow2.f32 v10;
	_ =	sdelay $0x3  }
0x42: {  	v10 =	vpop (erf)  }
0x43: {  	v12 =	vpop (erf)  }
0x44: {  	v10 =	vadd.f32 v12, v10  }
0x45: {  	v12 =	vpop (erf)  }
0x46: {  	v13 =	vsub.f32 v9, v16;
	v10 =	vadd.f32 v10, v12  }
0x47: {  	v12 =	vpop (erf)  }
0x48: {  	v13 =	vmul.f32 $1.442695020e+00, v13;
	v10 =	vadd.f32 v10, v12;
	_ =	sdelay $0x1  }
0x49: {  	(erf) = vpow2.f32 v13;
	(xrf2) =	vadd.scan.msk.f32 $0xffff, v10;
	_ =	sdelay $0x8  }
0x4a: {  	v10 =	vpop (erf)  }
0x4b: {  	v13 =	vsub.f32 v15, v16;
	v12, _, _ =	vpop (xrf2)  }
0x4c: {  	v10 =	vmul.f32 $6.400000000e+01, v10;
	v12 =	vbroadcast v12, $0xF  }
0x4d: {  	v13 =	vmul.f32 $1.442695020e+00, v13  }
0x4e: {  	v10 =	vadd.f32 v12, v10  }
0x4f: {  	(erf) = vpow2.f32 v13  }
0x50: {  	(erf) = vrcp.f32 v10;
	_ =	sdelay $0x7  }
0x51: {  	v10 =	vpop (erf)  }
0x52: {  	v12 =	vpop (erf)  }
0x53: {  	v10 =	vmul.f32 v12, v10;
	v12 =	vld [tilespmem:$0x1FFF0];
	_ =	sdelay $0x4  }
0x54: {  	vm1 =	vlt.f32 v15, v9;
	vm0 =	vnez.u8 v12  }
0x55: {  	vm2 =	vmand vm1, vm0  }
0x56: {  	vm1 =	vmxor vm2, vm0  }
0x57: {  	v10 =	vnsel vm1, $0x0, v10  }
0x58: {  	(xrf2) =	vadd.scan.msk.f32 $0xffff, v10;
	_ =	sdelay $0x9  }
0x59: {  	v12, _, _ =	vpop (xrf2)  }
0x5a: {  	(v2sf) =	vpush v12, $0xF;
	_ =	sdelay $0x3  }
0x5b: {  	s17 =	simm.s32 $0x300  }
0x5c: {  	v12 =	vld [tilespmem:s17+$0xFFFFFF00]  }
0x5d: {  	v13 =	vld [tilespmem:s17+$0xFFFFFF10]  }
0x5e: {  	v14 =	vld [tilespmem:s17+$0xFFFFFF20];
	_ =	sdelay $0x1  }
0x5f: {  	v15 =	vld [tilespmem:s17+$0xFFFFFF30]  }
0x60: {  	(xrf1) =	vsort.dscd.msk.f32 $0xffff, v12, v0  }
0x61: {  	(xrf1) =	vsort.dscd.msk.f32 $0xffff, v13, v2  }
0x62: {  	(xrf1) =	vsort.dscd.msk.f32 $0xffff, v14, v3;
	_ =	sdelay $0x1  }
0x63: {  	(xrf1) =	vsort.dscd.msk.f32 $0xffff, v15, v4  }
0x64: {  	s1 =	spop (v2sf)  }
0x65: {  	s0 =	smax.f32 s1, $9.999999970e-07  }
0x66: {  	v16 =	vmov s0  }
0x67: {  	(erf) = vrcp.f32 v16;
	_ =	sdelay $0x5  }
0x68: {  	v16, v17, _ =	vpop (xrf1)  }
0x69: {  	v18 =	vmpcnt.ones.xlane vm1;
	v19, v20, _ =	vpop (xrf1)  }
0x6a: {  	v22, v23, _ =	vpop (xrf1)  }
0x6b: {  	v18 =	vsub.s32 v7, v18;
	v21 =	vpop (erf)  }
0x6c: {  	s31 =	simm.s32 $0x40A0;
	v18 =	vsel vm2, v18, v11;
	v19 =	vperm.xlane v19, v5;
	v10 =	vmul.f32 v21, v10;
	v21, v24, _ =	vpop (xrf1)  }
0x6d: {  	s8 =	simm.s32 $0x4920;
	[tilespmem:s31+$0xFFFFFFE0] =	vst.msk $0xff, v18;
	v18 =	vperm.xlane v20, v5;
	v20 =	vperm.xlane v21, v5  }
0x6e: {  	s2 =	simm.s32 $0x40;
	s9 =	simm.s32 $0x51A0;
	v21 =	vsel vm2, $0x1, v6;
	vm2 =	vge.f32 v16, v19;
	[tilespmem:s8+$0xFFFFFFE0] =	vst.msk $0xff, v10;
	v10 =	vperm.xlane v24, v5  }
0x6f: {  	s3 =	sor.u32 $0x50, s2;
	v16 =	vsel vm2, v16, v19;
	v17 =	vsel vm2, v17, v18;
	[tilespmem:s9+$0xFFFFFFE0] =	vst.msk $0xff, v21;
	vm3 =	vge.f32 v22, v20  }
0x70: {  	s4 =	sor.u32 $0x70, s2;
	(xrf1) =	vsort.dscd.msk.f32 $0xffff, v16, v17;
	v18 =	vld [tilespmem:s3+$0x0];
	v19 =	vsel vm3, v22, v20;
	v10 =	vsel vm3, v23, v10  }
0x71: {  	v16 =	vld [tilespmem:s4+$0x0];
	(xrf1) =	vsort.dscd.msk.f32 $0xffff, v19, v10  }
0x72: {  	s0 =	sor.u32 $0x60, s2;
	v17 =	vld [tilespmem:s28+$0xFFFFFF40]  }
0x73: {  	v19 =	vld [tilespmem:s0+$0x0];
	_ =	sdelay $0x1  }
0x74: {  	(xrf1) =	vsort.dscd.msk.f32 $0xffff, v18, v2  }
0x75: {  	(xrf1) =	vsort.dscd.msk.f32 $0xffff, v16, v4  }
0x76: {  	(xrf1) =	vsort.dscd.msk.f32 $0xffff, v17, v0  }
0x77: {  	(xrf1) =	vsort.dscd.msk.f32 $0xffff, v19, v3;
	_ =	sdelay $0x5  }
0x78: {  	v10, v20, _ =	vpop (xrf1)  }
0x79: {  	v21, v22, _ =	vpop (xrf1)  }
0x7a: {  	v21 =	vperm.xlane v21, v5  }
0x7b: {  	v22 =	vperm.xlane v22, v5  }
0x7c: {  	vm2 =	vge.f32 v10, v21  }
0x7d: {  	v23, v24, _ =	vpop (xrf1);
	v20 =	vsel vm2, v20, v22  }
0x7e: {  	v10 =	vsel vm2, v10, v21;
	v21 =	vperm.xlane v23, v5;
	v23, v25, _ =	vpop (xrf1)  }
0x7f: {  	v22 =	vperm.xlane v24, v5;
	v23 =	vperm.xlane v23, v5;
	v24, v26, _ =	vpop (xrf1)  }
0x80: {  	(xrf1) =	vsort.dscd.msk.f32 $0xffff, v10, v20;
	v10 =	vperm.xlane v25, v5;
	vm2 =	vge.f32 v24, v21;
	v20, v25, _ =	vpop (xrf1)  }
0x81: {  	v21 =	vsel vm2, v24, v21;
	v22 =	vsel vm2, v26, v22;
	vm2 =	vge.f32 v20, v23  }
0x82: {  	v20 =	vsel vm2, v20, v23;
	v10 =	vsel vm2, v25, v10;
	(xrf1) =	vsort.dscd.msk.f32 $0xffff, v21, v22  }
0x83: {  	(xrf1) =	vsort.dscd.msk.f32 $0xffff, v20, v10;
	_ =	sdelay $0xb  }
0x84: {  	v20, v10, _ =	vpop (xrf1)  }
0x85: {  	v21, v22, _ =	vpop (xrf1)  }
0x86: {  	v23, v24, _ =	vpop (xrf1)  }
0x87: {  	v23 =	vperm.xlane v23, v5  }
0x88: {  	v24 =	vperm.xlane v24, v5  }
0x89: {  	vm2 =	vge.f32 v21, v23  }
0x8a: {  	v25 =	vperm.xlane v20, v6;
	v21 =	vsel vm2, v21, v23;
	v22 =	vsel vm2, v22, v24  }
0x8b: {  	(xrf1) =	vsort.dscd.msk.f32 $0xffff, v21, v22  }
0x8c: {  	v21 =	vmax.f32 v25, v9  }
0x8d: {  	v12 =	vsub.f32 v12, v21  }
0x8e: {  	v13 =	vsub.f32 v13, v21  }
0x8f: {  	v12 =	vmul.f32 $1.442695020e+00, v12  }
0x90: {  	v14 =	vsub.f32 v14, v21;
	v13 =	vmul.f32 $1.442695020e+00, v13  }
0x91: {  	(erf) = vpow2.f32 v12  }
0x92: {  	v12 =	vsub.f32 v15, v21;
	(erf) = vpow2.f32 v13;
	v13 =	vmul.f32 $1.442695020e+00, v14;
	_ =	sdelay $0x1  }
0x93: {  	v12 =	vmul.f32 $1.442695020e+00, v12;
	(erf) = vpow2.f32 v13;
	_ =	sdelay $0x1  }
0x94: {  	(erf) = vpow2.f32 v12;
	_ =	sdelay $0x2  }
0x95: {  	v22 =	vsub.f32 v9, v21;
	v12, v13, _ =	vpop (xrf1)  }
0x96: {  	v14 =	vpop (erf);
	v15 =	vperm.xlane v12, v6  }
0x97: {  	v22 =	vmul.f32 $1.442695020e+00, v22;
	v23 =	vpop (erf)  }
0x98: {  	v14 =	vadd.f32 v23, v14;
	v15 =	vmax.f32 v15, v9  }
0x99: {  	v23 =	vpop (erf);
	v17 =	vsub.f32 v17, v15  }
0x9a: {  	v14 =	vadd.f32 v14, v23;
	v18 =	vsub.f32 v18, v15  }
0x9b: {  	(erf) = vpow2.f32 v22;
	v22 =	vpop (erf);
	v17 =	vmul.f32 $1.442695020e+00, v17  }
0x9c: {  	v14 =	vadd.f32 v14, v22;
	v18 =	vmul.f32 $1.442695020e+00, v18  }
0x9d: {  	(erf) = vpow2.f32 v17  }
0x9e: {  	v19 =	vsub.f32 v19, v15;
	(xrf2) =	vadd.scan.msk.f32 $0xffff, v14;
	(erf) = vpow2.f32 v18;
	_ =	sdelay $0x1  }
0x9f: {  	v16 =	vsub.f32 v16, v15;
	v14 =	vmul.f32 $1.442695020e+00, v19;
	_ =	sdelay $0x1  }
0xa0: {  	v16 =	vmul.f32 $1.442695020e+00, v16;
	(erf) = vpow2.f32 v14;
	_ =	sdelay $0x1  }
0xa1: {  	(erf) = vpow2.f32 v16  }
0xa2: {  	v14 =	vpop (erf)  }
0xa3: {  	v16 =	vpop (erf)  }
0xa4: {  	v17 =	vpop (erf)  }
0xa5: {  	v18, _, _ =	vpop (xrf2)  }
0xa6: {  	v16 =	vadd.f32 v17, v16;
	v17 =	vbroadcast v18, $0xF  }
0xa7: {  	v19 =	vsub.f32 v20, v21  }
0xa8: {  	v14 =	vmul.f32 $6.400000000e+01, v14;
	v18 =	vpop (erf)  }
0xa9: {  	v19 =	vmul.f32 $1.442695020e+00, v19;
	v16 =	vadd.f32 v16, v18;
	v18 =	vsub.f32 v9, v15  }
0xaa: {  	v14 =	vadd.f32 v17, v14;
	v17 =	vpop (erf)  }
0xab: {  	(erf) = vpow2.f32 v19;
	v16 =	vadd.f32 v16, v17;
	v17 =	vmul.f32 $1.442695020e+00, v18  }
0xac: {  	(erf) = vrcp.f32 v14  }
0xad: {  	(xrf2) =	vadd.scan.msk.f32 $0xffff, v16;
	(erf) = vpow2.f32 v17;
	_ =	sdelay $0x6  }
0xae: {  	v14 =	vpop (erf)  }
0xaf: {  	v16 =	vpop (erf)  }
0xb0: {  	v17 =	vpop (erf)  }
0xb1: {  	v15 =	vsub.f32 v12, v15;
	v18, _, _ =	vpop (xrf2)  }
0xb2: {  	v17 =	vmul.f32 $6.400000000e+01, v17;
	v18 =	vbroadcast v18, $0xF  }
0xb3: {  	v15 =	vmul.f32 $1.442695020e+00, v15  }
0xb4: {  	v17 =	vadd.f32 v18, v17  }
0xb5: {  	(erf) = vpow2.f32 v15  }
0xb6: {  	(erf) = vrcp.f32 v17  }
0xb7: {  	vm2 =	vlt.f32 v20, v9  }
0xb8: {  	vm5 =	vmand vm2, vm0;
	v14 =	vmul.f32 v16, v14  }
0xb9: {  	vm2 =	vmxor vm5, vm0  }
0xba: {  	v17 =	vnsel vm2, $0x0, v14  }
0xbb: {  	(xrf2) =	vadd.scan.msk.f32 $0xffff, v17;
	_ =	sdelay $0x2  }
0xbc: {  	v14 =	vpop (erf)  }
0xbd: {  	vm3 =	vlt.f32 v12, v9;
	v15 =	vpop (erf)  }
0xbe: {  	vm3 =	vmand vm3, vm0;
	v12 =	vmul.f32 v15, v14  }
0xbf: {  	vm4 =	vmxor vm3, vm0  }
0xc0: {  	v18 =	vnsel vm4, $0x0, v12  }
0xc1: {  	(xrf2) =	vadd.scan.msk.f32 $0xffff, v18;
	_ =	sdelay $0x1  }
0xc2: {  	v12, _, _ =	vpop (xrf2)  }
0xc3: {  	s30 =	simm.s32 $0x500;
	(v2sf) =	vpush v12, $0xF  }
0xc4: {  	v15 =	vld [tilespmem:s30+$0xFFFFFF00]  }
0xc5: {  	v16 =	vld [tilespmem:s30+$0xFFFFFF10]  }
0xc6: {  	v14 =	vld [tilespmem:s30+$0xFFFFFF20]  }
0xc7: {  	v12 =	vld [tilespmem:s30+$0xFFFFFF30];
	_ =	sdelay $0x1  }
0xc8: {  	(xrf1) =	vsort.dscd.msk.f32 $0xffff, v15, v0  }
0xc9: {  	(xrf1) =	vsort.dscd.msk.f32 $0xffff, v16, v2;
	v19, _, _ =	vpop (xrf2)  }
0xca: {  	(xrf1) =	vsort.dscd.msk.f32 $0xffff, v14, v3;
	(v2sf) =	vpush v19, $0xF  }
0xcb: {  	(xrf1) =	vsort.dscd.msk.f32 $0xffff, v12, v4;
	_ =	sdelay $0x5  }
0xcc: {  	s5 =	spop (v2sf)  }
0xcd: {  	s0 =	smax.f32 s5, $9.999999970e-07  }
0xce: {  	v19 =	vmov s0;
	_ =	sdelay $0x2  }
0xcf: {  	(erf) = vrcp.f32 v19;
	v19, v20, _ =	vpop (xrf1)  }
0xd0: {  	v21, v22, _ =	vpop (xrf1)  }
0xd1: {  	v23, v24, _ =	vpop (xrf1);
	v21 =	vperm.xlane v21, v5  }
0xd2: {  	vm1 =	vmmov vm1;
	v25, v26, _ =	vpop (xrf1);
	s6 =	spop (v2sf)  }
0xd3: {  	v22 =	vperm.xlane v22, v5;
	v25 =	vperm.xlane v25, v5;
	vm6 =	vge.f32 v19, v21;
	s0 =	smax.f32 s6, $9.999999970e-07  }
0xd4: {  	v26 =	vperm.xlane v26, v5;
	v19 =	vsel vm6, v19, v21;
	v27 =	vmov s0  }
0xd5: {  	v20 =	vsel vm6, v20, v22;
	vm7 =	vge.f32 v23, v25;
	(erf) = vrcp.f32 v27  }
0xd6: {  	(xrf1) =	vsort.dscd.msk.f32 $0xffff, v19, v20;
	v19 =	vsel vm7, v24, v26  }
0xd7: {  	v21 =	vmpcnt.ones.xlane vm2;
	v22 =	vsel vm7, v23, v25  }
0xd8: {  	(xrf1) =	vsort.dscd.msk.f32 $0xffff, v22, v19  }
0xd9: {  	s11 =	simm.s32 $0x5A00;
	v20 =	vsub.s32 v7, v21;
	v19 =	vpop (erf)  }
0xda: {  	s18 =	simm.s32 $0x40E0;
	[tilespmem:v11+s11+$0x0] =	vst.idx.add.f32.msk vm1, v8;
	v20 =	vsel vm5, v20, v10;
	v17 =	vmul.f32 v19, v17  }
0xdb: {  	s20 =	simm.s32 $0x4960;
	vm4 =	vmmov vm4;
	[tilespmem:s18+$0xFFFFFFE0] =	vst.msk $0xff, v20;
	v19 =	vsel vm5, $0x1, v6  }
0xdc: {  	s22 =	simm.s32 $0x51E0;
	s7 =	simm.s32 $0x240;
	v20 =	vmpcnt.ones.xlane vm4;
	[tilespmem:s20+$0xFFFFFFE0] =	vst.msk $0xff, v17  }
0xdd: {  	s4 =	sor.u32 $0x50, s7;
	[tilespmem:s22+$0xFFFFFFE0] =	vst.msk $0xff, v19  }
0xde: {  	s10 =	sor.u32 $0x70, s7;
	v20 =	vsub.s32 v7, v20;
	v17 =	vld [tilespmem:s4+$0x0];
	v19 =	vpop (erf)  }
0xdf: {  	v20 =	vsel vm3, v20, v13;
	v11 =	vmul.f32 v19, v18;
	v18 =	vld [tilespmem:s10+$0x0]  }
0xe0: {  	s0 =	sor.u32 $0x60, s7;
	[tilespmem:s31+$0xFFFFFFE8] =	vst.msk $0xff, v20;
	v19 =	vld [tilespmem:s17+$0xFFFFFF40]  }
0xe1: {  	v20 =	vld [tilespmem:s0+$0x0];
	[tilespmem:s8+$0xFFFFFFE8] =	vst.msk $0xff, v11;
	v11 =	vsel vm3, $0x1, v6  }
0xe2: {  	[tilespmem:s9+$0xFFFFFFE8] =	vst.msk $0xff, v11  }
0xe3: {  	(xrf1) =	vsort.dscd.msk.f32 $0xffff, v17, v2;
	v21 =	vld [tilespmem:s28+$0xFFFFFFB0]  }
0xe4: {  	v22 =	vld [tilespmem:s28+$0xFFFFFFA0];
	(xrf1) =	vsort.dscd.msk.f32 $0xffff, v18, v4  }
0xe5: {  	v24 =	vld [tilespmem:s28+$0xFFFFFF90];
	v11, v23, _ =	vpop (xrf1);
	(xrf1) =	vsort.dscd.msk.f32 $0xffff, v19, v0  }
0xe6: {  	v25, v26, _ =	vpop (xrf1);
	(xrf1) =	vsort.dscd.msk.f32 $0xffff, v20, v3  }
0xe7: {  	v27 =	vld [tilespmem:s28+$0xFFFFFF80];
	v25 =	vperm.xlane v25, v5  }
0xe8: {  	v26 =	vperm.xlane v26, v5;
	(xrf1) =	vsort.dscd.msk.f32 $0xffff, v21, v4  }
0xe9: {  	vm1 =	vge.f32 v11, v25;
	(xrf1) =	vsort.dscd.msk.f32 $0xffff, v22, v3  }
0xea: {  	v11 =	vsel vm1, v11, v25;
	v23 =	vsel vm1, v23, v26;
	(xrf1) =	vsort.dscd.msk.f32 $0xffff, v24, v2  }
0xeb: {  	(xrf1) =	vsort.dscd.msk.f32 $0xffff, v11, v23  }
0xec: {  	(xrf1) =	vsort.dscd.msk.f32 $0xffff, v27, v0;
	_ =	sdelay $0x4  }
0xed: {  	v11, v23, _ =	vpop (xrf1)  }
0xee: {  	v11 =	vperm.xlane v11, v5;
	v25, v26, _ =	vpop (xrf1)  }
0xef: {  	v25 =	vperm.xlane v25, v5;
	v28, v29, _ =	vpop (xrf1)  }
0xf0: {  	vm1 =	vge.f32 v28, v11;
	v30, v31, _ =	vpop (xrf1)  }
0xf1: {  	v23 =	vperm.xlane v23, v5;
	v11 =	vsel vm1, v28, v11;
	vm3 =	vge.f32 v30, v25  }
0xf2: {  	v26 =	vperm.xlane v26, v5;
	v28, v32, _ =	vpop (xrf1);
	v25 =	vsel vm3, v30, v25  }
0xf3: {  	v23 =	vsel vm1, v29, v23;
	v28 =	vperm.xlane v28, v5;
	v29, v30, _ =	vpop (xrf1)  }
0xf4: {  	v26 =	vsel vm3, v31, v26;
	(xrf1) =	vsort.dscd.msk.f32 $0xffff, v11, v23;
	v23 =	vperm.xlane v32, v5;
	v31, v60, _ =	vpop (xrf1)  }
0xf5: {  	(xrf1) =	vsort.dscd.msk.f32 $0xffff, v25, v26;
	vm1 =	vge.f32 v29, v28;
	v25, v11, _ =	vpop (xrf1);
	v26 =	vperm.xlane v31, v5  }
0xf6: {  	v31 =	vperm.xlane v60, v5;
	v28 =	vsel vm1, v29, v28;
	v23 =	vsel vm1, v30, v23;
	v29, v30, _ =	vpop (xrf1)  }
0xf7: {  	(xrf1) =	vsort.dscd.msk.f32 $0xffff, v28, v23;
	vm1 =	vge.f32 v29, v26  }
0xf8: {  	v23 =	vsel vm1, v29, v26;
	v26 =	vsel vm1, v30, v31  }
0xf9: {  	(xrf1) =	vsort.dscd.msk.f32 $0xffff, v23, v26;
	_ =	sdelay $0x9  }
0xfa: {  	v23, v26, _ =	vpop (xrf1)  }
0xfb: {  	v28, v29, _ =	vpop (xrf1)  }
0xfc: {  	v28 =	vperm.xlane v28, v5;
	v30, v31, _ =	vpop (xrf1)  }
0xfd: {  	v29 =	vperm.xlane v29, v5;
	v30 =	vperm.xlane v30, v5  }
0xfe: {  	vm1 =	vge.f32 v23, v28;
	v31 =	vperm.xlane v31, v5;
	v61, v33, _ =	vpop (xrf1)  }
0xff: {  	v23 =	vsel vm1, v23, v28;
	v26 =	vsel vm1, v26, v29;
	vm1 =	vge.f32 v61, v30  }
0x100: {  	(xrf1) =	vsort.dscd.msk.f32 $0xffff, v23, v26;
	v23 =	vsel vm1, v61, v30;
	v26 =	vsel vm1, v33, v31  }
0x101: {  	(xrf1) =	vsort.dscd.msk.f32 $0xffff, v23, v26  }
0x102: {  	v28 =	vperm.xlane v25, v6;
	_ =	sdelay $0x1  }
0x103: {  	v23 =	vmax.f32 v28, v9  }
0x104: {  	v15 =	vsub.f32 v15, v23  }
0x105: {  	v16 =	vsub.f32 v16, v23  }
0x106: {  	v12 =	vsub.f32 v12, v23;
	v15 =	vmul.f32 $1.442695020e+00, v15  }
0x107: {  	v14 =	vsub.f32 v14, v23;
	v16 =	vmul.f32 $1.442695020e+00, v16  }
0x108: {  	v12 =	vmul.f32 $1.442695020e+00, v12;
	(erf) = vpow2.f32 v15  }
0x109: {  	v14 =	vmul.f32 $1.442695020e+00, v14;
	(erf) = vpow2.f32 v16;
	_ =	sdelay $0x2  }
0x10a: {  	(erf) = vpow2.f32 v14  }
0x10b: {  	(erf) = vpow2.f32 v12;
	v14, v12, _ =	vpop (xrf1)  }
0x10c: {  	v16 =	vperm.xlane v14, v6;
	v26, v15, _ =	vpop (xrf1)  }
0x10d: {  	v28 =	vsub.f32 v9, v23;
	v29 =	vperm.xlane v26, v6  }
0x10e: {  	v16 =	vmax.f32 v16, v9  }
0x10f: {  	v28 =	vmul.f32 $1.442695020e+00, v28;
	v30 =	vpop (erf);
	v19 =	vsub.f32 v19, v16;
	v29 =	vmax.f32 v29, v9  }
0x110: {  	v31 =	vpop (erf);
	v22 =	vsub.f32 v22, v29  }
0x111: {  	v30 =	vadd.f32 v31, v30;
	v19 =	vmul.f32 $1.442695020e+00, v19;
	v27 =	vsub.f32 v27, v29  }
0x112: {  	(erf) = vpow2.f32 v28;
	v24 =	vsub.f32 v24, v29;
	v22 =	vmul.f32 $1.442695020e+00, v22  }
0x113: {  	v28 =	vpop (erf);
	(erf) = vpow2.f32 v19;
	v19 =	vmul.f32 $1.442695020e+00, v27  }
0x114: {  	v28 =	vadd.f32 v30, v28;
	v24 =	vmul.f32 $1.442695020e+00, v24;
	(erf) = vpow2.f32 v22  }
0x115: {  	v30 =	vpop (erf);
	(erf) = vpow2.f32 v19;
	v19 =	vsub.f32 v21, v29  }
0x116: {  	v27 =	vadd.f32 v28, v30;
	(erf) = vpow2.f32 v24  }
0x117: {  	v19 =	vmul.f32 $1.442695020e+00, v19  }
0x118: {  	(xrf2) =	vadd.scan.msk.f32 $0xffff, v27;
	_ =	sdelay $0x1  }
0x119: {  	(erf) = vpow2.f32 v19  }
0x11a: {  	v19 =	vpop (erf)  }
0x11b: {  	v17 =	vsub.f32 v17, v16;
	v21 =	vpop (erf)  }
0x11c: {  	v20 =	vsub.f32 v20, v16;
	v22 =	vpop (erf)  }
0x11d: {  	v17 =	vmul.f32 $1.442695020e+00, v17;
	v24 =	vpop (erf)  }
0x11e: {  	v18 =	vsub.f32 v18, v16;
	v20 =	vmul.f32 $1.442695020e+00, v20;
	v27 =	vpop (erf)  }
0x11f: {  	(erf) = vpow2.f32 v17;
	v17 =	vadd.f32 v27, v24  }
0x120: {  	v18 =	vmul.f32 $1.442695020e+00, v18  }
0x121: {  	(erf) = vpow2.f32 v20;
	v28, _, _ =	vpop (xrf2);
	v17 =	vadd.f32 v17, v22  }
0x122: {  	v23 =	vsub.f32 v25, v23;
	v19 =	vmul.f32 $6.400000000e+01, v19;
	(erf) = vpow2.f32 v18;
	v20 =	vpop (erf)  }
0x123: {  	v18 =	vsub.f32 v9, v29;
	v24 =	vbroadcast v28, $0xF;
	v17 =	vadd.f32 v17, v20  }
0x124: {  	v22 =	vmul.f32 $1.442695020e+00, v23  }
0x125: {  	v19 =	vadd.f32 v24, v19;
	(xrf2) =	vadd.scan.msk.f32 $0xffff, v17;
	v17 =	vmul.f32 $1.442695020e+00, v18  }
0x126: {  	(erf) = vpow2.f32 v22  }
0x127: {  	(erf) = vrcp.f32 v19;
	_ =	sdelay $0x1  }
0x128: {  	(erf) = vpow2.f32 v17;
	v17 =	vpop (erf)  }
0x129: {  	v17 =	vadd.f32 v17, v21  }
0x12a: {  	v18 =	vpop (erf)  }
0x12b: {  	v17 =	vadd.f32 v17, v18;
	v18 =	vsub.f32 v9, v16  }
0x12c: {  	v19 =	vpop (erf)  }
0x12d: {  	v17 =	vadd.f32 v17, v19;
	v18 =	vmul.f32 $1.442695020e+00, v18  }
0x12e: {  	v20 =	vpop (erf)  }
0x12f: {  	v19 =	vpop (erf);
	(xrf2) =	vadd.scan.msk.f32 $0xffff, v17  }
0x130: {  	v21, _, _ =	vpop (xrf2)  }
0x131: {  	(erf) = vpow2.f32 v18;
	v17 =	vsub.f32 v26, v29;
	v18 =	vpop (erf)  }
0x132: {  	v21 =	vbroadcast v21, $0xF;
	v18 =	vmul.f32 $6.400000000e+01, v18  }
0x133: {  	v17 =	vmul.f32 $1.442695020e+00, v17  }
0x134: {  	v18 =	vadd.f32 v21, v18  }
0x135: {  	(erf) = vpow2.f32 v17  }
0x136: {  	(erf) = vrcp.f32 v18;
	_ =	sdelay $0x2  }
0x137: {  	v16 =	vsub.f32 v14, v16;
	v18, _, _ =	vpop (xrf2)  }
0x138: {  	vm1 =	vlt.f32 v25, v9;
	v18 =	vbroadcast v18, $0xF  }
0x139: {  	vm8 =	vmand vm1, vm0;
	v16 =	vmul.f32 $1.442695020e+00, v16;
	v19 =	vmul.f32 v19, v20;
	v17 =	vpop (erf)  }
0x13a: {  	vm1 =	vmxor vm8, vm0;
	v17 =	vmul.f32 $6.400000000e+01, v17  }
0x13b: {  	v20 =	vnsel vm1, $0x0, v19  }
0x13c: {  	(xrf2) =	vadd.scan.msk.f32 $0xffff, v20;
	v17 =	vadd.f32 v18, v17;
	v18 =	vpop (erf)  }
0x13d: {  	vm3 =	vlt.f32 v26, v9;
	(erf) = vpow2.f32 v16;
	v16 =	vpop (erf)  }
0x13e: {  	vm7 =	vmand vm3, vm0;
	v16 =	vmul.f32 v16, v18  }
0x13f: {  	vm3 =	vmxor vm7, vm0  }
0x140: {  	v16 =	vnsel vm3, $0x0, v16  }
0x141: {  	(erf) = vrcp.f32 v17;
	(xrf2) =	vadd.scan.msk.f32 $0xffff, v16;
	_ =	sdelay $0x4  }
0x142: {  	vm5 =	vlt.f32 v14, v9;
	v14, _, _ =	vpop (xrf2)  }
0x143: {  	(v2sf) =	vpush v14, $0xF;
	_ =	sdelay $0x1  }
0x144: {  	v17 =	vpop (erf)  }
0x145: {  	v18 =	vpop (erf)  }
0x146: {  	vm5 =	vmand vm5, vm0;
	v17 =	vmul.f32 v18, v17;
	v22, _, _ =	vpop (xrf2)  }
0x147: {  	vm6 =	vmxor vm5, vm0;
	(v2sf) =	vpush v22, $0xF  }
0x148: {  	v21 =	vnsel vm6, $0x0, v17  }
0x149: {  	(xrf2) =	vadd.scan.msk.f32 $0xffff, v21;
	_ =	sdelay $0x1  }
0x14a: {  	s13 =	simm.s32 $0x700  }
0x14b: {  	v19 =	vld [tilespmem:s13+$0xFFFFFF00]  }
0x14c: {  	v18 =	vld [tilespmem:s13+$0xFFFFFF10]  }
0x14d: {  	v17 =	vld [tilespmem:s13+$0xFFFFFF20];
	_ =	sdelay $0x1  }
0x14e: {  	v14 =	vld [tilespmem:s13+$0xFFFFFF30]  }
0x14f: {  	(xrf1) =	vsort.dscd.msk.f32 $0xffff, v19, v0;
	s12 =	spop (v2sf)  }
0x150: {  	s0 =	smax.f32 s12, $9.999999970e-07;
	(xrf1) =	vsort.dscd.msk.f32 $0xffff, v18, v2  }
0x151: {  	v22 =	vmov s0;
	(xrf1) =	vsort.dscd.msk.f32 $0xffff, v17, v3;
	v23, _, _ =	vpop (xrf2)  }
0x152: {  	(erf) = vrcp.f32 v22;
	(v2sf) =	vpush v23, $0xF  }
0x153: {  	(xrf1) =	vsort.dscd.msk.f32 $0xffff, v14, v4  }
0x154: {  	s14 =	spop (v2sf)  }
0x155: {  	s0 =	smax.f32 s14, $9.999999970e-07  }
0x156: {  	v22 =	vmov s0  }
0x157: {  	(erf) = vrcp.f32 v22  }
0x158: {  	v22 =	vmpcnt.ones.xlane vm1;
	_ =	sdelay $0x1  }
0x159: {  	vm3 =	vmmov vm3;
	v22 =	vsub.s32 v7, v22  }
0x15a: {  	v25 =	vmpcnt.ones.xlane vm3;
	v23 =	vpop (erf);
	v22 =	vsel vm8, v22, v11  }
0x15b: {  	s25 =	simm.s32 $0x4120;
	v20 =	vmul.f32 v23, v20  }
0x15c: {  	s24 =	simm.s32 $0x49A0;
	v25 =	vsub.s32 v7, v25;
	v23, v24, _ =	vpop (xrf1);
	[tilespmem:s25+$0xFFFFFFE0] =	vst.msk $0xff, v22  }
0x15d: {  	v22, v26, _ =	vpop (xrf1);
	[tilespmem:s24+$0xFFFFFFE0] =	vst.msk $0xff, v20;
	v20 =	vsel vm8, $0x1, v6  }
0x15e: {  	v28, v29, _ =	vpop (xrf1)  }
0x15f: {  	s23 =	simm.s32 $0x5220;
	[tilespmem:v13+s11+$0x0] =	vst.idx.add.f32.msk vm4, v8;
	v22 =	vperm.xlane v22, v5;
	v27 =	vpop (erf)  }
0x160: {  	v13 =	vsel vm7, v25, v15;
	[tilespmem:s23+$0xFFFFFFE0] =	vst.msk $0xff, v20;
	s16 =	spop (v2sf);
	v26 =	vperm.xlane v26, v5;
	v20, v25, _ =	vpop (xrf1);
	v16 =	vmul.f32 v27, v16  }
0x161: {  	s15 =	simm.s32 $0x440;
	[tilespmem:s31+$0xFFFFFFF0] =	vst.msk $0xff, v13;
	v13 =	vsel vm7, $0x1, v6;
	s4 =	smax.f32 s16, $9.999999970e-07;
	vm4 =	vge.f32 v23, v22;
	v20 =	vperm.xlane v20, v5  }
0x162: {  	s5 =	sor.u32 $0x50, s15;
	v25 =	vperm.xlane v25, v5;
	v27 =	vmov s4;
	v22 =	vsel vm4, v23, v22;
	[tilespmem:s8+$0xFFFFFFF0] =	vst.msk $0xff, v16  }
0x163: {  	s19 =	simm.s32 $0xC0;
	v23 =	vsel vm4, v24, v26;
	(erf) = vrcp.f32 v27;
	v16 =	vld [tilespmem:s5+$0x0];
	vm7 =	vge.f32 v28, v20;
	[tilespmem:s9+$0xFFFFFFF0] =	vst.msk $0xff, v13  }
0x164: {  	s21 =	sor.u32 $0x50, s19;
	(xrf1) =	vsort.dscd.msk.f32 $0xffff, v22, v23;
	v20 =	vsel vm7, v28, v20;
	v22 =	vsel vm7, v29, v25;
	v13 =	vld [tilespmem:s28+$0xFFFFFFC0]  }
0x165: {  	s26 =	sor.u32 $0x70, s19;
	v26 =	vld [tilespmem:s21+$0x0];
	(xrf1) =	vsort.dscd.msk.f32 $0xffff, v20, v22  }
0x166: {  	vm2 =	vmmov vm2;
	v24 =	vld [tilespmem:s26+$0x0]  }
0x167: {  	s1 =	sor.u32 $0x60, s19  }
0x168: {  	v29 =	vld [tilespmem:s1+$0x0];
	(xrf1) =	vsort.dscd.msk.f32 $0xffff, v16, v2  }
0x169: {  	vm4 =	vmmov vm6;
	(xrf1) =	vsort.dscd.msk.f32 $0xffff, v13, v0  }
0x16a: {  	v20 =	vmpcnt.ones.xlane vm4;
	(xrf1) =	vsort.dscd.msk.f32 $0xffff, v26, v2  }
0x16b: {  	(xrf1) =	vsort.dscd.msk.f32 $0xffff, v24, v4  }
0x16c: {  	[tilespmem:v10+s11+$0x0] =	vst.idx.add.f32.msk vm2, v8;
	v20 =	vsub.s32 v7, v20;
	v22 =	vpop (erf)  }
0x16d: {  	s2 =	sor.u32 $0x70, s15;
	v23 =	vsel vm5, v20, v12;
	v10 =	vmul.f32 v22, v21;
	(xrf1) =	vsort.dscd.msk.f32 $0xffff, v29, v3  }
0x16e: {  	v20 =	vld [tilespmem:s2+$0x0];
	[tilespmem:s18+$0xFFFFFFE8] =	vst.msk $0xff, v23  }
0x16f: {  	s0 =	sor.u32 $0x60, s15;
	v27 =	vld [tilespmem:s30+$0xFFFFFF40];
	[tilespmem:s20+$0xFFFFFFE8] =	vst.msk $0xff, v10;
	v10 =	vsel vm5, $0x1, v6  }
0x170: {  	v22 =	vld [tilespmem:s0+$0x0];
	[tilespmem:s22+$0xFFFFFFE8] =	vst.msk $0xff, v10  }
0x171: {  	v23 =	vld [tilespmem:s17+$0xFFFFFFB0]  }
0x172: {  	v10, v21, _ =	vpop (xrf1)  }
0x173: {  	(xrf1) =	vsort.dscd.msk.f32 $0xffff, v20, v4;
	v28 =	vld [tilespmem:s17+$0xFFFFFFA0];
	v30, v31, _ =	vpop (xrf1)  }
0x174: {  	(xrf1) =	vsort.dscd.msk.f32 $0xffff, v27, v0;
	v25 =	vld [tilespmem:s17+$0xFFFFFF90];
	v62 =	vperm.xlane v30, v5  }
0x175: {  	(xrf1) =	vsort.dscd.msk.f32 $0xffff, v22, v3;
	v31 =	vperm.xlane v31, v5  }
0x176: {  	v30 =	vld [tilespmem:s17+$0xFFFFFF80];
	(xrf1) =	vsort.dscd.msk.f32 $0xffff, v23, v4;
	v63, v34, _ =	vpop (xrf1);
	vm2 =	vge.f32 v10, v62  }
0x177: {  	v21 =	vsel vm2, v21, v31;
	v35, v36, _ =	vpop (xrf1)  }
0x178: {  	(xrf1) =	vsort.dscd.msk.f32 $0xffff, v28, v3;
	v10 =	vsel vm2, v10, v62;
	v37, v38, _ =	vpop (xrf1)  }
0x179: {  	(xrf1) =	vsort.dscd.msk.f32 $0xffff, v25, v2;
	v39, v40, _ =	vpop (xrf1)  }
0x17a: {  	(xrf1) =	vsort.dscd.msk.f32 $0xffff, v10, v21;
	v31 =	vperm.xlane v39, v5  }
0x17b: {  	(xrf1) =	vsort.dscd.msk.f32 $0xffff, v30, v0;
	v37 =	vperm.xlane v37, v5;
	v10, v21, _ =	vpop (xrf1);
	v41 =	vperm.xlane v40, v5  }
0x17c: {  	v38 =	vperm.xlane v38, v5;
	vm2 =	vge.f32 v10, v31  }
0x17d: {  	v10 =	vsel vm2, v10, v31;
	v21 =	vsel vm2, v21, v41;
	vm2 =	vge.f32 v35, v37  }
0x17e: {  	(xrf1) =	vsort.dscd.msk.f32 $0xffff, v10, v21;
	v21 =	vsel vm2, v36, v38  }
0x17f: {  	v10 =	vsel vm2, v35, v37  }
0x180: {  	(xrf1) =	vsort.dscd.msk.f32 $0xffff, v10, v21  }
0x181: {  	v10 =	vperm.xlane v63, v5;
	v21, v31, _ =	vpop (xrf1)  }
0x182: {  	v21 =	vperm.xlane v21, v5;
	v42, v43, _ =	vpop (xrf1)  }
0x183: {  	vm2 =	vge.f32 v42, v10;
	v44, v45, _ =	vpop (xrf1)  }
0x184: {  	v34 =	vperm.xlane v34, v5;
	v10 =	vsel vm2, v42, v10;
	vm5 =	vge.f32 v44, v21;
	v47, v46, _ =	vpop (xrf1)  }
0x185: {  	v31 =	vperm.xlane v31, v5;
	v21 =	vsel vm5, v44, v21;
	v32 =	vperm.xlane v47, v5  }
0x186: {  	v33 =	vsel vm2, v43, v34;
	v48, v49, _ =	vpop (xrf1);
	v50 =	vperm.xlane v46, v5  }
0x187: {  	v31 =	vsel vm5, v45, v31;
	(xrf1) =	vsort.dscd.msk.f32 $0xffff, v10, v33;
	v51, v52, _ =	vpop (xrf1);
	vm2 =	vge.f32 v48, v32  }
0x188: {  	(xrf1) =	vsort.dscd.msk.f32 $0xffff, v21, v31;
	v31 =	vperm.xlane v51, v5;
	v21, v10, _ =	vpop (xrf1);
	v33 =	vsel vm2, v49, v50  }
0x189: {  	v55 =	vperm.xlane v52, v5;
	v32 =	vsel vm2, v48, v32;
	v53, v54, _ =	vpop (xrf1)  }
0x18a: {  	(xrf1) =	vsort.dscd.msk.f32 $0xffff, v32, v33;
	vm2 =	vge.f32 v53, v31  }
0x18b: {  	v31 =	vsel vm2, v53, v31;
	v56 =	vsel vm2, v54, v55  }
0x18c: {  	v32, v33, _ =	vpop (xrf1);
	(xrf1) =	vsort.dscd.msk.f32 $0xffff, v31, v56  }
0x18d: {  	v32 =	vperm.xlane v32, v5  }
0x18e: {  	v33 =	vperm.xlane v33, v5;
	v31, v34, _ =	vpop (xrf1)  }
0x18f: {  	vm2 =	vge.f32 v31, v32  }
0x190: {  	v31 =	vsel vm2, v31, v32;
	v57 =	vsel vm2, v34, v33  }
0x191: {  	(xrf1) =	vsort.dscd.msk.f32 $0xffff, v31, v57;
	_ =	sdelay $0x4  }
0x192: {  	v31, v32, _ =	vpop (xrf1)  }
0x193: {  	v58 =	vperm.xlane v21, v6;
	v60, v59, _ =	vpop (xrf1)  }
0x194: {  	v34 =	vperm.xlane v60, v5;
	v61, v37, _ =	vpop (xrf1)  }
0x195: {  	v33 =	vmax.f32 v58, v9;
	v35 =	vperm.xlane v59, v5;
	v36 =	vperm.xlane v61, v5  }
0x196: {  	v19 =	vsub.f32 v19, v33;
	v18 =	vsub.f32 v18, v33;
	vm2 =	vge.f32 v31, v34;
	v63, v62, _ =	vpop (xrf1)  }
0x197: {  	v31 =	vsel vm2, v31, v34;
	v32 =	vsel vm2, v32, v35;
	vm2 =	vge.f32 v63, v36  }
0x198: {  	v39 =	vperm.xlane v37, v5;
	(xrf1) =	vsort.dscd.msk.f32 $0xffff, v31, v32;
	v31 =	vsel vm2, v63, v36;
	_ =	sdelay $0x1  }
0x199: {  	v19 =	vmul.f32 $1.442695020e+00, v19;
	v40 =	vsel vm2, v62, v39  }
0x19a: {  	v41 =	vmul.f32 $1.442695020e+00, v18;
	(xrf1) =	vsort.dscd.msk.f32 $0xffff, v31, v40;
	v31, v18, _ =	vpop (xrf1)  }
0x19b: {  	v17 =	vsub.f32 v17, v33;
	(erf) = vpow2.f32 v19;
	v19 =	vperm.xlane v31, v6  }
0x19c: {  	v14 =	vsub.f32 v14, v33;
	v42 =	vsub.f32 v9, v33  }
0x19d: {  	v17 =	vmul.f32 $1.442695020e+00, v17;
	(erf) = vpow2.f32 v41;
	v19 =	vmax.f32 v19, v9  }
0x19e: {  	v14 =	vmul.f32 $1.442695020e+00, v14;
	v13 =	vsub.f32 v13, v19  }
0x19f: {  	(erf) = vpow2.f32 v17;
	v17 =	vmul.f32 $1.442695020e+00, v42;
	v26 =	vsub.f32 v26, v19  }
0x1a0: {  	(erf) = vpow2.f32 v14;
	v14 =	vsub.f32 v29, v19;
	v13 =	vmul.f32 $1.442695020e+00, v13  }
0x1a1: {  	(erf) = vpow2.f32 v17;
	v17 =	vmul.f32 $1.442695020e+00, v26  }
0x1a2: {  	(erf) = vpow2.f32 v13;
	v13 =	vmul.f32 $1.442695020e+00, v14  }
0x1a3: {  	v14 =	vsub.f32 v24, v19  }
0x1a4: {  	(erf) = vpow2.f32 v17  }
0x1a5: {  	v24 =	vpop (erf);
	v14 =	vmul.f32 $1.442695020e+00, v14  }
0x1a6: {  	v26 =	vpop (erf);
	(erf) = vpow2.f32 v13  }
0x1a7: {  	v17, v13, _ =	vpop (xrf1)  }
0x1a8: {  	v29 =	vpop (erf);
	(erf) = vpow2.f32 v14;
	v43 =	vperm.xlane v17, v6  }
0x1a9: {  	v24 =	vadd.f32 v26, v24;
	v44 =	vpop (erf)  }
0x1aa: {  	v26, v14, _ =	vpop (xrf1);
	v32 =	vmax.f32 v43, v9  }
0x1ab: {  	v24 =	vadd.f32 v24, v29;
	v45 =	vpop (erf);
	v29 =	vperm.xlane v26, v6;
	v27 =	vsub.f32 v27, v32  }
0x1ac: {  	v46 =	vpop (erf)  }
0x1ad: {  	v24 =	vadd.f32 v24, v44;
	v29 =	vmax.f32 v29, v9;
	v47 =	vpop (erf);
	v27 =	vmul.f32 $1.442695020e+00, v27  }
0x1ae: {  	v28 =	vsub.f32 v28, v29;
	v34 =	vadd.f32 v47, v46  }
0x1af: {  	(erf) = vpow2.f32 v27;
	v27 =	vsub.f32 v30, v29;
	v30 =	vpop (erf)  }
0x1b0: {  	(xrf2) =	vadd.scan.msk.f32 $0xffff, v24;
	v24 =	vsub.f32 v25, v29;
	v25 =	vmul.f32 $1.442695020e+00, v28;
	v28 =	vadd.f32 v34, v30  }
0x1b1: {  	v23 =	vsub.f32 v23, v29;
	v30 =	vpop (erf);
	v27 =	vmul.f32 $1.442695020e+00, v27  }
0x1b2: {  	v24 =	vmul.f32 $1.442695020e+00, v24;
	(erf) = vpow2.f32 v25;
	v25 =	vadd.f32 v28, v30  }
0x1b3: {  	(erf) = vpow2.f32 v27;
	v27 =	vsub.f32 v9, v19  }
0x1b4: {  	v23 =	vmul.f32 $1.442695020e+00, v23;
	(erf) = vpow2.f32 v24;
	(xrf2) =	vadd.scan.msk.f32 $0xffff, v25  }
0x1b5: {  	v24 =	vmul.f32 $1.442695020e+00, v27  }
0x1b6: {  	(erf) = vpow2.f32 v23  }
0x1b7: {  	v16 =	vsub.f32 v16, v32;
	(erf) = vpow2.f32 v24  }
0x1b8: {  	v22 =	vsub.f32 v22, v32  }
0x1b9: {  	v16 =	vmul.f32 $1.442695020e+00, v16;
	v23 =	vpop (erf)  }
0x1ba: {  	v22 =	vmul.f32 $1.442695020e+00, v22;
	v24, _, _ =	vpop (xrf2)  }
0x1bb: {  	v25 =	vpop (erf)  }
0x1bc: {  	v20 =	vsub.f32 v20, v32;
	v28 =	vsub.f32 v21, v33;
	v27 =	vpop (erf)  }
0x1bd: {  	(erf) = vpow2.f32 v16;
	v16 =	vpop (erf)  }
0x1be: {  	v20 =	vmul.f32 $1.442695020e+00, v20;
	(erf) = vpow2.f32 v22;
	v22, _, _ =	vpop (xrf2)  }
0x1bf: {  	v30 =	vmul.f32 $6.400000000e+01, v45;
	v24 =	vbroadcast v24, $0xF;
	v48 =	vpop (erf)  }
0x1c0: {  	v19 =	vsub.f32 v31, v19;
	(erf) = vpow2.f32 v20;
	v20 =	vmul.f32 $1.442695020e+00, v28;
	v28 =	vpop (erf)  }
0x1c1: {  	v24 =	vadd.f32 v24, v30;
	v22 =	vbroadcast v22, $0xF;
	v28 =	vmul.f32 $6.400000000e+01, v28  }
0x1c2: {  	v19 =	vmul.f32 $1.442695020e+00, v19;
	(erf) = vpow2.f32 v20;
	v16 =	vadd.f32 v16, v27  }
0x1c3: {  	(erf) = vrcp.f32 v24;
	v20 =	vadd.f32 v22, v28  }
0x1c4: {  	(erf) = vpow2.f32 v19;
	v16 =	vadd.f32 v16, v25  }
0x1c5: {  	(erf) = vrcp.f32 v20  }
0x1c6: {  	v16 =	vadd.f32 v16, v48;
	v20 =	vsub.f32 v9, v29;
	_ =	sdelay $0x1  }
0x1c7: {  	v19 =	vpop (erf);
	(xrf2) =	vadd.scan.msk.f32 $0xffff, v16;
	v20 =	vmul.f32 $1.442695020e+00, v20  }
0x1c8: {  	v22 =	vpop (erf)  }
0x1c9: {  	v16 =	vpop (erf);
	(erf) = vpow2.f32 v20  }
0x1ca: {  	v19 =	vadd.f32 v19, v23;
	v23 =	vpop (erf)  }
0x1cb: {  	v20 =	vpop (erf)  }
0x1cc: {  	v19 =	vadd.f32 v19, v22;
	v22 =	vpop (erf)  }
0x1cd: {  	vm2 =	vlt.f32 v31, v9;
	v24 =	vpop (erf)  }
0x1ce: {  	vm10 =	vmand vm2, vm0;
	v16 =	vadd.f32 v19, v16;
	v19 =	vmul.f32 v24, v22  }
0x1cf: {  	vm6 =	vmxor vm10, vm0  }
0x1d0: {  	(xrf2) =	vadd.scan.msk.f32 $0xffff, v16;
	v16 =	vsub.f32 v9, v32;
	v19 =	vnsel vm6, $0x0, v19  }
0x1d1: {  	v22, _, _ =	vpop (xrf2);
	(xrf2) =	vadd.scan.msk.f32 $0xffff, v19  }
0x1d2: {  	v16 =	vmul.f32 $1.442695020e+00, v16;
	v24 =	vsub.f32 v26, v29;
	v25 =	vpop (erf)  }
0x1d3: {  	v22 =	vbroadcast v22, $0xF;
	v25 =	vmul.f32 $6.400000000e+01, v25  }
0x1d4: {  	v24 =	vmul.f32 $1.442695020e+00, v24  }
0x1d5: {  	(erf) = vpow2.f32 v16;
	v16 =	vadd.f32 v22, v25  }
0x1d6: {  	(erf) = vpow2.f32 v24  }
0x1d7: {  	(erf) = vrcp.f32 v16;
	_ =	sdelay $0x2  }
0x1d8: {  	v16, _, _ =	vpop (xrf2)  }
0x1d9: {  	v20 =	vmul.f32 v20, v23;
	v22, _, _ =	vpop (xrf2)  }
0x1da: {  	vm2 =	vlt.f32 v21, v9;
	(v2sf) =	vpush v22, $0xF  }
0x1db: {  	vm9 =	vmand vm2, vm0  }
0x1dc: {  	vm2 =	vmxor vm9, vm0;
	v21 =	vpop (erf)  }
0x1dd: {  	v24 =	vnsel vm2, $0x0, v20;
	v20 =	vpop (erf)  }
0x1de: {  	vm5 =	vlt.f32 v26, v9;
	(xrf2) =	vadd.scan.msk.f32 $0xffff, v24;
	v23 =	vpop (erf)  }
0x1df: {  	vm8 =	vmand vm5, vm0;
	v20 =	vmul.f32 v23, v20  }
0x1e0: {  	vm11 =	vmxor vm8, vm0  }
0x1e1: {  	v22 =	vsub.f32 v17, v32;
	v25 =	vnsel vm11, $0x0, v20  }
0x1e2: {  	v21 =	vmul.f32 $6.400000000e+01, v21;
	v16 =	vbroadcast v16, $0xF;
	(xrf2) =	vadd.scan.msk.f32 $0xffff, v25  }
0x1e3: {  	v22 =	vmul.f32 $1.442695020e+00, v22  }
0x1e4: {  	v16 =	vadd.f32 v16, v21  }
0x1e5: {  	(erf) = vpow2.f32 v22  }
0x1e6: {  	(erf) = vrcp.f32 v16;
	_ =	sdelay $0x1  }
0x1e7: {  	v16, _, _ =	vpop (xrf2)  }
0x1e8: {  	(v2sf) =	vpush v16, $0xF;
	s3 =	spop (v2sf)  }
0x1e9: {  	s0 =	smax.f32 s3, $9.999999970e-07  }
0x1ea: {  	v16 =	vmov s0  }
0x1eb: {  	v20, _, _ =	vpop (xrf2);
	(erf) = vrcp.f32 v16  }
0x1ec: {  	(v2sf) =	vpush v20, $0xF  }
0x1ed: {  	v16 =	vpop (erf)  }
0x1ee: {  	s21 =	simm.s32 $0x900;
	vm5 =	vlt.f32 v17, v9;
	v21 =	vpop (erf)  }
0x1ef: {  	vm5 =	vmand vm5, vm0;
	v23 =	vld [tilespmem:s21+$0xFFFFFF00];
	v16 =	vmul.f32 v21, v16  }
0x1f0: {  	vm7 =	vmxor vm5, vm0  }
0x1f1: {  	vm6 =	vmmov vm6;
	v21 =	vld [tilespmem:s21+$0xFFFFFF10];
	v17 =	vnsel vm7, $0x0, v16  }
0x1f2: {  	v22 =	vmpcnt.ones.xlane vm6;
	v16 =	vld [tilespmem:s21+$0xFFFFFF20];
	(xrf2) =	vadd.scan.msk.f32 $0xffff, v17  }
0x1f3: {  	v20 =	vld [tilespmem:s21+$0xFFFFFF30]  }
0x1f4: {  	v22 =	vsub.s32 v7, v22;
	(xrf1) =	vsort.dscd.msk.f32 $0xffff, v23, v0;
	v26 =	vpop (erf)  }
0x1f5: {  	[tilespmem:v15+s11+$0x0] =	vst.idx.add.f32.msk vm3, v8;
	v15 =	vsel vm10, v22, v18;
	v19 =	vmul.f32 v26, v19  }
0x1f6: {  	[tilespmem:s31+$0xFFFFFFF8] =	vst.msk $0xff, v15;
	(xrf1) =	vsort.dscd.msk.f32 $0xffff, v21, v2  }
0x1f7: {  	v15 =	vsel vm10, $0x1, v6;
	s4 =	spop (v2sf);
	(xrf1) =	vsort.dscd.msk.f32 $0xffff, v16, v3;
	[tilespmem:s8+$0xFFFFFFF8] =	vst.msk $0xff, v19  }
0x1f8: {  	s0 =	smax.f32 s4, $9.999999970e-07;
	(xrf1) =	vsort.dscd.msk.f32 $0xffff, v20, v4;
	[tilespmem:s9+$0xFFFFFFF8] =	vst.msk $0xff, v15  }
0x1f9: {  	v19 =	vmov s0;
	v15 =	vld [tilespmem:s28+$0x30]  }
0x1fa: {  	(erf) = vrcp.f32 v19  }
0x1fb: {  	v27 =	vld [tilespmem:s28+$0x20];
	s5 =	spop (v2sf)  }
0x1fc: {  	v32 =	vld [tilespmem:s28+$0x10];
	s0 =	smax.f32 s5, $9.999999970e-07;
	v22, _, _ =	vpop (xrf2)  }
0x1fd: {  	v19 =	vmov s0;
	(v2sf) =	vpush v22, $0xF  }
0x1fe: {  	v35 =	vld [tilespmem:s28+$0x0];
	(erf) = vrcp.f32 v19;
	(xrf1) =	vsort.dscd.msk.f32 $0xffff, v15, v4;
	_ =	sdelay $0x1  }
0x1ff: {  	v19 =	vmpcnt.ones.xlane vm2;
	(xrf1) =	vsort.dscd.msk.f32 $0xffff, v27, v3  }
0x200: {  	(xrf1) =	vsort.dscd.msk.f32 $0xffff, v32, v2  }
0x201: {  	v22, v26, _ =	vpop (xrf1);
	v19 =	vsub.s32 v7, v19  }
0x202: {  	v19 =	vsel vm9, v19, v10;
	(xrf1) =	vsort.dscd.msk.f32 $0xffff, v35, v0;
	v28 =	vpop (erf)  }
0x203: {  	[tilespmem:v12+s11+$0x0] =	vst.idx.add.f32.msk vm4, v8;
	s3 =	simm.s32 $0x4160;
	v29, v30, _ =	vpop (xrf1);
	v24 =	vmul.f32 v28, v24  }
0x204: {  	s15 =	simm.s32 $0x49E0;
	vm3 =	vmmov vm11;
	[tilespmem:s3+$0xFFFFFFE0] =	vst.msk $0xff, v19;
	v28, v31, _ =	vpop (xrf1)  }
0x205: {  	s29 =	simm.s32 $0x5260;
	v49 =	vmpcnt.ones.xlane vm3;
	[tilespmem:s15+$0xFFFFFFE0] =	vst.msk $0xff, v24;
	v24 =	vperm.xlane v29, v5;
	v29 =	vsel vm9, $0x1, v6;
	v19, v50, _ =	vpop (xrf1)  }
0x206: {  	[tilespmem:s29+$0xFFFFFFE0] =	vst.msk $0xff, v29;
	v29 =	vperm.xlane v30, v5;
	v51 =	vpop (erf)  }
0x207: {  	v33 =	vsub.s32 v7, v49;
	v12 =	vperm.xlane v19, v5;
	v25 =	vmul.f32 v51, v25  }
0x208: {  	v19 =	vsel vm8, v33, v14;
	vm4 =	vge.f32 v22, v24;
	v30 =	vperm.xlane v50, v5  }
0x209: {  	v22 =	vsel vm4, v22, v24;
	v26 =	vsel vm4, v26, v29;
	vm9 =	vge.f32 v28, v12  }
0x20a: {  	s6 =	simm.s32 $0x640;
	[tilespmem:s18+$0xFFFFFFF0] =	vst.msk $0xff, v19;
	(xrf1) =	vsort.dscd.msk.f32 $0xffff, v22, v26;
	v22 =	vsel vm9, v31, v30  }
0x20b: {  	s10 =	sor.u32 $0x50, s6;
	v24 =	vsel vm8, $0x1, v6;
	[tilespmem:s20+$0xFFFFFFF0] =	vst.msk $0xff, v25;
	v12 =	vsel vm9, v28, v12;
	s7 =	spop (v2sf);
	v25, v52, _ =	vpop (xrf1)  }
0x20c: {  	v19 =	vld [tilespmem:s10+$0x0];
	[tilespmem:s22+$0xFFFFFFF0] =	vst.msk $0xff, v24;
	s4 =	smax.f32 s7, $9.999999970e-07;
	v24 =	vperm.xlane v25, v5;
	v26 =	vperm.xlane v52, v5  }
0x20d: {  	v28 =	vld [tilespmem:s17+$0xFFFFFFC0];
	v29, v30, _ =	vpop (xrf1);
	v25 =	vmov s4  }
0x20e: {  	s12 =	simm.s32 $0x2C0;
	(xrf1) =	vsort.dscd.msk.f32 $0xffff, v12, v22;
	v12, v22, _ =	vpop (xrf1);
	(erf) = vrcp.f32 v25;
	vm4 =	vge.f32 v29, v24  }
0x20f: {  	s14 =	sor.u32 $0x50, s12;
	v12 =	vperm.xlane v12, v5;
	v24 =	vsel vm4, v29, v24;
	v25 =	vsel vm4, v30, v26  }
0x210: {  	s16 =	sor.u32 $0x70, s12;
	v33 =	vld [tilespmem:s14+$0x0];
	v22 =	vperm.xlane v22, v5;
	v26, v29, _ =	vpop (xrf1);
	(xrf1) =	vsort.dscd.msk.f32 $0xffff, v24, v25  }
0x211: {  	vm1 =	vmmov vm1;
	v30 =	vld [tilespmem:s16+$0x0];
	(xrf1) =	vsort.dscd.msk.f32 $0xffff, v19, v2;
	vm4 =	vge.f32 v26, v12  }
0x212: {  	s4 =	sor.u32 $0x60, s12;
	(xrf1) =	vsort.dscd.msk.f32 $0xffff, v28, v0;
	v12 =	vsel vm4, v26, v12;
	v22 =	vsel vm4, v29, v22  }
0x213: {  	v36 =	vld [tilespmem:s4+$0x0];
	(xrf1) =	vsort.dscd.msk.f32 $0xffff, v12, v22  }
0x214: {  	vm4 =	vmmov vm7  }
0x215: {  	v12 =	vmpcnt.ones.xlane vm4;
	(xrf1) =	vsort.dscd.msk.f32 $0xffff, v33, v2  }
0x216: {  	(xrf1) =	vsort.dscd.msk.f32 $0xffff, v30, v4  }
0x217: {  	[tilespmem:v11+s11+$0x0] =	vst.idx.add.f32.msk vm1, v8;
	v12 =	vsub.s32 v7, v12;
	v22 =	vpop (erf)  }
0x218: {  	s19 =	sor.u32 $0x70, s6;
	(xrf1) =	vsort.dscd.msk.f32 $0xffff, v36, v3;
	v12 =	vsel vm5, v12, v13;
	v11 =	vmul.f32 v22, v17  }
0x219: {  	v24 =	vld [tilespmem:s19+$0x0];
	[tilespmem:s25+$0xFFFFFFE8] =	vst.msk $0xff, v12  }
0x21a: {  	s0 =	sor.u32 $0x60, s6;
	v29 =	vld [tilespmem:s13+$0xFFFFFF40];
	[tilespmem:s24+$0xFFFFFFE8] =	vst.msk $0xff, v11;
	v11 =	vsel vm5, $0x1, v6  }
0x21b: {  	v25 =	vld [tilespmem:s0+$0x0];
	[tilespmem:s23+$0xFFFFFFE8] =	vst.msk $0xff, v11  }
0x21c: {  	v12, v17, _ =	vpop (xrf1);
	v26 =	vld [tilespmem:s30+$0xFFFFFFB0]  }
0x21d: {  	v11, v22, _ =	vpop (xrf1)  }
0x21e: {  	(xrf1) =	vsort.dscd.msk.f32 $0xffff, v24, v4;
	v31 =	vld [tilespmem:s30+$0xFFFFFFA0];
	v54, v53, _ =	vpop (xrf1)  }
0x21f: {  	(xrf1) =	vsort.dscd.msk.f32 $0xffff, v29, v0;
	v11 =	vperm.xlane v11, v5;
	v56, v55, _ =	vpop (xrf1)  }
0x220: {  	(xrf1) =	vsort.dscd.msk.f32 $0xffff, v25, v3;
	v34 =	vld [tilespmem:s30+$0xFFFFFF90];
	v22 =	vperm.xlane v22, v5;
	v57 =	vperm.xlane v54, v5;
	v41, v42, _ =	vpop (xrf1)  }
0x221: {  	v43 =	vperm.xlane v53, v5;
	vm1 =	vge.f32 v12, v11;
	v44, v45, _ =	vpop (xrf1);
	(xrf1) =	vsort.dscd.msk.f32 $0xffff, v26, v4  }
0x222: {  	v37 =	vld [tilespmem:s30+$0xFFFFFF80];
	v11 =	vsel vm1, v12, v11;
	v12 =	vsel vm1, v17, v22;
	vm5 =	vge.f32 v44, v57  }
0x223: {  	v46, v47, _ =	vpop (xrf1);
	(xrf1) =	vsort.dscd.msk.f32 $0xffff, v31, v3;
	v40 =	vsel vm5, v44, v57;
	v43 =	vsel vm5, v45, v43  }
0x224: {  	v58, v59, _ =	vpop (xrf1);
	(xrf1) =	vsort.dscd.msk.f32 $0xffff, v40, v43  }
0x225: {  	v17 =	vperm.xlane v58, v5;
	(xrf1) =	vsort.dscd.msk.f32 $0xffff, v34, v2  }
0x226: {  	v60 =	vperm.xlane v46, v5;
	v22 =	vperm.xlane v59, v5;
	(xrf1) =	vsort.dscd.msk.f32 $0xffff, v11, v12;
	v11, v12, _ =	vpop (xrf1)  }
0x227: {  	v61 =	vperm.xlane v47, v5;
	(xrf1) =	vsort.dscd.msk.f32 $0xffff, v37, v0;
	vm1 =	vge.f32 v11, v17  }
0x228: {  	v11 =	vsel vm1, v11, v17;
	v12 =	vsel vm1, v12, v22;
	vm1 =	vge.f32 v41, v60  }
0x229: {  	(xrf1) =	vsort.dscd.msk.f32 $0xffff, v11, v12;
	v12 =	vsel vm1, v42, v61  }
0x22a: {  	v11 =	vsel vm1, v41, v60;
	_ =	sdelay $0x1  }
0x22b: {  	(xrf1) =	vsort.dscd.msk.f32 $0xffff, v11, v12  }
0x22c: {  	v17 =	vperm.xlane v56, v5;
	v11, v12, _ =	vpop (xrf1)  }
0x22d: {  	v22, v62, _ =	vpop (xrf1)  }
0x22e: {  	v39 =	vperm.xlane v55, v5;
	v11 =	vperm.xlane v11, v5;
	v40, v41, _ =	vpop (xrf1)  }
0x22f: {  	v12 =	vperm.xlane v12, v5;
	vm1 =	vge.f32 v22, v17;
	v42, v43, _ =	vpop (xrf1)  }
0x230: {  	v22 =	vsel vm1, v22, v17;
	vm5 =	vge.f32 v40, v11;
	v39 =	vsel vm1, v62, v39;
	v63, v48, _ =	vpop (xrf1)  }
0x231: {  	v11 =	vsel vm5, v40, v11;
	v49 =	vperm.xlane v42, v5;
	v12 =	vsel vm5, v41, v12;
	v38, v17, _ =	vpop (xrf1)  }
0x232: {  	(xrf1) =	vsort.dscd.msk.f32 $0xffff, v22, v39;
	v50 =	vperm.xlane v38, v6  }
0x233: {  	v51 =	vperm.xlane v43, v5;
	(xrf1) =	vsort.dscd.msk.f32 $0xffff, v11, v12;
	vm1 =	vge.f32 v63, v49  }
0x234: {  	v11, v52, _ =	vpop (xrf1);
	v40 =	vsel vm1, v63, v49;
	v39 =	vmax.f32 v50, v9  }
0x235: {  	v41 =	vsel vm1, v48, v51;
	v22, v12, _ =	vpop (xrf1);
	v11 =	vperm.xlane v11, v5;
	v35 =	vsub.f32 v35, v39  }
0x236: {  	v42 =	vperm.xlane v52, v5;
	v53, v54, _ =	vpop (xrf1);
	v32 =	vsub.f32 v32, v39;
	v27 =	vsub.f32 v27, v39  }
0x237: {  	v15 =	vsub.f32 v15, v39;
	vm1 =	vge.f32 v53, v11;
	v56, v55, _ =	vpop (xrf1);
	v35 =	vmul.f32 $1.442695020e+00, v35  }
0x238: {  	(xrf1) =	vsort.dscd.msk.f32 $0xffff, v40, v41;
	v11 =	vsel vm1, v53, v11;
	v57 =	vperm.xlane v56, v5;
	v32 =	vmul.f32 $1.442695020e+00, v32  }
0x239: {  	v58 =	vsel vm1, v54, v42;
	v59, v60, _ =	vpop (xrf1);
	v61 =	vperm.xlane v55, v5;
	(erf) = vpow2.f32 v35  }
0x23a: {  	(xrf1) =	vsort.dscd.msk.f32 $0xffff, v11, v58;
	v11 =	vmul.f32 $1.442695020e+00, v27;
	vm1 =	vge.f32 v59, v57;
	(erf) = vpow2.f32 v32  }
0x23b: {  	v27 =	vsel vm1, v59, v57;
	v62 =	vsel vm1, v60, v61  }
0x23c: {  	v15 =	vmul.f32 $1.442695020e+00, v15;
	(erf) = vpow2.f32 v11;
	(xrf1) =	vsort.dscd.msk.f32 $0xffff, v27, v62  }
0x23d: {  	v11 =	vperm.xlane v22, v6  }
0x23e: {  	(erf) = vpow2.f32 v15  }
0x23f: {  	v63 =	vmax.f32 v11, v9  }
0x240: {  	v11 =	vsub.f32 v23, v63;
	v15, v23, _ =	vpop (xrf1)  }
0x241: {  	v27, v45, _ =	vpop (xrf1)  }
0x242: {  	v11 =	vmul.f32 $1.442695020e+00, v11;
	v46 =	vpop (erf)  }
0x243: {  	v27 =	vperm.xlane v27, v5;
	v47 =	vpop (erf)  }
0x244: {  	v21 =	vsub.f32 v21, v63;
	(erf) = vpow2.f32 v11;
	v11 =	vadd.f32 v47, v46  }
0x245: {  	v35 =	vperm.xlane v45, v5;
	vm1 =	vge.f32 v15, v27;
	v48 =	vpop (erf)  }
0x246: {  	v21 =	vmul.f32 $1.442695020e+00, v21;
	v50, v49, _ =	vpop (xrf1);
	v15 =	vsel vm1, v15, v27;
	v11 =	vadd.f32 v11, v48  }
0x247: {  	v27 =	vsub.f32 v9, v39;
	v51 =	vperm.xlane v50, v5;
	v23 =	vsel vm1, v23, v35;
	v52 =	vpop (erf)  }
0x248: {  	v42 =	vperm.xlane v49, v5;
	v54, v53, _ =	vpop (xrf1);
	v11 =	vadd.f32 v11, v52  }
0x249: {  	(erf) = vpow2.f32 v21;
	(xrf1) =	vsort.dscd.msk.f32 $0xffff, v15, v23;
	v27 =	vmul.f32 $1.442695020e+00, v27;
	vm1 =	vge.f32 v54, v51  }
0x24a: {  	v15 =	vsel vm1, v54, v51;
	v21 =	vsel vm1, v53, v42;
	(xrf2) =	vadd.scan.msk.f32 $0xffff, v11;
	v11 =	vsub.f32 v16, v63;
	v23, v16, _ =	vpop (xrf1)  }
0x24b: {  	(erf) = vpow2.f32 v27;
	(xrf1) =	vsort.dscd.msk.f32 $0xffff, v15, v21;
	v15 =	vperm.xlane v23, v6  }
0x24c: {  	v20 =	vsub.f32 v20, v63;
	v11 =	vmul.f32 $1.442695020e+00, v11  }
0x24d: {  	v21 =	vsub.f32 v9, v63;
	v55 =	vmax.f32 v15, v9  }
0x24e: {  	(erf) = vpow2.f32 v11;
	v11 =	vmul.f32 $1.442695020e+00, v20;
	v15 =	vsub.f32 v28, v55  }
0x24f: {  	v20 =	vmul.f32 $1.442695020e+00, v21;
	v21 =	vsub.f32 v33, v55  }
0x250: {  	(erf) = vpow2.f32 v11;
	v11 =	vmul.f32 $1.442695020e+00, v15;
	_ =	sdelay $0x1  }
0x251: {  	v28 =	vpop (erf);
	v15 =	vsub.f32 v36, v55  }
0x252: {  	v27 =	vsub.f32 v30, v55;
	(erf) = vpow2.f32 v20;
	v20 =	vmul.f32 $1.442695020e+00, v21;
	v21 =	vpop (erf)  }
0x253: {  	v15 =	vmul.f32 $1.442695020e+00, v15;
	(erf) = vpow2.f32 v11;
	v11 =	vpop (erf)  }
0x254: {  	(erf) = vpow2.f32 v20;
	v20 =	vmul.f32 $1.442695020e+00, v27;
	v27 =	vsub.f32 v38, v39;
	v30, _, _ =	vpop (xrf2)  }
0x255: {  	v11 =	vmul.f32 $6.400000000e+01, v11;
	v30 =	vbroadcast v30, $0xF;
	_ =	sdelay $0x1  }
0x256: {  	v30 =	vadd.f32 v30, v11  }
0x257: {  	(erf) = vpow2.f32 v15;
	v56 =	vmul.f32 $1.442695020e+00, v27;
	v27, v15, _ =	vpop (xrf1)  }
0x258: {  	(erf) = vpow2.f32 v20;
	v57 =	vpop (erf);
	v58 =	vperm.xlane v27, v6  }
0x259: {  	v28 =	vadd.f32 v21, v28;
	(erf) = vpow2.f32 v56;
	v20, v11, _ =	vpop (xrf1)  }
0x25a: {  	(erf) = vrcp.f32 v30;
	v21 =	vmax.f32 v58, v9;
	v30 =	vpop (erf);
	v59 =	vperm.xlane v20, v6  }
0x25b: {  	v28 =	vadd.f32 v28, v57;
	v29 =	vsub.f32 v29, v21;
	v60 =	vpop (erf)  }
0x25c: {  	v33 =	vmax.f32 v59, v9;
	v61 =	vpop (erf)  }
0x25d: {  	v28 =	vadd.f32 v28, v30;
	v29 =	vmul.f32 $1.442695020e+00, v29;
	v30 =	vsub.f32 v31, v33;
	v31 =	vpop (erf)  }
0x25e: {  	v31 =	vadd.f32 v31, v61  }
0x25f: {  	v30 =	vmul.f32 $1.442695020e+00, v30;
	_ =	sdelay $0x1  }
0x260: {  	v37 =	vsub.f32 v37, v33;
	(xrf2) =	vadd.scan.msk.f32 $0xffff, v28;
	(erf) = vpow2.f32 v29;
	v29 =	vpop (erf)  }
0x261: {  	vm1 =	vlt.f32 v38, v9;
	v34 =	vsub.f32 v34, v33;
	v29 =	vadd.f32 v31, v29;
	v31 =	vpop (erf)  }
0x262: {  	vm1 =	vmand vm1, vm0;
	v28 =	vmul.f32 $1.442695020e+00, v37;
	(erf) = vpow2.f32 v30;
	v30 =	vpop (erf)  }
0x263: {  	v26 =	vsub.f32 v26, v33;
	v34 =	vmul.f32 $1.442695020e+00, v34;
	v29 =	vadd.f32 v29, v31;
	v31 =	vpop (erf)  }
0x264: {  	vm5 =	vmxor vm1, vm0;
	(erf) = vpow2.f32 v28;
	v28 =	vmul.f32 v31, v30  }
0x265: {  	v26 =	vmul.f32 $1.442695020e+00, v26;
	(erf) = vpow2.f32 v34;
	(xrf2) =	vadd.scan.msk.f32 $0xffff, v29;
	v29 =	vsub.f32 v9, v55  }
0x266: {  	v28 =	vnsel vm5, $0x0, v28  }
0x267: {  	(erf) = vpow2.f32 v26;
	v26 =	vmul.f32 $1.442695020e+00, v29;
	(xrf2) =	vadd.scan.msk.f32 $0xffff, v28  }
0x268: {  	v19 =	vsub.f32 v19, v21  }
0x269: {  	v25 =	vsub.f32 v25, v21;
	(erf) = vpow2.f32 v26  }
0x26a: {  	v24 =	vsub.f32 v24, v21;
	v19 =	vmul.f32 $1.442695020e+00, v19;
	v29, _, _ =	vpop (xrf2)  }
0x26b: {  	v25 =	vmul.f32 $1.442695020e+00, v25;
	v26 =	vpop (erf)  }
0x26c: {  	(erf) = vpow2.f32 v19;
	v19 =	vmul.f32 $1.442695020e+00, v24;
	v30 =	vpop (erf)  }
0x26d: {  	v31 =	vpop (erf)  }
0x26e: {  	v24 =	vpop (erf)  }
0x26f: {  	(erf) = vpow2.f32 v25;
	v25, _, _ =	vpop (xrf2)  }
0x270: {  	v32 =	vsub.f32 v22, v63;
	(erf) = vpow2.f32 v19;
	v19 =	vpop (erf)  }
0x271: {  	v29 =	vbroadcast v29, $0xF;
	v24 =	vadd.f32 v24, v31;
	v31 =	vmul.f32 $6.400000000e+01, v60;
	v62, _, _ =	vpop (xrf2)  }
0x272: {  	v32 =	vmul.f32 $1.442695020e+00, v32;
	v35 =	vsub.f32 v23, v55;
	v63 =	vpop (erf);
	(v2sf) =	vpush v62, $0xF  }
0x273: {  	v25 =	vbroadcast v25, $0xF;
	v29 =	vadd.f32 v29, v31;
	v31 =	vmul.f32 $6.400000000e+01, v63  }
0x274: {  	v37 =	vmul.f32 $1.442695020e+00, v35;
	(erf) = vpow2.f32 v32;
	v24 =	vadd.f32 v24, v30  }
0x275: {  	(erf) = vrcp.f32 v29;
	v25 =	vadd.f32 v25, v31  }
0x276: {  	v19 =	vadd.f32 v24, v19;
	v24 =	vsub.f32 v9, v33;
	(erf) = vpow2.f32 v37  }
0x277: {  	(erf) = vrcp.f32 v25;
	_ =	sdelay $0x1  }
0x278: {  	(xrf2) =	vadd.scan.msk.f32 $0xffff, v19;
	v19 =	vmul.f32 $1.442695020e+00, v24  }
0x279: {  	v24 =	vpop (erf)  }
0x27a: {  	(erf) = vpow2.f32 v19;
	v19 =	vadd.f32 v24, v26;
	v25 =	vpop (erf)  }
0x27b: {  	v24 =	vpop (erf)  }
0x27c: {  	v19 =	vadd.f32 v19, v25;
	v26 =	vpop (erf)  }
0x27d: {  	v29 =	vpop (erf)  }
0x27e: {  	v25 =	vsub.f32 v9, v21;
	v19 =	vadd.f32 v19, v24;
	v30 =	vpop (erf)  }
0x27f: {  	vm7 =	vlt.f32 v23, v9;
	v23 =	vpop (erf)  }
0x280: {  	vm7 =	vmand vm7, vm0;
	v24 =	vmul.f32 $1.442695020e+00, v25;
	(xrf2) =	vadd.scan.msk.f32 $0xffff, v19;
	v23 =	vmul.f32 v23, v30;
	s26 =	spop (v2sf)  }
0x281: {  	vm8 =	vmxor vm7, vm0;
	s0 =	smax.f32 s26, $9.999999970e-07  }
0x282: {  	(erf) = vpow2.f32 v24;
	v19, _, _ =	vpop (xrf2);
	v30 =	vnsel vm8, $0x0, v23;
	v23 =	vmov s0  }
0x283: {  	v24 =	vsub.f32 v20, v33;
	v25 =	vpop (erf);
	(xrf2) =	vadd.scan.msk.f32 $0xffff, v30;
	(erf) = vrcp.f32 v23  }
0x284: {  	v19 =	vbroadcast v19, $0xF;
	v23 =	vmul.f32 $6.400000000e+01, v25  }
0x285: {  	v24 =	vmul.f32 $1.442695020e+00, v24  }
0x286: {  	v19 =	vadd.f32 v19, v23  }
0x287: {  	(erf) = vpow2.f32 v24  }
0x288: {  	(erf) = vrcp.f32 v19  }
0x289: {  	vm5 =	vmmov vm5  }
0x28a: {  	v23 =	vmpcnt.ones.xlane vm5;
	v24, _, _ =	vpop (xrf2)  }
0x28b: {  	v19 =	vpop (erf)  }
0x28c: {  	v23 =	vsub.s32 v7, v23;
	v25 =	vpop (erf)  }
0x28d: {  	[tilespmem:v18+s11+$0x0] =	vst.idx.add.f32.msk vm6, v8;
	v23 =	vsel vm1, v23, v17;
	v18, _, _ =	vpop (xrf2);
	v25 =	vmul.f32 v25, v28  }
0x28e: {  	[tilespmem:s31+$0x0] =	vst.msk $0xff, v23;
	(v2sf) =	vpush v18, $0xF  }
0x28f: {  	s1 =	simm.s32 $0x140;
	v18 =	vsel vm1, $0x1, v6;
	vm1 =	vlt.f32 v22, v9;
	[tilespmem:s8+$0x0] =	vst.msk $0xff, v25  }
0x290: {  	s2 =	sor.u32 $0x50, s1;
	v22 =	vpop (erf);
	vm11 =	vmand vm1, vm0;
	[tilespmem:s9+$0x0] =	vst.msk $0xff, v18;
	v18 =	vmul.f32 v29, v26  }
0x291: {  	s5 =	sor.u32 $0x70, s1;
	vm6 =	vlt.f32 v20, v9;
	vm1 =	vmxor vm11, vm0;
	v20 =	vpop (erf);
	v25 =	vld [tilespmem:s2+$0x0]  }
0x292: {  	vm9 =	vmand vm6, vm0;
	v22 =	vmul.f32 v20, v22;
	v20 =	vld [tilespmem:s5+$0x0];
	v18 =	vnsel vm1, $0x0, v18  }
0x293: {  	vm12 =	vmxor vm9, vm0;
	s0 =	sor.u32 $0x60, s1;
	v26 =	vld [tilespmem:s28+$0x40];
	(xrf2) =	vadd.scan.msk.f32 $0xffff, v18  }
0x294: {  	v29 =	vld [tilespmem:s0+$0x0];
	v22 =	vnsel vm12, $0x0, v22  }
0x295: {  	v21 =	vsub.f32 v27, v21;
	(xrf2) =	vadd.scan.msk.f32 $0xffff, v22  }
0x296: {  	v23 =	vbroadcast v24, $0xF;
	v19 =	vmul.f32 $6.400000000e+01, v19;
	(xrf1) =	vsort.dscd.msk.f32 $0xffff, v25, v2  }
0x297: {  	v21 =	vmul.f32 $1.442695020e+00, v21;
	(xrf1) =	vsort.dscd.msk.f32 $0xffff, v20, v4  }
0x298: {  	v19 =	vadd.f32 v23, v19;
	(xrf1) =	vsort.dscd.msk.f32 $0xffff, v26, v0  }
0x299: {  	(erf) = vpow2.f32 v21;
	(xrf1) =	vsort.dscd.msk.f32 $0xffff, v29, v3  }
0x29a: {  	(erf) = vrcp.f32 v19;
	_ =	sdelay $0x2  }
0x29b: {  	s0 =	simm.s32 $0xB00;
	s6 =	spop (v2sf);
	v19, _, _ =	vpop (xrf2)  }
0x29c: {  	v24 =	vld [tilespmem:s0+$0xFFFFFF00];
	s4 =	smax.f32 s6, $9.999999970e-07;
	(v2sf) =	vpush v19, $0xF  }
0x29d: {  	v23 =	vld [tilespmem:s0+$0xFFFFFF10];
	v28 =	vmov s4  }
0x29e: {  	v21 =	vld [tilespmem:s0+$0xFFFFFF20];
	(erf) = vrcp.f32 v28  }
0x29f: {  	v19 =	vld [tilespmem:s0+$0xFFFFFF30];
	v31, _, _ =	vpop (xrf2)  }
0x2a0: {  	v28 =	vpop (erf)  }
0x2a1: {  	[tilespmem:v14+s11+$0x0] =	vst.idx.add.f32.msk vm3, v8;
	vm10 =	vlt.f32 v27, v9;
	(xrf1) =	vsort.dscd.msk.f32 $0xffff, v24, v0;
	(v2sf) =	vpush v31, $0xF;
	v38 =	vpop (erf)  }
0x2a2: {  	vm6 =	vmmov vm8;
	vm8 =	vmand vm10, vm0;
	(xrf1) =	vsort.dscd.msk.f32 $0xffff, v23, v2;
	v27 =	vmul.f32 v38, v28;
	v28, v31, _ =	vpop (xrf1)  }
0x2a3: {  	v39 =	vmpcnt.ones.xlane vm6;
	vm10 =	vmxor vm8, vm0;
	(xrf1) =	vsort.dscd.msk.f32 $0xffff, v21, v3;
	v28 =	vperm.xlane v28, v5;
	v41, v40, _ =	vpop (xrf1)  }
0x2a4: {  	(xrf1) =	vsort.dscd.msk.f32 $0xffff, v19, v4;
	v27 =	vnsel vm10, $0x0, v27;
	v14 =	vperm.xlane v31, v5;
	v31 =	vperm.xlane v41, v5;
	v43, v42, _ =	vpop (xrf1)  }
0x2a5: {  	v32 =	vsub.s32 v7, v39;
	(xrf2) =	vadd.scan.msk.f32 $0xffff, v27;
	v34 =	vperm.xlane v40, v5;
	vm3 =	vge.f32 v43, v28;
	v45, v44, _ =	vpop (xrf1)  }
0x2a6: {  	v28 =	vsel vm3, v43, v28;
	v14 =	vsel vm3, v42, v14;
	vm3 =	vge.f32 v45, v31  }
0x2a7: {  	v46 =	vpop (erf);
	v31 =	vsel vm3, v45, v31;
	v34 =	vsel vm3, v44, v34;
	(xrf1) =	vsort.dscd.msk.f32 $0xffff, v28, v14  }
0x2a8: {  	v14 =	vsel vm7, v32, v16;
	v28 =	vmul.f32 v46, v30;
	(xrf1) =	vsort.dscd.msk.f32 $0xffff, v31, v34  }
0x2a9: {  	[tilespmem:s18+$0xFFFFFFF8] =	vst.msk $0xff, v14  }
0x2aa: {  	v14 =	vsel vm7, $0x1, v6;
	[tilespmem:s20+$0xFFFFFFF8] =	vst.msk $0xff, v28  }
0x2ab: {  	[tilespmem:s22+$0xFFFFFFF8] =	vst.msk $0xff, v14;
	s7 =	spop (v2sf)  }
0x2ac: {  	v14 =	vld [tilespmem:s17+$0x30];
	s4 =	smax.f32 s7, $9.999999970e-07  }
0x2ad: {  	v28 =	vld [tilespmem:s17+$0x20];
	v30 =	vmov s4  }
0x2ae: {  	v31 =	vld [tilespmem:s17+$0x10];
	(erf) = vrcp.f32 v30  }
0x2af: {  	v47, _, _ =	vpop (xrf2)  }
0x2b0: {  	v37 =	vld [tilespmem:s17+$0x0];
	s10 =	spop (v2sf);
	(v2sf) =	vpush v47, $0xF  }
0x2b1: {  	s4 =	smax.f32 s10, $9.999999970e-07;
	v30, v48, _ =	vpop (xrf1);
	(xrf1) =	vsort.dscd.msk.f32 $0xffff, v14, v4  }
0x2b2: {  	v51 =	vmov s4;
	v49, v50, _ =	vpop (xrf1);
	(xrf1) =	vsort.dscd.msk.f32 $0xffff, v28, v3  }
0x2b3: {  	(erf) = vrcp.f32 v51;
	v53, v52, _ =	vpop (xrf1);
	(xrf1) =	vsort.dscd.msk.f32 $0xffff, v31, v2  }
0x2b4: {  	v55, v54, _ =	vpop (xrf1)  }
0x2b5: {  	v56 =	vmpcnt.ones.xlane vm1;
	(xrf1) =	vsort.dscd.msk.f32 $0xffff, v37, v0;
	v40, v41, _ =	vpop (xrf1)  }
0x2b6: {  	vm7 =	vmmov vm12;
	v58, v57, _ =	vpop (xrf1)  }
0x2b7: {  	[tilespmem:v13+s11+$0x0] =	vst.idx.add.f32.msk vm4, v8;
	v42 =	vsub.s32 v7, v56;
	v60 =	vmpcnt.ones.xlane vm7;
	v43 =	vperm.xlane v58, v5;
	v59 =	vpop (erf)  }
0x2b8: {  	v42 =	vsel vm11, v42, v12;
	s7 =	simm.s32 $0x41A0;
	v44 =	vperm.xlane v57, v5;
	v18 =	vmul.f32 v59, v18  }
0x2b9: {  	s19 =	simm.s32 $0x4A20;
	v62 =	vsub.s32 v7, v60;
	[tilespmem:s7+$0xFFFFFFE0] =	vst.msk $0xff, v42;
	v13 =	vperm.xlane v55, v5;
	vm3 =	vge.f32 v40, v43  }
0x2ba: {  	v40 =	vsel vm3, v40, v43;
	v41 =	vsel vm3, v41, v44;
	[tilespmem:s19+$0xFFFFFFE0] =	vst.msk $0xff, v18;
	v18 =	vperm.xlane v49, v5  }
0x2bb: {  	v61 =	vsel vm11, $0x1, v6;
	v42 =	vsel vm9, v62, v11;
	v43 =	vperm.xlane v50, v5;
	(xrf1) =	vsort.dscd.msk.f32 $0xffff, v40, v41  }
0x2bc: {  	vm4 =	vge.f32 v53, v13;
	v63 =	vpop (erf);
	v44 =	vperm.xlane v54, v5;
	vm3 =	vge.f32 v30, v18  }
0x2bd: {  	s14 =	simm.s32 $0x52A0;
	[tilespmem:s25+$0xFFFFFFF0] =	vst.msk $0xff, v42;
	v22 =	vmul.f32 v63, v22;
	v18 =	vsel vm3, v30, v18;
	v32 =	vsel vm3, v48, v43  }
0x2be: {  	s12 =	simm.s32 $0x840;
	[tilespmem:s14+$0xFFFFFFE0] =	vst.msk $0xff, v61;
	(xrf1) =	vsort.dscd.msk.f32 $0xffff, v18, v32;
	v18 =	vsel vm4, v52, v44  }
0x2bf: {  	s6 =	sor.u32 $0x50, s12;
	[tilespmem:s24+$0xFFFFFFF0] =	vst.msk $0xff, v22;
	v30 =	vsel vm9, $0x1, v6;
	s16 =	spop (v2sf);
	v46, v45, _ =	vpop (xrf1)  }
0x2c0: {  	v47 =	vsel vm4, v53, v13;
	v22 =	vld [tilespmem:s6+$0x0];
	[tilespmem:s23+$0xFFFFFFF0] =	vst.msk $0xff, v30;
	s5 =	smax.f32 s16, $9.999999970e-07;
	v30 =	vperm.xlane v46, v5;
	v51, v50, _ =	vpop (xrf1)  }
0x2c1: {  	v13 =	vld [tilespmem:s30+$0xFFFFFFC0];
	v49 =	vperm.xlane v45, v5;
	(xrf1) =	vsort.dscd.msk.f32 $0xffff, v47, v18;
	v48 =	vmov s5;
	v18, v33, _ =	vpop (xrf1)  }
0x2c2: {  	(erf) = vrcp.f32 v48;
	vm3 =	vge.f32 v51, v30;
	v18 =	vperm.xlane v18, v5  }
0x2c3: {  	v30 =	vsel vm3, v51, v30;
	v32 =	vsel vm3, v50, v49;
	v53, v54, _ =	vpop (xrf1)  }
0x2c4: {  	s26 =	simm.s32 $0x4C0;
	v52 =	vperm.xlane v33, v5;
	(xrf1) =	vsort.dscd.msk.f32 $0xffff, v30, v32;
	vm3 =	vge.f32 v53, v18  }
0x2c5: {  	vm2 =	vmmov vm2;
	s1 =	sor.u32 $0x50, s26;
	(xrf1) =	vsort.dscd.msk.f32 $0xffff, v22, v2;
	v18 =	vsel vm3, v53, v18  }
0x2c6: {  	v33 =	vld [tilespmem:s1+$0x0];
	(xrf1) =	vsort.dscd.msk.f32 $0xffff, v13, v0;
	v55 =	vsel vm3, v54, v52  }
0x2c7: {  	s2 =	sor.u32 $0x70, s26;
	(xrf1) =	vsort.dscd.msk.f32 $0xffff, v18, v55  }
0x2c8: {  	v30 =	vld [tilespmem:s2+$0x0];
	vm3 =	vmmov vm10  }
0x2c9: {  	s5 =	sor.u32 $0x60, s26;
	v56 =	vmpcnt.ones.xlane vm3;
	v39, v18, _ =	vpop (xrf1)  }
0x2ca: {  	v35 =	vld [tilespmem:s5+$0x0];
	v57 =	vperm.xlane v39, v6  }
0x2cb: {  	[tilespmem:v10+s11+$0x0] =	vst.idx.add.f32.msk vm2, v8;
	(xrf1) =	vsort.dscd.msk.f32 $0xffff, v33, v2;
	v32 =	vsub.s32 v7, v56;
	v58 =	vpop (erf)  }
0x2cc: {  	v32 =	vsel vm8, v32, v15;
	v10 =	vmul.f32 v58, v27;
	v41 =	vmax.f32 v57, v9  }
0x2cd: {  	(xrf1) =	vsort.dscd.msk.f32 $0xffff, v30, v4;
	[tilespmem:s3+$0xFFFFFFE8] =	vst.msk $0xff, v32;
	v27 =	vsub.f32 v26, v41;
	v25 =	vsub.f32 v25, v41  }
0x2ce: {  	s10 =	sor.u32 $0x70, s12;
	[tilespmem:s15+$0xFFFFFFE8] =	vst.msk $0xff, v10;
	v10 =	vsel vm8, $0x1, v6  }
0x2cf: {  	(xrf1) =	vsort.dscd.msk.f32 $0xffff, v35, v3;
	v26 =	vld [tilespmem:s10+$0x0];
	[tilespmem:s29+$0xFFFFFFE8] =	vst.msk $0xff, v10;
	v59 =	vmul.f32 $1.442695020e+00, v27;
	v10 =	vmul.f32 $1.442695020e+00, v25  }
0x2d0: {  	s4 =	sor.u32 $0x60, s12;
	v32 =	vld [tilespmem:s21+$0xFFFFFF40];
	v61, v60, _ =	vpop (xrf1)  }
0x2d1: {  	v63, v62, _ =	vpop (xrf1);
	v27 =	vld [tilespmem:s4+$0x0];
	v25 =	vsub.f32 v29, v41;
	(erf) = vpow2.f32 v59  }
0x2d2: {  	v20 =	vsub.f32 v20, v41;
	v29 =	vld [tilespmem:s13+$0xFFFFFFB0];
	v53, v52, _ =	vpop (xrf1)  }
0x2d3: {  	v25 =	vmul.f32 $1.442695020e+00, v25;
	(erf) = vpow2.f32 v10;
	v10, v45, _ =	vpop (xrf1)  }
0x2d4: {  	v34 =	vld [tilespmem:s13+$0xFFFFFFA0];
	v20 =	vmul.f32 $1.442695020e+00, v20;
	(xrf1) =	vsort.dscd.msk.f32 $0xffff, v26, v4;
	v54 =	vperm.xlane v53, v5;
	v55, v48, _ =	vpop (xrf1)  }
0x2d5: {  	v44 =	vperm.xlane v52, v5;
	(xrf1) =	vsort.dscd.msk.f32 $0xffff, v32, v0;
	(erf) = vpow2.f32 v25;
	v49, v50, _ =	vpop (xrf1)  }
0x2d6: {  	v36 =	vld [tilespmem:s13+$0xFFFFFF90];
	(xrf1) =	vsort.dscd.msk.f32 $0xffff, v27, v3;
	vm2 =	vge.f32 v49, v54  }
0x2d7: {  	(erf) = vpow2.f32 v20;
	(xrf1) =	vsort.dscd.msk.f32 $0xffff, v29, v4;
	v44 =	vsel vm2, v50, v44  }
0x2d8: {  	v38 =	vld [tilespmem:s13+$0xFFFFFF80];
	v25 =	vperm.xlane v63, v5;
	v20 =	vsel vm2, v49, v54  }
0x2d9: {  	v43 =	vperm.xlane v62, v5;
	(xrf1) =	vsort.dscd.msk.f32 $0xffff, v34, v3;
	v46, v49, _ =	vpop (xrf1)  }
0x2da: {  	vm2 =	vge.f32 v61, v25;
	(xrf1) =	vsort.dscd.msk.f32 $0xffff, v20, v44;
	v57 =	vpop (erf)  }
0x2db: {  	v25 =	vsel vm2, v61, v25;
	v56 =	vsel vm2, v60, v43;
	(xrf1) =	vsort.dscd.msk.f32 $0xffff, v36, v2;
	v20, v44, _ =	vpop (xrf1)  }
0x2dc: {  	v61 =	vperm.xlane v49, v5;
	(xrf1) =	vsort.dscd.msk.f32 $0xffff, v25, v56;
	v25 =	vperm.xlane v46, v5;
	v58 =	vpop (erf)  }
0x2dd: {  	(xrf1) =	vsort.dscd.msk.f32 $0xffff, v38, v0;
	v20 =	vperm.xlane v20, v5;
	v59, v60, _ =	vpop (xrf1);
	v40 =	vadd.f32 v58, v57  }
0x2de: {  	vm2 =	vge.f32 v55, v25;
	v44 =	vperm.xlane v44, v5;
	v62 =	vpop (erf)  }
0x2df: {  	v42 =	vsel vm2, v48, v61;
	vm4 =	vge.f32 v59, v20;
	v40 =	vadd.f32 v40, v62  }
0x2e0: {  	v25 =	vsel vm2, v55, v25;
	v51 =	vpop (erf);
	v20 =	vsel vm4, v59, v20;
	v50 =	vsel vm4, v60, v44  }
0x2e1: {  	v63 =	vsub.f32 v9, v41;
	(xrf1) =	vsort.dscd.msk.f32 $0xffff, v20, v50;
	v20 =	vadd.f32 v40, v51  }
0x2e2: {  	v10 =	vperm.xlane v10, v5;
	v53, v54, _ =	vpop (xrf1);
	(xrf1) =	vsort.dscd.msk.f32 $0xffff, v25, v42  }
0x2e3: {  	v52 =	vmul.f32 $1.442695020e+00, v63;
	v25, v42, _ =	vpop (xrf1);
	(xrf2) =	vadd.scan.msk.f32 $0xffff, v20;
	v20 =	vperm.xlane v45, v5  }
0x2e4: {  	v55 =	vperm.xlane v53, v5;
	vm2 =	vge.f32 v25, v10;
	v57, v56, _ =	vpop (xrf1)  }
0x2e5: {  	(erf) = vpow2.f32 v52;
	v44 =	vperm.xlane v54, v5;
	v10 =	vsel vm2, v25, v10;
	v25, v58, _ =	vpop (xrf1)  }
0x2e6: {  	v42 =	vsel vm2, v42, v20;
	vm2 =	vge.f32 v57, v55;
	v25 =	vperm.xlane v25, v5  }
0x2e7: {  	v59, v60, _ =	vpop (xrf1);
	v44 =	vsel vm2, v56, v44  }
0x2e8: {  	v43 =	vsel vm2, v57, v55;
	(xrf1) =	vsort.dscd.msk.f32 $0xffff, v10, v42;
	v40, v20, _ =	vpop (xrf1)  }
0x2e9: {  	v61 =	vperm.xlane v58, v5;
	vm2 =	vge.f32 v59, v25;
	(xrf1) =	vsort.dscd.msk.f32 $0xffff, v43, v44;
	v49, v46, _ =	vpop (xrf1)  }
0x2ea: {  	v63 =	vsel vm2, v59, v25;
	v62 =	vperm.xlane v40, v6;
	v25, v10, _ =	vpop (xrf1);
	v45 =	vperm.xlane v49, v5  }
0x2eb: {  	v46 =	vperm.xlane v46, v5;
	v43, v44, _ =	vpop (xrf1)  }
0x2ec: {  	v48 =	vsel vm2, v60, v61;
	v42 =	vmax.f32 v62, v9;
	vm2 =	vge.f32 v43, v45  }
0x2ed: {  	(xrf1) =	vsort.dscd.msk.f32 $0xffff, v63, v48;
	v37 =	vsub.f32 v37, v42;
	v44 =	vsel vm2, v44, v46  }
0x2ee: {  	v41 =	vsub.f32 v39, v41;
	v43 =	vsel vm2, v43, v45;
	v51, _, _ =	vpop (xrf2)  }
0x2ef: {  	v50 =	vpop (erf);
	v37 =	vmul.f32 $1.442695020e+00, v37;
	v45 =	vbroadcast v51, $0xF  }
0x2f0: {  	v41 =	vmul.f32 $1.442695020e+00, v41;
	v52 =	vmul.f32 $6.400000000e+01, v50;
	v31 =	vsub.f32 v31, v42  }
0x2f1: {  	v53 =	vperm.xlane v25, v6;
	v28 =	vsub.f32 v28, v42;
	(xrf1) =	vsort.dscd.msk.f32 $0xffff, v43, v44;
	(erf) = vpow2.f32 v37;
	v43, v44, _ =	vpop (xrf1)  }
0x2f2: {  	v31 =	vmul.f32 $1.442695020e+00, v31;
	v54 =	vadd.f32 v45, v52;
	v43 =	vperm.xlane v43, v5  }
0x2f3: {  	v14 =	vsub.f32 v14, v42;
	(erf) = vpow2.f32 v41;
	v45, v46, _ =	vpop (xrf1);
	v55 =	vperm.xlane v44, v5  }
0x2f4: {  	v56 =	vmul.f32 $1.442695020e+00, v28;
	(erf) = vrcp.f32 v54;
	vm2 =	vge.f32 v45, v43  }
0x2f5: {  	(erf) = vpow2.f32 v31;
	v31 =	vsel vm2, v45, v43;
	v41 =	vsel vm2, v46, v55  }
0x2f6: {  	v28 =	vmax.f32 v53, v9;
	(xrf1) =	vsort.dscd.msk.f32 $0xffff, v31, v41  }
0x2f7: {  	v14 =	vmul.f32 $1.442695020e+00, v14;
	v24 =	vsub.f32 v24, v28;
	(erf) = vpow2.f32 v56  }
0x2f8: {  	v31, v57, _ =	vpop (xrf1)  }
0x2f9: {  	(erf) = vpow2.f32 v14;
	v59, v58, _ =	vpop (xrf1)  }
0x2fa: {  	v61 =	vpop (erf)  }
0x2fb: {  	v14 =	vmul.f32 $1.442695020e+00, v24;
	v24, v60, _ =	vpop (xrf1)  }
0x2fc: {  	v23 =	vsub.f32 v23, v28;
	v52 =	vsub.f32 v9, v42;
	vm2 =	vlt.f32 v39, v9;
	v62 =	vpop (erf)  }
0x2fd: {  	vm2 =	vmand vm2, vm0;
	(erf) = vpow2.f32 v14;
	v14 =	vperm.xlane v59, v5;
	v63 =	vpop (erf)  }
0x2fe: {  	vm4 =	vmxor vm2, vm0;
	v43 =	vperm.xlane v58, v5;
	v48 =	vpop (erf);
	v39 =	vmul.f32 v63, v62  }
0x2ff: {  	v24 =	vperm.xlane v24, v5;
	vm8 =	vge.f32 v31, v14;
	v50, v49, _ =	vpop (xrf1);
	v45 =	vadd.f32 v48, v61  }
0x300: {  	v14 =	vsel vm8, v31, v14;
	v31 =	vperm.xlane v60, v5;
	v51 =	vpop (erf);
	v39 =	vnsel vm4, $0x0, v39  }
0x301: {  	vm9 =	vge.f32 v50, v24;
	v37 =	vsel vm8, v57, v43;
	v44 =	vadd.f32 v45, v51;
	(xrf2) =	vadd.scan.msk.f32 $0xffff, v39  }
0x302: {  	v23 =	vmul.f32 $1.442695020e+00, v23;
	v24 =	vsel vm9, v50, v24;
	v53 =	vpop (erf)  }
0x303: {  	v54 =	vmul.f32 $1.442695020e+00, v52;
	(xrf1) =	vsort.dscd.msk.f32 $0xffff, v14, v37;
	v14 =	vsel vm9, v49, v31;
	v31 =	vadd.f32 v44, v53  }
0x304: {  	(erf) = vpow2.f32 v23;
	(xrf1) =	vsort.dscd.msk.f32 $0xffff, v24, v14;
	v14 =	vsub.f32 v21, v28;
	v37, v21, _ =	vpop (xrf1)  }
0x305: {  	(erf) = vpow2.f32 v54;
	(xrf2) =	vadd.scan.msk.f32 $0xffff, v31;
	v23 =	vperm.xlane v37, v6  }
0x306: {  	v19 =	vsub.f32 v19, v28;
	v14 =	vmul.f32 $1.442695020e+00, v14  }
0x307: {  	v24 =	vsub.f32 v9, v28;
	v41 =	vmax.f32 v23, v9  }
0x308: {  	(erf) = vpow2.f32 v14;
	v14 =	vmul.f32 $1.442695020e+00, v19;
	v13 =	vsub.f32 v13, v41  }
0x309: {  	v19 =	vmul.f32 $1.442695020e+00, v24;
	v23 =	vsub.f32 v33, v41  }
0x30a: {  	(erf) = vpow2.f32 v14;
	v14 =	vsub.f32 v35, v41;
	v13 =	vmul.f32 $1.442695020e+00, v13  }
0x30b: {  	(erf) = vpow2.f32 v19;
	v24, _, _ =	vpop (xrf2);
	v19 =	vmul.f32 $1.442695020e+00, v23  }
0x30c: {  	v55 =	vpop (erf);
	(v2sf) =	vpush v24, $0xF;
	v14 =	vmul.f32 $1.442695020e+00, v14;
	(erf) = vpow2.f32 v13  }
0x30d: {  	v24 =	vpop (erf);
	v23 =	vsub.f32 v30, v41;
	(erf) = vpow2.f32 v19  }
0x30e: {  	v13 =	vpop (erf);
	(erf) = vpow2.f32 v14;
	v14 =	vsub.f32 v40, v42  }
0x30f: {  	v23 =	vmul.f32 $1.442695020e+00, v23;
	v19, _, _ =	vpop (xrf2)  }
0x310: {  	v30 =	vmul.f32 $6.400000000e+01, v13;
	v31 =	vbroadcast v19, $0xF  }
0x311: {  	v57 =	vpop (erf);
	v56 =	vmul.f32 $1.442695020e+00, v14  }
0x312: {  	(erf) = vpow2.f32 v23;
	v19, v13, _ =	vpop (xrf1);
	v30 =	vadd.f32 v31, v30  }
0x313: {  	v31 =	vperm.xlane v19, v6;
	(erf) = vpow2.f32 v56;
	v23, v14, _ =	vpop (xrf1)  }
0x314: {  	v58 =	vpop (erf);
	(erf) = vrcp.f32 v30;
	v59 =	vperm.xlane v23, v6  }
0x315: {  	v31 =	vmax.f32 v31, v9  }
0x316: {  	v32 =	vsub.f32 v32, v31;
	v43 =	vmax.f32 v59, v9  }
0x317: {  	vm8 =	vlt.f32 v40, v9;
	v24 =	vadd.f32 v24, v55;
	v30 =	vpop (erf);
	v61 =	vsub.f32 v34, v43  }
0x318: {  	vm8 =	vmand vm8, vm0;
	v60 =	vpop (erf);
	v32 =	vmul.f32 $1.442695020e+00, v32;
	v38 =	vsub.f32 v38, v43  }
0x319: {  	v24 =	vadd.f32 v24, v57;
	v62 =	vpop (erf);
	v36 =	vsub.f32 v36, v43;
	v33 =	vmul.f32 $1.442695020e+00, v61  }
0x31a: {  	v34 =	vadd.f32 v62, v60;
	v63 =	vpop (erf);
	(erf) = vpow2.f32 v32;
	v38 =	vmul.f32 $1.442695020e+00, v38  }
0x31b: {  	v50 =	vsub.f32 v9, v41;
	v44 =	vmul.f32 $1.442695020e+00, v36;
	v45 =	vpop (erf);
	s12 =	spop (v2sf);
	(erf) = vpow2.f32 v33  }
0x31c: {  	v24 =	vadd.f32 v24, v58;
	v34 =	vadd.f32 v34, v63;
	s4 =	smax.f32 s12, $9.999999970e-07;
	v47 =	vpop (erf);
	(erf) = vpow2.f32 v38  }
0x31d: {  	v29 =	vsub.f32 v29, v43;
	v49 =	vmov s4;
	v48 =	vpop (erf);
	(erf) = vpow2.f32 v44  }
0x31e: {  	(xrf2) =	vadd.scan.msk.f32 $0xffff, v24;
	v46 =	vadd.f32 v34, v45;
	v24 =	vmul.f32 v48, v47;
	(erf) = vrcp.f32 v49  }
0x31f: {  	vm9 =	vmxor vm8, vm0;
	v29 =	vmul.f32 $1.442695020e+00, v29  }
0x320: {  	(xrf2) =	vadd.scan.msk.f32 $0xffff, v46;
	v33 =	vnsel vm9, $0x0, v24;
	v24 =	vmul.f32 $1.442695020e+00, v50  }
0x321: {  	(xrf2) =	vadd.scan.msk.f32 $0xffff, v33;
	_ =	sdelay $0x1  }
0x322: {  	v22 =	vsub.f32 v22, v31;
	(erf) = vpow2.f32 v29;
	v29 =	vpop (erf)  }
0x323: {  	vm4 =	vmmov vm4;
	(erf) = vpow2.f32 v24;
	v24 =	vpop (erf)  }
0x324: {  	v52 =	vmpcnt.ones.xlane vm4;
	v27 =	vsub.f32 v27, v31;
	v22 =	vmul.f32 $1.442695020e+00, v22;
	v51 =	vpop (erf)  }
0x325: {  	v26 =	vsub.f32 v26, v31;
	v53 =	vpop (erf)  }
0x326: {  	v27 =	vmul.f32 $1.442695020e+00, v27;
	(erf) = vpow2.f32 v22;
	v22 =	vsub.s32 v7, v52;
	v54 =	vpop (erf)  }
0x327: {  	[tilespmem:v17+s11+$0x0] =	vst.idx.add.f32.msk vm5, v8;
	v26 =	vmul.f32 $1.442695020e+00, v26;
	v17 =	vsel vm2, v22, v18;
	v22 =	vmul.f32 v54, v39  }
0x328: {  	v55, _, _ =	vpop (xrf2);
	(erf) = vpow2.f32 v27;
	[tilespmem:s31+$0x8] =	vst.msk $0xff, v17;
	v27 =	vadd.f32 v53, v51  }
0x329: {  	v17 =	vsub.f32 v25, v28;
	v56, _, _ =	vpop (xrf2);
	[tilespmem:s8+$0x8] =	vst.msk $0xff, v22;
	v22 =	vsel vm2, $0x1, v6  }
0x32a: {  	v28 =	vmul.f32 $6.400000000e+01, v30;
	v30 =	vbroadcast v55, $0xF;
	v27 =	vadd.f32 v27, v24;
	v24, _, _ =	vpop (xrf2);
	[tilespmem:s9+$0x8] =	vst.msk $0xff, v22  }
0x32b: {  	(erf) = vpow2.f32 v26;
	v26 =	vpop (erf);
	(v2sf) =	vpush v24, $0xF;
	v24 =	vld [tilespmem:s28+$0xB0]  }
0x32c: {  	v17 =	vmul.f32 $1.442695020e+00, v17;
	v58 =	vadd.f32 v30, v28;
	v57 =	vpop (erf);
	v22 =	vsub.f32 v37, v41;
	v28 =	vld [tilespmem:s28+$0x90]  }
0x32d: {  	v32 =	vbroadcast v56, $0xF;
	v34 =	vmul.f32 $6.400000000e+01, v57;
	v26 =	vadd.f32 v27, v26;
	v30 =	vld [tilespmem:s28+$0xA0]  }
0x32e: {  	(erf) = vpow2.f32 v17;
	v17 =	vmul.f32 $1.442695020e+00, v22;
	v22 =	vsub.f32 v9, v43  }
0x32f: {  	(erf) = vrcp.f32 v58;
	v27 =	vadd.f32 v32, v34;
	(xrf2) =	vadd.scan.msk.f32 $0xffff, v26  }
0x330: {  	v32 =	vld [tilespmem:s28+$0x80];
	(erf) = vpow2.f32 v17;
	v17 =	vmul.f32 $1.442695020e+00, v22;
	(xrf1) =	vsort.dscd.msk.f32 $0xffff, v24, v4  }
0x331: {  	(erf) = vrcp.f32 v27;
	(xrf1) =	vsort.dscd.msk.f32 $0xffff, v28, v2  }
0x332: {  	(xrf1) =	vsort.dscd.msk.f32 $0xffff, v30, v3;
	_ =	sdelay $0x1  }
0x333: {  	(erf) = vpow2.f32 v17;
	v17 =	vpop (erf)  }
0x334: {  	v22 =	vpop (erf);
	(xrf1) =	vsort.dscd.msk.f32 $0xffff, v32, v0;
	v17 =	vadd.f32 v17, v29  }
0x335: {  	v26 =	vpop (erf)  }
0x336: {  	v27 =	vpop (erf);
	v17 =	vadd.f32 v17, v22;
	v22 =	vsub.f32 v9, v31  }
0x337: {  	v29 =	vpop (erf)  }
0x338: {  	v59 =	vpop (erf);
	v22 =	vmul.f32 $1.442695020e+00, v22  }
0x339: {  	vm2 =	vlt.f32 v37, v9;
	v17 =	vadd.f32 v17, v26;
	v26 =	vpop (erf);
	s16 =	spop (v2sf)  }
0x33a: {  	vm2 =	vmand vm2, vm0;
	v26 =	vmul.f32 v26, v59;
	s4 =	smax.f32 s16, $9.999999970e-07  }
0x33b: {  	v60, _, _ =	vpop (xrf2);
	(xrf2) =	vadd.scan.msk.f32 $0xffff, v17;
	(erf) = vpow2.f32 v22;
	v17 =	vsub.f32 v23, v43;
	v61 =	vmov s4  }
0x33c: {  	vm14 =	vmxor vm2, vm0;
	v34 =	vbroadcast v60, $0xF;
	v22 =	vpop (erf);
	(erf) = vrcp.f32 v61  }
0x33d: {  	v26 =	vnsel vm14, $0x0, v26;
	v17 =	vmul.f32 $1.442695020e+00, v17;
	v22 =	vmul.f32 $6.400000000e+01, v22;
	v63, v62, _ =	vpop (xrf1)  }
0x33e: {  	(xrf2) =	vadd.scan.msk.f32 $0xffff, v26;
	v40 =	vperm.xlane v63, v5;
	v42, v41, _ =	vpop (xrf1)  }
0x33f: {  	(erf) = vpow2.f32 v17;
	v22 =	vadd.f32 v34, v22;
	v17 =	vperm.xlane v62, v5;
	v44, v43, _ =	vpop (xrf1)  }
0x340: {  	vm5 =	vge.f32 v44, v40  }
0x341: {  	(erf) = vrcp.f32 v22;
	v22 =	vperm.xlane v42, v5;
	v17 =	vsel vm5, v43, v17  }
0x342: {  	v45 =	vperm.xlane v41, v5;
	v47, v46, _ =	vpop (xrf1);
	v34 =	vsel vm5, v44, v40;
	vm5 =	vmmov vm9  }
0x343: {  	vm9 =	vge.f32 v47, v22;
	v48 =	vmpcnt.ones.xlane vm5  }
0x344: {  	(xrf1) =	vsort.dscd.msk.f32 $0xffff, v34, v17;
	v22 =	vsel vm9, v47, v22;
	v35 =	vsel vm9, v46, v45;
	v17 =	vpop (erf)  }
0x345: {  	[tilespmem:v16+s11+$0x0] =	vst.idx.add.f32.msk vm6, v8;
	(xrf1) =	vsort.dscd.msk.f32 $0xffff, v22, v35;
	v22 =	vsub.s32 v7, v48;
	v50 =	vpop (erf)  }
0x346: {  	vm6 =	vlt.f32 v25, v9;
	v22 =	vsel vm8, v22, v20;
	v33 =	vmul.f32 v50, v33  }
0x347: {  	vm12 =	vmand vm6, vm0;
	v49, _, _ =	vpop (xrf2);
	[tilespmem:s18+$0x0] =	vst.msk $0xff, v22  }
0x348: {  	s26 =	simm.s32 $0x340;
	v25 =	vbroadcast v49, $0xF;
	v16, _, _ =	vpop (xrf2);
	v17 =	vmul.f32 $6.400000000e+01, v17;
	v22 =	vsel vm8, $0x1, v6;
	[tilespmem:s20+$0x0] =	vst.msk $0xff, v33  }
0x349: {  	s1 =	sor.u32 $0x50, s26;
	vm6 =	vmxor vm12, vm0;
	(v2sf) =	vpush v16, $0xF;
	v16 =	vmul.f32 v29, v27;
	v29 =	vpop (erf);
	[tilespmem:s22+$0x0] =	vst.msk $0xff, v22  }
0x34a: {  	s2 =	sor.u32 $0x70, s26;
	v31 =	vsub.f32 v19, v31;
	vm8 =	vlt.f32 v23, v9;
	v17 =	vadd.f32 v25, v17;
	v23 =	vpop (erf);
	v27 =	vld [tilespmem:s1+$0x0]  }
0x34b: {  	vm10 =	vmand vm8, vm0;
	v34 =	vnsel vm6, $0x0, v16;
	v23 =	vmul.f32 v23, v29;
	v25 =	vld [tilespmem:s2+$0x0]  }
0x34c: {  	vm13 =	vmxor vm10, vm0;
	(xrf2) =	vadd.scan.msk.f32 $0xffff, v34;
	v29 =	vld [tilespmem:s17+$0x40]  }
0x34d: {  	v22 =	vmul.f32 $1.442695020e+00, v31;
	v16 =	vnsel vm13, $0x0, v23  }
0x34e: {  	(xrf2) =	vadd.scan.msk.f32 $0xffff, v16  }
0x34f: {  	s4 =	sor.u32 $0x60, s26;
	(xrf1) =	vsort.dscd.msk.f32 $0xffff, v27, v2  }
0x350: {  	v31 =	vld [tilespmem:s4+$0x0];
	(xrf1) =	vsort.dscd.msk.f32 $0xffff, v25, v4  }
0x351: {  	(erf) = vpow2.f32 v22;
	(xrf1) =	vsort.dscd.msk.f32 $0xffff, v29, v0  }
0x352: {  	(erf) = vrcp.f32 v17;
	v17, v22, _ =	vpop (xrf1)  }
0x353: {  	v17 =	vperm.xlane v17, v5  }
0x354: {  	v22 =	vperm.xlane v22, v5;
	v23, v51, _ =	vpop (xrf1)  }
0x355: {  	(xrf1) =	vsort.dscd.msk.f32 $0xffff, v31, v3;
	vm8 =	vge.f32 v23, v17  }
0x356: {  	v17 =	vsel vm8, v23, v17;
	v22 =	vsel vm8, v51, v22;
	vm8 =	vlt.f32 v19, v9;
	v19, _, _ =	vpop (xrf2)  }
0x357: {  	(xrf1) =	vsort.dscd.msk.f32 $0xffff, v17, v22;
	(v2sf) =	vpush v19, $0xF;
	_ =	sdelay $0x2  }
0x358: {  	s6 =	simm.s32 $0xD00;
	v52 =	vpop (erf);
	s10 =	spop (v2sf)  }
0x359: {  	v23 =	vld [tilespmem:s6+$0xFFFFFF00];
	s4 =	smax.f32 s10, $9.999999970e-07;
	v54, _, _ =	vpop (xrf2)  }
0x35a: {  	s12 =	simm.s32 $0xD00;
	v22 =	vld [tilespmem:s6+$0xFFFFFF10];
	v17 =	vpop (erf);
	v53 =	vmov s4;
	(v2sf) =	vpush v54, $0xF  }
0x35b: {  	vm9 =	vmand vm8, vm0;
	v19 =	vld [tilespmem:s6+$0xFFFFFF20];
	[dreg:$0x7] =	wrdreg s12;
	v17 =	vmul.f32 v17, v52;
	(erf) = vrcp.f32 v53;
	v55, v56, _ =	vpop (xrf1)  }
0x35c: {  	vm11 =	vmxor vm9, vm0;
	[tilespmem:v11+s11+$0x0] =	vst.idx.add.f32.msk vm7, v8;
	v33 =	vperm.xlane v55, v5;
	v59, v58, _ =	vpop (xrf1)  }
0x35d: {  	v35 =	vnsel vm11, $0x0, v17;
	v17 =	vld [tilespmem:s6+$0xFFFFFF30];
	v11 =	vperm.xlane v56, v5;
	v62, v61, _ =	vpop (xrf1)  }
0x35e: {  	(xrf1) =	vsort.dscd.msk.f32 $0xffff, v23, v0;
	vm7 =	vge.f32 v62, v33  }
0x35f: {  	(xrf1) =	vsort.dscd.msk.f32 $0xffff, v22, v2;
	v11 =	vsel vm7, v61, v11  }
0x360: {  	vm8 =	vmmov vm14;
	(xrf2) =	vadd.scan.msk.f32 $0xffff, v35  }
0x361: {  	v57 =	vmpcnt.ones.xlane vm8;
	(xrf1) =	vsort.dscd.msk.f32 $0xffff, v19, v3;
	v60 =	vperm.xlane v59, v5  }
0x362: {  	(xrf1) =	vsort.dscd.msk.f32 $0xffff, v17, v4;
	v39 =	vperm.xlane v58, v5;
	v45, v63, _ =	vpop (xrf1);
	v33 =	vsel vm7, v62, v33  }
0x363: {  	v37 =	vsub.s32 v7, v57;
	vm7 =	vge.f32 v45, v60;
	(xrf1) =	vsort.dscd.msk.f32 $0xffff, v33, v11;
	v41, v11, _ =	vpop (xrf1)  }
0x364: {  	v46 =	vpop (erf);
	v36 =	vsel vm7, v45, v60;
	v39 =	vsel vm7, v63, v39;
	s16 =	spop (v2sf);
	v48 =	vperm.xlane v41, v6  }
0x365: {  	v47 =	vsel vm2, v37, v21;
	v26 =	vmul.f32 v46, v26;
	(xrf1) =	vsort.dscd.msk.f32 $0xffff, v36, v39;
	s4 =	smax.f32 s16, $9.999999970e-07  }
0x366: {  	[tilespmem:s25+$0xFFFFFFF8] =	vst.msk $0xff, v47;
	v51 =	vmov s4;
	v36 =	vmax.f32 v48, v9  }
0x367: {  	[tilespmem:s24+$0xFFFFFFF8] =	vst.msk $0xff, v26;
	v26 =	vsel vm2, $0x1, v6;
	(erf) = vrcp.f32 v51;
	v32 =	vsub.f32 v32, v36  }
0x368: {  	[tilespmem:s23+$0xFFFFFFF8] =	vst.msk $0xff, v26;
	v50 =	vsub.f32 v28, v36  }
0x369: {  	v26 =	vld [tilespmem:s30+$0x30];
	s26 =	spop (v2sf);
	v32 =	vmul.f32 $1.442695020e+00, v32  }
0x36a: {  	v49, _, _ =	vpop (xrf2);
	s4 =	smax.f32 s26, $9.999999970e-07;
	v28 =	vld [tilespmem:s30+$0x20];
	v30 =	vsub.f32 v30, v36;
	v37 =	vmul.f32 $1.442695020e+00, v50  }
0x36b: {  	(v2sf) =	vpush v49, $0xF;
	v33 =	vld [tilespmem:s30+$0x10];
	v52 =	vmov s4;
	(erf) = vpow2.f32 v32  }
0x36c: {  	v24 =	vsub.f32 v24, v36;
	v30 =	vmul.f32 $1.442695020e+00, v30;
	(erf) = vpow2.f32 v37  }
0x36d: {  	v39 =	vld [tilespmem:s30+$0x0];
	v32, v40, _ =	vpop (xrf1);
	(erf) = vrcp.f32 v52  }
0x36e: {  	(xrf1) =	vsort.dscd.msk.f32 $0xffff, v26, v4;
	v24 =	vmul.f32 $1.442695020e+00, v24;
	v54, v53, _ =	vpop (xrf1);
	(erf) = vpow2.f32 v30  }
0x36f: {  	v38, v43, _ =	vpop (xrf1);
	(xrf1) =	vsort.dscd.msk.f32 $0xffff, v28, v3  }
0x370: {  	v56 =	vmpcnt.ones.xlane vm6;
	v61 =	vpop (erf);
	(erf) = vpow2.f32 v24;
	(xrf1) =	vsort.dscd.msk.f32 $0xffff, v33, v2  }
0x371: {  	vm2 =	vmmov vm13;
	v30, v55, _ =	vpop (xrf1)  }
0x372: {  	v45 =	vsub.s32 v7, v56;
	v62 =	vmpcnt.ones.xlane vm2;
	v57, v58, _ =	vpop (xrf1);
	(xrf1) =	vsort.dscd.msk.f32 $0xffff, v39, v0  }
0x373: {  	[tilespmem:v15+s11+$0x0] =	vst.idx.add.f32.msk vm3, v8;
	v56 =	vsel vm12, $0x1, v6;
	v45 =	vsel vm12, v45, v10;
	v24 =	vperm.xlane v53, v5;
	v60, v59, _ =	vpop (xrf1)  }
0x374: {  	s16 =	simm.s32 $0x41E0;
	v34 =	vmul.f32 v61, v34;
	v53 =	vsub.s32 v7, v62;
	v42 =	vperm.xlane v60, v5;
	v63 =	vpop (erf)  }
0x375: {  	s12 =	simm.s32 $0x4A60;
	[tilespmem:s16+$0xFFFFFFE0] =	vst.msk $0xff, v45;
	v37 =	vperm.xlane v54, v5;
	v15 =	vsel vm10, v53, v14;
	v48 =	vperm.xlane v59, v5;
	v52 =	vpop (erf)  }
0x376: {  	s10 =	simm.s32 $0x52E0;
	v44 =	vperm.xlane v55, v5;
	[tilespmem:s12+$0xFFFFFFE0] =	vst.msk $0xff, v34;
	vm14 =	vge.f32 v57, v42;
	v54 =	vpop (erf);
	v55 =	vadd.f32 v52, v63  }
0x377: {  	s2 =	simm.s32 $0x4160;
	[tilespmem:s10+$0xFFFFFFE0] =	vst.msk $0xff, v56;
	v42 =	vsel vm14, v57, v42;
	v51 =	vsel vm14, v58, v48;
	v58 =	vpop (erf)  }
0x378: {  	[dreg:$0x5] =	wrdreg s2;
	(xrf1) =	vsort.dscd.msk.f32 $0xffff, v42, v51;
	v34 =	vadd.f32 v55, v58  }
0x379: {  	v30 =	vperm.xlane v30, v5;
	vm13 =	vge.f32 v32, v37;
	[tilespmem:s3+$0xFFFFFFF0] =	vst.msk $0xff, v15;
	v15 =	vpop (erf)  }
0x37a: {  	v32 =	vsel vm13, v32, v37;
	s1 =	spop (v2sf);
	v15 =	vadd.f32 v34, v15  }
0x37b: {  	s5 =	simm.s32 $0x49E0;
	vm7 =	vge.f32 v38, v30;
	v59 =	vsub.f32 v9, v36;
	s4 =	smax.f32 s1, $9.999999970e-07;
	v16 =	vmul.f32 v54, v16  }
0x37c: {  	v60 =	vsel vm13, v40, v24;
	v30 =	vsel vm7, v38, v30;
	[dreg:$0x11] =	wrdreg s5;
	v57 =	vmov s4;
	s4 =	simm.s32 $0xA40;
	v62, v61, _ =	vpop (xrf1)  }
0x37d: {  	v46 =	vsel vm7, v43, v44;
	v63 =	vmul.f32 $1.442695020e+00, v59;
	s6 =	sor.u32 $0x50, s4;
	[tilespmem:s15+$0xFFFFFFF0] =	vst.msk $0xff, v16;
	v16 =	vsel vm10, $0x1, v6;
	v49, v48, _ =	vpop (xrf1)  }
0x37e: {  	(erf) = vrcp.f32 v57;
	v24 =	vld [tilespmem:s6+$0x0];
	[tilespmem:s29+$0xFFFFFFF0] =	vst.msk $0xff, v16;
	v16 =	vperm.xlane v62, v5;
	(xrf2) =	vadd.scan.msk.f32 $0xffff, v15;
	v15, v50, _ =	vpop (xrf1)  }
0x37f: {  	vm1 =	vmmov vm1;
	(xrf1) =	vsort.dscd.msk.f32 $0xffff, v32, v60;
	v47 =	vperm.xlane v61, v5;
	v32 =	vld [tilespmem:s13+$0xFFFFFFC0];
	v15 =	vperm.xlane v15, v5  }
0x380: {  	(erf) = vpow2.f32 v63;
	(xrf1) =	vsort.dscd.msk.f32 $0xffff, v30, v46;
	vm3 =	vge.f32 v49, v16;
	v37 =	vperm.xlane v50, v5;
	v51, v52, _ =	vpop (xrf1)  }
0x381: {  	v16 =	vsel vm3, v49, v16;
	v38 =	vsel vm3, v48, v47;
	vm3 =	vge.f32 v51, v15  }
0x382: {  	s15 =	simm.s32 $0x6C0;
	(xrf1) =	vsort.dscd.msk.f32 $0xffff, v16, v38;
	v16 =	vsel vm3, v52, v37  }
0x383: {  	s26 =	sor.u32 $0x50, s15;
	(xrf1) =	vsort.dscd.msk.f32 $0xffff, v24, v2  }
0x384: {  	v34 =	vld [tilespmem:s26+$0x0];
	(xrf1) =	vsort.dscd.msk.f32 $0xffff, v32, v0;
	v15 =	vsel vm3, v51, v15  }
0x385: {  	(xrf1) =	vsort.dscd.msk.f32 $0xffff, v15, v16  }
0x386: {  	vm3 =	vmmov vm11;
	v43, v16, _ =	vpop (xrf1)  }
0x387: {  	[tilespmem:v12+s11+$0x0] =	vst.idx.add.f32.msk vm1, v8;
	s1 =	sor.u32 $0x70, s15;
	v53 =	vmpcnt.ones.xlane vm3;
	v54 =	vperm.xlane v43, v6  }
0x388: {  	v36 =	vsub.f32 v41, v36;
	s5 =	sor.u32 $0x60, s15;
	v30 =	vld [tilespmem:s1+$0x0];
	v15 =	vpop (erf)  }
0x389: {  	s2 =	sor.u32 $0x70, s4;
	s6 =	simm.s32 $0x41A0;
	v38 =	vld [tilespmem:s5+$0x0];
	(xrf1) =	vsort.dscd.msk.f32 $0xffff, v34, v2;
	v37 =	vsub.s32 v7, v53;
	v55 =	vpop (erf);
	v44 =	vmax.f32 v54, v9  }
0x38a: {  	v37 =	vsel vm9, v37, v13;
	v56, _, _ =	vpop (xrf2);
	v12 =	vmul.f32 v15, v35;
	v15 =	vsub.f32 v29, v44;
	v29 =	vld [tilespmem:s2+$0x0];
	[dreg:$0xf] =	wrdreg s6  }
0x38b: {  	v57 =	vmul.f32 $6.400000000e+01, v55;
	v58 =	vbroadcast v56, $0xF;
	v59 =	vsub.f32 v27, v44;
	[tilespmem:s7+$0xFFFFFFE8] =	vst.msk $0xff, v37  }
0x38c: {  	v36 =	vmul.f32 $1.442695020e+00, v36;
	[tilespmem:s19+$0xFFFFFFE8] =	vst.msk $0xff, v12;
	v12 =	vsel vm9, $0x1, v6;
	v15 =	vmul.f32 $1.442695020e+00, v15  }
0x38d: {  	v40 =	vadd.f32 v58, v57;
	[tilespmem:s14+$0xFFFFFFE8] =	vst.msk $0xff, v12;
	v12 =	vmul.f32 $1.442695020e+00, v59  }
0x38e: {  	(erf) = vpow2.f32 v36;
	(xrf1) =	vsort.dscd.msk.f32 $0xffff, v30, v4;
	v42, v45, _ =	vpop (xrf1)  }
0x38f: {  	s4 =	sor.u32 $0x60, s4;
	v62, v61, _ =	vpop (xrf1);
	v35 =	vld [tilespmem:s0+$0xFFFFFF40];
	(erf) = vrcp.f32 v40  }
0x390: {  	v60 =	vsub.f32 v31, v44;
	v27 =	vld [tilespmem:s4+$0x0];
	(erf) = vpow2.f32 v15;
	v15, v63, _ =	vpop (xrf1)  }
0x391: {  	(xrf1) =	vsort.dscd.msk.f32 $0xffff, v38, v3;
	v31 =	vld [tilespmem:s21+$0xFFFFFFB0];
	(erf) = vpow2.f32 v12;
	v12, v48, _ =	vpop (xrf1)  }
0x392: {  	v37 =	vmul.f32 $1.442695020e+00, v60;
	v36 =	vld [tilespmem:s21+$0xFFFFFFA0];
	v15 =	vperm.xlane v15, v5;
	v49, v50, _ =	vpop (xrf1)  }
0x393: {  	(xrf1) =	vsort.dscd.msk.f32 $0xffff, v29, v4;
	v51, v52, _ =	vpop (xrf1)  }
0x394: {  	v25 =	vsub.f32 v25, v44;
	(xrf1) =	vsort.dscd.msk.f32 $0xffff, v35, v0;
	(erf) = vpow2.f32 v37;
	vm1 =	vge.f32 v51, v15  }
0x395: {  	(xrf1) =	vsort.dscd.msk.f32 $0xffff, v27, v3;
	v47 =	vperm.xlane v63, v5;
	v15 =	vsel vm1, v51, v15  }
0x396: {  	v53 =	vperm.xlane v62, v5;
	v25 =	vmul.f32 $1.442695020e+00, v25;
	(xrf1) =	vsort.dscd.msk.f32 $0xffff, v31, v4  }
0x397: {  	v37 =	vld [tilespmem:s21+$0xFFFFFF90];
	v54, v55, _ =	vpop (xrf1);
	(xrf1) =	vsort.dscd.msk.f32 $0xffff, v36, v3;
	v47 =	vsel vm1, v52, v47  }
0x398: {  	(erf) = vpow2.f32 v25;
	(xrf1) =	vsort.dscd.msk.f32 $0xffff, v15, v47;
	v15 =	vpop (erf)  }
0x399: {  	v46 =	vperm.xlane v61, v5;
	v40 =	vld [tilespmem:s21+$0xFFFFFF80];
	vm1 =	vge.f32 v42, v53;
	v52 =	vpop (erf)  }
0x39a: {  	v42 =	vsel vm1, v42, v53;
	v53 =	vpop (erf)  }
0x39b: {  	vm7 =	vlt.f32 v41, v9;
	v57 =	vperm.xlane v54, v5;
	v45 =	vsel vm1, v45, v46;
	v58 =	vpop (erf)  }
0x39c: {  	vm9 =	vmand vm7, vm0;
	v25, v56, _ =	vpop (xrf1);
	(xrf1) =	vsort.dscd.msk.f32 $0xffff, v37, v2;
	v15 =	vmul.f32 v52, v15;
	v46 =	vadd.f32 v58, v53  }
0x39d: {  	vm1 =	vmxor vm9, vm0;
	v25 =	vperm.xlane v25, v5;
	vm7 =	vge.f32 v49, v57;
	(xrf1) =	vsort.dscd.msk.f32 $0xffff, v42, v45;
	v62 =	vpop (erf)  }
0x39e: {  	(xrf1) =	vsort.dscd.msk.f32 $0xffff, v40, v0;
	v41 =	vnsel vm1, $0x0, v15;
	v15 =	vperm.xlane v55, v5;
	v46 =	vadd.f32 v46, v62  }
0x39f: {  	v63 =	vsub.f32 v9, v44;
	v60, v59, _ =	vpop (xrf1);
	v61 =	vperm.xlane v56, v5;
	v42 =	vsel vm7, v49, v57;
	(xrf2) =	vadd.scan.msk.f32 $0xffff, v41  }
0x3a0: {  	vm10 =	vge.f32 v60, v25;
	v15 =	vsel vm7, v50, v15  }
0x3a1: {  	v57 =	vmul.f32 $1.442695020e+00, v63;
	v25 =	vsel vm10, v60, v25;
	v55 =	vsel vm10, v59, v61;
	v56 =	vpop (erf)  }
0x3a2: {  	v12 =	vperm.xlane v12, v5;
	(xrf1) =	vsort.dscd.msk.f32 $0xffff, v25, v55;
	v25 =	vadd.f32 v46, v56;
	v46, v47, _ =	vpop (xrf1)  }
0x3a3: {  	(erf) = vpow2.f32 v57;
	(xrf1) =	vsort.dscd.msk.f32 $0xffff, v42, v15;
	v15, v42, _ =	vpop (xrf1)  }
0x3a4: {  	(xrf2) =	vadd.scan.msk.f32 $0xffff, v25;
	v25 =	vperm.xlane v48, v5;
	v58 =	vperm.xlane v46, v5;
	vm7 =	vge.f32 v15, v12;
	v60, v59, _ =	vpop (xrf1)  }
0x3a5: {  	v47 =	vperm.xlane v47, v5;
	v12 =	vsel vm7, v15, v12;
	v15, v61, _ =	vpop (xrf1)  }
0x3a6: {  	v25 =	vsel vm7, v42, v25;
	vm7 =	vge.f32 v60, v58;
	v62 =	vperm.xlane v15, v5  }
0x3a7: {  	v63, v56, _ =	vpop (xrf1);
	v45 =	vsel vm7, v60, v58  }
0x3a8: {  	v57 =	vsel vm7, v59, v47;
	v58 =	vperm.xlane v61, v5;
	(xrf1) =	vsort.dscd.msk.f32 $0xffff, v12, v25;
	v42, v15, _ =	vpop (xrf1)  }
0x3a9: {  	(xrf1) =	vsort.dscd.msk.f32 $0xffff, v45, v57;
	vm7 =	vge.f32 v63, v62;
	v12, _, _ =	vpop (xrf2)  }
0x3aa: {  	v59 =	vperm.xlane v42, v6;
	v60 =	vsel vm7, v63, v62;
	v61 =	vsel vm7, v56, v58;
	v62, v49, _ =	vpop (xrf1)  }
0x3ab: {  	(v2sf) =	vpush v12, $0xF;
	(xrf1) =	vsort.dscd.msk.f32 $0xffff, v60, v61;
	v25, v12, _ =	vpop (xrf1);
	v47 =	vperm.xlane v62, v5  }
0x3ac: {  	v45 =	vmax.f32 v59, v9;
	v49 =	vperm.xlane v49, v5;
	v63, v52, _ =	vpop (xrf1)  }
0x3ad: {  	v53 =	vpop (erf);
	v39 =	vsub.f32 v39, v45;
	vm7 =	vge.f32 v63, v47  }
0x3ae: {  	v44 =	vsub.f32 v43, v44;
	v55 =	vmul.f32 $6.400000000e+01, v53;
	v54, _, _ =	vpop (xrf2);
	v48 =	vsel vm7, v52, v49  }
0x3af: {  	v39 =	vmul.f32 $1.442695020e+00, v39;
	v46 =	vsel vm7, v63, v47;
	v47 =	vbroadcast v54, $0xF  }
0x3b0: {  	v44 =	vmul.f32 $1.442695020e+00, v44;
	v33 =	vsub.f32 v33, v45;
	(xrf1) =	vsort.dscd.msk.f32 $0xffff, v46, v48  }
0x3b1: {  	v56 =	vperm.xlane v25, v6;
	(erf) = vpow2.f32 v39;
	v57 =	vadd.f32 v47, v55  }
0x3b2: {  	v28 =	vsub.f32 v28, v45;
	v33 =	vmul.f32 $1.442695020e+00, v33;
	(erf) = vpow2.f32 v44;
	v46, v48, _ =	vpop (xrf1)  }
0x3b3: {  	v26 =	vsub.f32 v26, v45;
	(erf) = vrcp.f32 v57;
	v46 =	vperm.xlane v46, v5  }
0x3b4: {  	v47, v49, _ =	vpop (xrf1);
	v58 =	vperm.xlane v48, v5;
	(erf) = vpow2.f32 v33  }
0x3b5: {  	v59 =	vmul.f32 $1.442695020e+00, v28;
	v26 =	vmul.f32 $1.442695020e+00, v26;
	vm7 =	vge.f32 v47, v46  }
0x3b6: {  	v28 =	vmax.f32 v56, v9;
	v60 =	vsel vm7, v47, v46;
	v44 =	vsel vm7, v49, v58  }
0x3b7: {  	v23 =	vsub.f32 v23, v28;
	(erf) = vpow2.f32 v59;
	v61, v62, _ =	vpop (xrf1);
	(xrf1) =	vsort.dscd.msk.f32 $0xffff, v60, v44  }
0x3b8: {  	v52, v63, _ =	vpop (xrf1)  }
0x3b9: {  	v23 =	vmul.f32 $1.442695020e+00, v23;
	(erf) = vpow2.f32 v26;
	v26, v53, _ =	vpop (xrf1)  }
0x3ba: {  	vm1 =	vmmov vm1;
	s13 =	spop (v2sf);
	v54 =	vpop (erf)  }
0x3bb: {  	v55 =	vsub.f32 v22, v28;
	(erf) = vpow2.f32 v23;
	v23 =	vperm.xlane v52, v5;
	s5 =	smax.f32 s13, $9.999999970e-07;
	v56 =	vpop (erf)  }
0x3bc: {  	v22 =	vperm.xlane v63, v5;
	vm7 =	vlt.f32 v43, v9;
	v57 =	vmov s5;
	v58 =	vpop (erf)  }
0x3bd: {  	vm11 =	vge.f32 v61, v23;
	v26 =	vperm.xlane v26, v5;
	(erf) = vrcp.f32 v57;
	v59 =	vpop (erf)  }
0x3be: {  	v23 =	vsel vm11, v61, v23;
	v39 =	vsel vm11, v62, v22;
	v62 =	vperm.xlane v53, v5;
	v61, v60, _ =	vpop (xrf1)  }
0x3bf: {  	vm7 =	vmand vm7, vm0;
	(xrf1) =	vsort.dscd.msk.f32 $0xffff, v23, v39;
	v33 =	vadd.f32 v59, v54;
	vm11 =	vge.f32 v61, v26  }
0x3c0: {  	v43 =	vmul.f32 v58, v56;
	v63 =	vpop (erf);
	v23 =	vsel vm11, v61, v26;
	v52 =	vsel vm11, v60, v62  }
0x3c1: {  	vm10 =	vmxor vm7, vm0;
	v33 =	vadd.f32 v33, v63;
	(xrf1) =	vsort.dscd.msk.f32 $0xffff, v23, v52;
	v23 =	vimm.s32 $0x0  }
0x3c2: {  	v50 =	vsub.f32 v9, v45;
	v22 =	vnsel vm10, $0x0, v43;
	v23 =	vsel vm1, $0xFFFFFFFF, v23  }
0x3c3: {  	v51 =	vmul.f32 $1.442695020e+00, v55;
	(xrf2) =	vadd.scan.msk.f32 $0xffff, v22;
	v26 =	vpop (erf);
	[tilespmem:$0x1FFE0] =	vst v23;
	v23 =	vmpcnt.ones.xlane vm1  }
0x3c4: {  	v19 =	vsub.f32 v19, v28;
	v43 =	vmul.f32 $1.442695020e+00, v50;
	v53 =	vpop (erf);
	v26 =	vadd.f32 v33, v26  }
0x3c5: {  	s14 =	simm.s32 $0x40A0;
	v54 =	vsub.f32 v17, v28;
	(erf) = vpow2.f32 v51;
	[tilespmem:v18+s11+$0x0] =	vst.idx.add.f32.msk vm4, v8;
	v23 =	vsub.s32 v7, v23;
	v33, v17, _ =	vpop (xrf1)  }
0x3c6: {  	(erf) = vpow2.f32 v43;
	(xrf2) =	vadd.scan.msk.f32 $0xffff, v26;
	v55 =	vpop (erf);
	[dreg:$0x9] =	wrdreg s14;
	v18 =	vsel vm9, v23, v11;
	v26 =	vperm.xlane v33, v6  }
0x3c7: {  	s21 =	simm.s32 $0x4920;
	v19 =	vmul.f32 $1.442695020e+00, v19;
	v23 =	vmul.f32 v55, v41;
	[tilespmem:s31+$0x10] =	vst.msk $0xff, v18  }
0x3c8: {  	v56 =	vsub.f32 v9, v28;
	[dreg:$0xa] =	wrdreg s21;
	v43 =	vmax.f32 v26, v9  }
0x3c9: {  	(erf) = vpow2.f32 v19;
	v18 =	vmul.f32 $1.442695020e+00, v54;
	s31 =	simm.s32 $0x51A0;
	[tilespmem:s8+$0x10] =	vst.msk $0xff, v23;
	v19 =	vsub.f32 v32, v43  }
0x3ca: {  	s19 =	simm.s32 $0x1C0;
	v57 =	vmul.f32 $1.442695020e+00, v56;
	v23 =	vsel vm9, $0x1, v6;
	v34 =	vsub.f32 v34, v43;
	[dreg:$0xb] =	wrdreg s31  }
0x3cb: {  	s1 =	sor.u32 $0x70, s19;
	(erf) = vpow2.f32 v18;
	[tilespmem:s9+$0x10] =	vst.msk $0xff, v23;
	v18 =	vmul.f32 $1.442695020e+00, v19;
	v19 =	vsub.f32 v38, v43  }
0x3cc: {  	s7 =	sor.u32 $0x50, s19;
	(erf) = vpow2.f32 v57;
	v26 =	vld [tilespmem:s1+$0x0];
	v59 =	vmul.f32 $1.442695020e+00, v34  }
0x3cd: {  	s8 =	sor.u32 $0x60, s19;
	v58, _, _ =	vpop (xrf2);
	v30 =	vsub.f32 v30, v43;
	v23 =	vld [tilespmem:s7+$0x0];
	v19 =	vmul.f32 $1.442695020e+00, v19;
	(erf) = vpow2.f32 v18  }
0x3ce: {  	v60 =	vpop (erf);
	(v2sf) =	vpush v58, $0xF;
	v38 =	vld [tilespmem:s8+$0x0];
	(erf) = vpow2.f32 v59  }
0x3cf: {  	v61 =	vpop (erf);
	(erf) = vpow2.f32 v19;
	v19 =	vsub.f32 v42, v45  }
0x3d0: {  	v32 =	vmul.f32 $6.400000000e+01, v61;
	v63, _, _ =	vpop (xrf2)  }
0x3d1: {  	v62 =	vmul.f32 $1.442695020e+00, v30;
	v41 =	vld [tilespmem:s28+$0xC0];
	v45 =	vbroadcast v63, $0xF;
	v30, v18, _ =	vpop (xrf1);
	(xrf1) =	vsort.dscd.msk.f32 $0xffff, v26, v4  }
0x3d2: {  	v34 =	vadd.f32 v60, v53;
	v48 =	vperm.xlane v30, v6;
	v49 =	vmul.f32 $1.442695020e+00, v19;
	(xrf1) =	vsort.dscd.msk.f32 $0xffff, v23, v2  }
0x3d3: {  	v50 =	vpop (erf);
	(erf) = vpow2.f32 v62;
	v32 =	vadd.f32 v45, v32;
	(xrf1) =	vsort.dscd.msk.f32 $0xffff, v38, v3  }
0x3d4: {  	v51 =	vadd.f32 v34, v50;
	v34 =	vmax.f32 v48, v9;
	(erf) = vpow2.f32 v49;
	v39, v19, _ =	vpop (xrf1)  }
0x3d5: {  	v52 =	vpop (erf);
	v35 =	vsub.f32 v35, v34;
	(erf) = vrcp.f32 v32;
	v53 =	vperm.xlane v39, v6  }
0x3d6: {  	(xrf1) =	vsort.dscd.msk.f32 $0xffff, v41, v0;
	v24 =	vsub.f32 v24, v34  }
0x3d7: {  	v55 =	vmul.f32 $1.442695020e+00, v35;
	v35 =	vmax.f32 v53, v9  }
0x3d8: {  	v44 =	vpop (erf);
	v60 =	vmul.f32 $1.442695020e+00, v24;
	v36 =	vsub.f32 v36, v35;
	v24 =	vsub.f32 v37, v35  }
0x3d9: {  	vm9 =	vlt.f32 v42, v9;
	v56 =	vpop (erf);
	(erf) = vpow2.f32 v55;
	v40 =	vsub.f32 v40, v35  }
0x3da: {  	vm11 =	vmand vm9, vm0;
	v57 =	vpop (erf);
	v36 =	vmul.f32 $1.442695020e+00, v36;
	v24 =	vmul.f32 $1.442695020e+00, v24  }
0x3db: {  	vm4 =	vmmov vm10;
	vm9 =	vmxor vm11, vm0;
	v59 =	vpop (erf);
	v61 =	vmul.f32 $1.442695020e+00, v40  }
0x3dc: {  	v50 =	vsub.f32 v9, v43;
	v58 =	vadd.f32 v57, v56;
	v63 =	vpop (erf);
	(erf) = vpow2.f32 v36  }
0x3dd: {  	v54 =	vadd.f32 v51, v52;
	v31 =	vsub.f32 v31, v35;
	s9 =	spop (v2sf);
	v45 =	vpop (erf);
	(erf) = vpow2.f32 v61  }
0x3de: {  	v27 =	vsub.f32 v27, v34;
	v62 =	vadd.f32 v58, v59;
	s0 =	smax.f32 s9, $9.999999970e-07;
	(erf) = vpow2.f32 v24;
	v24 =	vpop (erf)  }
0x3df: {  	v31 =	vmul.f32 $1.442695020e+00, v31;
	v46 =	vmov s0;
	v48, v49, _ =	vpop (xrf1);
	v24 =	vmul.f32 v24, v45  }
0x3e0: {  	(xrf2) =	vadd.scan.msk.f32 $0xffff, v54;
	v36 =	vadd.f32 v62, v63;
	(erf) = vrcp.f32 v46;
	v32 =	vperm.xlane v48, v5;
	v52, v51, _ =	vpop (xrf1)  }
0x3e1: {  	v29 =	vsub.f32 v29, v34;
	(erf) = vpow2.f32 v31;
	v31 =	vperm.xlane v49, v5;
	v54, v53, _ =	vpop (xrf1)  }
0x3e2: {  	v27 =	vmul.f32 $1.442695020e+00, v27;
	(xrf2) =	vadd.scan.msk.f32 $0xffff, v36;
	v36 =	vmul.f32 $1.442695020e+00, v50;
	vm10 =	vge.f32 v54, v32  }
0x3e3: {  	v40 =	vperm.xlane v52, v5;
	v24 =	vnsel vm9, $0x0, v24;
	v57 =	vpop (erf);
	v31 =	vsel vm10, v53, v31  }
0x3e4: {  	v42 =	vperm.xlane v51, v5;
	(erf) = vpow2.f32 v36;
	(xrf2) =	vadd.scan.msk.f32 $0xffff, v24;
	v32 =	vsel vm10, v54, v32;
	v55, v56, _ =	vpop (xrf1)  }
0x3e5: {  	v29 =	vmul.f32 $1.442695020e+00, v29;
	(erf) = vpow2.f32 v60;
	vm10 =	vge.f32 v55, v40;
	(xrf1) =	vsort.dscd.msk.f32 $0xffff, v32, v31  }
0x3e6: {  	v61 =	vmpcnt.ones.xlane vm4;
	v58 =	vsel vm10, v55, v40;
	v59 =	vsel vm10, v56, v42;
	v31 =	vpop (erf)  }
0x3e7: {  	(xrf1) =	vsort.dscd.msk.f32 $0xffff, v58, v59;
	(erf) = vpow2.f32 v27;
	v60 =	vpop (erf)  }
0x3e8: {  	v27 =	vpop (erf);
	(erf) = vpow2.f32 v29;
	v29 =	vsub.s32 v7, v61  }
0x3e9: {  	[tilespmem:v20+s11+$0x0] =	vst.idx.add.f32.msk vm5, v8;
	v62 =	vpop (erf);
	v20 =	vsel vm7, v29, v16  }
0x3ea: {  	s13 =	simm.s32 $0x4960;
	v63, _, _ =	vpop (xrf2);
	v27 =	vadd.f32 v27, v60;
	v22 =	vmul.f32 v62, v22;
	[tilespmem:s18+$0x8] =	vst.msk $0xff, v20  }
0x3eb: {  	v20 =	vsub.f32 v25, v28;
	v28 =	vpop (erf);
	[dreg:$0xd] =	wrdreg s13  }
0x3ec: {  	s14 =	simm.s32 $0x51E0;
	v36 =	vbroadcast v63, $0xF;
	v40 =	vmul.f32 $6.400000000e+01, v44;
	v29, _, _ =	vpop (xrf2);
	v27 =	vadd.f32 v27, v31;
	[tilespmem:s20+$0x8] =	vst.msk $0xff, v22  }
0x3ed: {  	v44 =	vpop (erf);
	v22 =	vsel vm7, $0x1, v6;
	[dreg:$0x8] =	wrdreg s14  }
0x3ee: {  	v31 =	vadd.f32 v36, v40;
	v20 =	vmul.f32 $1.442695020e+00, v20;
	v45 =	vpop (erf);
	v27 =	vadd.f32 v27, v28;
	[tilespmem:s22+$0x8] =	vst.msk $0xff, v22  }
0x3ef: {  	v36 =	vmul.f32 $6.400000000e+01, v44;
	v47 =	vbroadcast v29, $0xF;
	v42, _, _ =	vpop (xrf2);
	v28 =	vsub.f32 v33, v43;
	v22 =	vld [tilespmem:s17+$0xB0]  }
0x3f0: {  	(v2sf) =	vpush v42, $0xF;
	(erf) = vpow2.f32 v20;
	v20 =	vadd.f32 v45, v57;
	v29 =	vld [tilespmem:s17+$0x90]  }
0x3f1: {  	s18 =	simm.s32 $0x300;
	v48 =	vmul.f32 $1.442695020e+00, v28;
	v28 =	vld [tilespmem:s17+$0xA0];
	(erf) = vrcp.f32 v31;
	v31 =	vsub.f32 v9, v35  }
0x3f2: {  	v36 =	vadd.f32 v47, v36;
	(xrf2) =	vadd.scan.msk.f32 $0xffff, v27;
	[dreg:$0xc] =	wrdreg s18;
	v27 =	vpop (erf)  }
0x3f3: {  	v32 =	vld [tilespmem:s17+$0x80];
	(erf) = vpow2.f32 v48;
	v31 =	vmul.f32 $1.442695020e+00, v31;
	v20 =	vadd.f32 v20, v27;
	v51, v50, _ =	vpop (xrf1)  }
0x3f4: {  	v27 =	vsub.f32 v9, v34;
	v49 =	vpop (erf);
	(erf) = vrcp.f32 v36;
	v36 =	vperm.xlane v51, v5;
	(xrf1) =	vsort.dscd.msk.f32 $0xffff, v22, v4  }
0x3f5: {  	(erf) = vpow2.f32 v31;
	v20 =	vadd.f32 v20, v49;
	v52, v53, _ =	vpop (xrf1);
	(xrf1) =	vsort.dscd.msk.f32 $0xffff, v29, v2  }
0x3f6: {  	v31 =	vperm.xlane v50, v5;
	v27 =	vmul.f32 $1.442695020e+00, v27;
	vm5 =	vge.f32 v52, v36;
	(xrf1) =	vsort.dscd.msk.f32 $0xffff, v28, v3  }
0x3f7: {  	(xrf2) =	vadd.scan.msk.f32 $0xffff, v20;
	v20 =	vsel vm5, v52, v36  }
0x3f8: {  	(erf) = vpow2.f32 v27;
	v27 =	vsel vm5, v53, v31;
	(xrf1) =	vsort.dscd.msk.f32 $0xffff, v32, v0;
	_ =	sdelay $0x1  }
0x3f9: {  	(xrf1) =	vsort.dscd.msk.f32 $0xffff, v20, v27;
	v20 =	vpop (erf)  }
0x3fa: {  	v27 =	vpop (erf)  }
0x3fb: {  	v54 =	vpop (erf)  }
0x3fc: {  	v55 =	vpop (erf)  }
0x3fd: {  	v27 =	vmul.f32 v27, v20;
	v20 =	vmul.f32 v55, v54  }
0x3fe: {  	vm7 =	vlt.f32 v33, v9;
	v31, _, _ =	vpop (xrf2);
	s19 =	spop (v2sf)  }
0x3ff: {  	v58 =	vsub.f32 v39, v35;
	vm10 =	vmand vm7, vm0;
	vm7 =	vlt.f32 v25, v9;
	v56 =	vpop (erf);
	s0 =	smax.f32 s19, $9.999999970e-07  }
0x400: {  	vm14 =	vmxor vm10, vm0;
	v34 =	vsub.f32 v30, v34;
	v59 =	vpop (erf);
	v60 =	vmov s0  }
0x401: {  	v25 =	vmul.f32 $1.442695020e+00, v58;
	v36 =	vnsel vm14, $0x0, v20;
	(erf) = vrcp.f32 v60;
	v20, v62, _ =	vpop (xrf1)  }
0x402: {  	v57 =	vmul.f32 $1.442695020e+00, v34;
	v20 =	vperm.xlane v20, v5;
	v48, v63, _ =	vpop (xrf1)  }
0x403: {  	vm5 =	vmmov vm9;
	vm9 =	vmand vm7, vm0;
	v31 =	vbroadcast v31, $0xF;
	v50, v49, _ =	vpop (xrf1)  }
0x404: {  	v33 =	vmul.f32 $6.400000000e+01, v56;
	v34 =	vperm.xlane v48, v5;
	vm7 =	vge.f32 v50, v20  }
0x405: {  	v56 =	vmpcnt.ones.xlane vm5;
	v35 =	vmul.f32 $6.400000000e+01, v59;
	v53, v52, _ =	vpop (xrf1);
	v20 =	vsel vm7, v50, v20  }
0x406: {  	v31 =	vadd.f32 v31, v33;
	v40 =	vperm.xlane v62, v5;
	vm12 =	vge.f32 v53, v34  }
0x407: {  	[tilespmem:v21+s11+$0x0] =	vst.idx.add.f32.msk vm8, v8;
	v61, _, _ =	vpop (xrf2);
	(erf) = vpow2.f32 v25;
	v43 =	vperm.xlane v63, v5;
	v25 =	vsel vm12, v53, v34  }
0x408: {  	(xrf2) =	vadd.scan.msk.f32 $0xffff, v36;
	v42 =	vbroadcast v61, $0xF;
	(erf) = vrcp.f32 v31;
	v51 =	vsel vm7, v49, v40  }
0x409: {  	v21 =	vsub.s32 v7, v56;
	(xrf1) =	vsort.dscd.msk.f32 $0xffff, v20, v51;
	v54 =	vsel vm12, v52, v43;
	v33, v20, _ =	vpop (xrf1)  }
0x40a: {  	v31 =	vadd.f32 v42, v35;
	(xrf1) =	vsort.dscd.msk.f32 $0xffff, v25, v54;
	v25 =	vpop (erf);
	v55 =	vperm.xlane v33, v6  }
0x40b: {  	v21 =	vsel vm11, v21, v15;
	(erf) = vpow2.f32 v57;
	v24 =	vmul.f32 v25, v24  }
0x40c: {  	[tilespmem:s25+$0x0] =	vst.msk $0xff, v21;
	(erf) = vrcp.f32 v31;
	vm7 =	vmxor vm9, vm0;
	v37 =	vmax.f32 v55, v9  }
0x40d: {  	v34 =	vnsel vm7, $0x0, v27;
	[tilespmem:s24+$0x0] =	vst.msk $0xff, v24;
	v24 =	vsel vm11, $0x1, v6;
	v27 =	vsub.f32 v41, v37  }
0x40e: {  	s21 =	simm.s32 $0x5220;
	(xrf2) =	vadd.scan.msk.f32 $0xffff, v34;
	v23 =	vsub.f32 v23, v37  }
0x40f: {  	[dreg:$0xe] =	wrdreg s21;
	v21 =	vmul.f32 $1.442695020e+00, v27  }
0x410: {  	s20 =	simm.s32 $0x540;
	[tilespmem:s23+$0x0] =	vst.msk $0xff, v24;
	v25 =	vmul.f32 $1.442695020e+00, v23;
	v24 =	vpop (erf)  }
0x411: {  	s22 =	sor.u32 $0x50, s20;
	v31 =	vpop (erf);
	(erf) = vpow2.f32 v21  }
0x412: {  	v23 =	vld [tilespmem:s22+$0x0];
	v31 =	vmul.f32 v31, v24;
	(erf) = vpow2.f32 v25  }
0x413: {  	s24 =	simm.s32 $0x500;
	s23 =	sor.u32 $0x70, s20;
	v27, _, _ =	vpop (xrf2)  }
0x414: {  	s3 =	simm.s32 $0x700;
	s15 =	simm.s32 $0x52A0;
	vm8 =	vlt.f32 v39, v9;
	v26 =	vsub.f32 v26, v37;
	v21 =	vld [tilespmem:s23+$0x0];
	[dreg:$0x6] =	wrdreg s24;
	(v2sf) =	vpush v27, $0xF  }
0x415: {  	s26 =	simm.s32 $0x4A20;
	s2 =	simm.s32 $0xB00;
	s25 =	sor.u32 $0x60, s20;
	vm12 =	vmand vm8, vm0;
	v57 =	vsub.f32 v38, v37;
	v58 =	vpop (erf);
	v25 =	vld [tilespmem:s30+$0x40]  }
0x416: {  	s6 =	simm.s32 $0x49A0;
	s4 =	simm.s32 $0x900;
	s5 =	simm.s32 $0x41E0;
	vm13 =	vmxor vm12, vm0;
	v26 =	vmul.f32 $1.442695020e+00, v26;
	v24 =	vld [tilespmem:s25+$0x0];
	v60 =	vpop (erf)  }
0x417: {  	s31 =	simm.s32 $0xBC0;
	s7 =	simm.s32 $0x40E0;
	s28 =	simm.s32 $0x5C0;
	vm8 =	vmmov vm6;
	v59 =	vmul.f32 $1.442695020e+00, v57;
	v35 =	vnsel vm13, $0x0, v31;
	(xrf1) =	vsort.dscd.msk.f32 $0xffff, v23, v2;
	v27, v31, _ =	vpop (xrf1)  }
0x418: {  	s8 =	simm.s32 $0x9C0;
	s9 =	simm.s32 $0x4A60;
	s14 =	simm.s32 $0x52E0;
	vm6 =	vmmov vm14;
	vm11 =	vlt.f32 v30, v9;
	v61, _, _ =	vpop (xrf2);
	(xrf2) =	vadd.scan.msk.f32 $0xffff, v35;
	v62 =	vperm.xlane v27, v5  }
0x419: {  	s18 =	simm.s32 $0xBC0;
	s17 =	simm.s32 $0x3C0;
	vm11 =	vmand vm11, vm0;
	[dreg:$0x13] =	wrdreg s28;
	(erf) = vpow2.f32 v59;
	(xrf1) =	vsort.dscd.msk.f32 $0xffff, v21, v4;
	v31 =	vperm.xlane v31, v5;
	v30, v63, _ =	vpop (xrf1)  }
0x41a: {  	s19 =	simm.s32 $0x30;
	s30 =	simm.s32 $0x7C0;
	[dreg:$0x10] =	wrdreg s31;
	(erf) = vpow2.f32 v26;
	(xrf1) =	vsort.dscd.msk.f32 $0xffff, v25, v0;
	v27 =	vmul.f32 v60, v58;
	vm14 =	vge.f32 v30, v62;
	v26 =	vpop (erf)  }
0x41b: {  	s0 =	simm.s32 $0x4120;
	s20 =	simm.s32 $0xF00;
	[dreg:$0x12] =	wrdreg s30;
	(v2sf) =	vpush v61, $0xF;
	(xrf1) =	vsort.dscd.msk.f32 $0xffff, v24, v3;
	v30 =	vsel vm14, v30, v62;
	v39 =	vsel vm14, v63, v31;
	v38 =	vpop (erf)  }
.LBB2_2:
0x41c: {  	v40 =	vld [tilespmem:$0x1FFF0];
	_ =	sdelay $0x3  }
0x41d: {  	(xrf1) =	vsort.dscd.msk.f32 $0xffff, v30, v39  }
0x41e: {  	vm1 =	vnez.u8 v40  }
0x41f: {  	v31 =	vld [tilespmem:s20+$0xFFFFFF00];
	v26 =	vadd.f32 v38, v26;
	vm14 =	vmxor vm11, vm1  }
0x420: {  	s21 =	spop (v2sf);
	v43 =	vnsel vm14, $0x0, v27;
	v27 =	vpop (erf)  }
0x421: {  	v30 =	vld [tilespmem:s20+$0xFFFFFF10];
	v56 =	vsub.f32 v9, v37;
	s21 =	smax.f32 s21, $9.999999970e-07;
	v55 =	vadd.f32 v26, v27  }
0x422: {  	v41 =	vmov s21;
	v27 =	vld [tilespmem:s20+$0xFFFFFF20];
	v42 =	vpop (erf)  }
0x423: {  	v40 =	vmul.f32 $1.442695020e+00, v56;
	(xrf2) =	vadd.scan.msk.f32 $0xffff, v43;
	v26 =	vld [tilespmem:s20+$0xFFFFFF30];
	(erf) = vrcp.f32 v41;
	v57 =	vadd.f32 v55, v42  }
0x424: {  	(xrf1) =	vsort.dscd.msk.f32 $0xffff, v31, v0;
	v54, _, _ =	vpop (xrf2)  }
0x425: {  	(erf) = vpow2.f32 v40;
	(v2sf) =	vpush v54, $0xF;
	v59, v58, _ =	vpop (xrf1);
	(xrf2) =	vadd.scan.msk.f32 $0xffff, v57  }
0x426: {  	v60 =	vmpcnt.ones.xlane vm6;
	(xrf1) =	vsort.dscd.msk.f32 $0xffff, v30, v2;
	v61, v42, _ =	vpop (xrf1);
	v39 =	vperm.xlane v58, v5  }
0x427: {  	s24 =	simm.s32 $0x5A00;
	v38 =	vperm.xlane v59, v5;
	v41 =	vperm.xlane v61, v5;
	(xrf1) =	vsort.dscd.msk.f32 $0xffff, v27, v3  }
0x428: {  	[tilespmem:v14+s24+$0x0] =	vst.idx.add.f32.msk vm2, v8;
	v14 =	vmov v19;
	v44, v45, _ =	vpop (xrf1);
	(xrf1) =	vsort.dscd.msk.f32 $0xffff, v26, v4  }
0x429: {  	v19 =	vsub.s32 v7, v60;
	v62 =	vperm.xlane v42, v5;
	vm2 =	vge.f32 v44, v38;
	v63, v46, _ =	vpop (xrf1)  }
0x42a: {  	v38 =	vsel vm2, v44, v38;
	v48 =	vsel vm2, v45, v39;
	vm2 =	vge.f32 v63, v41  }
0x42b: {  	s25 =	spop (v2sf);
	v42 =	vsel vm2, v63, v41;
	v40 =	vsel vm2, v46, v62;
	(xrf1) =	vsort.dscd.msk.f32 $0xffff, v38, v48;
	v41, v39, _ =	vpop (xrf1)  }
0x42c: {  	v19 =	vsel vm10, v19, v17;
	s21 =	smax.f32 s25, $9.999999970e-07;
	(xrf1) =	vsort.dscd.msk.f32 $0xffff, v42, v40;
	v52 =	vpop (erf)  }
0x42d: {  	s23 =	rddreg [dreg:$0x5];
	v56 =	vsub.f32 v33, v37;
	v53 =	vmov s21;
	v47, _, _ =	vpop (xrf2);
	v36 =	vmul.f32 v52, v36  }
0x42e: {  	s30 =	rddreg [dreg:$0x11];
	[tilespmem:s23+$0xFFFFFFF8] =	vst.msk $0xff, v19;
	(erf) = vrcp.f32 v53;
	v19 =	vperm.xlane v41, v6;
	v54 =	vpop (erf)  }
0x42f: {  	v60 =	vmul.f32 $1.442695020e+00, v56;
	v55 =	vsel vm10, $0x1, v6;
	(v2sf) =	vpush v47, $0xF;
	[tilespmem:s30+$0xFFFFFFF8] =	vst.msk $0xff, v36;
	v57, _, _ =	vpop (xrf2)  }
0x430: {  	v37 =	vmax.f32 v19, v9;
	v58 =	vmul.f32 $6.400000000e+01, v54;
	[tilespmem:s29+$0xFFFFFFF8] =	vst.msk $0xff, v55;
	v59 =	vbroadcast v57, $0xF  }
0x431: {  	vm2 =	vmmov vm13;
	v32 =	vsub.f32 v32, v37;
	v19 =	vld [tilespmem:s3+$0x30]  }
0x432: {  	(erf) = vpow2.f32 v60;
	v61 =	vsub.f32 v29, v37;
	v38 =	vadd.f32 v59, v58  }
0x433: {  	v42, v45, _ =	vpop (xrf1);
	v54 =	vmpcnt.ones.xlane vm2;
	v29 =	vld [tilespmem:s3+$0x20];
	v51 =	vmul.f32 $1.442695020e+00, v32  }
0x434: {  	v63, v62, _ =	vpop (xrf1);
	v28 =	vsub.f32 v28, v37;
	v36 =	vld [tilespmem:s3+$0x10];
	v52 =	vmul.f32 $1.442695020e+00, v61;
	s28 =	spop (v2sf);
	(erf) = vrcp.f32 v38  }
0x435: {  	v22 =	vsub.f32 v22, v37;
	v46 =	vperm.xlane v62, v5;
	s21 =	smax.f32 s28, $9.999999970e-07;
	v47, v48, _ =	vpop (xrf1);
	(erf) = vpow2.f32 v51  }
0x436: {  	v28 =	vmul.f32 $1.442695020e+00, v28;
	v49 =	vmov s21;
	v38 =	vld [tilespmem:s3+$0x0];
	v56, v50, _ =	vpop (xrf1);
	(xrf1) =	vsort.dscd.msk.f32 $0xffff, v19, v4;
	(erf) = vpow2.f32 v52  }
0x437: {  	v40 =	vperm.xlane v63, v5;
	v57 =	vpop (erf);
	(erf) = vrcp.f32 v49  }
0x438: {  	v22 =	vmul.f32 $1.442695020e+00, v22;
	(xrf1) =	vsort.dscd.msk.f32 $0xffff, v29, v3;
	(erf) = vpow2.f32 v28  }
0x439: {  	v58 =	vmpcnt.ones.xlane vm7;
	v34 =	vmul.f32 v57, v34;
	v60, v59, _ =	vpop (xrf1);
	(xrf1) =	vsort.dscd.msk.f32 $0xffff, v36, v2  }
0x43a: {  	v49 =	vperm.xlane v50, v5;
	v61, v53, _ =	vpop (xrf1);
	(erf) = vpow2.f32 v22  }
0x43b: {  	v32 =	vsel vm9, $0x1, v6;
	v62 =	vperm.xlane v61, v5;
	v22 =	vsub.s32 v7, v58;
	(xrf1) =	vsort.dscd.msk.f32 $0xffff, v38, v0  }
0x43c: {  	vm15 =	vge.f32 v42, v40;
	v63 =	vpop (erf);
	v28 =	vperm.xlane v56, v5;
	v53 =	vperm.xlane v53, v5  }
0x43d: {  	s16 =	sadd.s32 $0x40, s16;
	v55 =	vsel vm9, v22, v12;
	vm9 =	vlt.f32 v33, v9;
	vm0 =	vge.f32 v60, v62;
	v56 =	vpop (erf)  }
0x43e: {  	s12 =	sadd.s32 $0x40, s12;
	vm13 =	vge.f32 v47, v28;
	[tilespmem:s16+$0xFFFFFFE0] =	vst.msk $0xff, v55;
	vm10 =	vmand vm9, vm1;
	v57 =	vsel vm0, v60, v62;
	v22 =	vpop (erf)  }
0x43f: {  	s31 =	spop (v2sf);
	v58 =	vsel vm0, v59, v53;
	v60 =	vsub.s32 v7, v54;
	v55 =	vsub.f32 v9, v37;
	[tilespmem:s12+$0xFFFFFFE0] =	vst.msk $0xff, v34;
	v59 =	vpop (erf)  }
0x440: {  	vm9 =	vmxor vm10, vm1;
	s21 =	smax.f32 s31, $9.999999970e-07;
	(xrf1) =	vsort.dscd.msk.f32 $0xffff, v57, v58;
	v33 =	vmul.f32 v56, v63;
	v61 =	vpop (erf);
	v22 =	vadd.f32 v59, v22  }
0x441: {  	s10 =	sadd.s32 $0x40, s10;
	v57 =	vsel vm15, v45, v46;
	v62 =	vmov s21;
	[tilespmem:v13+s24+$0x0] =	vst.idx.add.f32.msk vm3, v8;
	v63 =	vsel vm12, v60, v14;
	v53 =	vpop (erf)  }
0x442: {  	s18 =	sadd.s32 $0x200, s18;
	s13 =	rddreg [dreg:$0xf];
	[tilespmem:s10+$0xFFFFFFE0] =	vst.msk $0xff, v32;
	v44 =	vnsel vm9, $0x0, v33;
	v54 =	vmul.f32 v61, v35;
	v22 =	vadd.f32 v22, v53  }
0x443: {  	v58 =	vsel vm12, $0x1, v6;
	s21 =	sadd.s32 $0xFFFFFE80, s18;
	[tilespmem:s13+$0xFFFFFFF0] =	vst.msk $0xff, v63;
	(xrf2) =	vadd.scan.msk.f32 $0xffff, v44;
	(erf) = vrcp.f32 v62;
	v13 =	vpop (erf)  }
0x444: {  	v34 =	vmul.f32 $1.442695020e+00, v55;
	v56 =	vsel vm15, v42, v40;
	s22 =	sor.u32 $0x50, s21;
	[tilespmem:s26+$0xFFFFFFF0] =	vst.msk $0xff, v54;
	v60, v59, _ =	vpop (xrf1);
	v61 =	vadd.f32 v22, v13  }
0x445: {  	v47 =	vsel vm13, v47, v28;
	(xrf1) =	vsort.dscd.msk.f32 $0xffff, v56, v57;
	v22 =	vld [tilespmem:s22+$0x0];
	[tilespmem:s15+$0xFFFFFFF0] =	vst.msk $0xff, v58;
	v33 =	vperm.xlane v60, v5  }
0x446: {  	s1 =	sadd.s32 $0xFFFFFF00, s8;
	v62 =	vsel vm13, v48, v49;
	(erf) = vpow2.f32 v34;
	v63 =	vperm.xlane v59, v5;
	v49, v48, _ =	vpop (xrf1);
	v32 =	vld [tilespmem:s4+$0xFFFFFFC0];
	(xrf2) =	vadd.scan.msk.f32 $0xffff, v61  }
0x447: {  	s11 =	sor.u32 $0x50, s1;
	(xrf1) =	vsort.dscd.msk.f32 $0xffff, v47, v62;
	v28, v50, _ =	vpop (xrf1);
	vm0 =	vge.f32 v49, v33  }
0x448: {  	s28 =	sor.u32 $0x70, s1;
	v34 =	vld [tilespmem:s11+$0x0];
	v28 =	vperm.xlane v28, v5;
	v33 =	vsel vm0, v49, v33;
	v40 =	vsel vm0, v48, v63  }
0x449: {  	v13 =	vmov v18;
	v18 =	vld [tilespmem:s28+$0x0];
	v51 =	vperm.xlane v50, v5;
	v52, v53, _ =	vpop (xrf1);
	(xrf1) =	vsort.dscd.msk.f32 $0xffff, v33, v40  }
0x44a: {  	vm0 =	vge.f32 v52, v28;
	(xrf1) =	vsort.dscd.msk.f32 $0xffff, v22, v2  }
0x44b: {  	v28 =	vsel vm0, v52, v28;
	v54 =	vsel vm0, v53, v51;
	(xrf1) =	vsort.dscd.msk.f32 $0xffff, v32, v0  }
0x44c: {  	vm3 =	vmmov vm14;
	v56 =	vpop (erf);
	(xrf1) =	vsort.dscd.msk.f32 $0xffff, v28, v54  }
0x44d: {  	v57 =	vmpcnt.ones.xlane vm3;
	v55, _, _ =	vpop (xrf2);
	(xrf1) =	vsort.dscd.msk.f32 $0xffff, v34, v2  }
0x44e: {  	v42, v40, _ =	vpop (xrf1);
	(xrf1) =	vsort.dscd.msk.f32 $0xffff, v18, v4  }
0x44f: {  	v37 =	vsub.f32 v41, v37;
	v58 =	vsub.s32 v7, v57;
	v60 =	vpop (erf);
	v59 =	vperm.xlane v42, v6  }
0x450: {  	s22 =	sor.u32 $0x60, s1;
	[tilespmem:v10+s24+$0x0] =	vst.idx.add.f32.msk vm8, v8;
	v10 =	vmov v12;
	v61 =	vsel vm11, v58, v13;
	v12 =	vmul.f32 v56, v43;
	v28, _, _ =	vpop (xrf2)  }
0x451: {  	s31 =	sor.u32 $0x70, s21;
	v35 =	vld [tilespmem:s22+$0x0];
	v62 =	vmul.f32 $6.400000000e+01, v60;
	v45 =	vmax.f32 v59, v9;
	v63 =	vbroadcast v28, $0xF  }
0x452: {  	v54 =	vmul.f32 $1.442695020e+00, v37;
	(v2sf) =	vpush v55, $0xF;
	v53 =	vsub.f32 v25, v45;
	v28 =	vld [tilespmem:s31+$0x0];
	s31 =	rddreg [dreg:$0x7]  }
0x453: {  	v55 =	vsub.f32 v23, v45;
	v25 =	vld [tilespmem:s31+$0xFFFFFF40];
	[tilespmem:s5+$0xFFFFFFE8] =	vst.msk $0xff, v61;
	v33 =	vadd.f32 v63, v62  }
0x454: {  	s21 =	sor.u32 $0x60, s21;
	(erf) = vpow2.f32 v54;
	v56 =	vmul.f32 $1.442695020e+00, v53;
	[tilespmem:s9+$0xFFFFFFE8] =	vst.msk $0xff, v12;
	v12 =	vsel vm11, $0x1, v6  }
0x455: {  	v46, v49, _ =	vpop (xrf1);
	v23 =	vld [tilespmem:s21+$0x0];
	[tilespmem:s14+$0xFFFFFFE8] =	vst.msk $0xff, v12;
	v12 =	vmul.f32 $1.442695020e+00, v55;
	(erf) = vrcp.f32 v33  }
0x456: {  	v59 =	vsub.f32 v24, v45;
	v21 =	vsub.f32 v21, v45;
	v58, v57, _ =	vpop (xrf1);
	(erf) = vpow2.f32 v56  }
0x457: {  	v24 =	vld [tilespmem:s2+$0xFFFFFFB0];
	v60, v61, _ =	vpop (xrf1);
	(erf) = vpow2.f32 v12  }
0x458: {  	(xrf1) =	vsort.dscd.msk.f32 $0xffff, v35, v3;
	v48 =	vmul.f32 $1.442695020e+00, v59;
	v62 =	vmul.f32 $1.442695020e+00, v21;
	v33 =	vld [tilespmem:s2+$0xFFFFFFA0];
	v51, v52, _ =	vpop (xrf1)  }
0x459: {  	(xrf1) =	vsort.dscd.msk.f32 $0xffff, v28, v4;
	v12 =	vperm.xlane v58, v5;
	v63 =	vperm.xlane v61, v5;
	v53, v54, _ =	vpop (xrf1)  }
0x45a: {  	v47 =	vperm.xlane v57, v5;
	v21 =	vld [tilespmem:s2+$0xFFFFFF90];
	(xrf1) =	vsort.dscd.msk.f32 $0xffff, v25, v0;
	v43 =	vperm.xlane v60, v5;
	v61, v60, _ =	vpop (xrf1)  }
0x45b: {  	vm8 =	vmmov vm7;
	(erf) = vpow2.f32 v48;
	(xrf1) =	vsort.dscd.msk.f32 $0xffff, v23, v3;
	vm0 =	vge.f32 v46, v12;
	v56, v57, _ =	vpop (xrf1)  }
0x45c: {  	(erf) = vpow2.f32 v62;
	(xrf1) =	vsort.dscd.msk.f32 $0xffff, v24, v4;
	vm7 =	vge.f32 v61, v43;
	v62 =	vsel vm0, v49, v47;
	v58, v59, _ =	vpop (xrf1)  }
0x45d: {  	(xrf1) =	vsort.dscd.msk.f32 $0xffff, v33, v3;
	v50 =	vsel vm7, v61, v43;
	v48 =	vsel vm7, v60, v63;
	v63 =	vpop (erf)  }
0x45e: {  	(xrf1) =	vsort.dscd.msk.f32 $0xffff, v50, v48;
	v60 =	vpop (erf)  }
0x45f: {  	v12 =	vsel vm0, v46, v12;
	(xrf1) =	vsort.dscd.msk.f32 $0xffff, v21, v2;
	v61 =	vpop (erf)  }
0x460: {  	(xrf1) =	vsort.dscd.msk.f32 $0xffff, v12, v62;
	v62 =	vpop (erf)  }
0x461: {  	s1 =	spop (v2sf);
	v49 =	vadd.f32 v62, v61;
	v61 =	vsub.f32 v9, v45  }
0x462: {  	s21 =	smax.f32 s1, $9.999999970e-07  }
0x463: {  	v55 =	vmov s21;
	v61 =	vmul.f32 $1.442695020e+00, v61  }
0x464: {  	vm0 =	vlt.f32 v41, v9;
	(erf) = vrcp.f32 v55;
	v41 =	vmul.f32 v60, v63;
	v60 =	vpop (erf)  }
0x465: {  	v62 =	vpop (erf);
	(erf) = vpow2.f32 v61;
	v61 =	vld [tilespmem:$0x1FFE0];
	_ =	sdelay $0x1  }
0x466: {  	v37 =	vld [tilespmem:s2+$0xFFFFFF80];
	vm11 =	vmand vm0, vm1;
	v46 =	vperm.xlane v58, v5;
	v59 =	vperm.xlane v59, v5  }
0x467: {  	vm7 =	vmxor vm11, vm1;
	v12 =	vperm.xlane v56, v5;
	v63 =	vperm.xlane v57, v5;
	v58, v57, _ =	vpop (xrf1)  }
0x468: {  	vm12 =	vge.f32 v58, v46;
	v43 =	vnsel vm7, $0x0, v41;
	v49 =	vadd.f32 v49, v60  }
0x469: {  	v46 =	vsel vm12, v58, v46;
	v41 =	vsel vm12, v57, v59;
	vm12 =	vnez.u8 v61  }
0x46a: {  	(xrf2) =	vadd.scan.msk.f32 $0xffff, v43;
	v60 =	vadd.f32 v49, v62  }
0x46b: {  	v47 =	vperm.xlane v51, v5;
	(xrf1) =	vsort.dscd.msk.f32 $0xffff, v37, v0;
	vm0 =	vge.f32 v53, v12  }
0x46c: {  	v12 =	vsel vm0, v53, v12;
	v50 =	vsel vm0, v54, v63;
	v63, v54, _ =	vpop (xrf1);
	(xrf1) =	vsort.dscd.msk.f32 $0xffff, v46, v41  }
0x46d: {  	v62 =	vmpcnt.ones.xlane vm9;
	v51 =	vperm.xlane v63, v5;
	v63, v58, _ =	vpop (xrf1);
	(xrf1) =	vsort.dscd.msk.f32 $0xffff, v12, v50  }
0x46e: {  	v48 =	vperm.xlane v52, v5;
	(xrf2) =	vadd.scan.msk.f32 $0xffff, v60;
	v60, v49, _ =	vpop (xrf1)  }
0x46f: {  	vm0 =	vge.f32 v63, v47;
	v12 =	vsub.s32 v7, v62;
	[tilespmem:v11+s24+$0x0] =	vst.idx.add.f32.msk vm12, v8;
	v11 =	vmov v39;
	v39, v41, _ =	vpop (xrf1)  }
0x470: {  	v59 =	vpop (erf);
	v53 =	vsel vm0, v63, v47;
	v63 =	vsel vm0, v58, v48;
	v57 =	vperm.xlane v39, v5  }
0x471: {  	s1 =	rddreg [dreg:$0x9];
	v12 =	vsel vm10, v12, v20;
	v62 =	vmul.f32 v59, v44;
	vm0 =	vge.f32 v60, v51;
	v59, v58, _ =	vpop (xrf1)  }
0x472: {  	v52 =	vperm.xlane v54, v5;
	[tilespmem:s1+$0x18] =	vst.msk $0xff, v12;
	s1 =	smov.u32 s7;
	v12 =	vsel vm0, v60, v51;
	s7 =	rddreg [dreg:$0xa];
	v61 =	vperm.xlane v41, v5;
	v41, v39, _ =	vpop (xrf1)  }
0x473: {  	[tilespmem:s7+$0x18] =	vst.msk $0xff, v62;
	v62 =	vperm.xlane v41, v6  }
0x474: {  	s25 =	smov.u32 s23;
	s23 =	rddreg [dreg:$0xb];
	v52 =	vsel vm0, v49, v52;
	v60 =	vsel vm10, $0x1, v6;
	(xrf1) =	vsort.dscd.msk.f32 $0xffff, v53, v63;
	v63, _, _ =	vpop (xrf2);
	vm0 =	vge.f32 v59, v57  }
0x475: {  	[tilespmem:s23+$0x18] =	vst.msk $0xff, v60;
	v56 =	vsel vm0, v59, v57;
	v44 =	vsel vm0, v58, v61;
	v58, v57, _ =	vpop (xrf1)  }
0x476: {  	(xrf1) =	vsort.dscd.msk.f32 $0xffff, v12, v52;
	[tilespmem:v20+s24+$0x0] =	vst.idx.add.f32.msk vm9, v8;
	v20, v12, _ =	vpop (xrf1)  }
0x477: {  	(v2sf) =	vpush v63, $0xF;
	(xrf1) =	vsort.dscd.msk.f32 $0xffff, v56, v44;
	v44 =	vmax.f32 v62, v9;
	v62 =	vpop (erf)  }
0x478: {  	v45 =	vsub.f32 v42, v45;
	v59 =	vperm.xlane v58, v5;
	v56, _, _ =	vpop (xrf2)  }
0x479: {  	v49 =	vperm.xlane v57, v5;
	v61, v60, _ =	vpop (xrf1);
	v38 =	vsub.f32 v38, v44;
	v58 =	vmul.f32 $6.400000000e+01, v62  }
0x47a: {  	v47 =	vbroadcast v56, $0xF;
	v36 =	vsub.f32 v36, v44;
	vm0 =	vge.f32 v61, v59  }
0x47b: {  	v63 =	vsel vm0, v61, v59;
	v38 =	vmul.f32 $1.442695020e+00, v38;
	v57 =	vsel vm0, v60, v49  }
0x47c: {  	v45 =	vmul.f32 $1.442695020e+00, v45;
	v59 =	vperm.xlane v20, v6;
	(xrf1) =	vsort.dscd.msk.f32 $0xffff, v63, v57  }
0x47d: {  	v60, v61, _ =	vpop (xrf1);
	v55 =	vadd.f32 v47, v58;
	v36 =	vmul.f32 $1.442695020e+00, v36;
	(erf) = vpow2.f32 v38  }
0x47e: {  	v29 =	vsub.f32 v29, v44;
	v46 =	vperm.xlane v60, v5;
	(erf) = vpow2.f32 v45  }
0x47f: {  	v19 =	vsub.f32 v19, v44;
	v56 =	vperm.xlane v61, v5;
	v63, v62, _ =	vpop (xrf1);
	(erf) = vrcp.f32 v55  }
0x480: {  	v57 =	vmul.f32 $1.442695020e+00, v29;
	vm0 =	vge.f32 v63, v46;
	(erf) = vpow2.f32 v36  }
0x481: {  	v29 =	vmax.f32 v59, v9;
	v58 =	vsel vm0, v63, v46;
	v45 =	vsel vm0, v62, v56  }
0x482: {  	v31 =	vsub.f32 v31, v29;
	v59, v47, _ =	vpop (xrf1);
	(xrf1) =	vsort.dscd.msk.f32 $0xffff, v58, v45;
	(erf) = vpow2.f32 v57  }
0x483: {  	v60 =	vmul.f32 $1.442695020e+00, v19  }
0x484: {  	s21 =	smov.u32 s13;
	v31 =	vmul.f32 $1.442695020e+00, v31;
	v61, v62, _ =	vpop (xrf1)  }
0x485: {  	[dreg:$0x5] =	wrdreg s21;
	(erf) = vpow2.f32 v60;
	v19, v63, _ =	vpop (xrf1)  }
0x486: {  	s11 =	smov.u32 s0;
	s21 =	rddreg [dreg:$0x8];
	vm10 =	vmmov vm7;
	vm7 =	vlt.f32 v42, v9;
	s0 =	spop (v2sf);
	(erf) = vpow2.f32 v31;
	v52 =	vpop (erf)  }
0x487: {  	vm7 =	vmand vm7, vm1;
	s23 =	smov.u32 s6;
	s6 =	smov.u32 s21;
	v31 =	vperm.xlane v61, v5;
	s21 =	smax.f32 s0, $9.999999970e-07;
	v53 =	vpop (erf)  }
0x488: {  	vm9 =	vmxor vm7, vm1;
	v30 =	vsub.f32 v30, v29;
	v54 =	vmov s21;
	v55 =	vpop (erf)  }
0x489: {  	v38 =	vperm.xlane v62, v5;
	vm0 =	vge.f32 v59, v31;
	(erf) = vrcp.f32 v54;
	v56 =	vpop (erf)  }
0x48a: {  	v19 =	vperm.xlane v19, v5;
	v42 =	vmul.f32 v55, v53;
	v58, v57, _ =	vpop (xrf1);
	v36 =	vadd.f32 v56, v52  }
0x48b: {  	v31 =	vsel vm0, v59, v31;
	v38 =	vsel vm0, v47, v38;
	v45 =	vperm.xlane v63, v5;
	v59 =	vpop (erf)  }
0x48c: {  	(xrf1) =	vsort.dscd.msk.f32 $0xffff, v31, v38;
	v42 =	vnsel vm9, $0x0, v42;
	vm0 =	vge.f32 v58, v19;
	v36 =	vadd.f32 v36, v59  }
0x48d: {  	v60 =	vsub.f32 v9, v44;
	(xrf2) =	vadd.scan.msk.f32 $0xffff, v42;
	v19 =	vsel vm0, v58, v19;
	v61 =	vsel vm0, v57, v45  }
0x48e: {  	v27 =	vsub.f32 v27, v29;
	v30 =	vmul.f32 $1.442695020e+00, v30;
	v31 =	vpop (erf);
	(xrf1) =	vsort.dscd.msk.f32 $0xffff, v19, v61;
	v19 =	vimm.s32 $0x0  }
0x48f: {  	v62 =	vmul.f32 $1.442695020e+00, v60;
	v63 =	vpop (erf);
	v31 =	vadd.f32 v36, v31;
	v19 =	vsel vm10, $0xFFFFFFFF, v19  }
0x490: {  	(erf) = vpow2.f32 v30;
	v30 =	vsub.f32 v26, v29;
	[tilespmem:$0x1FFE0] =	vst v19;
	v19 =	vmpcnt.ones.xlane vm10;
	v36, v26, _ =	vpop (xrf1)  }
0x491: {  	(erf) = vpow2.f32 v62;
	(xrf2) =	vadd.scan.msk.f32 $0xffff, v31;
	v31 =	vperm.xlane v36, v6  }
0x492: {  	[tilespmem:v16+s24+$0x0] =	vst.idx.add.f32.msk vm4, v8;
	v27 =	vmul.f32 $1.442695020e+00, v27;
	v19 =	vsub.s32 v7, v19;
	v52 =	vpop (erf)  }
0x493: {  	s22 =	smov.u32 s5;
	s5 =	rddreg [dreg:$0xd];
	v19 =	vsel vm11, v19, v11;
	v38 =	vmul.f32 v52, v43;
	v43 =	vmax.f32 v31, v9  }
0x494: {  	[dreg:$0xf] =	wrdreg s22;
	s7 =	smov.u32 s5;
	(erf) = vpow2.f32 v27;
	[tilespmem:s1+$0x10] =	vst.msk $0xff, v19;
	v19 =	vmul.f32 $1.442695020e+00, v30;
	v27 =	vsub.f32 v32, v43  }
0x495: {  	s22 =	rddreg [dreg:$0xe];
	v53 =	vsub.f32 v9, v29;
	v30 =	vsel vm11, $0x1, v6;
	[tilespmem:s7+$0x10] =	vst.msk $0xff, v38  }
0x496: {  	s5 =	smov.u32 s30;
	s30 =	smov.u32 s22;
	s22 =	sor.u32 $0x70, s17;
	v60 =	vsub.f32 v41, v44;
	[tilespmem:s6+$0x10] =	vst.msk $0xff, v30;
	(erf) = vpow2.f32 v19;
	v19 =	vmul.f32 $1.442695020e+00, v27  }
0x497: {  	[dreg:$0x9] =	wrdreg s1;
	s0 =	sor.u32 $0x50, s17;
	v31 =	vmul.f32 $1.442695020e+00, v53;
	v54 =	vsub.f32 v34, v43;
	v58 =	vsub.f32 v18, v43;
	v55, _, _ =	vpop (xrf2);
	v27 =	vld [tilespmem:s22+$0x0]  }
0x498: {  	[dreg:$0xa] =	wrdreg s7;
	s1 =	sor.u32 $0x60, s17;
	v53 =	vmul.f32 $1.442695020e+00, v60;
	v30 =	vsub.f32 v35, v43;
	v35 =	vld [tilespmem:s0+$0x0];
	(v2sf) =	vpush v55, $0xF  }
0x499: {  	s7 =	rddreg [dreg:$0x12];
	v56 =	vpop (erf);
	(erf) = vpow2.f32 v31;
	v32 =	vmul.f32 $1.442695020e+00, v54;
	v31 =	vld [tilespmem:s1+$0x0]  }
0x49a: {  	s22 =	smov.u32 s7;
	v59 =	vmul.f32 $1.442695020e+00, v58;
	s7 =	rddreg [dreg:$0xc];
	(erf) = vpow2.f32 v19;
	v19 =	vpop (erf)  }
0x49b: {  	v57 =	vmul.f32 $1.442695020e+00, v30;
	v38 =	vld [tilespmem:s7+$0xC0];
	(erf) = vpow2.f32 v32;
	v61, _, _ =	vpop (xrf2)  }
0x49c: {  	v30, v18, _ =	vpop (xrf1);
	v62 =	vmul.f32 $6.400000000e+01, v19;
	v44 =	vbroadcast v61, $0xF;
	(xrf1) =	vsort.dscd.msk.f32 $0xffff, v27, v4  }
0x49d: {  	v34 =	vadd.f32 v56, v63;
	(erf) = vpow2.f32 v57;
	v52 =	vperm.xlane v30, v6;
	v63 =	vpop (erf);
	(xrf1) =	vsort.dscd.msk.f32 $0xffff, v35, v2  }
0x49e: {  	v16 =	vmov v40;
	(erf) = vpow2.f32 v59;
	v40, v19, _ =	vpop (xrf1);
	v54 =	vadd.f32 v44, v62;
	(xrf1) =	vsort.dscd.msk.f32 $0xffff, v31, v3  }
0x49f: {  	v55 =	vadd.f32 v34, v63;
	v34 =	vmax.f32 v52, v9;
	(erf) = vpow2.f32 v53  }
0x4a0: {  	v25 =	vsub.f32 v25, v34;
	v57 =	vperm.xlane v40, v6;
	v56 =	vpop (erf);
	(xrf1) =	vsort.dscd.msk.f32 $0xffff, v38, v0;
	(erf) = vrcp.f32 v54  }
0x4a1: {  	vm4 =	vmmov vm9  }
0x4a2: {  	vm0 =	vlt.f32 v41, v9;
	v44 =	vpop (erf);
	v59 =	vmul.f32 $1.442695020e+00, v25;
	v25 =	vmax.f32 v57, v9  }
0x4a3: {  	[dreg:$0xb] =	wrdreg s6;
	s21 =	smov.u32 s8;
	vm11 =	vmand vm0, vm1;
	v28 =	vsub.f32 v28, v34;
	v33 =	vsub.f32 v33, v25;
	v60 =	vpop (erf)  }
0x4a4: {  	[dreg:$0x12] =	wrdreg s21;
	vm9 =	vmxor vm11, vm1;
	v58 =	vadd.f32 v55, v56;
	v37 =	vsub.f32 v37, v25;
	v61 =	vpop (erf)  }
0x4a5: {  	s6 =	rddreg [dreg:$0x13];
	v21 =	vsub.f32 v21, v25;
	v48 =	vmul.f32 $1.442695020e+00, v33;
	v62 =	vadd.f32 v61, v60  }
0x4a6: {  	s21 =	rddreg [dreg:$0x6];
	s17 =	smov.u32 s6;
	v24 =	vsub.f32 v24, v25;
	(erf) = vpow2.f32 v59;
	v49 =	vmul.f32 $1.442695020e+00, v37;
	v63 =	vpop (erf)  }
0x4a7: {  	s1 =	rddreg [dreg:$0x10];
	s6 =	smov.u32 s18;
	v51 =	vmul.f32 $1.442695020e+00, v21;
	(erf) = vpow2.f32 v48;
	v52 =	vpop (erf);
	v50 =	vadd.f32 v62, v63;
	s7 =	spop (v2sf)  }
0x4a8: {  	[dreg:$0x10] =	wrdreg s6;
	s6 =	smov.u32 s21;
	v22 =	vsub.f32 v22, v34;
	v24 =	vmul.f32 $1.442695020e+00, v24;
	(erf) = vpow2.f32 v49;
	v53 =	vpop (erf);
	s21 =	smax.f32 s7, $9.999999970e-07  }
0x4a9: {  	(erf) = vpow2.f32 v51;
	v32 =	vadd.f32 v50, v52;
	v21 =	vpop (erf);
	v54 =	vmov s21  }
0x4aa: {  	v23 =	vsub.f32 v23, v34;
	(xrf2) =	vadd.scan.msk.f32 $0xffff, v58;
	v21 =	vmul.f32 v21, v53;
	(erf) = vrcp.f32 v54;
	v55, v56, _ =	vpop (xrf1)  }
0x4ab: {  	v22 =	vmul.f32 $1.442695020e+00, v22;
	v57 =	vsub.f32 v9, v43;
	(xrf2) =	vadd.scan.msk.f32 $0xffff, v32;
	v32 =	vperm.xlane v55, v5;
	v59, v58, _ =	vpop (xrf1)  }
0x4ac: {  	(erf) = vpow2.f32 v24;
	v24 =	vperm.xlane v56, v5;
	v21 =	vnsel vm9, $0x0, v21;
	v61, v60, _ =	vpop (xrf1)  }
0x4ad: {  	v37 =	vmul.f32 $1.442695020e+00, v57;
	v41 =	vperm.xlane v59, v5;
	(xrf2) =	vadd.scan.msk.f32 $0xffff, v21;
	vm0 =	vge.f32 v61, v32  }
0x4ae: {  	v45 =	vperm.xlane v58, v5;
	v62, v63, _ =	vpop (xrf1);
	v32 =	vsel vm0, v61, v32;
	v24 =	vsel vm0, v60, v24  }
0x4af: {  	v53 =	vmul.f32 $1.442695020e+00, v23;
	v47 =	vpop (erf);
	(erf) = vpow2.f32 v37;
	vm0 =	vge.f32 v62, v41;
	(xrf1) =	vsort.dscd.msk.f32 $0xffff, v32, v24  }
0x4b0: {  	(erf) = vpow2.f32 v22;
	v22 =	vpop (erf);
	v24 =	vsel vm0, v62, v41;
	v54 =	vsel vm0, v63, v45  }
0x4b1: {  	v28 =	vmul.f32 $1.442695020e+00, v28;
	v56 =	vmpcnt.ones.xlane vm4;
	v55 =	vpop (erf);
	(xrf1) =	vsort.dscd.msk.f32 $0xffff, v24, v54  }
0x4b2: {  	(erf) = vpow2.f32 v53;
	v23 =	vpop (erf)  }
0x4b3: {  	[tilespmem:v15+s24+$0x0] =	vst.idx.add.f32.msk vm5, v8;
	v24 =	vsub.f32 v20, v29;
	(erf) = vpow2.f32 v28;
	v28 =	vsub.s32 v7, v56;
	v29 =	vpop (erf)  }
0x4b4: {  	v52, _, _ =	vpop (xrf2);
	v57 =	vadd.f32 v23, v55;
	v28 =	vsel vm7, v28, v16;
	v29 =	vmul.f32 v29, v42  }
0x4b5: {  	[tilespmem:s11+$0x8] =	vst.msk $0xff, v28;
	v58, _, _ =	vpop (xrf2)  }
0x4b6: {  	v59 =	vmul.f32 $6.400000000e+01, v44;
	v61 =	vadd.f32 v57, v22;
	v23 =	vpop (erf);
	[tilespmem:s23+$0x8] =	vst.msk $0xff, v29;
	v29 =	vsel vm7, $0x1, v6  }
0x4b7: {  	v60 =	vbroadcast v52, $0xF;
	v62 =	vsub.f32 v36, v43;
	v24 =	vmul.f32 $1.442695020e+00, v24;
	v22, _, _ =	vpop (xrf2);
	[tilespmem:s30+$0x8] =	vst.msk $0xff, v29  }
0x4b8: {  	v15 =	vmov v39;
	v23 =	vadd.f32 v61, v23;
	v28 =	vpop (erf);
	(v2sf) =	vpush v22, $0xF;
	v22 =	vld [tilespmem:s6+$0xB0]  }
0x4b9: {  	v33 =	vadd.f32 v60, v59;
	v32 =	vbroadcast v58, $0xF;
	v63 =	vpop (erf);
	v39 =	vmul.f32 $6.400000000e+01, v28;
	v29 =	vld [tilespmem:s6+$0x90]  }
0x4ba: {  	(erf) = vpow2.f32 v24;
	v47 =	vadd.f32 v63, v47;
	(xrf2) =	vadd.scan.msk.f32 $0xffff, v23;
	v23 =	vmul.f32 $1.442695020e+00, v62;
	v28 =	vld [tilespmem:s6+$0xA0]  }
0x4bb: {  	v48 =	vsub.f32 v9, v25;
	(erf) = vrcp.f32 v33;
	v24 =	vpop (erf);
	v49 =	vadd.f32 v32, v39  }
0x4bc: {  	v50 =	vsub.f32 v9, v34;
	v32 =	vld [tilespmem:s6+$0x80];
	v24 =	vadd.f32 v47, v24;
	v51 =	vpop (erf);
	(erf) = vpow2.f32 v23  }
0x4bd: {  	v23 =	vmul.f32 $1.442695020e+00, v48;
	(erf) = vrcp.f32 v49;
	(xrf1) =	vsort.dscd.msk.f32 $0xffff, v22, v4;
	v53, v52, _ =	vpop (xrf1)  }
0x4be: {  	v33 =	vmul.f32 $1.442695020e+00, v50;
	v54 =	vadd.f32 v24, v51;
	(xrf1) =	vsort.dscd.msk.f32 $0xffff, v29, v2;
	v37 =	vperm.xlane v53, v5  }
0x4bf: {  	(erf) = vpow2.f32 v23;
	v23 =	vperm.xlane v52, v5;
	v56, v55, _ =	vpop (xrf1);
	(xrf1) =	vsort.dscd.msk.f32 $0xffff, v28, v3  }
0x4c0: {  	(erf) = vpow2.f32 v33;
	(xrf2) =	vadd.scan.msk.f32 $0xffff, v54;
	vm0 =	vge.f32 v56, v37  }
0x4c1: {  	(xrf1) =	vsort.dscd.msk.f32 $0xffff, v32, v0;
	v57 =	vsel vm0, v56, v37;
	v58 =	vsel vm0, v55, v23  }
0x4c2: {  	(xrf1) =	vsort.dscd.msk.f32 $0xffff, v57, v58  }
0x4c3: {  	v24 =	vpop (erf)  }
0x4c4: {  	v23 =	vpop (erf)  }
0x4c5: {  	v60 =	vpop (erf)  }
0x4c6: {  	v25 =	vsub.f32 v40, v25;
	vm0 =	vlt.f32 v36, v9;
	v62 =	vpop (erf)  }
0x4c7: {  	v59, _, _ =	vpop (xrf2);
	vm10 =	vmand vm0, vm1;
	v23 =	vmul.f32 v23, v24;
	v24 =	vmul.f32 v62, v60  }
0x4c8: {  	[dreg:$0xd] =	wrdreg s23;
	v25 =	vmul.f32 $1.442695020e+00, v25;
	vm14 =	vmxor vm10, vm1;
	v44 =	vpop (erf);
	s23 =	spop (v2sf)  }
0x4c9: {  	v61 =	vsub.f32 v30, v34;
	vm0 =	vlt.f32 v20, v9;
	v45 =	vpop (erf);
	v36 =	vnsel vm14, $0x0, v24;
	s21 =	smax.f32 s23, $9.999999970e-07  }
0x4ca: {  	v33 =	vbroadcast v59, $0xF;
	v34 =	vmul.f32 $6.400000000e+01, v44;
	v20, _, _ =	vpop (xrf2);
	(xrf2) =	vadd.scan.msk.f32 $0xffff, v36;
	v24 =	vmov s21  }
0x4cb: {  	vm5 =	vmmov vm9;
	v20 =	vbroadcast v20, $0xF;
	(erf) = vrcp.f32 v24;
	v47, v46, _ =	vpop (xrf1)  }
0x4cc: {  	v33 =	vadd.f32 v33, v34;
	v24 =	vmul.f32 $6.400000000e+01, v45;
	v48 =	vperm.xlane v47, v5;
	v50, v49, _ =	vpop (xrf1)  }
0x4cd: {  	vm9 =	vmand vm0, vm1;
	(erf) = vpow2.f32 v25;
	v25 =	vperm.xlane v46, v5;
	v52, v51, _ =	vpop (xrf1)  }
0x4ce: {  	(erf) = vrcp.f32 v33;
	v39 =	vperm.xlane v50, v5;
	vm0 =	vge.f32 v52, v48  }
0x4cf: {  	v42 =	vperm.xlane v49, v5;
	v34, v41, _ =	vpop (xrf1);
	v53 =	vsel vm0, v52, v48;
	v25 =	vsel vm0, v51, v25  }
0x4d0: {  	v63 =	vmul.f32 $1.442695020e+00, v61;
	v24 =	vadd.f32 v20, v24;
	vm0 =	vge.f32 v34, v39;
	(xrf1) =	vsort.dscd.msk.f32 $0xffff, v53, v25;
	v33, v20, _ =	vpop (xrf1)  }
0x4d1: {  	v25 =	vsel vm0, v34, v39;
	v55 =	vsel vm0, v41, v42;
	v56 =	vperm.xlane v33, v6  }
0x4d2: {  	v54 =	vmpcnt.ones.xlane vm5;
	(xrf1) =	vsort.dscd.msk.f32 $0xffff, v25, v55  }
0x4d3: {  	vm7 =	vmxor vm9, vm1;
	(erf) = vpow2.f32 v63;
	v37 =	vmax.f32 v56, v9  }
0x4d4: {  	[tilespmem:v17+s24+$0x0] =	vst.idx.add.f32.msk vm6, v8;
	(erf) = vrcp.f32 v24;
	v34 =	vnsel vm7, $0x0, v23;
	v24, _, _ =	vpop (xrf2);
	v38 =	vsub.f32 v38, v37  }
0x4d5: {  	s28 =	smov.u32 s25;
	s13 =	smov.u32 s26;
	v57 =	vsub.s32 v7, v54;
	(xrf2) =	vadd.scan.msk.f32 $0xffff, v34;
	v23 =	vpop (erf);
	(v2sf) =	vpush v24, $0xF;
	v24 =	vsub.f32 v35, v37  }
0x4d6: {  	s26 =	smov.u32 s9;
	s9 =	smov.u32 s29;
	[dreg:$0x8] =	wrdreg s30;
	v17 =	vmovc v26;
	v39 =	vsel vm11, v57, v15;
	v21 =	vmul.f32 v23, v21;
	v26 =	vmul.f32 $1.442695020e+00, v38  }
0x4d7: {  	s8 =	smov.u32 s1;
	s1 =	smov.u32 s3;
	s3 =	smov.u32 s4;
	[tilespmem:s28+$0x0] =	vst.msk $0xff, v39;
	v25 =	vpop (erf);
	v24 =	vmul.f32 $1.442695020e+00, v24  }
0x4d8: {  	s4 =	smov.u32 s2;
	s2 =	smov.u32 s31;
	s30 =	sadd.s32 $0xFFFFFF80, s22;
	v31 =	vsub.f32 v31, v37;
	v23 =	vpop (erf);
	[tilespmem:s5+$0x0] =	vst.msk $0xff, v21;
	v21 =	vsel vm11, $0x1, v6;
	(erf) = vpow2.f32 v26  }
0x4d9: {  	s31 =	smov.u32 s20;
	[dreg:$0x13] =	wrdreg s22;
	s22 =	sor.u32 $0x50, s30;
	vm0 =	vlt.f32 v40, v9;
	v27 =	vsub.f32 v27, v37;
	[tilespmem:s9+$0x0] =	vst.msk $0xff, v21;
	(erf) = vpow2.f32 v24  }
0x4da: {  	[dreg:$0x7] =	wrdreg s31;
	s31 =	sor.u32 $0x70, s30;
	vm12 =	vmand vm0, vm1;
	v25 =	vmul.f32 v23, v25;
	v23 =	vld [tilespmem:s22+$0x0];
	v26 =	vmul.f32 $1.442695020e+00, v31  }
0x4db: {  	vm13 =	vmxor vm12, vm1;
	v21 =	vld [tilespmem:s31+$0x0]  }
0x4dc: {  	s19 =	sadd.s32 $0x8, s19;
	s21 =	sor.u32 $0x60, s30;
	v35 =	vnsel vm13, $0x0, v25;
	v25 =	vld [tilespmem:s1+$0x40];
	v31 =	vpop (erf)  }
0x4dd: {  	p0 =	slt.u32 s19, $0xF8;
	s25 =	smov.u32 s16;
	v24 =	vld [tilespmem:s21+$0x0];
	v59 =	vpop (erf)  }
.Ltmp0:
0x4de: {  	s29 =	smov.u32 s15;
	[dreg:$0x11] =	wrdreg s13;
	v58 =	vmul.f32 $1.442695020e+00, v27;
	(xrf2) =	vadd.scan.msk.f32 $0xffff, v35;
	(erf) = vpow2.f32 v26;
	v26, v27, _ =	vpop (xrf1);
	(pc) =	sbr.rel @p0 .LBB2_2-.Ltmp0, $4  }
0x4df: {  	s15 =	smov.u32 s14;
	s14 =	smov.u32 s10;
	[dreg:$0xe] =	wrdreg s9;
	vm0 =	vlt.f32 v30, v9;
	v60, _, _ =	vpop (xrf2);
	(xrf1) =	vsort.dscd.msk.f32 $0xffff, v23, v2;
	v61 =	vperm.xlane v26, v5  }
0x4e0: {  	s13 =	smov.u32 s12;
	s0 =	smov.u32 s28;
	[dreg:$0xc] =	wrdreg s6;
	vm6 =	vmmov vm14;
	vm11 =	vmand vm0, vm1;
	(xrf1) =	vsort.dscd.msk.f32 $0xffff, v21, v4;
	v62 =	vperm.xlane v27, v5;
	v30, v63, _ =	vpop (xrf1)  }
0x4e1: {  	s20 =	sadd.s32 $0x200, s20;
	[dreg:$0x6] =	wrdreg s1;
	s7 =	smov.u32 s11;
	(erf) = vpow2.f32 v58;
	(xrf1) =	vsort.dscd.msk.f32 $0xffff, v25, v0;
	v27 =	vmul.f32 v59, v31;
	vm0 =	vge.f32 v30, v61;
	v26 =	vpop (erf)  }
0x4e2: {  	s6 =	smov.u32 s5;
	s5 =	smov.u32 s25;
	s9 =	smov.u32 s13;
	(v2sf) =	vpush v60, $0xF;
	(xrf1) =	vsort.dscd.msk.f32 $0xffff, v24, v3;
	v30 =	vsel vm0, v30, v61;
	v39 =	vsel vm0, v63, v62;
	v38 =	vpop (erf)  }
0x4e3: {  	v31 =	vld [tilespmem:$0x1FFF0];
	_ =	sdelay $0x4  }
0x4e4: {  	s19 =	spop (v2sf);
	vm14 =	vnez.u8 v31  }
0x4e5: {  	(xrf1) =	vsort.dscd.msk.f32 $0xffff, v30, v39;
	v26 =	vadd.f32 v38, v26;
	s19 =	smax.f32 s19, $9.999999970e-07;
	vm15 =	vmxor vm11, vm14  }
0x4e6: {  	v54 =	vmov s19;
	v52 =	vpop (erf);
	v39 =	vnsel vm15, $0x0, v27  }
0x4e7: {  	v53 =	vsub.f32 v9, v37;
	(erf) = vrcp.f32 v54;
	v26 =	vadd.f32 v26, v52;
	(xrf2) =	vadd.scan.msk.f32 $0xffff, v39  }
0x4e8: {  	v55 =	vpop (erf)  }
0x4e9: {  	v56, _, _ =	vpop (xrf2);
	v27 =	vmul.f32 $1.442695020e+00, v53;
	v26 =	vadd.f32 v26, v55  }
0x4ea: {  	(v2sf) =	vpush v56, $0xF;
	v57, v58, _ =	vpop (xrf1)  }
0x4eb: {  	(erf) = vpow2.f32 v27;
	(xrf2) =	vadd.scan.msk.f32 $0xffff, v26;
	v60, v61, _ =	vpop (xrf1);
	v26 =	vperm.xlane v57, v5  }
0x4ec: {  	v27 =	vperm.xlane v58, v5;
	v40, v41, _ =	vpop (xrf1);
	v31 =	vperm.xlane v60, v5  }
0x4ed: {  	v59 =	vmpcnt.ones.xlane vm6;
	v62 =	vperm.xlane v61, v5;
	vm0 =	vge.f32 v40, v26;
	v63, v43, _ =	vpop (xrf1)  }
0x4ee: {  	s20 =	simm.s32 $0x5A00;
	v26 =	vsel vm0, v40, v26;
	v27 =	vsel vm0, v41, v27;
	vm0 =	vge.f32 v63, v31  }
0x4ef: {  	[tilespmem:v14+s20+$0x0] =	vst.idx.add.f32.msk vm2, v8;
	v30 =	vsub.s32 v7, v59;
	v14 =	vsel vm0, v43, v62  }
0x4f0: {  	s21 =	rddreg [dreg:$0x5];
	v46 =	vsel vm10, v30, v17;
	v45 =	vpop (erf)  }
0x4f1: {  	[tilespmem:s21+$0xFFFFFFF8] =	vst.msk $0xff, v46;
	v47 =	vmul.f32 v45, v36;
	v42, _, _ =	vpop (xrf2)  }
0x4f2: {  	s22 =	rddreg [dreg:$0x11];
	s28 =	spop (v2sf);
	v31 =	vsel vm0, v63, v31;
	(xrf1) =	vsort.dscd.msk.f32 $0xffff, v26, v27;
	(v2sf) =	vpush v42, $0xF  }
0x4f3: {  	v51 =	vsel vm10, $0x1, v6;
	s19 =	smax.f32 s28, $9.999999970e-07;
	(xrf1) =	vsort.dscd.msk.f32 $0xffff, v31, v14;
	[tilespmem:s22+$0xFFFFFFF8] =	vst.msk $0xff, v47;
	v38, v14, _ =	vpop (xrf1)  }
0x4f4: {  	v48 =	vmov s19;
	[tilespmem:s29+$0xFFFFFFF8] =	vst.msk $0xff, v51;
	v50 =	vpop (erf);
	v49 =	vperm.xlane v38, v6  }
0x4f5: {  	v52 =	vsub.f32 v33, v37;
	(erf) = vrcp.f32 v48;
	v30 =	vld [tilespmem:s3+$0x30];
	v53, _, _ =	vpop (xrf2)  }
0x4f6: {  	v54 =	vmul.f32 $6.400000000e+01, v50;
	v55 =	vbroadcast v53, $0xF;
	v40 =	vmax.f32 v49, v9  }
0x4f7: {  	v57 =	vmul.f32 $1.442695020e+00, v52;
	v56 =	vsub.f32 v32, v40  }
0x4f8: {  	v58 =	vsub.f32 v29, v40;
	v26 =	vadd.f32 v55, v54;
	v29 =	vld [tilespmem:s3+$0x20]  }
0x4f9: {  	(erf) = vpow2.f32 v57;
	v31 =	vld [tilespmem:s3+$0x10];
	s30 =	spop (v2sf);
	v59 =	vmul.f32 $1.442695020e+00, v56  }
0x4fa: {  	s19 =	smax.f32 s30, $9.999999970e-07;
	v28 =	vsub.f32 v28, v40;
	(xrf1) =	vsort.dscd.msk.f32 $0xffff, v30, v4;
	v60 =	vmul.f32 $1.442695020e+00, v58;
	(erf) = vrcp.f32 v26  }
0x4fb: {  	v37 =	vld [tilespmem:s3+$0x0];
	v61 =	vmov s19;
	(erf) = vpow2.f32 v59  }
0x4fc: {  	v22 =	vsub.f32 v22, v40;
	v62 =	vmul.f32 $1.442695020e+00, v28;
	(erf) = vpow2.f32 v60  }
0x4fd: {  	(xrf1) =	vsort.dscd.msk.f32 $0xffff, v29, v3;
	(erf) = vrcp.f32 v61  }
0x4fe: {  	v22 =	vmul.f32 $1.442695020e+00, v22;
	(xrf1) =	vsort.dscd.msk.f32 $0xffff, v31, v2;
	(erf) = vpow2.f32 v62  }
0x4ff: {  	v44 =	vmpcnt.ones.xlane vm7;
	v63 =	vpop (erf)  }
0x500: {  	v45, v46, _ =	vpop (xrf1);
	(xrf1) =	vsort.dscd.msk.f32 $0xffff, v37, v0;
	(erf) = vpow2.f32 v22  }
0x501: {  	vm10 =	vmmov vm13;
	[tilespmem:v13+s20+$0x0] =	vst.idx.add.f32.msk vm3, v8;
	v27 =	vsub.s32 v7, v44;
	vm0 =	vlt.f32 v33, v9;
	v49, v48, _ =	vpop (xrf1);
	s31 =	spop (v2sf)  }
0x502: {  	v27 =	vsel vm9, v27, v12;
	v26 =	vmul.f32 v63, v34;
	v51 =	vpop (erf);
	v50 =	vperm.xlane v49, v5;
	s19 =	smax.f32 s31, $9.999999970e-07;
	s31 =	sadd.s32 $0x40, s16  }
0x503: {  	v52 =	vmpcnt.ones.xlane vm10;
	vm1 =	vmand vm0, vm14;
	v53 =	vpop (erf);
	s16 =	sadd.s32 $0x40, s12;
	[tilespmem:s31+$0xFFFFFFE0] =	vst.msk $0xff, v27  }
0x504: {  	s10 =	sadd.s32 $0x40, s10;
	v60 =	vsel vm9, $0x1, v6;
	v41 =	vperm.xlane v48, v5;
	vm13 =	vge.f32 v45, v50;
	v54 =	vpop (erf);
	[tilespmem:s16+$0xFFFFFFE0] =	vst.msk $0xff, v26  }
0x505: {  	s1 =	sadd.s32 $0x200, s18;
	v36 =	vsub.f32 v9, v40;
	v58 =	vsub.s32 v7, v52;
	v55 =	vsel vm13, v45, v50;
	v57 =	vpop (erf);
	[tilespmem:s10+$0xFFFFFFE0] =	vst.msk $0xff, v60  }
0x506: {  	v56 =	vsel vm13, v46, v41;
	v33 =	vmul.f32 v53, v51;
	v59 =	vpop (erf);
	v27 =	vadd.f32 v57, v54;
	[dreg:$0x1c] =	wrdreg s1  }
0x507: {  	v61 =	vsel vm12, v58, v19;
	vm13 =	vmxor vm1, vm14;
	(xrf1) =	vsort.dscd.msk.f32 $0xffff, v55, v56;
	v62 =	vpop (erf);
	v63 =	vmul.f32 v59, v35;
	s23 =	rddreg [dreg:$0xf]  }
0x508: {  	v42 =	vsel vm12, $0x1, v6;
	v26 =	vnsel vm13, $0x0, v33;
	v44, v43, _ =	vpop (xrf1);
	s1 =	sadd.s32 $0xFFFFFE80, s1;
	v27 =	vadd.f32 v27, v62;
	[tilespmem:s23+$0xFFFFFFF0] =	vst.msk $0xff, v61  }
0x509: {  	s25 =	smov.u32 s3;
	v32 =	vmul.f32 $1.442695020e+00, v36;
	v47 =	vmov s19;
	(xrf2) =	vadd.scan.msk.f32 $0xffff, v26;
	v41 =	vpop (erf);
	s3 =	sor.u32 $0x50, s1;
	[tilespmem:s26+$0xFFFFFFF0] =	vst.msk $0xff, v63  }
0x50a: {  	(erf) = vrcp.f32 v47;
	v46 =	vperm.xlane v44, v5;
	v45 =	vadd.f32 v27, v41;
	v27 =	vld [tilespmem:s3+$0x0];
	[tilespmem:s15+$0xFFFFFFF0] =	vst.msk $0xff, v42  }
0x50b: {  	v47 =	vperm.xlane v43, v5;
	v49, v48, _ =	vpop (xrf1);
	v13 =	vld [tilespmem:s4+$0xFFFFFFC0]  }
0x50c: {  	(erf) = vpow2.f32 v32;
	vm12 =	vge.f32 v49, v46;
	v51, v50, _ =	vpop (xrf1)  }
0x50d: {  	(xrf2) =	vadd.scan.msk.f32 $0xffff, v45;
	v32 =	vperm.xlane v51, v5;
	v22 =	vsel vm12, v49, v46;
	v28 =	vsel vm12, v48, v47  }
0x50e: {  	s11 =	sadd.s32 $0xFFFFFF00, s8;
	v52 =	vperm.xlane v50, v5;
	v54, v53, _ =	vpop (xrf1);
	(xrf1) =	vsort.dscd.msk.f32 $0xffff, v22, v28  }
0x50f: {  	s13 =	sor.u32 $0x50, s11;
	vm9 =	vge.f32 v54, v32;
	(xrf1) =	vsort.dscd.msk.f32 $0xffff, v27, v2  }
0x510: {  	v35 =	vld [tilespmem:s13+$0x0];
	v55 =	vsel vm9, v54, v32;
	v56 =	vsel vm9, v53, v52;
	(xrf1) =	vsort.dscd.msk.f32 $0xffff, v13, v0  }
0x511: {  	(xrf1) =	vsort.dscd.msk.f32 $0xffff, v55, v56;
	_ =	sdelay $0x1  }
0x512: {  	s28 =	sor.u32 $0x70, s11;
	vm9 =	vmmov vm15;
	v58 =	vpop (erf)  }
0x513: {  	v34 =	vld [tilespmem:s28+$0x0];
	v57, _, _ =	vpop (xrf2);
	v59 =	vmpcnt.ones.xlane vm9  }
0x514: {  	v41, v22, _ =	vpop (xrf1);
	(xrf1) =	vsort.dscd.msk.f32 $0xffff, v35, v2  }
0x515: {  	s18 =	sor.u32 $0x60, s11;
	[tilespmem:v10+s20+$0x0] =	vst.idx.add.f32.msk vm8, v8;
	v61 =	vpop (erf);
	v33 =	vsub.s32 v7, v59;
	v60 =	vperm.xlane v41, v6  }
0x516: {  	v63 =	vsub.f32 v38, v40;
	v36 =	vld [tilespmem:s18+$0x0];
	v10 =	vmul.f32 v58, v39;
	v62 =	vsel vm11, v33, v18;
	v48, _, _ =	vpop (xrf2)  }
0x517: {  	s30 =	sor.u32 $0x70, s1;
	v49 =	vmul.f32 $6.400000000e+01, v61;
	v45 =	vmax.f32 v60, v9;
	[tilespmem:s5+$0xFFFFFFE8] =	vst.msk $0xff, v62;
	v40 =	vbroadcast v48, $0xF  }
0x518: {  	(v2sf) =	vpush v57, $0xF;
	v33 =	vmul.f32 $1.442695020e+00, v63;
	(xrf1) =	vsort.dscd.msk.f32 $0xffff, v34, v4;
	v50 =	vsub.f32 v25, v45;
	v25 =	vld [tilespmem:s30+$0x0];
	s19 =	rddreg [dreg:$0x7]  }
0x519: {  	v23 =	vsub.f32 v23, v45;
	[tilespmem:s9+$0xFFFFFFE8] =	vst.msk $0xff, v10;
	v10 =	vsel vm11, $0x1, v6;
	v32 =	vld [tilespmem:s19+$0xFFFFFF40];
	v51 =	vadd.f32 v40, v49  }
0x51a: {  	s12 =	sor.u32 $0x60, s1;
	(erf) = vpow2.f32 v33;
	v53 =	vsub.f32 v24, v45;
	v52 =	vmul.f32 $1.442695020e+00, v50  }
0x51b: {  	v28 =	vld [tilespmem:s12+$0x0];
	(xrf1) =	vsort.dscd.msk.f32 $0xffff, v36, v3;
	[tilespmem:s14+$0xFFFFFFE8] =	vst.msk $0xff, v10;
	v10 =	vmul.f32 $1.442695020e+00, v23;
	(erf) = vrcp.f32 v51;
	v54, v55, _ =	vpop (xrf1)  }
0x51c: {  	v24 =	vld [tilespmem:s2+$0xFFFFFFB0];
	v23 =	vmul.f32 $1.442695020e+00, v53;
	(erf) = vpow2.f32 v52;
	v43, v46, _ =	vpop (xrf1)  }
0x51d: {  	v21 =	vsub.f32 v21, v45;
	v33 =	vld [tilespmem:s2+$0xFFFFFFA0];
	(xrf1) =	vsort.dscd.msk.f32 $0xffff, v25, v4;
	(erf) = vpow2.f32 v10;
	v10 =	vperm.xlane v54, v5;
	v42, v44, _ =	vpop (xrf1)  }
0x51e: {  	(xrf1) =	vsort.dscd.msk.f32 $0xffff, v32, v0;
	v57, v58, _ =	vpop (xrf1)  }
0x51f: {  	v21 =	vmul.f32 $1.442695020e+00, v21;
	(erf) = vpow2.f32 v23;
	vm11 =	vge.f32 v57, v10  }
0x520: {  	(xrf1) =	vsort.dscd.msk.f32 $0xffff, v28, v3;
	v56 =	vperm.xlane v55, v5;
	v10 =	vsel vm11, v57, v10  }
0x521: {  	(xrf1) =	vsort.dscd.msk.f32 $0xffff, v24, v4;
	(erf) = vpow2.f32 v21  }
0x522: {  	(xrf1) =	vsort.dscd.msk.f32 $0xffff, v33, v3;
	v63, v47, _ =	vpop (xrf1);
	v59 =	vsel vm11, v58, v56  }
0x523: {  	(xrf1) =	vsort.dscd.msk.f32 $0xffff, v10, v59;
	v10 =	vpop (erf)  }
0x524: {  	v60 =	vpop (erf)  }
0x525: {  	v61 =	vpop (erf)  }
0x526: {  	vm12 =	vlt.f32 v38, v9;
	v62 =	vpop (erf)  }
0x527: {  	vm8 =	vmand vm12, vm14;
	v38 =	vld [tilespmem:s2+$0xFFFFFF90];
	s1 =	spop (v2sf);
	v48, v49, _ =	vpop (xrf1);
	v23 =	vadd.f32 v62, v61  }
0x528: {  	vm2 =	vmxor vm8, vm14;
	s12 =	smax.f32 s1, $9.999999970e-07;
	v10 =	vmul.f32 v60, v10;
	v57 =	vpop (erf)  }
0x529: {  	v58 =	vsub.f32 v9, v45;
	v59 =	vmov s12;
	v51, v52, _ =	vpop (xrf1);
	v21 =	vadd.f32 v23, v57  }
0x52a: {  	v39 =	vld [tilespmem:s2+$0xFFFFFF80];
	(erf) = vrcp.f32 v59;
	v10 =	vnsel vm2, $0x0, v10;
	v50 =	vpop (erf)  }
0x52b: {  	(xrf2) =	vadd.scan.msk.f32 $0xffff, v10;
	v23 =	vmul.f32 $1.442695020e+00, v58;
	v21 =	vadd.f32 v21, v50;
	v50, v53, _ =	vpop (xrf1)  }
0x52c: {  	v54, v55, _ =	vpop (xrf1);
	(xrf1) =	vsort.dscd.msk.f32 $0xffff, v38, v2  }
0x52d: {  	v58 =	vperm.xlane v63, v5;
	(erf) = vpow2.f32 v23;
	(xrf2) =	vadd.scan.msk.f32 $0xffff, v21  }
0x52e: {  	v48 =	vperm.xlane v48, v5  }
0x52f: {  	v60 =	vperm.xlane v49, v5;
	vm11 =	vge.f32 v42, v58;
	v23, v56, _ =	vpop (xrf1);
	(xrf1) =	vsort.dscd.msk.f32 $0xffff, v39, v0  }
0x530: {  	v47 =	vperm.xlane v47, v5;
	vm15 =	vge.f32 v51, v48;
	v42 =	vsel vm11, v42, v58  }
0x531: {  	v48 =	vsel vm15, v51, v48;
	v52 =	vsel vm15, v52, v60;
	v49, v57, _ =	vpop (xrf1)  }
0x532: {  	v44 =	vsel vm11, v44, v47;
	(xrf1) =	vsort.dscd.msk.f32 $0xffff, v48, v52;
	v51, v59, _ =	vpop (xrf1)  }
0x533: {  	v43 =	vperm.xlane v43, v5;
	(xrf1) =	vsort.dscd.msk.f32 $0xffff, v42, v44;
	v42 =	vpop (erf)  }
0x534: {  	v46 =	vperm.xlane v46, v5;
	v40, v21, _ =	vpop (xrf1)  }
0x535: {  	v50 =	vperm.xlane v50, v5;
	vm12 =	vge.f32 v54, v43;
	v61 =	vperm.xlane v40, v6;
	v62, _, _ =	vpop (xrf2)  }
0x536: {  	v45 =	vsub.f32 v41, v45;
	v43 =	vsel vm12, v54, v43;
	v46 =	vsel vm12, v55, v46;
	v63 =	vpop (erf)  }
0x537: {  	vm15 =	vge.f32 v23, v50;
	v44 =	vmax.f32 v61, v9;
	(v2sf) =	vpush v62, $0xF;
	v58, _, _ =	vpop (xrf2)  }
0x538: {  	v37 =	vsub.f32 v37, v44;
	v48 =	vmul.f32 $6.400000000e+01, v63;
	v52 =	vbroadcast v58, $0xF  }
0x539: {  	v23 =	vsel vm15, v23, v50;
	v61 =	vperm.xlane v53, v5;
	v62 =	vperm.xlane v49, v5  }
0x53a: {  	v37 =	vmul.f32 $1.442695020e+00, v37;
	v60 =	vadd.f32 v52, v48;
	v48 =	vperm.xlane v57, v5  }
0x53b: {  	v45 =	vmul.f32 $1.442695020e+00, v45;
	(xrf1) =	vsort.dscd.msk.f32 $0xffff, v43, v46;
	v63 =	vsel vm15, v56, v61;
	vm11 =	vge.f32 v51, v62;
	v49, v50, _ =	vpop (xrf1)  }
0x53c: {  	(xrf1) =	vsort.dscd.msk.f32 $0xffff, v23, v63;
	(erf) = vpow2.f32 v37;
	v52 =	vperm.xlane v49, v5;
	v43 =	vsel vm11, v59, v48  }
0x53d: {  	(erf) = vpow2.f32 v45;
	v54, v55, _ =	vpop (xrf1)  }
0x53e: {  	v31 =	vsub.f32 v31, v44;
	(erf) = vrcp.f32 v60;
	vm12 =	vge.f32 v54, v52  }
0x53f: {  	v53 =	vsel vm11, v51, v62;
	v46 =	vperm.xlane v50, v5;
	v23 =	vsel vm12, v54, v52  }
0x540: {  	v29 =	vsub.f32 v29, v44;
	(xrf1) =	vsort.dscd.msk.f32 $0xffff, v53, v43;
	v37, v43, _ =	vpop (xrf1)  }
0x541: {  	v31 =	vmul.f32 $1.442695020e+00, v31;
	v56 =	vsel vm12, v55, v46;
	v37 =	vperm.xlane v37, v5  }
0x542: {  	v29 =	vmul.f32 $1.442695020e+00, v29;
	(xrf1) =	vsort.dscd.msk.f32 $0xffff, v23, v56;
	v23, v45, _ =	vpop (xrf1);
	v43 =	vperm.xlane v43, v5  }
0x543: {  	v30 =	vsub.f32 v30, v44;
	(erf) = vpow2.f32 v31;
	vm15 =	vge.f32 v23, v37  }
0x544: {  	(erf) = vpow2.f32 v29;
	v23 =	vsel vm15, v23, v37;
	v59 =	vsel vm15, v45, v43  }
0x545: {  	v30 =	vmul.f32 $1.442695020e+00, v30;
	v57 =	vpop (erf);
	(xrf1) =	vsort.dscd.msk.f32 $0xffff, v23, v59  }
0x546: {  	v58 =	vpop (erf);
	s3 =	spop (v2sf)  }
0x547: {  	vm11 =	vlt.f32 v41, v9;
	(erf) = vpow2.f32 v30;
	s12 =	smax.f32 s3, $9.999999970e-07;
	v60 =	vpop (erf)  }
0x548: {  	vm3 =	vmand vm11, vm14;
	v50 =	vmov s12;
	v61 =	vmul.f32 v60, v58  }
0x549: {  	vm11 =	vmxor vm3, vm14;
	v62, v63, _ =	vpop (xrf1);
	(erf) = vrcp.f32 v50  }
0x54a: {  	v51, v52, _ =	vpop (xrf1);
	v41 =	vnsel vm11, $0x0, v61  }
0x54b: {  	v31 =	vperm.xlane v51, v5;
	(xrf2) =	vadd.scan.msk.f32 $0xffff, v41  }
0x54c: {  	v53 =	vpop (erf)  }
0x54d: {  	v30 =	vadd.f32 v53, v57;
	vm12 =	vge.f32 v62, v31;
	v54 =	vpop (erf);
	v57 =	vsub.f32 v9, v44  }
0x54e: {  	vm2 =	vmmov vm2;
	v37 =	vperm.xlane v52, v5;
	v23 =	vsel vm12, v62, v31;
	v43, v45, _ =	vpop (xrf1)  }
0x54f: {  	v30 =	vadd.f32 v30, v54;
	v60 =	vmul.f32 $1.442695020e+00, v57;
	v43 =	vperm.xlane v43, v5  }
0x550: {  	v59 =	vpop (erf);
	v58 =	vperm.xlane v45, v5;
	v45 =	vmpcnt.ones.xlane vm2  }
0x551: {  	[tilespmem:v16+s20+$0x0] =	vst.idx.add.f32.msk vm4, v8;
	v29 =	vsel vm12, v63, v37;
	v30 =	vadd.f32 v30, v59;
	v56, v55, _ =	vpop (xrf1)  }
0x552: {  	(xrf1) =	vsort.dscd.msk.f32 $0xffff, v23, v29;
	(erf) = vpow2.f32 v60;
	v47 =	vsub.s32 v7, v45;
	v48 =	vpop (erf);
	vm15 =	vge.f32 v56, v43  }
0x553: {  	v49 =	vsel vm8, v47, v14;
	v61 =	vsel vm15, v56, v43;
	v62 =	vsel vm15, v55, v58;
	v37, v23, _ =	vpop (xrf1)  }
0x554: {  	v10 =	vmul.f32 v48, v10;
	[tilespmem:s7+$0x10] =	vst.msk $0xff, v49;
	(xrf1) =	vsort.dscd.msk.f32 $0xffff, v61, v62;
	v46 =	vperm.xlane v37, v6  }
0x555: {  	s18 =	rddreg [dreg:$0xd];
	v63, _, _ =	vpop (xrf2);
	(xrf2) =	vadd.scan.msk.f32 $0xffff, v30  }
0x556: {  	[tilespmem:s18+$0x10] =	vst.msk $0xff, v10;
	v43 =	vmax.f32 v46, v9  }
0x557: {  	v10 =	vsel vm8, $0x1, v6;
	s30 =	rddreg [dreg:$0x8];
	v13 =	vsub.f32 v13, v43  }
0x558: {  	s11 =	smov.u32 s7;
	s7 =	sor.u32 $0x70, s17;
	[tilespmem:s30+$0x10] =	vst.msk $0xff, v10  }
0x559: {  	v16 =	vld [tilespmem:s7+$0x0];
	v10 =	vmul.f32 $1.442695020e+00, v13  }
0x55a: {  	s13 =	sor.u32 $0x50, s17;
	(v2sf) =	vpush v63, $0xF;
	v29 =	vsub.f32 v35, v43  }
0x55b: {  	s17 =	sor.u32 $0x60, s17;
	v31 =	vld [tilespmem:s13+$0x0];
	v50 =	vsub.f32 v36, v43  }
0x55c: {  	v52 =	vsub.f32 v40, v44;
	v30 =	vld [tilespmem:s17+$0x0];
	v29 =	vmul.f32 $1.442695020e+00, v29  }
0x55d: {  	v34 =	vsub.f32 v34, v43;
	v13 =	vmul.f32 $1.442695020e+00, v50;
	(erf) = vpow2.f32 v10;
	v10 =	vpop (erf)  }
0x55e: {  	v44 =	vmul.f32 $1.442695020e+00, v52;
	s28 =	rddreg [dreg:$0xc];
	(xrf1) =	vsort.dscd.msk.f32 $0xffff, v16, v4;
	v10 =	vmul.f32 $6.400000000e+01, v10  }
0x55f: {  	v51 =	vmul.f32 $1.442695020e+00, v34;
	v34 =	vld [tilespmem:s28+$0xC0];
	(erf) = vpow2.f32 v29;
	v53, _, _ =	vpop (xrf2)  }
0x560: {  	(xrf1) =	vsort.dscd.msk.f32 $0xffff, v31, v2;
	(erf) = vpow2.f32 v13;
	v36 =	vbroadcast v53, $0xF  }
0x561: {  	(xrf1) =	vsort.dscd.msk.f32 $0xffff, v30, v3;
	(erf) = vpow2.f32 v51;
	v51 =	vld [tilespmem:$0x1FFE0]  }
0x562: {  	v29, v13, _ =	vpop (xrf1);
	(erf) = vpow2.f32 v44;
	v36 =	vadd.f32 v36, v10  }
0x563: {  	v55 =	vperm.xlane v29, v6;
	v35, v10, _ =	vpop (xrf1)  }
0x564: {  	(xrf1) =	vsort.dscd.msk.f32 $0xffff, v34, v0;
	(erf) = vrcp.f32 v36;
	v57 =	vperm.xlane v35, v6  }
0x565: {  	vm4 =	vmmov vm11;
	v54 =	vmpcnt.ones.xlane vm13;
	v36 =	vmax.f32 v55, v9  }
0x566: {  	v59 =	vsub.f32 v32, v36;
	vm11 =	vnez.u8 v51;
	v32 =	vmax.f32 v57, v9  }
0x567: {  	v56 =	vsub.s32 v7, v54;
	vm8 =	vlt.f32 v40, v9;
	v60 =	vpop (erf);
	v33 =	vsub.f32 v33, v32  }
0x568: {  	vm8 =	vmand vm8, vm14;
	v47 =	vmul.f32 $1.442695020e+00, v59;
	v61 =	vpop (erf);
	v39 =	vsub.f32 v39, v32  }
0x569: {  	s1 =	spop (v2sf);
	v45 =	vadd.f32 v61, v60;
	v62 =	vpop (erf);
	v38 =	vsub.f32 v38, v32;
	v33 =	vmul.f32 $1.442695020e+00, v33  }
0x56a: {  	s3 =	smax.f32 s1, $9.999999970e-07;
	(erf) = vpow2.f32 v47;
	v63 =	vpop (erf);
	v24 =	vsub.f32 v24, v32;
	v39 =	vmul.f32 $1.442695020e+00, v39  }
0x56b: {  	v58 =	vmov s3;
	v48 =	vpop (erf);
	v38 =	vmul.f32 $1.442695020e+00, v38;
	(erf) = vpow2.f32 v33  }
0x56c: {  	v45 =	vadd.f32 v45, v62;
	v53, v52, _ =	vpop (xrf1);
	[tilespmem:v11+s20+$0x0] =	vst.idx.add.f32.msk vm11, v8;
	v11 =	vmul.f32 $1.442695020e+00, v24;
	(erf) = vpow2.f32 v39  }
0x56d: {  	v44 =	vsel vm1, v56, v20;
	v24 =	vperm.xlane v53, v5;
	v50 =	vpop (erf);
	(erf) = vpow2.f32 v38  }
0x56e: {  	v56, v55, _ =	vpop (xrf1);
	v49 =	vadd.f32 v45, v63;
	v33 =	vmul.f32 v50, v48;
	(erf) = vrcp.f32 v58  }
0x56f: {  	vm11 =	vmxor vm8, vm14;
	v58, v57, _ =	vpop (xrf1);
	(erf) = vpow2.f32 v11;
	v11 =	vperm.xlane v52, v5  }
0x570: {  	v54 =	vsub.f32 v9, v43;
	(xrf2) =	vadd.scan.msk.f32 $0xffff, v49;
	v33 =	vnsel vm11, $0x0, v33;
	vm12 =	vge.f32 v58, v24  }
0x571: {  	v26 =	vmul.f32 v42, v26;
	s7 =	rddreg [dreg:$0x9];
	(xrf2) =	vadd.scan.msk.f32 $0xffff, v33;
	v11 =	vsel vm12, v57, v11  }
0x572: {  	v40 =	vperm.xlane v56, v5;
	[tilespmem:s7+$0x18] =	vst.msk $0xff, v44;
	v39 =	vmul.f32 $1.442695020e+00, v54;
	v61, v60, _ =	vpop (xrf1)  }
0x573: {  	v42 =	vsel vm1, $0x1, v6;
	s1 =	rddreg [dreg:$0xa];
	v24 =	vsel vm12, v58, v24;
	v62 =	vpop (erf)  }
0x574: {  	v27 =	vsub.f32 v27, v36;
	[tilespmem:s1+$0x18] =	vst.msk $0xff, v26;
	(erf) = vpow2.f32 v39;
	(xrf1) =	vsort.dscd.msk.f32 $0xffff, v24, v11;
	v11 =	vpop (erf)  }
0x575: {  	v59 =	vperm.xlane v55, v5;
	s1 =	rddreg [dreg:$0xb];
	[tilespmem:v15+s20+$0x0] =	vst.idx.add.f32.msk vm5, v8;
	vm15 =	vge.f32 v61, v40;
	v39 =	vmpcnt.ones.xlane vm4;
	v38 =	vpop (erf)  }
0x576: {  	v28 =	vsub.f32 v28, v36;
	v25 =	vsub.f32 v25, v36;
	[tilespmem:s1+$0x18] =	vst.msk $0xff, v42;
	v63 =	vsel vm15, v61, v40;
	v40 =	vpop (erf)  }
0x577: {  	[tilespmem:v20+s20+$0x0] =	vst.idx.add.f32.msk vm13, v8;
	v26 =	vsel vm15, v60, v59;
	v42 =	vsub.s32 v7, v39;
	v44 =	vpop (erf)  }
0x578: {  	v27 =	vmul.f32 $1.442695020e+00, v27;
	(xrf1) =	vsort.dscd.msk.f32 $0xffff, v63, v26;
	v46 =	vsel vm3, v42, v22;
	v47 =	vmul.f32 v44, v41  }
0x579: {  	v28 =	vmul.f32 $1.442695020e+00, v28;
	[tilespmem:s0+$0x8] =	vst.msk $0xff, v46  }
0x57a: {  	s7 =	smov.u32 s5;
	v49 =	vmul.f32 $1.442695020e+00, v25;
	(erf) = vpow2.f32 v27;
	v48, _, _ =	vpop (xrf2);
	[tilespmem:s6+$0x8] =	vst.msk $0xff, v47  }
0x57b: {  	s5 =	smov.u32 s6;
	v50 =	vsel vm3, $0x1, v6;
	(erf) = vpow2.f32 v28;
	v51, _, _ =	vpop (xrf2);
	s6 =	smov.u32 s9;
	s9 =	rddreg [dreg:$0xe]  }
0x57c: {  	(erf) = vpow2.f32 v49;
	v52 =	vpop (erf);
	(v2sf) =	vpush v51, $0xF;
	[tilespmem:s9+$0x8] =	vst.msk $0xff, v50  }
0x57d: {  	v20 =	vadd.f32 v40, v38;
	v54 =	vpop (erf)  }
0x57e: {  	v53 =	vsub.f32 v37, v43;
	s1 =	rddreg [dreg:$0x6]  }
0x57f: {  	v27 =	vbroadcast v48, $0xF;
	v11 =	vadd.f32 v20, v11;
	v20 =	vmul.f32 $6.400000000e+01, v54;
	v25 =	vld [tilespmem:s1+$0xB0]  }
0x580: {  	v15 =	vmul.f32 $1.442695020e+00, v53;
	v24 =	vld [tilespmem:s1+$0x90]  }
0x581: {  	v11 =	vadd.f32 v11, v52;
	v26 =	vld [tilespmem:s1+$0xA0];
	v20 =	vadd.f32 v27, v20  }
0x582: {  	(erf) = vpow2.f32 v15  }
0x583: {  	v55 =	vsub.f32 v9, v32;
	(xrf2) =	vadd.scan.msk.f32 $0xffff, v11;
	(erf) = vrcp.f32 v20  }
0x584: {  	v11 =	vsub.f32 v9, v36;
	v59, v58, _ =	vpop (xrf1);
	(xrf1) =	vsort.dscd.msk.f32 $0xffff, v25, v4  }
0x585: {  	v57 =	vmul.f32 $1.442695020e+00, v55;
	v56 =	vpop (erf);
	v27 =	vld [tilespmem:s1+$0x80];
	v20 =	vperm.xlane v59, v5;
	(xrf1) =	vsort.dscd.msk.f32 $0xffff, v24, v2  }
0x586: {  	v38 =	vadd.f32 v56, v62;
	v11 =	vmul.f32 $1.442695020e+00, v11;
	v63, v62, _ =	vpop (xrf1);
	(xrf1) =	vsort.dscd.msk.f32 $0xffff, v26, v3  }
0x587: {  	(erf) = vpow2.f32 v57;
	vm12 =	vge.f32 v63, v20  }
0x588: {  	v61 =	vperm.xlane v58, v5;
	(erf) = vpow2.f32 v11;
	v11 =	vsel vm12, v63, v20  }
0x589: {  	v60 =	vpop (erf)  }
0x58a: {  	v44 =	vpop (erf);
	v15 =	vsel vm12, v62, v61;
	(xrf1) =	vsort.dscd.msk.f32 $0xffff, v27, v0  }
0x58b: {  	(xrf1) =	vsort.dscd.msk.f32 $0xffff, v11, v15;
	v11 =	vpop (erf)  }
0x58c: {  	v46 =	vpop (erf)  }
0x58d: {  	vm13 =	vlt.f32 v37, v9;
	v38 =	vadd.f32 v38, v60;
	s12 =	spop (v2sf);
	v11 =	vmul.f32 v46, v11  }
0x58e: {  	vm1 =	vmand vm13, vm14;
	v48 =	vsub.f32 v29, v36;
	v50, _, _ =	vpop (xrf2);
	s3 =	smax.f32 s12, $9.999999970e-07  }
0x58f: {  	v45 =	vadd.f32 v38, v44;
	v36 =	vbroadcast v50, $0xF;
	v47 =	vmov s3  }
0x590: {  	v32 =	vsub.f32 v35, v32;
	vm3 =	vmxor vm1, vm14;
	v49 =	vpop (erf);
	(erf) = vrcp.f32 v47  }
0x591: {  	(xrf2) =	vadd.scan.msk.f32 $0xffff, v45;
	v51 =	vmul.f32 $6.400000000e+01, v49;
	v15 =	vnsel vm3, $0x0, v11;
	v11 =	vpop (erf)  }
0x592: {  	v53 =	vmul.f32 $1.442695020e+00, v32;
	v55, v54, _ =	vpop (xrf1)  }
0x593: {  	v56 =	vmul.f32 $6.400000000e+01, v11;
	v11 =	vadd.f32 v36, v51;
	v32 =	vperm.xlane v55, v5;
	v36, v37, _ =	vpop (xrf1)  }
0x594: {  	(xrf2) =	vadd.scan.msk.f32 $0xffff, v15;
	v59, v58, _ =	vpop (xrf1)  }
0x595: {  	vm11 =	vmmov vm11;
	(erf) = vpow2.f32 v53;
	vm15 =	vge.f32 v59, v32  }
0x596: {  	v63 =	vmpcnt.ones.xlane vm11;
	(erf) = vrcp.f32 v11;
	v11 =	vsel vm15, v59, v32  }
0x597: {  	v57 =	vperm.xlane v54, v5  }
0x598: {  	v52 =	vmul.f32 $1.442695020e+00, v48;
	[tilespmem:v17+s20+$0x0] =	vst.idx.add.f32.msk vm6, v8;
	v48 =	vsub.s32 v7, v63;
	v36 =	vperm.xlane v36, v5;
	v61, v62, _ =	vpop (xrf1)  }
0x599: {  	v17 =	vsel vm8, v48, v21;
	v37 =	vperm.xlane v37, v5;
	v49 =	vpop (erf);
	v28 =	vsel vm15, v58, v57  }
0x59a: {  	vm5 =	vge.f32 v61, v36;
	v20 =	vmul.f32 v49, v33;
	(xrf1) =	vsort.dscd.msk.f32 $0xffff, v11, v28;
	v32, v11, _ =	vpop (xrf1)  }
0x59b: {  	v60, _, _ =	vpop (xrf2);
	v44 =	vsel vm5, v61, v36;
	v45 =	vsel vm5, v62, v37;
	v46 =	vperm.xlane v32, v6  }
0x59c: {  	[tilespmem:s21+$0x0] =	vst.msk $0xff, v17;
	v41 =	vbroadcast v60, $0xF;
	(xrf1) =	vsort.dscd.msk.f32 $0xffff, v44, v45  }
0x59d: {  	[tilespmem:s22+$0x0] =	vst.msk $0xff, v20;
	v36 =	vmax.f32 v46, v9  }
0x59e: {  	v47 =	vadd.f32 v41, v56;
	(erf) = vpow2.f32 v52;
	v50, _, _ =	vpop (xrf2);
	s17 =	rddreg [dreg:$0x12];
	v51 =	vsub.f32 v34, v36  }
0x59f: {  	v54 =	vsel vm8, $0x1, v6;
	(v2sf) =	vpush v50, $0xF;
	s3 =	sadd.s32 $0xFFFFFF80, s17;
	v52 =	vsub.f32 v31, v36  }
0x5a0: {  	(erf) = vrcp.f32 v47;
	[tilespmem:s29+$0x0] =	vst.msk $0xff, v54;
	s13 =	sor.u32 $0x50, s3;
	v33 =	vmul.f32 $1.442695020e+00, v51  }
0x5a1: {  	s28 =	smov.u32 s0;
	s0 =	sor.u32 $0x70, s3;
	v28 =	vld [tilespmem:s13+$0x0];
	v30 =	vsub.f32 v30, v36;
	v17 =	vmul.f32 $1.442695020e+00, v52  }
0x5a2: {  	v53 =	vpop (erf);
	v20 =	vld [tilespmem:s0+$0x0];
	(erf) = vpow2.f32 v33  }
0x5a3: {  	v55 =	vpop (erf);
	v16 =	vsub.f32 v16, v36;
	v56 =	vmul.f32 $1.442695020e+00, v30;
	(erf) = vpow2.f32 v17  }
0x5a4: {  	vm12 =	vlt.f32 v35, v9;
	s3 =	sor.u32 $0x60, s3;
	v34 =	vmul.f32 v55, v53;
	v31 =	vld [tilespmem:s25+$0x40]  }
0x5a5: {  	vm6 =	vmand vm12, vm14;
	v30 =	vld [tilespmem:s3+$0x0];
	v16 =	vmul.f32 $1.442695020e+00, v16;
	(erf) = vpow2.f32 v56  }
0x5a6: {  	vm8 =	vmxor vm6, vm14;
	(xrf1) =	vsort.dscd.msk.f32 $0xffff, v28, v2  }
0x5a7: {  	v57 =	vpop (erf);
	(xrf1) =	vsort.dscd.msk.f32 $0xffff, v20, v4;
	v17 =	vnsel vm8, $0x0, v34;
	(erf) = vpow2.f32 v16  }
0x5a8: {  	(xrf2) =	vadd.scan.msk.f32 $0xffff, v17;
	v59, v58, _ =	vpop (xrf1)  }
0x5a9: {  	v60 =	vpop (erf);
	(xrf1) =	vsort.dscd.msk.f32 $0xffff, v31, v0;
	v16 =	vperm.xlane v59, v5  }
0x5aa: {  	vm13 =	vlt.f32 v29, v9;
	(xrf1) =	vsort.dscd.msk.f32 $0xffff, v30, v3;
	v61 =	vperm.xlane v58, v5;
	v63, v62, _ =	vpop (xrf1)  }
0x5ab: {  	vm5 =	vmand vm13, vm14;
	vm15 =	vge.f32 v63, v16;
	v40 =	vpop (erf)  }
0x5ac: {  	v33 =	vmul.f32 v60, v57;
	v16 =	vsel vm15, v63, v16;
	v29 =	vsel vm15, v62, v61;
	v41 =	vpop (erf)  }
0x5ad: {  	vm13 =	vmxor vm5, vm14;
	(xrf1) =	vsort.dscd.msk.f32 $0xffff, v16, v29;
	v42 =	vadd.f32 v41, v40  }
0x5ae: {  	v34 =	vnsel vm13, $0x0, v33;
	s12 =	spop (v2sf);
	v43 =	vpop (erf)  }
0x5af: {  	v44 =	vsub.f32 v9, v36;
	(xrf2) =	vadd.scan.msk.f32 $0xffff, v34;
	s3 =	smax.f32 s12, $9.999999970e-07;
	v16 =	vadd.f32 v42, v43  }
0x5b0: {  	v45 =	vmov s3;
	v46 =	vpop (erf)  }
0x5b1: {  	v29 =	vmul.f32 $1.442695020e+00, v44;
	(erf) = vrcp.f32 v45;
	v16 =	vadd.f32 v16, v46  }
0x5b2: {  	v47, _, _ =	vpop (xrf2)  }
0x5b3: {  	(erf) = vpow2.f32 v29;
	(v2sf) =	vpush v47, $0xF;
	(xrf2) =	vadd.scan.msk.f32 $0xffff, v16;
	_ =	sdelay $0x1  }
0x5b4: {  	v48, v49, _ =	vpop (xrf1)  }
0x5b5: {  	v51, v52, _ =	vpop (xrf1);
	v16 =	vperm.xlane v48, v5  }
0x5b6: {  	v53 =	vperm.xlane v49, v5;
	v54 =	vperm.xlane v51, v5;
	v56, v55, _ =	vpop (xrf1)  }
0x5b7: {  	vm12 =	vmmov vm3;
	[tilespmem:v19+s20+$0x0] =	vst.idx.add.f32.msk vm10, v8;
	v37 =	vperm.xlane v52, v5;
	v58, v57, _ =	vpop (xrf1);
	vm10 =	vge.f32 v56, v16  }
0x5b8: {  	v59, _, _ =	vpop (xrf2);
	vm15 =	vge.f32 v58, v54;
	v16 =	vsel vm10, v56, v16;
	v19 =	vsel vm10, v55, v53  }
0x5b9: {  	v50 =	vmpcnt.ones.xlane vm12;
	v60 =	vpop (erf);
	v29 =	vsel vm15, v58, v54;
	v37 =	vsel vm15, v57, v37;
	(xrf1) =	vsort.dscd.msk.f32 $0xffff, v16, v19  }
0x5ba: {  	v62 =	vmul.f32 v60, v15;
	(xrf1) =	vsort.dscd.msk.f32 $0xffff, v29, v37;
	v35, v15, _ =	vpop (xrf1)  }
0x5bb: {  	v33 =	vsub.s32 v7, v50;
	v40 =	vpop (erf);
	v63 =	vperm.xlane v35, v6  }
0x5bc: {  	v61 =	vsel vm1, v33, v23;
	v41 =	vsel vm1, $0x1, v6;
	v42 =	vsub.f32 v32, v36;
	v43, _, _ =	vpop (xrf2)  }
0x5bd: {  	[tilespmem:s23+$0xFFFFFFF8] =	vst.msk $0xff, v61;
	v44 =	vmul.f32 $6.400000000e+01, v40;
	v37 =	vmax.f32 v63, v9;
	v45 =	vbroadcast v43, $0xF  }
0x5be: {  	s24 =	smov.u32 s15;
	(v2sf) =	vpush v59, $0xF;
	v33 =	vmul.f32 $1.442695020e+00, v42;
	[tilespmem:s26+$0xFFFFFFF8] =	vst.msk $0xff, v62;
	v27 =	vsub.f32 v27, v37  }
0x5bf: {  	s15 =	smov.u32 s4;
	[tilespmem:s24+$0xFFFFFFF8] =	vst.msk $0xff, v41;
	v46 =	vsub.f32 v24, v37;
	v16 =	vadd.f32 v45, v44  }
0x5c0: {  	(erf) = vpow2.f32 v33;
	v19 =	vld [tilespmem:s15+$0x30];
	v47 =	vmul.f32 $1.442695020e+00, v27  }
0x5c1: {  	v24 =	vld [tilespmem:s15+$0x20];
	v26 =	vsub.f32 v26, v37;
	s13 =	spop (v2sf);
	v36 =	vmul.f32 $1.442695020e+00, v46;
	(erf) = vrcp.f32 v16  }
0x5c2: {  	v25 =	vsub.f32 v25, v37;
	v27 =	vld [tilespmem:s15+$0x10];
	s3 =	smax.f32 s13, $9.999999970e-07;
	(erf) = vpow2.f32 v47  }
0x5c3: {  	v26 =	vmul.f32 $1.442695020e+00, v26;
	v48 =	vmov s3;
	(erf) = vpow2.f32 v36  }
0x5c4: {  	v33 =	vld [tilespmem:s15+$0x0];
	(erf) = vrcp.f32 v48  }
0x5c5: {  	v49 =	vmul.f32 $1.442695020e+00, v25;
	(xrf1) =	vsort.dscd.msk.f32 $0xffff, v19, v4;
	(erf) = vpow2.f32 v26  }
0x5c6: {  	(xrf1) =	vsort.dscd.msk.f32 $0xffff, v24, v3  }
0x5c7: {  	(xrf1) =	vsort.dscd.msk.f32 $0xffff, v27, v2;
	v50, v51, _ =	vpop (xrf1);
	(erf) = vpow2.f32 v49  }
0x5c8: {  	v53, v52, _ =	vpop (xrf1)  }
0x5c9: {  	v54 =	vpop (erf);
	(xrf1) =	vsort.dscd.msk.f32 $0xffff, v33, v0;
	v16 =	vperm.xlane v53, v5  }
0x5ca: {  	v29 =	vperm.xlane v52, v5;
	v55 =	vpop (erf)  }
0x5cb: {  	vm8 =	vmmov vm8;
	vm10 =	vlt.f32 v32, v9;
	vm15 =	vge.f32 v50, v16;
	v57 =	vpop (erf)  }
0x5cc: {  	v56 =	vmpcnt.ones.xlane vm8;
	v16 =	vsel vm15, v50, v16;
	v58 =	vsel vm15, v51, v29;
	v59 =	vpop (erf)  }
0x5cd: {  	vm1 =	vmand vm10, vm14;
	s0 =	spop (v2sf);
	(xrf1) =	vsort.dscd.msk.f32 $0xffff, v16, v58;
	v32 =	vmul.f32 v55, v54;
	v61 =	vpop (erf);
	v62 =	vadd.f32 v59, v57  }
0x5ce: {  	vm3 =	vmxor vm1, vm14;
	v60 =	vsub.s32 v7, v56;
	v40 =	vsub.f32 v9, v37;
	s3 =	smax.f32 s0, $9.999999970e-07;
	v39 =	vpop (erf)  }
0x5cf: {  	[tilespmem:v18+s20+$0x0] =	vst.idx.add.f32.msk vm9, v8;
	v63 =	vmov s3;
	v16 =	vnsel vm3, $0x0, v32;
	v25 =	vadd.f32 v62, v39  }
0x5d0: {  	v38 =	vsel vm6, v60, v10;
	(xrf2) =	vadd.scan.msk.f32 $0xffff, v16;
	v17 =	vmul.f32 v61, v17;
	(erf) = vrcp.f32 v63;
	v41 =	vpop (erf)  }
0x5d1: {  	[tilespmem:s7+$0xFFFFFFF0] =	vst.msk $0xff, v38;
	v29 =	vmul.f32 $1.442695020e+00, v40;
	v18 =	vadd.f32 v25, v41  }
0x5d2: {  	v42 =	vsel vm6, $0x1, v6;
	[tilespmem:s6+$0xFFFFFFF0] =	vst.msk $0xff, v17  }
0x5d3: {  	v44, v43, _ =	vpop (xrf1);
	(erf) = vpow2.f32 v29;
	[tilespmem:s14+$0xFFFFFFF0] =	vst.msk $0xff, v42;
	(xrf2) =	vadd.scan.msk.f32 $0xffff, v18  }
0x5d4: {  	v45 =	vperm.xlane v44, v5;
	v48, v47, _ =	vpop (xrf1);
	v25 =	vld [tilespmem:s2+$0xFFFFFFC0]  }
0x5d5: {  	v46 =	vperm.xlane v43, v5;
	v50, v49, _ =	vpop (xrf1)  }
0x5d6: {  	vm10 =	vge.f32 v48, v45;
	v18 =	vperm.xlane v50, v5  }
0x5d7: {  	v17 =	vsel vm10, v48, v45;
	v51 =	vsel vm10, v47, v46;
	v52 =	vperm.xlane v49, v5;
	v54, v53, _ =	vpop (xrf1)  }
0x5d8: {  	vm6 =	vmmov vm7;
	(xrf1) =	vsort.dscd.msk.f32 $0xffff, v17, v51;
	s0 =	rddreg [dreg:$0x10];
	vm15 =	vge.f32 v54, v18  }
0x5d9: {  	vm6 =	vmmov vm13;
	s3 =	sadd.s32 $0xFFFFFF00, s0;
	v55 =	vsel vm15, v54, v18;
	v56 =	vsel vm15, v53, v52;
	(xrf1) =	vsort.dscd.msk.f32 $0xffff, v25, v0;
	v58 =	vpop (erf)  }
0x5da: {  	s4 =	smov.u32 s2;
	v59 =	vmpcnt.ones.xlane vm6;
	s2 =	sor.u32 $0x50, s3;
	v57, _, _ =	vpop (xrf2);
	(xrf1) =	vsort.dscd.msk.f32 $0xffff, v55, v56  }
0x5db: {  	v37 =	vsub.f32 v35, v37;
	v29 =	vld [tilespmem:s2+$0x0];
	v36, v17, _ =	vpop (xrf1)  }
0x5dc: {  	v39 =	vsub.s32 v7, v59;
	s13 =	sor.u32 $0x70, s3;
	v61 =	vpop (erf);
	v60 =	vperm.xlane v36, v6  }
0x5dd: {  	v62 =	vsel vm5, v39, v13;
	v45 =	vmul.f32 $1.442695020e+00, v37;
	v26 =	vld [tilespmem:s13+$0x0];
	v63, _, _ =	vpop (xrf2)  }
0x5de: {  	v41 =	vmul.f32 $6.400000000e+01, v61;
	v40 =	vmax.f32 v60, v9;
	v39 =	vbroadcast v63, $0xF  }
0x5df: {  	[tilespmem:v12+s20+$0x0] =	vst.idx.add.f32.msk vm7, v8;
	s3 =	sor.u32 $0x60, s3;
	v43 =	vmul.f32 v58, v34;
	(v2sf) =	vpush v57, $0xF;
	v44 =	vsub.f32 v31, v40  }
0x5e0: {  	[tilespmem:s31+$0xFFFFFFE8] =	vst.msk $0xff, v62;
	v32 =	vld [tilespmem:s3+$0x0];
	(xrf1) =	vsort.dscd.msk.f32 $0xffff, v29, v2;
	v28 =	vsub.f32 v28, v40;
	v46 =	vadd.f32 v39, v41  }
0x5e1: {  	v47 =	vsel vm5, $0x1, v6;
	(erf) = vpow2.f32 v45;
	[tilespmem:s16+$0xFFFFFFE8] =	vst.msk $0xff, v43;
	v18 =	vmul.f32 $1.442695020e+00, v44  }
0x5e2: {  	(xrf1) =	vsort.dscd.msk.f32 $0xffff, v26, v4;
	v49 =	vsub.f32 v30, v40;
	v48 =	vmul.f32 $1.442695020e+00, v28;
	(erf) = vrcp.f32 v46  }
0x5e3: {  	[tilespmem:s10+$0xFFFFFFE8] =	vst.msk $0xff, v47;
	(erf) = vpow2.f32 v18  }
0x5e4: {  	v20 =	vsub.f32 v20, v40;
	v28 =	vld [tilespmem:s19+$0xFFFFFFB0];
	v31 =	vmul.f32 $1.442695020e+00, v49;
	(erf) = vpow2.f32 v48  }
0x5e5: {  	(xrf1) =	vsort.dscd.msk.f32 $0xffff, v32, v3;
	v30 =	vld [tilespmem:s19+$0xFFFFFFA0]  }
0x5e6: {  	v20 =	vmul.f32 $1.442695020e+00, v20;
	v51, v50, _ =	vpop (xrf1);
	(erf) = vpow2.f32 v31  }
0x5e7: {  	v52 =	vperm.xlane v51, v5;
	v18, v37, _ =	vpop (xrf1)  }
0x5e8: {  	v34 =	vperm.xlane v50, v5;
	v53, v54, _ =	vpop (xrf1);
	(erf) = vpow2.f32 v20  }
0x5e9: {  	(xrf1) =	vsort.dscd.msk.f32 $0xffff, v28, v4;
	v31 =	vld [tilespmem:s19+$0xFFFFFF90];
	vm0 =	vge.f32 v53, v52  }
0x5ea: {  	v58 =	vpop (erf);
	(xrf1) =	vsort.dscd.msk.f32 $0xffff, v30, v3;
	v12 =	vsel vm0, v53, v52;
	v34 =	vsel vm0, v54, v34  }
0x5eb: {  	(xrf1) =	vsort.dscd.msk.f32 $0xffff, v12, v34;
	v59 =	vpop (erf)  }
0x5ec: {  	vm9 =	vlt.f32 v35, v9;
	v60 =	vpop (erf)  }
0x5ed: {  	vm7 =	vmand vm9, vm14;
	v12 =	vmul.f32 v59, v58;
	v61 =	vpop (erf)  }
0x5ee: {  	vm5 =	vmxor vm7, vm14;
	v55, v42, _ =	vpop (xrf1);
	v34 =	vld [tilespmem:s19+$0xFFFFFF80];
	(xrf1) =	vsort.dscd.msk.f32 $0xffff, v31, v2;
	v35 =	vadd.f32 v61, v60  }
0x5ef: {  	v50 =	vsub.f32 v9, v40;
	s2 =	spop (v2sf);
	v12 =	vnsel vm5, $0x0, v12;
	v49 =	vpop (erf)  }
0x5f0: {  	v57, v56, _ =	vpop (xrf1);
	s3 =	smax.f32 s2, $9.999999970e-07;
	(xrf2) =	vadd.scan.msk.f32 $0xffff, v12;
	v35 =	vadd.f32 v35, v49  }
0x5f1: {  	v54 =	vmul.f32 $1.442695020e+00, v50;
	v51 =	vperm.xlane v55, v5;
	v48 =	vmov s3;
	v52 =	vpop (erf)  }
0x5f2: {  	v20 =	vperm.xlane v57, v5;
	(erf) = vrcp.f32 v48;
	v35 =	vadd.f32 v35, v52  }
0x5f3: {  	v42 =	vperm.xlane v42, v5;
	v63, v62, _ =	vpop (xrf1);
	v43 =	vperm.xlane v56, v5;
	(xrf1) =	vsort.dscd.msk.f32 $0xffff, v34, v0  }
0x5f4: {  	vm13 =	vge.f32 v18, v51;
	vm10 =	vge.f32 v63, v20;
	(erf) = vpow2.f32 v54;
	(xrf2) =	vadd.scan.msk.f32 $0xffff, v35  }
0x5f5: {  	v18 =	vsel vm13, v18, v51;
	v20 =	vsel vm10, v63, v20;
	v53 =	vsel vm10, v62, v43  }
0x5f6: {  	(xrf1) =	vsort.dscd.msk.f32 $0xffff, v20, v53  }
0x5f7: {  	v55 =	vsel vm13, v37, v42;
	v57, v56, _ =	vpop (xrf1)  }
0x5f8: {  	(xrf1) =	vsort.dscd.msk.f32 $0xffff, v18, v55;
	v59, v58, _ =	vpop (xrf1)  }
0x5f9: {  	v35, v18, _ =	vpop (xrf1)  }
0x5fa: {  	v40 =	vsub.f32 v36, v40;
	v60 =	vperm.xlane v35, v6;
	v61, _, _ =	vpop (xrf2)  }
0x5fb: {  	v37 =	vperm.xlane v57, v5;
	v20 =	vpop (erf);
	(v2sf) =	vpush v61, $0xF  }
0x5fc: {  	v40 =	vmul.f32 $1.442695020e+00, v40;
	v62, v63, _ =	vpop (xrf1);
	v42 =	vmax.f32 v60, v9  }
0x5fd: {  	v38 =	vperm.xlane v56, v5;
	vm15 =	vge.f32 v59, v37;
	v48 =	vpop (erf);
	v33 =	vsub.f32 v33, v42  }
0x5fe: {  	v37 =	vsel vm15, v59, v37;
	v44 =	vperm.xlane v62, v5;
	v50 =	vmul.f32 $6.400000000e+01, v48;
	v49, _, _ =	vpop (xrf2)  }
0x5ff: {  	v38 =	vsel vm15, v58, v38;
	v33 =	vmul.f32 $1.442695020e+00, v33;
	v51 =	vbroadcast v49, $0xF  }
0x600: {  	v45 =	vperm.xlane v63, v5;
	v27 =	vsub.f32 v27, v42;
	v24 =	vsub.f32 v24, v42  }
0x601: {  	v19 =	vsub.f32 v19, v42;
	v53, v52, _ =	vpop (xrf1);
	(erf) = vpow2.f32 v33;
	v54 =	vadd.f32 v51, v50  }
0x602: {  	(xrf1) =	vsort.dscd.msk.f32 $0xffff, v37, v38;
	vm9 =	vge.f32 v53, v44;
	v27 =	vmul.f32 $1.442695020e+00, v27;
	(erf) = vpow2.f32 v40  }
0x603: {  	v55 =	vsel vm9, v53, v44;
	v58 =	vsel vm9, v52, v45;
	(erf) = vrcp.f32 v54  }
0x604: {  	v57, v56, _ =	vpop (xrf1);
	v24 =	vmul.f32 $1.442695020e+00, v24;
	(xrf1) =	vsort.dscd.msk.f32 $0xffff, v55, v58;
	(erf) = vpow2.f32 v27  }
0x605: {  	v19 =	vmul.f32 $1.442695020e+00, v19;
	v38 =	vperm.xlane v57, v5  }
0x606: {  	v59, v60, _ =	vpop (xrf1);
	v39 =	vperm.xlane v56, v5;
	(erf) = vpow2.f32 v24  }
0x607: {  	vm10 =	vge.f32 v59, v38  }
0x608: {  	v61 =	vsel vm10, v59, v38;
	v62 =	vsel vm10, v60, v39;
	(erf) = vpow2.f32 v19  }
0x609: {  	(xrf1) =	vsort.dscd.msk.f32 $0xffff, v61, v62  }
0x60a: {  	v63 =	vpop (erf);
	s12 =	spop (v2sf)  }
0x60b: {  	v40 =	vpop (erf);
	s3 =	smax.f32 s12, $9.999999970e-07  }
0x60c: {  	v43 =	vmov s3;
	v41 =	vpop (erf)  }
0x60d: {  	(erf) = vrcp.f32 v43;
	v44 =	vpop (erf)  }
0x60e: {  	vm13 =	vlt.f32 v36, v9;
	v19 =	vadd.f32 v44, v63  }
0x60f: {  	vm9 =	vmand vm13, vm14;
	v50 =	vsub.f32 v9, v42;
	v24 =	vmul.f32 v41, v40;
	v47 =	vpop (erf)  }
0x610: {  	vm10 =	vmxor vm9, vm14;
	v46, v45, _ =	vpop (xrf1);
	v19 =	vadd.f32 v19, v47  }
0x611: {  	v27 =	vmul.f32 $1.442695020e+00, v50;
	v33 =	vnsel vm10, $0x0, v24;
	v24 =	vperm.xlane v46, v5;
	v51 =	vpop (erf)  }
0x612: {  	v49, v48, _ =	vpop (xrf1);
	v19 =	vadd.f32 v19, v51  }
0x613: {  	vm5 =	vmmov vm5;
	(erf) = vpow2.f32 v27;
	(xrf2) =	vadd.scan.msk.f32 $0xffff, v33;
	vm15 =	vge.f32 v49, v24  }
0x614: {  	v52 =	vmpcnt.ones.xlane vm5;
	v36 =	vperm.xlane v45, v5;
	v24 =	vsel vm15, v49, v24  }
0x615: {  	(xrf2) =	vadd.scan.msk.f32 $0xffff, v19  }
0x616: {  	[tilespmem:v22+s20+$0x0] =	vst.idx.add.f32.msk vm4, v8;
	v54 =	vsub.s32 v7, v52;
	v36 =	vsel vm15, v48, v36;
	v55 =	vpop (erf)  }
0x617: {  	v56 =	vsel vm7, v54, v15;
	(xrf1) =	vsort.dscd.msk.f32 $0xffff, v24, v36;
	v12 =	vmul.f32 v55, v12;
	v24, v19, _ =	vpop (xrf1)  }
0x618: {  	[tilespmem:s28+$0x10] =	vst.msk $0xff, v56;
	v53 =	vperm.xlane v24, v6  }
0x619: {  	v58 =	vsel vm7, $0x1, v6;
	[tilespmem:s5+$0x10] =	vst.msk $0xff, v12  }
0x61a: {  	[tilespmem:s9+$0x10] =	vst.msk $0xff, v58;
	v36 =	vmax.f32 v53, v9  }
0x61b: {  	s2 =	rddreg [dreg:$0x13];
	v25 =	vsub.f32 v25, v36  }
0x61c: {  	v60 =	vpop (erf);
	v29 =	vsub.f32 v29, v36;
	s13 =	sor.u32 $0x70, s2;
	v32 =	vsub.f32 v32, v36  }
0x61d: {  	v12 =	vmul.f32 $6.400000000e+01, v60;
	v57, _, _ =	vpop (xrf2);
	s12 =	sor.u32 $0x50, s2;
	v26 =	vsub.f32 v26, v36;
	v22 =	vld [tilespmem:s13+$0x0];
	v59 =	vmul.f32 $1.442695020e+00, v25  }
0x61e: {  	(v2sf) =	vpush v57, $0xF;
	s2 =	sor.u32 $0x60, s2;
	v27 =	vld [tilespmem:s12+$0x0];
	v29 =	vmul.f32 $1.442695020e+00, v29;
	v32 =	vmul.f32 $1.442695020e+00, v32  }
0x61f: {  	v62 =	vsub.f32 v35, v42;
	v25 =	vld [tilespmem:s2+$0x0];
	v61 =	vmul.f32 $1.442695020e+00, v26;
	v63, _, _ =	vpop (xrf2);
	(erf) = vpow2.f32 v59  }
0x620: {  	v38 =	vbroadcast v63, $0xF;
	(erf) = vpow2.f32 v29  }
0x621: {  	v39 =	vmul.f32 $1.442695020e+00, v62;
	v26 =	vld [tilespmem:s1+$0xC0];
	(erf) = vpow2.f32 v32  }
0x622: {  	(xrf1) =	vsort.dscd.msk.f32 $0xffff, v22, v4;
	v40 =	vadd.f32 v38, v12;
	(erf) = vpow2.f32 v61  }
0x623: {  	(xrf1) =	vsort.dscd.msk.f32 $0xffff, v27, v2;
	(erf) = vpow2.f32 v39  }
0x624: {  	(xrf1) =	vsort.dscd.msk.f32 $0xffff, v25, v3;
	(erf) = vrcp.f32 v40  }
0x625: {  	v32, v12, _ =	vpop (xrf1)  }
0x626: {  	v41 =	vperm.xlane v32, v6;
	(xrf1) =	vsort.dscd.msk.f32 $0xffff, v26, v0;
	_ =	sdelay $0x1  }
0x627: {  	v37 =	vmax.f32 v41, v9;
	v42 =	vpop (erf)  }
0x628: {  	v30 =	vsub.f32 v30, v37;
	v43 =	vpop (erf)  }
0x629: {  	v34 =	vsub.f32 v34, v37;
	v29 =	vadd.f32 v43, v42;
	v44 =	vpop (erf)  }
0x62a: {  	vm4 =	vlt.f32 v35, v9;
	v31 =	vsub.f32 v31, v37;
	v30 =	vmul.f32 $1.442695020e+00, v30;
	v46 =	vpop (erf)  }
0x62b: {  	vm13 =	vmand vm4, vm14;
	v34 =	vmul.f32 $1.442695020e+00, v34;
	v29 =	vadd.f32 v29, v44;
	v47 =	vpop (erf)  }
0x62c: {  	v28 =	vsub.f32 v28, v37;
	v31 =	vmul.f32 $1.442695020e+00, v31;
	(erf) = vpow2.f32 v30;
	s13 =	spop (v2sf);
	v48 =	vpop (erf)  }
0x62d: {  	(erf) = vpow2.f32 v34;
	s1 =	smax.f32 s13, $9.999999970e-07;
	v29 =	vadd.f32 v29, v46;
	v30 =	vmul.f32 v48, v47  }
0x62e: {  	vm4 =	vmxor vm13, vm14;
	(erf) = vpow2.f32 v31;
	v45 =	vmov s1  }
0x62f: {  	v28 =	vmul.f32 $1.442695020e+00, v28;
	(erf) = vrcp.f32 v45;
	v49, v50, _ =	vpop (xrf1);
	(xrf2) =	vadd.scan.msk.f32 $0xffff, v29;
	v39 =	vnsel vm4, $0x0, v30  }
0x630: {  	v51 =	vsub.f32 v9, v36;
	v31 =	vperm.xlane v49, v5;
	v53, v52, _ =	vpop (xrf1);
	(xrf2) =	vadd.scan.msk.f32 $0xffff, v39  }
0x631: {  	(erf) = vpow2.f32 v28;
	v54 =	vperm.xlane v50, v5;
	v55, v56, _ =	vpop (xrf1)  }
0x632: {  	v29 =	vmul.f32 $1.442695020e+00, v51;
	v35 =	vperm.xlane v53, v5;
	vm7 =	vge.f32 v55, v31  }
0x633: {  	v38 =	vperm.xlane v52, v5;
	v57, v58, _ =	vpop (xrf1);
	v30 =	vsel vm7, v55, v31;
	v28 =	vsel vm7, v56, v54  }
0x634: {  	(erf) = vpow2.f32 v29;
	vm15 =	vge.f32 v57, v35;
	(xrf1) =	vsort.dscd.msk.f32 $0xffff, v30, v28  }
0x635: {  	v59 =	vpop (erf);
	vm7 =	vmmov vm10;
	v60 =	vsel vm15, v57, v35;
	v61 =	vsel vm15, v58, v38  }
0x636: {  	v62 =	vpop (erf);
	v63 =	vmpcnt.ones.xlane vm7;
	(xrf1) =	vsort.dscd.msk.f32 $0xffff, v60, v61  }
0x637: {  	v38 =	vpop (erf)  }
0x638: {  	v40 =	vsub.s32 v7, v63;
	v41 =	vpop (erf)  }
0x639: {  	[tilespmem:v21+s20+$0x0] =	vst.idx.add.f32.msk vm11, v8;
	v42 =	vsel vm9, v40, v17;
	v43 =	vmul.f32 v41, v33;
	v44, _, _ =	vpop (xrf2)  }
0x63a: {  	[tilespmem:s21+$0x8] =	vst.msk $0xff, v42;
	v47, _, _ =	vpop (xrf2)  }
0x63b: {  	v46 =	vsel vm9, $0x1, v6;
	v45 =	vadd.f32 v38, v62;
	[tilespmem:s22+$0x8] =	vst.msk $0xff, v43;
	(v2sf) =	vpush v47, $0xF  }
0x63c: {  	v48 =	vpop (erf);
	[tilespmem:s29+$0x8] =	vst.msk $0xff, v46  }
0x63d: {  	v49 =	vsub.f32 v24, v36;
	v28 =	vadd.f32 v45, v59;
	v50 =	vpop (erf);
	v21 =	vld [tilespmem:s25+$0xB0]  }
0x63e: {  	v33 =	vbroadcast v44, $0xF;
	v30 =	vld [tilespmem:s25+$0x90];
	v51 =	vmul.f32 $6.400000000e+01, v50  }
0x63f: {  	v52 =	vmul.f32 $1.442695020e+00, v49;
	v28 =	vadd.f32 v28, v48;
	v29 =	vld [tilespmem:s25+$0xA0]  }
0x640: {  	v53 =	vsub.f32 v9, v37;
	v33 =	vadd.f32 v33, v51  }
0x641: {  	(erf) = vpow2.f32 v52;
	v31 =	vld [tilespmem:s25+$0x80];
	(xrf2) =	vadd.scan.msk.f32 $0xffff, v28  }
0x642: {  	v54 =	vmul.f32 $1.442695020e+00, v53;
	(erf) = vrcp.f32 v33;
	(xrf1) =	vsort.dscd.msk.f32 $0xffff, v21, v4;
	v55, v34, _ =	vpop (xrf1)  }
0x643: {  	(xrf1) =	vsort.dscd.msk.f32 $0xffff, v30, v2;
	v33 =	vperm.xlane v55, v5  }
0x644: {  	(erf) = vpow2.f32 v54;
	(xrf1) =	vsort.dscd.msk.f32 $0xffff, v29, v3;
	v56 =	vperm.xlane v34, v5;
	v58, v57, _ =	vpop (xrf1)  }
0x645: {  	vm10 =	vge.f32 v58, v33  }
0x646: {  	(xrf1) =	vsort.dscd.msk.f32 $0xffff, v31, v0;
	v33 =	vsel vm10, v58, v33;
	v28 =	vsel vm10, v57, v56  }
0x647: {  	(xrf1) =	vsort.dscd.msk.f32 $0xffff, v33, v28;
	_ =	sdelay $0x2  }
0x648: {  	v59 =	vpop (erf);
	s2 =	spop (v2sf)  }
0x649: {  	vm11 =	vlt.f32 v24, v9;
	v60 =	vpop (erf);
	s1 =	smax.f32 s2, $9.999999970e-07  }
0x64a: {  	vm10 =	vmand vm11, vm14;
	v63, _, _ =	vpop (xrf2);
	v24 =	vmul.f32 v60, v59;
	v61 =	vmov s1  }
0x64b: {  	v40 =	vsub.f32 v32, v37;
	vm9 =	vmxor vm10, vm14;
	v62 =	vpop (erf);
	(erf) = vrcp.f32 v61  }
0x64c: {  	v41 =	vbroadcast v63, $0xF;
	v33 =	vmul.f32 $6.400000000e+01, v62;
	v37 =	vnsel vm9, $0x0, v24  }
0x64d: {  	v42 =	vmul.f32 $1.442695020e+00, v40;
	(xrf2) =	vadd.scan.msk.f32 $0xffff, v37  }
0x64e: {  	v24 =	vadd.f32 v41, v33;
	v43, v44, _ =	vpop (xrf1)  }
0x64f: {  	v45 =	vperm.xlane v43, v5;
	v47, v46, _ =	vpop (xrf1);
	(erf) = vpow2.f32 v42  }
0x650: {  	vm4 =	vmmov vm4;
	v48 =	vperm.xlane v44, v5;
	v50, v49, _ =	vpop (xrf1);
	(erf) = vrcp.f32 v24  }
0x651: {  	[tilespmem:v23+s20+$0x0] =	vst.idx.add.f32.msk vm12, v8;
	v53 =	vmpcnt.ones.xlane vm4;
	v34 =	vperm.xlane v47, v5;
	vm15 =	vge.f32 v50, v45  }
0x652: {  	v51 =	vperm.xlane v46, v5;
	v33, v35, _ =	vpop (xrf1);
	v52 =	vsel vm15, v50, v45;
	v28 =	vsel vm15, v49, v48  }
0x653: {  	v57 =	vsub.s32 v7, v53;
	vm11 =	vge.f32 v33, v34;
	(xrf1) =	vsort.dscd.msk.f32 $0xffff, v52, v28;
	v36, v24, _ =	vpop (xrf1)  }
0x654: {  	v54 =	vsel vm11, v33, v34;
	v55 =	vsel vm11, v35, v51;
	v56 =	vperm.xlane v36, v6;
	v58 =	vpop (erf)  }
0x655: {  	v23 =	vsel vm13, v57, v18;
	(xrf1) =	vsort.dscd.msk.f32 $0xffff, v54, v55;
	v28 =	vmul.f32 v58, v39  }
0x656: {  	[tilespmem:s23+$0x0] =	vst.msk $0xff, v23;
	v33 =	vmax.f32 v56, v9  }
0x657: {  	s3 =	sadd.s32 $0xFFFFFF80, s8;
	v62 =	vsel vm13, $0x1, v6;
	v59, _, _ =	vpop (xrf2);
	v26 =	vsub.f32 v26, v33;
	[tilespmem:s26+$0x0] =	vst.msk $0xff, v28  }
0x658: {  	s12 =	sor.u32 $0x50, s3;
	vm13 =	vlt.f32 v32, v9;
	(v2sf) =	vpush v59, $0xF;
	v61 =	vpop (erf);
	v60 =	vsub.f32 v27, v33;
	[tilespmem:s24+$0x0] =	vst.msk $0xff, v62  }
0x659: {  	s13 =	sor.u32 $0x70, s3;
	vm12 =	vmand vm13, vm14;
	v63 =	vpop (erf);
	v26 =	vmul.f32 $1.442695020e+00, v26;
	v28 =	vld [tilespmem:s12+$0x0]  }
0x65a: {  	v38 =	vsub.f32 v25, v33;
	v27 =	vmul.f32 v63, v61;
	v23 =	vmul.f32 $1.442695020e+00, v60;
	v25 =	vld [tilespmem:s13+$0x0]  }
0x65b: {  	s1 =	sor.u32 $0x60, s3;
	vm11 =	vmxor vm12, vm14;
	v40 =	vsub.f32 v22, v33;
	v32 =	vld [tilespmem:s15+$0x40];
	(erf) = vpow2.f32 v26  }
0x65c: {  	v39 =	vmul.f32 $1.442695020e+00, v38;
	v22 =	vld [tilespmem:s1+$0x0];
	v27 =	vnsel vm11, $0x0, v27;
	(erf) = vpow2.f32 v23  }
0x65d: {  	(xrf2) =	vadd.scan.msk.f32 $0xffff, v27  }
0x65e: {  	v41 =	vmul.f32 $1.442695020e+00, v40;
	(erf) = vpow2.f32 v39;
	(xrf1) =	vsort.dscd.msk.f32 $0xffff, v28, v2  }
0x65f: {  	(xrf1) =	vsort.dscd.msk.f32 $0xffff, v25, v4  }
0x660: {  	(erf) = vpow2.f32 v41;
	(xrf1) =	vsort.dscd.msk.f32 $0xffff, v32, v0  }
0x661: {  	v43, v42, _ =	vpop (xrf1);
	(xrf1) =	vsort.dscd.msk.f32 $0xffff, v22, v3  }
0x662: {  	v23 =	vperm.xlane v43, v5  }
0x663: {  	v26 =	vperm.xlane v42, v5;
	v45, v44, _ =	vpop (xrf1)  }
0x664: {  	vm15 =	vge.f32 v45, v23;
	v46 =	vpop (erf)  }
0x665: {  	v23 =	vsel vm15, v45, v23;
	v26 =	vsel vm15, v44, v26;
	v47 =	vpop (erf)  }
0x666: {  	(xrf1) =	vsort.dscd.msk.f32 $0xffff, v23, v26;
	v48 =	vadd.f32 v47, v46  }
0x667: {  	s2 =	spop (v2sf);
	v49 =	vpop (erf)  }
0x668: {  	v50 =	vsub.f32 v9, v33;
	s1 =	smax.f32 s2, $9.999999970e-07;
	v23 =	vadd.f32 v48, v49  }
0x669: {  	v51 =	vmov s1;
	v52 =	vpop (erf)  }
0x66a: {  	v26 =	vmul.f32 $1.442695020e+00, v50;
	v53, _, _ =	vpop (xrf2);
	(erf) = vrcp.f32 v51;
	v23 =	vadd.f32 v23, v52  }
0x66b: {  	(v2sf) =	vpush v53, $0xF  }
0x66c: {  	(erf) = vpow2.f32 v26;
	(xrf2) =	vadd.scan.msk.f32 $0xffff, v23;
	v54, v55, _ =	vpop (xrf1)  }
0x66d: {  	v56, v57, _ =	vpop (xrf1)  }
0x66e: {  	v34 =	vperm.xlane v56, v5;
	v59, v58, _ =	vpop (xrf1)  }
0x66f: {  	v23 =	vperm.xlane v54, v5;
	v35 =	vperm.xlane v57, v5;
	v61, v62, _ =	vpop (xrf1)  }
0x670: {  	v26 =	vperm.xlane v55, v5;
	vm15 =	vge.f32 v61, v34  }
0x671: {  	vm9 =	vmmov vm9;
	vm13 =	vge.f32 v59, v23;
	v35 =	vsel vm15, v62, v35  }
0x672: {  	v60 =	vmpcnt.ones.xlane vm9;
	v23 =	vsel vm13, v59, v23;
	v26 =	vsel vm13, v58, v26  }
0x673: {  	v63 =	vpop (erf);
	v34 =	vsel vm15, v61, v34;
	(xrf1) =	vsort.dscd.msk.f32 $0xffff, v23, v26  }
0x674: {  	[tilespmem:v10+s20+$0x0] =	vst.idx.add.f32.msk vm8, v8;
	v43 =	vsub.s32 v7, v60;
	(xrf1) =	vsort.dscd.msk.f32 $0xffff, v34, v35;
	v35, v10, _ =	vpop (xrf1)  }
0x675: {  	v23 =	vsel vm10, v43, v19;
	v44 =	vmul.f32 v63, v37;
	v46 =	vpop (erf);
	v45 =	vperm.xlane v35, v6  }
0x676: {  	v33 =	vsub.f32 v36, v33;
	v47 =	vsel vm10, $0x1, v6;
	[tilespmem:s7+$0xFFFFFFF8] =	vst.msk $0xff, v23;
	v48, _, _ =	vpop (xrf2)  }
0x677: {  	v49 =	vmul.f32 $6.400000000e+01, v46;
	[tilespmem:s6+$0xFFFFFFF8] =	vst.msk $0xff, v44;
	v50 =	vbroadcast v48, $0xF;
	v39 =	vmax.f32 v45, v9  }
0x678: {  	v52 =	vmul.f32 $1.442695020e+00, v33;
	[tilespmem:s14+$0xFFFFFFF8] =	vst.msk $0xff, v47;
	v51 =	vsub.f32 v31, v39  }
0x679: {  	v26 =	vld [tilespmem:s4+$0x30];
	v53 =	vsub.f32 v30, v39;
	v34 =	vadd.f32 v50, v49  }
0x67a: {  	(erf) = vpow2.f32 v52;
	s3 =	spop (v2sf);
	v30 =	vld [tilespmem:s4+$0x20];
	v23 =	vmul.f32 $1.442695020e+00, v51  }
0x67b: {  	s1 =	smax.f32 s3, $9.999999970e-07;
	v33 =	vld [tilespmem:s4+$0x10];
	v29 =	vsub.f32 v29, v39;
	v54 =	vmul.f32 $1.442695020e+00, v53;
	(erf) = vrcp.f32 v34  }
0x67c: {  	v55 =	vmov s1;
	(erf) = vpow2.f32 v23  }
0x67d: {  	v21 =	vsub.f32 v21, v39;
	v34 =	vld [tilespmem:s4+$0x0];
	v56 =	vmul.f32 $1.442695020e+00, v29;
	(erf) = vpow2.f32 v54  }
0x67e: {  	(xrf1) =	vsort.dscd.msk.f32 $0xffff, v26, v4;
	(erf) = vrcp.f32 v55  }
0x67f: {  	v21 =	vmul.f32 $1.442695020e+00, v21;
	(xrf1) =	vsort.dscd.msk.f32 $0xffff, v30, v3;
	(erf) = vpow2.f32 v56  }
0x680: {  	(xrf1) =	vsort.dscd.msk.f32 $0xffff, v33, v2  }
0x681: {  	v57, v29, _ =	vpop (xrf1);
	(erf) = vpow2.f32 v21  }
0x682: {  	(xrf1) =	vsort.dscd.msk.f32 $0xffff, v34, v0;
	v59, v58, _ =	vpop (xrf1)  }
0x683: {  	v60 =	vpop (erf);
	v21 =	vperm.xlane v59, v5  }
0x684: {  	vm8 =	vmmov vm11;
	v31 =	vperm.xlane v58, v5;
	v61 =	vpop (erf)  }
0x685: {  	vm13 =	vlt.f32 v36, v9;
	v62 =	vmpcnt.ones.xlane vm8;
	vm15 =	vge.f32 v57, v21;
	v63 =	vpop (erf)  }
0x686: {  	v51 =	vsub.f32 v9, v39;
	v21 =	vsel vm15, v57, v21;
	v44 =	vsel vm15, v29, v31;
	v45 =	vpop (erf)  }
0x687: {  	v46 =	vsub.s32 v7, v62;
	(xrf1) =	vsort.dscd.msk.f32 $0xffff, v21, v44;
	v47 =	vpop (erf);
	v48 =	vadd.f32 v45, v63  }
0x688: {  	[tilespmem:v13+s20+$0x0] =	vst.idx.add.f32.msk vm6, v8;
	vm11 =	vmand vm13, vm14;
	v49 =	vsel vm12, v46, v12;
	v54 =	vmul.f32 $1.442695020e+00, v51;
	v50 =	vpop (erf)  }
0x689: {  	v36 =	vmul.f32 v61, v60;
	v27 =	vmul.f32 v47, v27;
	v21 =	vadd.f32 v48, v50  }
0x68a: {  	vm10 =	vmxor vm11, vm14;
	[tilespmem:s31+$0xFFFFFFF0] =	vst.msk $0xff, v49;
	v53 =	vsel vm12, $0x1, v6;
	v52 =	vpop (erf)  }
0x68b: {  	v23 =	vnsel vm10, $0x0, v36;
	(erf) = vpow2.f32 v54;
	[tilespmem:s16+$0xFFFFFFF0] =	vst.msk $0xff, v27;
	v13 =	vadd.f32 v21, v52  }
0x68c: {  	(xrf2) =	vadd.scan.msk.f32 $0xffff, v23;
	v56, v55, _ =	vpop (xrf1);
	[tilespmem:s10+$0xFFFFFFF0] =	vst.msk $0xff, v53  }
0x68d: {  	v57 =	vperm.xlane v56, v5;
	v59, v58, _ =	vpop (xrf1);
	v27 =	vld [tilespmem:s19+$0xFFFFFFC0];
	s3 =	rddreg [dreg:$0x1c];
	(xrf2) =	vadd.scan.msk.f32 $0xffff, v13  }
0x68e: {  	v60 =	vperm.xlane v55, v5;
	v61, v62, _ =	vpop (xrf1);
	s1 =	sadd.s32 $0xFFFFFF00, s3  }
0x68f: {  	vm12 =	vge.f32 v59, v57;
	v63 =	vperm.xlane v61, v5;
	s12 =	sor.u32 $0x50, s1  }
0x690: {  	v36 =	vsel vm12, v59, v57;
	v21 =	vsel vm12, v58, v60;
	v31 =	vperm.xlane v62, v5;
	v43, v44, _ =	vpop (xrf1);
	s13 =	sor.u32 $0x70, s1;
	v29 =	vld [tilespmem:s12+$0x0]  }
0x691: {  	(xrf1) =	vsort.dscd.msk.f32 $0xffff, v36, v21;
	v13 =	vld [tilespmem:s13+$0x0];
	vm13 =	vge.f32 v43, v63  }
0x692: {  	v45 =	vsel vm13, v43, v63;
	v31 =	vsel vm13, v44, v31;
	(xrf1) =	vsort.dscd.msk.f32 $0xffff, v27, v0  }
0x693: {  	(xrf1) =	vsort.dscd.msk.f32 $0xffff, v45, v31  }
0x694: {  	s1 =	sor.u32 $0x60, s1;
	v48 =	vpop (erf)  }
0x695: {  	v39 =	vsub.f32 v35, v39;
	v31 =	vld [tilespmem:s1+$0x0];
	v37, v21, _ =	vpop (xrf1);
	(xrf1) =	vsort.dscd.msk.f32 $0xffff, v29, v2  }
0x696: {  	v46, _, _ =	vpop (xrf2);
	v47 =	vperm.xlane v37, v6;
	(xrf1) =	vsort.dscd.msk.f32 $0xffff, v13, v4  }
0x697: {  	v39 =	vmul.f32 $1.442695020e+00, v39;
	v49, _, _ =	vpop (xrf2)  }
0x698: {  	v40 =	vmul.f32 $6.400000000e+01, v48;
	v38 =	vmax.f32 v47, v9;
	v41 =	vbroadcast v49, $0xF  }
0x699: {  	(erf) = vpow2.f32 v39;
	v32 =	vsub.f32 v32, v38  }
0x69a: {  	(xrf1) =	vsort.dscd.msk.f32 $0xffff, v31, v3;
	v28 =	vsub.f32 v28, v38;
	v40 =	vadd.f32 v41, v40  }
0x69b: {  	(v2sf) =	vpush v46, $0xF;
	v32 =	vmul.f32 $1.442695020e+00, v32  }
0x69c: {  	v22 =	vsub.f32 v22, v38;
	v28 =	vmul.f32 $1.442695020e+00, v28;
	(erf) = vrcp.f32 v40  }
0x69d: {  	v25 =	vsub.f32 v25, v38;
	(erf) = vpow2.f32 v32  }
0x69e: {  	v22 =	vmul.f32 $1.442695020e+00, v22;
	(erf) = vpow2.f32 v28  }
0x69f: {  	v52 =	vmul.f32 $1.442695020e+00, v25;
	v51, v50, _ =	vpop (xrf1)  }
0x6a0: {  	v28 =	vperm.xlane v51, v5;
	v36, v39, _ =	vpop (xrf1);
	(erf) = vpow2.f32 v22  }
0x6a1: {  	v53 =	vperm.xlane v50, v5;
	v55, v54, _ =	vpop (xrf1)  }
0x6a2: {  	v60 =	vpop (erf);
	(erf) = vpow2.f32 v52;
	vm15 =	vge.f32 v55, v28  }
0x6a3: {  	v57, v56, _ =	vpop (xrf1);
	v28 =	vsel vm15, v55, v28;
	v25 =	vsel vm15, v54, v53  }
0x6a4: {  	v59, v58, _ =	vpop (xrf1);
	(xrf1) =	vsort.dscd.msk.f32 $0xffff, v28, v25  }
0x6a5: {  	vm6 =	vlt.f32 v35, v9;
	v61 =	vpop (erf)  }
0x6a6: {  	vm6 =	vmand vm6, vm14;
	v62 =	vpop (erf);
	v25 =	vmul.f32 v61, v60  }
0x6a7: {  	vm13 =	vmxor vm6, vm14;
	v44 =	vpop (erf)  }
0x6a8: {  	v22 =	vperm.xlane v59, v5;
	v45, v46, _ =	vpop (xrf1);
	v32 =	vadd.f32 v44, v62;
	v35 =	vnsel vm13, $0x0, v25  }
0x6a9: {  	v50 =	vsub.f32 v9, v38;
	v48 =	vperm.xlane v58, v5;
	v49 =	vpop (erf);
	(xrf2) =	vadd.scan.msk.f32 $0xffff, v35  }
0x6aa: {  	s12 =	spop (v2sf);
	v63 =	vperm.xlane v57, v5;
	vm12 =	vge.f32 v45, v22;
	v32 =	vadd.f32 v32, v49  }
0x6ab: {  	s1 =	smax.f32 s12, $9.999999970e-07;
	v47 =	vperm.xlane v56, v5;
	v22 =	vsel vm12, v45, v22;
	v51 =	vsel vm12, v46, v48;
	v53 =	vpop (erf)  }
0x6ac: {  	v52 =	vmov s1;
	v56 =	vmul.f32 $1.442695020e+00, v50;
	(xrf1) =	vsort.dscd.msk.f32 $0xffff, v22, v51;
	v55 =	vadd.f32 v32, v53  }
0x6ad: {  	vm0 =	vge.f32 v36, v63;
	(erf) = vrcp.f32 v52  }
0x6ae: {  	v28 =	vsel vm0, v36, v63;
	v54 =	vsel vm0, v39, v47;
	(erf) = vpow2.f32 v56;
	(xrf2) =	vadd.scan.msk.f32 $0xffff, v55  }
0x6af: {  	(xrf1) =	vsort.dscd.msk.f32 $0xffff, v28, v54;
	_ =	sdelay $0x2  }
0x6b0: {  	v25, v22, _ =	vpop (xrf1)  }
0x6b1: {  	v57, _, _ =	vpop (xrf2)  }
0x6b2: {  	v58 =	vperm.xlane v25, v6;
	(v2sf) =	vpush v57, $0xF;
	_ =	sdelay $0x1  }
0x6b3: {  	v32 =	vpop (erf);
	v28 =	vmax.f32 v58, v9  }
0x6b4: {  	v59 =	vpop (erf);
	v34 =	vsub.f32 v34, v28  }
0x6b5: {  	v38 =	vsub.f32 v37, v38;
	v36 =	vmul.f32 $6.400000000e+01, v59;
	v60, _, _ =	vpop (xrf2)  }
0x6b6: {  	v34 =	vmul.f32 $1.442695020e+00, v34;
	v39 =	vbroadcast v60, $0xF  }
0x6b7: {  	v38 =	vmul.f32 $1.442695020e+00, v38;
	v33 =	vsub.f32 v33, v28;
	v40, v61, _ =	vpop (xrf1)  }
0x6b8: {  	v40 =	vperm.xlane v40, v5;
	(erf) = vpow2.f32 v34;
	v36 =	vadd.f32 v39, v36  }
0x6b9: {  	v30 =	vsub.f32 v30, v28;
	v33 =	vmul.f32 $1.442695020e+00, v33;
	(erf) = vpow2.f32 v38  }
0x6ba: {  	v26 =	vsub.f32 v26, v28;
	v63, v62, _ =	vpop (xrf1);
	v44 =	vperm.xlane v61, v5;
	(erf) = vrcp.f32 v36  }
0x6bb: {  	v30 =	vmul.f32 $1.442695020e+00, v30;
	vm12 =	vge.f32 v63, v40;
	(erf) = vpow2.f32 v33  }
0x6bc: {  	v45 =	vsel vm12, v63, v40;
	v46 =	vsel vm12, v62, v44  }
0x6bd: {  	v26 =	vmul.f32 $1.442695020e+00, v26;
	(xrf1) =	vsort.dscd.msk.f32 $0xffff, v45, v46;
	(erf) = vpow2.f32 v30;
	_ =	sdelay $0x1  }
0x6be: {  	(erf) = vpow2.f32 v26  }
0x6bf: {  	s13 =	spop (v2sf)  }
0x6c0: {  	v49 =	vpop (erf);
	s1 =	smax.f32 s13, $9.999999970e-07  }
0x6c1: {  	v50 =	vpop (erf);
	v47 =	vmov s1  }
0x6c2: {  	vm15 =	vlt.f32 v37, v9;
	v48 =	vmpcnt.ones.xlane vm3;
	(erf) = vrcp.f32 v47;
	v52 =	vpop (erf)  }
0x6c3: {  	v16 =	vmul.f32 v20, v16;
	[tilespmem:v14+s20+$0x0] =	vst.idx.add.f32.msk vm2, v8;
	vm2 =	vmand vm15, vm14;
	v53 =	vpop (erf)  }
0x6c4: {  	v51 =	vsub.s32 v7, v48;
	v54 =	vmul.f32 v52, v50;
	v20 =	vadd.f32 v53, v49  }
0x6c5: {  	[tilespmem:v15+s20+$0x0] =	vst.idx.add.f32.msk vm5, v8;
	v56 =	vmpcnt.ones.xlane vm10;
	v59 =	vsub.f32 v9, v28;
	vm12 =	vmxor vm2, vm14;
	v55 =	vpop (erf)  }
0x6c6: {  	[tilespmem:v17+s20+$0x0] =	vst.idx.add.f32.msk vm7, v8;
	v26 =	vsel vm1, v51, v11;
	v30 =	vnsel vm12, $0x0, v54;
	v57 =	vadd.f32 v20, v55  }
0x6c7: {  	v58 =	vsel vm1, $0x1, v6;
	vm1 =	vmmov vm13;
	[tilespmem:s11+$0x18] =	vst.msk $0xff, v26;
	v60 =	vpop (erf);
	(xrf2) =	vadd.scan.msk.f32 $0xffff, v30  }
0x6c8: {  	v62 =	vmul.f32 $1.442695020e+00, v59;
	v61 =	vmpcnt.ones.xlane vm1;
	[tilespmem:s18+$0x18] =	vst.msk $0xff, v16;
	v14 =	vadd.f32 v57, v60  }
0x6c9: {  	v16 =	vsub.s32 v7, v56;
	[tilespmem:s30+$0x18] =	vst.msk $0xff, v58  }
0x6ca: {  	v16 =	vsel vm11, v16, v24;
	v34 =	vsub.s32 v7, v61;
	v26, v15, _ =	vpop (xrf1);
	(erf) = vpow2.f32 v62;
	(xrf2) =	vadd.scan.msk.f32 $0xffff, v14  }
0x6cb: {  	[tilespmem:s28+$0x18] =	vst.msk $0xff, v16;
	v16 =	vsel vm6, v34, v10;
	v36 =	vpop (erf)  }
0x6cc: {  	[tilespmem:v11+s20+$0x0] =	vst.idx.add.f32.msk vm3, v8;
	v63 =	vperm.xlane v26, v6;
	v37 =	vmul.f32 v36, v35  }
0x6cd: {  	[tilespmem:s21+$0x10] =	vst.msk $0xff, v16  }
0x6ce: {  	v40 =	vsel vm6, $0x1, v6;
	v39 =	vmax.f32 v63, v9;
	[tilespmem:s22+$0x10] =	vst.msk $0xff, v37  }
0x6cf: {  	s2 =	sor.u32 $0x70, s17;
	v41 =	vsub.f32 v27, v39;
	[tilespmem:s29+$0x10] =	vst.msk $0xff, v40  }
0x6d0: {  	s11 =	sor.u32 $0x50, s17;
	v43 =	vsub.f32 v29, v39;
	v14 =	vld [tilespmem:s2+$0x0]  }
0x6d1: {  	v38 =	vmul.f32 v32, v23;
	v13 =	vsub.f32 v13, v39;
	v17 =	vmul.f32 $1.442695020e+00, v41;
	v16 =	vld [tilespmem:s11+$0x0];
	v11, _, _ =	vpop (xrf2)  }
0x6d2: {  	s12 =	sor.u32 $0x60, s17;
	v44 =	vmul.f32 $1.442695020e+00, v43;
	(v2sf) =	vpush v11, $0xF;
	v11 =	vsub.f32 v31, v39  }
0x6d3: {  	v42 =	vsel vm11, $0x1, v6;
	v13 =	vmul.f32 $1.442695020e+00, v13;
	(erf) = vpow2.f32 v17;
	v45 =	vpop (erf);
	v23 =	vld [tilespmem:s12+$0x0]  }
0x6d4: {  	v46 =	vsub.f32 v25, v28;
	[tilespmem:s5+$0x18] =	vst.msk $0xff, v38;
	(erf) = vpow2.f32 v44;
	v11 =	vmul.f32 $1.442695020e+00, v11;
	v47, _, _ =	vpop (xrf2)  }
0x6d5: {  	[tilespmem:s9+$0x18] =	vst.msk $0xff, v42;
	v17 =	vmul.f32 $6.400000000e+01, v45;
	v27 =	vld [tilespmem:s25+$0xC0];
	v28 =	vbroadcast v47, $0xF;
	(xrf1) =	vsort.dscd.msk.f32 $0xffff, v14, v4  }
0x6d6: {  	[tilespmem:v24+s20+$0x0] =	vst.idx.add.f32.msk vm10, v8;
	(erf) = vpow2.f32 v11;
	v11 =	vmul.f32 $1.442695020e+00, v46;
	(xrf1) =	vsort.dscd.msk.f32 $0xffff, v16, v2  }
0x6d7: {  	(erf) = vpow2.f32 v13;
	v48 =	vadd.f32 v28, v17  }
0x6d8: {  	(xrf1) =	vsort.dscd.msk.f32 $0xffff, v23, v3;
	(erf) = vpow2.f32 v11  }
0x6d9: {  	(erf) = vrcp.f32 v48  }
0x6da: {  	(xrf1) =	vsort.dscd.msk.f32 $0xffff, v27, v0;
	_ =	sdelay $0x2  }
0x6db: {  	v11 =	vpop (erf)  }
0x6dc: {  	v49 =	vpop (erf)  }
0x6dd: {  	v11 =	vadd.f32 v49, v11;
	v50 =	vpop (erf)  }
0x6de: {  	v57 =	vsub.f32 v9, v39;
	v51 =	vpop (erf)  }
0x6df: {  	vm7 =	vlt.f32 v25, v9;
	v11 =	vadd.f32 v11, v50;
	s13 =	spop (v2sf);
	v52 =	vpop (erf)  }
0x6e0: {  	vm3 =	vmand vm7, vm14;
	v25 =	vmul.f32 $1.442695020e+00, v57;
	s1 =	smax.f32 s13, $9.999999970e-07;
	v53 =	vpop (erf)  }
0x6e1: {  	v11 =	vadd.f32 v11, v51;
	v54 =	vmov s1;
	v13 =	vmul.f32 v53, v52  }
0x6e2: {  	vm5 =	vmxor vm3, vm14;
	(erf) = vrcp.f32 v54;
	v55, v56, _ =	vpop (xrf1)  }
0x6e3: {  	(xrf2) =	vadd.scan.msk.f32 $0xffff, v11;
	v17 =	vperm.xlane v55, v5;
	v59, v58, _ =	vpop (xrf1);
	(erf) = vpow2.f32 v25;
	v60 =	vnsel vm5, $0x0, v13  }
0x6e4: {  	v11 =	vperm.xlane v56, v5;
	v61, v62, _ =	vpop (xrf1);
	(xrf2) =	vadd.scan.msk.f32 $0xffff, v60  }
0x6e5: {  	vm6 =	vmmov vm12;
	v28 =	vperm.xlane v59, v5;
	vm10 =	vge.f32 v61, v17  }
0x6e6: {  	v29 =	vperm.xlane v58, v5;
	v63, v32, _ =	vpop (xrf1);
	v13 =	vsel vm10, v61, v17;
	v11 =	vsel vm10, v62, v11  }
0x6e7: {  	v34 =	vmpcnt.ones.xlane vm6;
	vm11 =	vge.f32 v63, v28;
	(xrf1) =	vsort.dscd.msk.f32 $0xffff, v13, v11  }
0x6e8: {  	v11 =	vsel vm11, v63, v28;
	v33 =	vsel vm11, v32, v29  }
0x6e9: {  	(xrf1) =	vsort.dscd.msk.f32 $0xffff, v11, v33;
	v11 =	vsub.s32 v7, v34  }
0x6ea: {  	v11 =	vsel vm2, v11, v21  }
0x6eb: {  	v35 =	vpop (erf)  }
0x6ec: {  	v38 =	vsub.f32 v26, v39;
	[tilespmem:v18+s20+$0x0] =	vst.idx.add.f32.msk vm4, v8;
	v13 =	vmul.f32 v35, v30;
	v39 =	vpop (erf)  }
0x6ed: {  	[tilespmem:s23+$0x8] =	vst.msk $0xff, v11;
	v11, _, _ =	vpop (xrf2)  }
0x6ee: {  	v36 =	vsel vm2, $0x1, v6;
	[tilespmem:s26+$0x8] =	vst.msk $0xff, v13;
	v37, _, _ =	vpop (xrf2)  }
0x6ef: {  	v40 =	vmul.f32 $6.400000000e+01, v39;
	v11 =	vbroadcast v11, $0xF;
	[tilespmem:s24+$0x8] =	vst.msk $0xff, v36;
	(v2sf) =	vpush v37, $0xF  }
0x6f0: {  	v13 =	vld [tilespmem:s15+$0xB0]  }
0x6f1: {  	v18 =	vmul.f32 $1.442695020e+00, v38;
	v20 =	vld [tilespmem:s15+$0x90];
	v11 =	vadd.f32 v11, v40  }
0x6f2: {  	v17 =	vld [tilespmem:s15+$0xA0]  }
0x6f3: {  	(erf) = vpow2.f32 v18  }
0x6f4: {  	(erf) = vrcp.f32 v11  }
0x6f5: {  	(xrf1) =	vsort.dscd.msk.f32 $0xffff, v13, v4;
	v11, v41, _ =	vpop (xrf1)  }
0x6f6: {  	v24 =	vld [tilespmem:s15+$0x80];
	(xrf1) =	vsort.dscd.msk.f32 $0xffff, v20, v2;
	v11 =	vperm.xlane v11, v5  }
0x6f7: {  	(xrf1) =	vsort.dscd.msk.f32 $0xffff, v17, v3;
	v42, v43, _ =	vpop (xrf1)  }
0x6f8: {  	vm12 =	vge.f32 v42, v11  }
0x6f9: {  	v18 =	vperm.xlane v41, v5;
	v11 =	vsel vm12, v42, v11;
	_ =	sdelay $0x1  }
0x6fa: {  	(xrf1) =	vsort.dscd.msk.f32 $0xffff, v24, v0;
	v18 =	vsel vm12, v43, v18  }
0x6fb: {  	(xrf1) =	vsort.dscd.msk.f32 $0xffff, v11, v18;
	v11 =	vpop (erf)  }
0x6fc: {  	vm13 =	vlt.f32 v26, v9;
	v44 =	vpop (erf)  }
0x6fd: {  	vm2 =	vmand vm13, vm14;
	v11 =	vmul.f32 v44, v11;
	s17 =	spop (v2sf)  }
0x6fe: {  	vm15 =	vmxor vm2, vm14;
	s1 =	smax.f32 s17, $9.999999970e-07  }
0x6ff: {  	v26 =	vnsel vm15, $0x0, v11;
	v11 =	vmov s1;
	_ =	sdelay $0x2  }
0x700: {  	(erf) = vrcp.f32 v11;
	v11, v45, _ =	vpop (xrf1)  }
0x701: {  	v11 =	vperm.xlane v11, v5;
	v46, v47, _ =	vpop (xrf1)  }
0x702: {  	(xrf2) =	vadd.scan.msk.f32 $0xffff, v26;
	v48, v49, _ =	vpop (xrf1)  }
0x703: {  	vm10 =	vge.f32 v48, v11  }
0x704: {  	v18 =	vperm.xlane v45, v5;
	v11 =	vsel vm10, v48, v11  }
0x705: {  	vm5 =	vmmov vm5  }
0x706: {  	v53 =	vmpcnt.ones.xlane vm5;
	v50 =	vperm.xlane v46, v5;
	v18 =	vsel vm10, v49, v18  }
0x707: {  	v28 =	vperm.xlane v47, v5;
	v51, v52, _ =	vpop (xrf1);
	(xrf1) =	vsort.dscd.msk.f32 $0xffff, v11, v18  }
0x708: {  	[tilespmem:v19+s20+$0x0] =	vst.idx.add.f32.msk vm9, v8;
	v56 =	vsub.s32 v7, v53;
	vm11 =	vge.f32 v51, v50;
	v25, v11, _ =	vpop (xrf1)  }
0x709: {  	v54 =	vsel vm11, v51, v50;
	v28 =	vsel vm11, v52, v28;
	v57 =	vpop (erf);
	v55 =	vperm.xlane v25, v6  }
0x70a: {  	v18 =	vsel vm3, v56, v22;
	(xrf1) =	vsort.dscd.msk.f32 $0xffff, v54, v28;
	v19 =	vmul.f32 v57, v60  }
0x70b: {  	[tilespmem:s7+$0x0] =	vst.msk $0xff, v18;
	v28 =	vmax.f32 v55, v9  }
0x70c: {  	s18 =	sadd.s32 $0xFFFFFF80, s0;
	v59 =	vsel vm3, $0x1, v6;
	v58, _, _ =	vpop (xrf2);
	[tilespmem:s6+$0x0] =	vst.msk $0xff, v19;
	v27 =	vsub.f32 v27, v28  }
0x70d: {  	s25 =	sor.u32 $0x50, s18;
	(v2sf) =	vpush v58, $0xF;
	[tilespmem:s14+$0x0] =	vst.msk $0xff, v59;
	v16 =	vsub.f32 v16, v28  }
0x70e: {  	s28 =	sor.u32 $0x70, s18;
	v23 =	vsub.f32 v23, v28;
	v18 =	vld [tilespmem:s25+$0x0];
	v60 =	vmul.f32 $1.442695020e+00, v27  }
0x70f: {  	v61 =	vmul.f32 $1.442695020e+00, v16;
	v16 =	vld [tilespmem:s28+$0x0]  }
0x710: {  	s1 =	sor.u32 $0x60, s18;
	v62 =	vmul.f32 $1.442695020e+00, v23;
	v23 =	vld [tilespmem:s4+$0x40];
	(erf) = vpow2.f32 v60  }
0x711: {  	v63 =	vsub.f32 v14, v28;
	v14 =	vld [tilespmem:s1+$0x0];
	(erf) = vpow2.f32 v61;
	_ =	sdelay $0x1  }
0x712: {  	v31 =	vmul.f32 $1.442695020e+00, v63;
	(xrf1) =	vsort.dscd.msk.f32 $0xffff, v18, v2;
	(erf) = vpow2.f32 v62  }
0x713: {  	(xrf1) =	vsort.dscd.msk.f32 $0xffff, v16, v4  }
0x714: {  	(erf) = vpow2.f32 v31;
	v32, v33, _ =	vpop (xrf1);
	(xrf1) =	vsort.dscd.msk.f32 $0xffff, v23, v0  }
0x715: {  	(xrf1) =	vsort.dscd.msk.f32 $0xffff, v14, v3  }
0x716: {  	v19 =	vperm.xlane v32, v5  }
0x717: {  	v27 =	vperm.xlane v33, v5;
	v35, v34, _ =	vpop (xrf1)  }
0x718: {  	vm12 =	vge.f32 v35, v19;
	v36 =	vpop (erf)  }
0x719: {  	v19 =	vsel vm12, v35, v19;
	v27 =	vsel vm12, v34, v27;
	v37 =	vpop (erf)  }
0x71a: {  	(xrf1) =	vsort.dscd.msk.f32 $0xffff, v19, v27;
	v38 =	vadd.f32 v37, v36  }
0x71b: {  	s30 =	spop (v2sf);
	v39 =	vpop (erf)  }
0x71c: {  	v40 =	vsub.f32 v9, v28;
	s1 =	smax.f32 s30, $9.999999970e-07;
	v19 =	vadd.f32 v38, v39  }
0x71d: {  	v41 =	vmov s1;
	v42 =	vpop (erf)  }
0x71e: {  	v27 =	vmul.f32 $1.442695020e+00, v40;
	(erf) = vrcp.f32 v41;
	v19 =	vadd.f32 v19, v42;
	_ =	sdelay $0x1  }
0x71f: {  	(erf) = vpow2.f32 v27;
	v43, v44, _ =	vpop (xrf1);
	(xrf2) =	vadd.scan.msk.f32 $0xffff, v19  }
0x720: {  	v19 =	vperm.xlane v43, v5;
	v47, v46, _ =	vpop (xrf1)  }
0x721: {  	v48 =	vperm.xlane v44, v5;
	v49 =	vperm.xlane v47, v5;
	v51, v50, _ =	vpop (xrf1)  }
0x722: {  	vm13 =	vge.f32 v51, v19;
	v53, v52, _ =	vpop (xrf1)  }
0x723: {  	[tilespmem:v12+s20+$0x0] =	vst.idx.add.f32.msk vm8, v8;
	vm7 =	vmmov vm15;
	v12 =	vsel vm13, v50, v48;
	vm15 =	vge.f32 v53, v49  }
0x724: {  	v45 =	vmpcnt.ones.xlane vm7;
	v31 =	vperm.xlane v46, v5;
	v27 =	vsel vm15, v53, v49  }
0x725: {  	v19 =	vsel vm13, v51, v19  }
0x726: {  	v29 =	vsub.s32 v7, v45;
	v54 =	vpop (erf);
	v31 =	vsel vm15, v52, v31;
	(xrf1) =	vsort.dscd.msk.f32 $0xffff, v19, v12  }
0x727: {  	v55 =	vsel vm2, v29, v15;
	v26 =	vmul.f32 v54, v26;
	(xrf1) =	vsort.dscd.msk.f32 $0xffff, v27, v31;
	v27, v12, _ =	vpop (xrf1)  }
0x728: {  	[tilespmem:s31+$0xFFFFFFF8] =	vst.msk $0xff, v55;
	v57 =	vpop (erf);
	v56 =	vperm.xlane v27, v6  }
0x729: {  	v58 =	vsel vm2, $0x1, v6;
	v28 =	vsub.f32 v25, v28;
	[tilespmem:s16+$0xFFFFFFF8] =	vst.msk $0xff, v26;
	v59, _, _ =	vpop (xrf2)  }
0x72a: {  	v29 =	vmul.f32 $6.400000000e+01, v57;
	[tilespmem:s10+$0xFFFFFFF8] =	vst.msk $0xff, v58;
	v26 =	vmax.f32 v56, v9;
	v30 =	vbroadcast v59, $0xF  }
0x72b: {  	v28 =	vmul.f32 $1.442695020e+00, v28;
	v19 =	vld [tilespmem:s19+$0x30];
	v24 =	vsub.f32 v24, v26  }
0x72c: {  	v60 =	vsub.f32 v20, v26;
	v20 =	vld [tilespmem:s19+$0x20];
	v29 =	vadd.f32 v30, v29  }
0x72d: {  	(erf) = vpow2.f32 v28;
	v61 =	vmul.f32 $1.442695020e+00, v24;
	v24 =	vld [tilespmem:s19+$0x10]  }
0x72e: {  	v17 =	vsub.f32 v17, v26;
	v62 =	vmul.f32 $1.442695020e+00, v60;
	(erf) = vrcp.f32 v29  }
0x72f: {  	v29 =	vld [tilespmem:s19+$0x0];
	(erf) = vpow2.f32 v61  }
0x730: {  	v13 =	vsub.f32 v13, v26;
	(xrf1) =	vsort.dscd.msk.f32 $0xffff, v19, v4;
	v17 =	vmul.f32 $1.442695020e+00, v17;
	(erf) = vpow2.f32 v62  }
0x731: {  	(xrf1) =	vsort.dscd.msk.f32 $0xffff, v20, v3  }
0x732: {  	v13 =	vmul.f32 $1.442695020e+00, v13;
	(erf) = vpow2.f32 v17;
	(xrf1) =	vsort.dscd.msk.f32 $0xffff, v24, v2;
	_ =	sdelay $0x1  }
0x733: {  	v36, v63, _ =	vpop (xrf1);
	(erf) = vpow2.f32 v13;
	(xrf1) =	vsort.dscd.msk.f32 $0xffff, v29, v0  }
0x734: {  	v38, v37, _ =	vpop (xrf1)  }
0x735: {  	v39 =	vpop (erf);
	v13 =	vperm.xlane v38, v5  }
0x736: {  	v30 =	vperm.xlane v37, v5;
	v40 =	vpop (erf)  }
0x737: {  	vm4 =	vge.f32 v36, v13;
	v41 =	vpop (erf)  }
0x738: {  	vm8 =	vlt.f32 v25, v9;
	v13 =	vsel vm4, v36, v13;
	v42 =	vsel vm4, v63, v30;
	v43 =	vpop (erf)  }
0x739: {  	v47 =	vsub.f32 v9, v26;
	(xrf1) =	vsort.dscd.msk.f32 $0xffff, v13, v42;
	v45 =	vadd.f32 v43, v41  }
0x73a: {  	vm3 =	vmand vm8, vm14;
	v46 =	vpop (erf)  }
0x73b: {  	v25 =	vmul.f32 $1.442695020e+00, v47;
	v44 =	vmul.f32 v40, v39;
	v17 =	vadd.f32 v45, v46  }
0x73c: {  	vm2 =	vmxor vm3, vm14;
	v48 =	vpop (erf)  }
0x73d: {  	(erf) = vpow2.f32 v25;
	v13 =	vnsel vm2, $0x0, v44;
	v49, v50, _ =	vpop (xrf1);
	v17 =	vadd.f32 v17, v48  }
0x73e: {  	(xrf2) =	vadd.scan.msk.f32 $0xffff, v13;
	v51 =	vperm.xlane v49, v5;
	v54, v53, _ =	vpop (xrf1)  }
0x73f: {  	v55, v56, _ =	vpop (xrf1);
	(xrf2) =	vadd.scan.msk.f32 $0xffff, v17  }
0x740: {  	v52 =	vperm.xlane v50, v5;
	vm9 =	vge.f32 v54, v51;
	v17 =	vperm.xlane v55, v5  }
0x741: {  	v28 =	vsel vm9, v54, v51;
	v57, v58, _ =	vpop (xrf1)  }
0x742: {  	v30 =	vsel vm9, v53, v52;
	v25 =	vperm.xlane v56, v5;
	vm10 =	vge.f32 v57, v17  }
0x743: {  	(xrf1) =	vsort.dscd.msk.f32 $0xffff, v28, v30;
	v17 =	vsel vm10, v57, v17  }
0x744: {  	v25 =	vsel vm10, v58, v25  }
0x745: {  	(xrf1) =	vsort.dscd.msk.f32 $0xffff, v17, v25  }
0x746: {  	v62 =	vpop (erf)  }
0x747: {  	v60, v17, _ =	vpop (xrf1)  }
0x748: {  	v59, _, _ =	vpop (xrf2);
	v61 =	vperm.xlane v60, v6  }
0x749: {  	v26 =	vsub.f32 v27, v26;
	v63, _, _ =	vpop (xrf2)  }
0x74a: {  	v31 =	vmul.f32 $6.400000000e+01, v62;
	v30 =	vmax.f32 v61, v9;
	v32 =	vbroadcast v63, $0xF  }
0x74b: {  	v26 =	vmul.f32 $1.442695020e+00, v26;
	v23 =	vsub.f32 v23, v30  }
0x74c: {  	v18 =	vsub.f32 v18, v30;
	v31 =	vadd.f32 v32, v31  }
0x74d: {  	(erf) = vpow2.f32 v26;
	(v2sf) =	vpush v59, $0xF;
	v23 =	vmul.f32 $1.442695020e+00, v23  }
0x74e: {  	v14 =	vsub.f32 v14, v30;
	v18 =	vmul.f32 $1.442695020e+00, v18;
	(erf) = vrcp.f32 v31  }
0x74f: {  	v16 =	vsub.f32 v16, v30;
	(erf) = vpow2.f32 v23  }
0x750: {  	v14 =	vmul.f32 $1.442695020e+00, v14;
	(erf) = vpow2.f32 v18  }
0x751: {  	v16 =	vmul.f32 $1.442695020e+00, v16;
	v33, v32, _ =	vpop (xrf1)  }
0x752: {  	v34 =	vperm.xlane v33, v5;
	(erf) = vpow2.f32 v14  }
0x753: {  	v35 =	vperm.xlane v32, v5;
	v36, v37, _ =	vpop (xrf1)  }
0x754: {  	vm11 =	vge.f32 v36, v34;
	(erf) = vpow2.f32 v16  }
0x755: {  	v38 =	vsel vm11, v36, v34;
	v14 =	vsel vm11, v37, v35  }
0x756: {  	v39 =	vpop (erf);
	(xrf1) =	vsort.dscd.msk.f32 $0xffff, v38, v14  }
0x757: {  	v40 =	vpop (erf)  }
0x758: {  	v41 =	vpop (erf)  }
0x759: {  	vm12 =	vlt.f32 v27, v9;
	v42 =	vpop (erf)  }
0x75a: {  	vm13 =	vmand vm12, vm14;
	v14 =	vmul.f32 v40, v39;
	v16 =	vadd.f32 v42, v41  }
0x75b: {  	vm15 =	vmxor vm13, vm14;
	v44 =	vpop (erf)  }
0x75c: {  	v45 =	vsub.f32 v9, v30;
	s2 =	spop (v2sf);
	v43 =	vnsel vm15, $0x0, v14;
	v14 =	vadd.f32 v16, v44  }
0x75d: {  	s1 =	smax.f32 s2, $9.999999970e-07;
	(xrf2) =	vadd.scan.msk.f32 $0xffff, v43;
	v46 =	vpop (erf)  }
0x75e: {  	v47 =	vmov s1;
	v16 =	vmul.f32 $1.442695020e+00, v45;
	v14 =	vadd.f32 v14, v46  }
0x75f: {  	(erf) = vrcp.f32 v47  }
0x760: {  	(erf) = vpow2.f32 v16;
	(xrf2) =	vadd.scan.msk.f32 $0xffff, v14;
	_ =	sdelay $0x3  }
0x761: {  	v48, v18, _ =	vpop (xrf1)  }
0x762: {  	v49 =	vperm.xlane v48, v6;
	_ =	sdelay $0x1  }
0x763: {  	v50, _, _ =	vpop (xrf2);
	v51 =	vmax.f32 v49, v9  }
0x764: {  	v14 =	vpop (erf);
	(v2sf) =	vpush v50, $0xF;
	v52 =	vsub.f32 v29, v51  }
0x765: {  	v53 =	vpop (erf)  }
0x766: {  	v54 =	vsub.f32 v60, v30;
	v26 =	vmul.f32 $1.442695020e+00, v52;
	v55, _, _ =	vpop (xrf2)  }
0x767: {  	v27 =	vmul.f32 $6.400000000e+01, v53;
	v30 =	vbroadcast v55, $0xF  }
0x768: {  	v29 =	vmul.f32 $1.442695020e+00, v54  }
0x769: {  	(erf) = vpow2.f32 v26;
	v56 =	vadd.f32 v30, v27  }
0x76a: {  	v24 =	vsub.f32 v24, v51;
	(erf) = vpow2.f32 v29  }
0x76b: {  	(erf) = vrcp.f32 v56  }
0x76c: {  	v20 =	vsub.f32 v20, v51;
	v24 =	vmul.f32 $1.442695020e+00, v24;
	_ =	sdelay $0x1  }
0x76d: {  	v19 =	vsub.f32 v19, v51;
	v20 =	vmul.f32 $1.442695020e+00, v20;
	(erf) = vpow2.f32 v24;
	_ =	sdelay $0x1  }
0x76e: {  	v19 =	vmul.f32 $1.442695020e+00, v19;
	(erf) = vpow2.f32 v20;
	_ =	sdelay $0x1  }
0x76f: {  	(erf) = vpow2.f32 v19;
	v57 =	vpop (erf)  }
0x770: {  	v58 =	vpop (erf);
	s5 =	spop (v2sf)  }
0x771: {  	vm12 =	vlt.f32 v60, v9;
	s1 =	smax.f32 s5, $9.999999970e-07;
	v26 =	vpop (erf)  }
0x772: {  	vm8 =	vmand vm12, vm14;
	v59 =	vmov s1;
	v20 =	vmul.f32 v26, v58  }
0x773: {  	vm10 =	vmxor vm8, vm14;
	(erf) = vrcp.f32 v59  }
0x774: {  	v60 =	vpop (erf);
	v20 =	vnsel vm10, $0x0, v20  }
0x775: {  	v19 =	vadd.f32 v60, v57;
	(xrf2) =	vadd.scan.msk.f32 $0xffff, v20  }
0x776: {  	v61 =	vpop (erf)  }
0x777: {  	v62 =	vsub.f32 v9, v51;
	v19 =	vadd.f32 v19, v61  }
0x778: {  	v63 =	vpop (erf)  }
0x779: {  	vm4 =	vmmov vm15;
	v24 =	vmul.f32 $1.442695020e+00, v62;
	v19 =	vadd.f32 v19, v63  }
0x77a: {  	v28 =	vmpcnt.ones.xlane vm4  }
0x77b: {  	(erf) = vpow2.f32 v24;
	(xrf2) =	vadd.scan.msk.f32 $0xffff, v19  }
0x77c: {  	v29 =	vsub.s32 v7, v28;
	v30 =	vpop (erf)  }
0x77d: {  	[tilespmem:v21+s20+$0x0] =	vst.idx.add.f32.msk vm6, v8;
	v19 =	vsel vm13, v29, v12;
	v31 =	vmul.f32 v30, v43  }
0x77e: {  	[tilespmem:s23+$0x10] =	vst.msk $0xff, v19  }
0x77f: {  	v32 =	vsel vm13, $0x1, v6;
	[tilespmem:s26+$0x10] =	vst.msk $0xff, v31;
	v33, _, _ =	vpop (xrf2)  }
0x780: {  	s9 =	sor.u32 $0x70, s8;
	[tilespmem:s24+$0x10] =	vst.msk $0xff, v32;
	(v2sf) =	vpush v33, $0xF  }
0x781: {  	s11 =	sor.u32 $0x50, s8;
	v21 =	vld [tilespmem:s9+$0x0]  }
0x782: {  	s12 =	sor.u32 $0x60, s8;
	v23 =	vld [tilespmem:s11+$0x0]  }
0x783: {  	v19 =	vld [tilespmem:s12+$0x0]  }
0x784: {  	v34 =	vpop (erf)  }
0x785: {  	v25 =	vsub.f32 v48, v51;
	v35, _, _ =	vpop (xrf2)  }
0x786: {  	v24 =	vmul.f32 $6.400000000e+01, v34;
	v27 =	vld [tilespmem:s15+$0xC0];
	v26 =	vbroadcast v35, $0xF;
	(xrf1) =	vsort.dscd.msk.f32 $0xffff, v21, v4  }
0x787: {  	v25 =	vmul.f32 $1.442695020e+00, v25;
	(xrf1) =	vsort.dscd.msk.f32 $0xffff, v23, v2  }
0x788: {  	v24 =	vadd.f32 v26, v24;
	(xrf1) =	vsort.dscd.msk.f32 $0xffff, v19, v3  }
0x789: {  	(erf) = vpow2.f32 v25  }
0x78a: {  	(erf) = vrcp.f32 v24  }
0x78b: {  	(xrf1) =	vsort.dscd.msk.f32 $0xffff, v27, v0;
	_ =	sdelay $0x3  }
0x78c: {  	s13 =	spop (v2sf)  }
0x78d: {  	s1 =	smax.f32 s13, $9.999999970e-07  }
0x78e: {  	v38 =	vmov s1  }
0x78f: {  	v36 =	vpop (erf);
	(erf) = vrcp.f32 v38  }
0x790: {  	vm13 =	vlt.f32 v48, v9;
	v37 =	vpop (erf)  }
0x791: {  	vm6 =	vmand vm13, vm14;
	v16 =	vmul.f32 v37, v36;
	v39, v40, _ =	vpop (xrf1)  }
0x792: {  	vm15 =	vmxor vm6, vm14;
	v24 =	vperm.xlane v39, v5;
	v42, v41, _ =	vpop (xrf1)  }
0x793: {  	v44 =	vperm.xlane v40, v5;
	v43 =	vnsel vm15, $0x0, v16;
	v46, v45, _ =	vpop (xrf1)  }
0x794: {  	v26 =	vperm.xlane v42, v5;
	(xrf2) =	vadd.scan.msk.f32 $0xffff, v43;
	vm9 =	vge.f32 v46, v24  }
0x795: {  	v24 =	vsel vm9, v46, v24;
	v16 =	vsel vm9, v45, v44;
	vm9 =	vmmov vm10  }
0x796: {  	v28 =	vperm.xlane v41, v5;
	v47, v48, _ =	vpop (xrf1);
	(xrf1) =	vsort.dscd.msk.f32 $0xffff, v24, v16;
	v51 =	vmpcnt.ones.xlane vm9  }
0x797: {  	[tilespmem:v22+s20+$0x0] =	vst.idx.add.f32.msk vm5, v8;
	vm12 =	vge.f32 v47, v26  }
0x798: {  	v49 =	vsel vm12, v47, v26;
	v50 =	vsel vm12, v48, v28;
	v52 =	vsub.s32 v7, v51;
	v53 =	vpop (erf)  }
0x799: {  	(xrf1) =	vsort.dscd.msk.f32 $0xffff, v49, v50;
	v16 =	vsel vm8, v52, v17;
	v20 =	vmul.f32 v53, v20  }
0x79a: {  	[tilespmem:s7+$0x8] =	vst.msk $0xff, v16  }
0x79b: {  	v54 =	vsel vm8, $0x1, v6;
	[tilespmem:s6+$0x8] =	vst.msk $0xff, v20  }
0x79c: {  	[tilespmem:s14+$0x8] =	vst.msk $0xff, v54  }
0x79d: {  	v20 =	vld [tilespmem:s4+$0xB0]  }
0x79e: {  	v55, _, _ =	vpop (xrf2);
	v22 =	vld [tilespmem:s4+$0x90]  }
0x79f: {  	(v2sf) =	vpush v55, $0xF;
	v24 =	vld [tilespmem:s4+$0xA0];
	_ =	sdelay $0x2  }
0x7a0: {  	(xrf1) =	vsort.dscd.msk.f32 $0xffff, v20, v4  }
0x7a1: {  	(xrf1) =	vsort.dscd.msk.f32 $0xffff, v22, v2  }
0x7a2: {  	v25 =	vld [tilespmem:s4+$0x80];
	v57, v56, _ =	vpop (xrf1);
	(xrf1) =	vsort.dscd.msk.f32 $0xffff, v24, v3;
	_ =	sdelay $0x1  }
0x7a3: {  	v16 =	vperm.xlane v57, v5  }
0x7a4: {  	v26 =	vperm.xlane v56, v5;
	v28, v30, _ =	vpop (xrf1)  }
0x7a5: {  	vm13 =	vge.f32 v28, v16  }
0x7a6: {  	(xrf1) =	vsort.dscd.msk.f32 $0xffff, v25, v0;
	v16 =	vsel vm13, v28, v16;
	v26 =	vsel vm13, v30, v26  }
0x7a7: {  	(xrf1) =	vsort.dscd.msk.f32 $0xffff, v16, v26;
	_ =	sdelay $0x3  }
0x7a8: {  	s15 =	spop (v2sf)  }
0x7a9: {  	s1 =	smax.f32 s15, $9.999999970e-07  }
0x7aa: {  	v58 =	vmov s1;
	v60, v59, _ =	vpop (xrf1)  }
0x7ab: {  	(erf) = vrcp.f32 v58;
	v16 =	vperm.xlane v60, v5;
	v61, v62, _ =	vpop (xrf1)  }
0x7ac: {  	v63, v32, _ =	vpop (xrf1)  }
0x7ad: {  	vm8 =	vmmov vm15;
	v26 =	vperm.xlane v59, v5;
	vm15 =	vge.f32 v63, v16  }
0x7ae: {  	v16 =	vsel vm15, v63, v16  }
0x7af: {  	v26 =	vsel vm15, v32, v26;
	_ =	sdelay $0x1  }
0x7b0: {  	v38 =	vmpcnt.ones.xlane vm8;
	v28 =	vperm.xlane v61, v5;
	v36, v37, _ =	vpop (xrf1)  }
0x7b1: {  	[tilespmem:v15+s20+$0x0] =	vst.idx.add.f32.msk vm7, v8;
	v30 =	vperm.xlane v62, v5;
	(xrf1) =	vsort.dscd.msk.f32 $0xffff, v16, v26;
	v26, v16, _ =	vpop (xrf1)  }
0x7b2: {  	v40 =	vsub.s32 v7, v38;
	vm5 =	vge.f32 v36, v28;
	v39 =	vperm.xlane v26, v6  }
0x7b3: {  	v15 =	vsel vm6, v40, v18;
	v28 =	vsel vm5, v36, v28;
	v30 =	vsel vm5, v37, v30;
	v41 =	vpop (erf)  }
0x7b4: {  	(xrf1) =	vsort.dscd.msk.f32 $0xffff, v28, v30;
	v28 =	vmul.f32 v41, v43;
	v42 =	vmax.f32 v39, v9  }
0x7b5: {  	[tilespmem:s31+$0x0] =	vst.msk $0xff, v15;
	v27 =	vsub.f32 v27, v42  }
0x7b6: {  	s17 =	sadd.s32 $0xFFFFFF80, s3;
	v44 =	vsel vm6, $0x1, v6;
	[tilespmem:s16+$0x0] =	vst.msk $0xff, v28  }
0x7b7: {  	s18 =	sor.u32 $0x50, s17;
	v43 =	vsub.f32 v23, v42;
	[tilespmem:s10+$0x0] =	vst.msk $0xff, v44;
	v27 =	vmul.f32 $1.442695020e+00, v27  }
0x7b8: {  	s25 =	sor.u32 $0x70, s17;
	v23 =	vld [tilespmem:s18+$0x0]  }
0x7b9: {  	v19 =	vsub.f32 v19, v42;
	v15 =	vmul.f32 $1.442695020e+00, v43;
	(erf) = vpow2.f32 v27;
	v27 =	vld [tilespmem:s25+$0x0]  }
0x7ba: {  	s1 =	sor.u32 $0x60, s17;
	v28 =	vld [tilespmem:s19+$0x40]  }
0x7bb: {  	v21 =	vsub.f32 v21, v42;
	v29 =	vld [tilespmem:s1+$0x0];
	v19 =	vmul.f32 $1.442695020e+00, v19;
	(erf) = vpow2.f32 v15;
	_ =	sdelay $0x1  }
0x7bc: {  	v45 =	vmul.f32 $1.442695020e+00, v21;
	(erf) = vpow2.f32 v19;
	(xrf1) =	vsort.dscd.msk.f32 $0xffff, v23, v2  }
0x7bd: {  	(xrf1) =	vsort.dscd.msk.f32 $0xffff, v27, v4  }
0x7be: {  	(erf) = vpow2.f32 v45;
	v47, v46, _ =	vpop (xrf1);
	(xrf1) =	vsort.dscd.msk.f32 $0xffff, v28, v0  }
0x7bf: {  	(xrf1) =	vsort.dscd.msk.f32 $0xffff, v29, v3  }
0x7c0: {  	v15 =	vperm.xlane v47, v5  }
0x7c1: {  	v19 =	vperm.xlane v46, v5;
	v49, v48, _ =	vpop (xrf1)  }
0x7c2: {  	vm6 =	vge.f32 v49, v15;
	v50 =	vpop (erf)  }
0x7c3: {  	v15 =	vsel vm6, v49, v15;
	v19 =	vsel vm6, v48, v19;
	v51 =	vpop (erf)  }
0x7c4: {  	(xrf1) =	vsort.dscd.msk.f32 $0xffff, v15, v19;
	v52 =	vadd.f32 v51, v50  }
0x7c5: {  	v53 =	vpop (erf)  }
0x7c6: {  	v54 =	vsub.f32 v9, v42;
	v15 =	vadd.f32 v52, v53  }
0x7c7: {  	v55 =	vpop (erf)  }
0x7c8: {  	v19 =	vmul.f32 $1.442695020e+00, v54;
	v15 =	vadd.f32 v15, v55;
	_ =	sdelay $0x1  }
0x7c9: {  	(erf) = vpow2.f32 v19;
	v56, v57, _ =	vpop (xrf1);
	(xrf2) =	vadd.scan.msk.f32 $0xffff, v15  }
0x7ca: {  	v15 =	vperm.xlane v56, v5;
	v59, v58, _ =	vpop (xrf1)  }
0x7cb: {  	v21 =	vperm.xlane v59, v5;
	v61, v60, _ =	vpop (xrf1)  }
0x7cc: {  	v31 =	vperm.xlane v58, v5;
	vm7 =	vge.f32 v61, v15;
	v63, v62, _ =	vpop (xrf1)  }
0x7cd: {  	v19 =	vperm.xlane v57, v5;
	v15 =	vsel vm7, v61, v15;
	vm10 =	vge.f32 v63, v21  }
0x7ce: {  	v31 =	vsel vm10, v62, v31  }
0x7cf: {  	v19 =	vsel vm7, v60, v19  }
0x7d0: {  	v21 =	vsel vm10, v63, v21;
	(xrf1) =	vsort.dscd.msk.f32 $0xffff, v15, v19  }
0x7d1: {  	(xrf1) =	vsort.dscd.msk.f32 $0xffff, v21, v31;
	v31, v15, _ =	vpop (xrf1)  }
0x7d2: {  	v37 =	vpop (erf);
	v36 =	vperm.xlane v31, v6  }
0x7d3: {  	v30 =	vsub.f32 v26, v42;
	v38, _, _ =	vpop (xrf2)  }
0x7d4: {  	v40 =	vmul.f32 $6.400000000e+01, v37;
	v41 =	vbroadcast v38, $0xF;
	v39 =	vmax.f32 v36, v9  }
0x7d5: {  	v30 =	vmul.f32 $1.442695020e+00, v30;
	v25 =	vsub.f32 v25, v39  }
0x7d6: {  	v22 =	vsub.f32 v22, v39;
	v19 =	vadd.f32 v41, v40  }
0x7d7: {  	(erf) = vpow2.f32 v30;
	v42 =	vmul.f32 $1.442695020e+00, v25  }
0x7d8: {  	v24 =	vsub.f32 v24, v39;
	v22 =	vmul.f32 $1.442695020e+00, v22;
	(erf) = vrcp.f32 v19  }
0x7d9: {  	(erf) = vpow2.f32 v42  }
0x7da: {  	v20 =	vsub.f32 v20, v39;
	v43 =	vmul.f32 $1.442695020e+00, v24;
	(erf) = vpow2.f32 v22;
	_ =	sdelay $0x1  }
0x7db: {  	v20 =	vmul.f32 $1.442695020e+00, v20;
	(erf) = vpow2.f32 v43;
	_ =	sdelay $0x1  }
0x7dc: {  	v45, v44, _ =	vpop (xrf1);
	(erf) = vpow2.f32 v20  }
0x7dd: {  	v47, v46, _ =	vpop (xrf1)  }
0x7de: {  	v48 =	vpop (erf);
	v20 =	vperm.xlane v47, v5  }
0x7df: {  	v22 =	vperm.xlane v46, v5;
	v49 =	vpop (erf)  }
0x7e0: {  	vm11 =	vge.f32 v45, v20;
	v50 =	vpop (erf)  }
0x7e1: {  	vm12 =	vlt.f32 v26, v9;
	v19 =	vsel vm11, v45, v20;
	v51 =	vsel vm11, v44, v22;
	v52 =	vpop (erf)  }
0x7e2: {  	v56 =	vsub.f32 v9, v39;
	(xrf1) =	vsort.dscd.msk.f32 $0xffff, v19, v51;
	v54 =	vadd.f32 v52, v50  }
0x7e3: {  	vm6 =	vmand vm12, vm14;
	v55 =	vpop (erf)  }
0x7e4: {  	v21 =	vmul.f32 $1.442695020e+00, v56;
	v53 =	vmul.f32 v49, v48;
	v20 =	vadd.f32 v54, v55  }
0x7e5: {  	vm5 =	vmxor vm6, vm14;
	v57 =	vpop (erf)  }
0x7e6: {  	v19 =	vnsel vm5, $0x0, v53;
	(erf) = vpow2.f32 v21;
	v20 =	vadd.f32 v20, v57  }
0x7e7: {  	(xrf2) =	vadd.scan.msk.f32 $0xffff, v19  }
0x7e8: {  	(xrf2) =	vadd.scan.msk.f32 $0xffff, v20;
	_ =	sdelay $0x6  }
0x7e9: {  	v61 =	vpop (erf)  }
0x7ea: {  	v59, v21, _ =	vpop (xrf1)  }
0x7eb: {  	v58, _, _ =	vpop (xrf2);
	v60 =	vperm.xlane v59, v6  }
0x7ec: {  	v62 =	vsub.f32 v31, v39;
	v63, _, _ =	vpop (xrf2)  }
0x7ed: {  	v25 =	vmul.f32 $6.400000000e+01, v61;
	v24 =	vmax.f32 v60, v9;
	v30 =	vbroadcast v63, $0xF  }
0x7ee: {  	v26 =	vmul.f32 $1.442695020e+00, v62;
	v28 =	vsub.f32 v28, v24  }
0x7ef: {  	v23 =	vsub.f32 v23, v24;
	v25 =	vadd.f32 v30, v25  }
0x7f0: {  	(erf) = vpow2.f32 v26;
	(v2sf) =	vpush v58, $0xF;
	v33 =	vmul.f32 $1.442695020e+00, v28  }
0x7f1: {  	v34 =	vsub.f32 v29, v24;
	v23 =	vmul.f32 $1.442695020e+00, v23;
	(erf) = vrcp.f32 v25  }
0x7f2: {  	(erf) = vpow2.f32 v33  }
0x7f3: {  	v36 =	vsub.f32 v27, v24;
	v35 =	vmul.f32 $1.442695020e+00, v34;
	(erf) = vpow2.f32 v23;
	_ =	sdelay $0x1  }
0x7f4: {  	v37 =	vmul.f32 $1.442695020e+00, v36;
	(erf) = vpow2.f32 v35;
	_ =	sdelay $0x1  }
0x7f5: {  	(erf) = vpow2.f32 v37;
	_ =	sdelay $0x1  }
0x7f6: {  	v38 =	vpop (erf)  }
0x7f7: {  	v39 =	vpop (erf)  }
0x7f8: {  	v40 =	vpop (erf)  }
0x7f9: {  	vm13 =	vlt.f32 v31, v9;
	v41 =	vpop (erf)  }
0x7fa: {  	vm10 =	vmand vm13, vm14;
	v20 =	vmul.f32 v39, v38;
	v23 =	vadd.f32 v41, v40  }
0x7fb: {  	vm7 =	vmxor vm10, vm14;
	v43 =	vpop (erf)  }
0x7fc: {  	v44 =	vsub.f32 v9, v24;
	s28 =	spop (v2sf);
	v42 =	vnsel vm7, $0x0, v20;
	v20 =	vadd.f32 v23, v43  }
0x7fd: {  	s1 =	smax.f32 s28, $9.999999970e-07;
	(xrf2) =	vadd.scan.msk.f32 $0xffff, v42;
	v45 =	vpop (erf)  }
0x7fe: {  	v46 =	vmov s1;
	v23 =	vmul.f32 $1.442695020e+00, v44;
	v20 =	vadd.f32 v20, v45  }
0x7ff: {  	(erf) = vrcp.f32 v46  }
0x800: {  	(erf) = vpow2.f32 v23;
	(xrf2) =	vadd.scan.msk.f32 $0xffff, v20;
	_ =	sdelay $0x6  }
0x801: {  	v47, _, _ =	vpop (xrf2)  }
0x802: {  	v20 =	vpop (erf);
	(v2sf) =	vpush v47, $0xF  }
0x803: {  	v23 =	vpop (erf)  }
0x804: {  	v24 =	vsub.f32 v59, v24;
	v48, _, _ =	vpop (xrf2)  }
0x805: {  	v23 =	vmul.f32 $6.400000000e+01, v23;
	v26 =	vbroadcast v48, $0xF  }
0x806: {  	v24 =	vmul.f32 $1.442695020e+00, v24  }
0x807: {  	v23 =	vadd.f32 v26, v23  }
0x808: {  	(erf) = vpow2.f32 v24  }
0x809: {  	(erf) = vrcp.f32 v23;
	_ =	sdelay $0x7  }
0x80a: {  	v49 =	vpop (erf);
	s30 =	spop (v2sf)  }
0x80b: {  	vm15 =	vlt.f32 v59, v9;
	s1 =	smax.f32 s30, $9.999999970e-07;
	v51 =	vpop (erf)  }
0x80c: {  	vm11 =	vmand vm15, vm14;
	v50 =	vmov s1;
	v22 =	vmul.f32 v51, v49  }
0x80d: {  	vm12 =	vmxor vm11, vm14;
	(erf) = vrcp.f32 v50  }
0x80e: {  	v22 =	vnsel vm12, $0x0, v22  }
0x80f: {  	(xrf2) =	vadd.scan.msk.f32 $0xffff, v22;
	_ =	sdelay $0x3  }
0x810: {  	vm7 =	vmmov vm7  }
0x811: {  	v52 =	vmpcnt.ones.xlane vm7;
	_ =	sdelay $0x1  }
0x812: {  	v23 =	vsub.s32 v7, v52;
	v24 =	vpop (erf)  }
0x813: {  	[tilespmem:v17+s20+$0x0] =	vst.idx.add.f32.msk vm9, v8;
	v53 =	vsel vm10, v23, v15;
	v54 =	vmul.f32 v24, v42  }
0x814: {  	[tilespmem:s7+$0x10] =	vst.msk $0xff, v53  }
0x815: {  	v55 =	vsel vm10, $0x1, v6;
	[tilespmem:s6+$0x10] =	vst.msk $0xff, v54;
	v56, _, _ =	vpop (xrf2)  }
0x816: {  	s2 =	sor.u32 $0x70, s0;
	[tilespmem:s14+$0x10] =	vst.msk $0xff, v55;
	(v2sf) =	vpush v56, $0xF  }
0x817: {  	s5 =	sor.u32 $0x50, s0;
	v23 =	vld [tilespmem:s2+$0x0]  }
0x818: {  	s8 =	sor.u32 $0x60, s0;
	v24 =	vld [tilespmem:s5+$0x0]  }
0x819: {  	v25 =	vld [tilespmem:s8+$0x0];
	_ =	sdelay $0x2  }
0x81a: {  	v26 =	vld [tilespmem:s4+$0xC0];
	(xrf1) =	vsort.dscd.msk.f32 $0xffff, v23, v4  }
0x81b: {  	(xrf1) =	vsort.dscd.msk.f32 $0xffff, v24, v2  }
0x81c: {  	(xrf1) =	vsort.dscd.msk.f32 $0xffff, v25, v3;
	_ =	sdelay $0x2  }
0x81d: {  	(xrf1) =	vsort.dscd.msk.f32 $0xffff, v26, v0;
	_ =	sdelay $0x3  }
0x81e: {  	s9 =	spop (v2sf)  }
0x81f: {  	s0 =	smax.f32 s9, $9.999999970e-07  }
0x820: {  	v57 =	vmov s0  }
0x821: {  	(erf) = vrcp.f32 v57;
	_ =	sdelay $0x1  }
0x822: {  	v59, v58, _ =	vpop (xrf1)  }
0x823: {  	v17 =	vperm.xlane v59, v5;
	v60, v61, _ =	vpop (xrf1)  }
0x824: {  	v27 =	vperm.xlane v58, v5;
	v62, v63, _ =	vpop (xrf1)  }
0x825: {  	v28 =	vperm.xlane v60, v5;
	vm10 =	vge.f32 v62, v17  }
0x826: {  	v17 =	vsel vm10, v62, v17;
	v27 =	vsel vm10, v63, v27;
	vm10 =	vmmov vm12  }
0x827: {  	v29 =	vperm.xlane v61, v5;
	v33, v34, _ =	vpop (xrf1);
	(xrf1) =	vsort.dscd.msk.f32 $0xffff, v17, v27;
	v37 =	vmpcnt.ones.xlane vm10  }
0x828: {  	[tilespmem:v18+s20+$0x0] =	vst.idx.add.f32.msk vm8, v8;
	vm13 =	vge.f32 v33, v28  }
0x829: {  	v35 =	vsel vm13, v33, v28;
	v36 =	vsel vm13, v34, v29;
	v38 =	vsub.s32 v7, v37;
	v39 =	vpop (erf)  }
0x82a: {  	(xrf1) =	vsort.dscd.msk.f32 $0xffff, v35, v36;
	v17 =	vsel vm11, v38, v21;
	v40 =	vmul.f32 v39, v22  }
0x82b: {  	[tilespmem:s31+$0x8] =	vst.msk $0xff, v17  }
0x82c: {  	v41 =	vsel vm11, $0x1, v6;
	[tilespmem:s16+$0x8] =	vst.msk $0xff, v40  }
0x82d: {  	[tilespmem:s10+$0x8] =	vst.msk $0xff, v41  }
0x82e: {  	v22 =	vld [tilespmem:s19+$0xB0]  }
0x82f: {  	v27 =	vld [tilespmem:s19+$0x90]  }
0x830: {  	v28 =	vld [tilespmem:s19+$0xA0];
	_ =	sdelay $0x2  }
0x831: {  	(xrf1) =	vsort.dscd.msk.f32 $0xffff, v22, v4  }
0x832: {  	(xrf1) =	vsort.dscd.msk.f32 $0xffff, v27, v2  }
0x833: {  	v29 =	vld [tilespmem:s19+$0x80];
	v43, v42, _ =	vpop (xrf1);
	(xrf1) =	vsort.dscd.msk.f32 $0xffff, v28, v3;
	_ =	sdelay $0x1  }
0x834: {  	v17 =	vperm.xlane v43, v5  }
0x835: {  	v18 =	vperm.xlane v42, v5;
	v44, v45, _ =	vpop (xrf1)  }
0x836: {  	vm15 =	vge.f32 v44, v17  }
0x837: {  	(xrf1) =	vsort.dscd.msk.f32 $0xffff, v29, v0;
	v17 =	vsel vm15, v44, v17;
	v18 =	vsel vm15, v45, v18  }
0x838: {  	(xrf1) =	vsort.dscd.msk.f32 $0xffff, v17, v18;
	_ =	sdelay $0x5  }
0x839: {  	v17, v18, _ =	vpop (xrf1)  }
0x83a: {  	v17 =	vperm.xlane v17, v5;
	v46, v47, _ =	vpop (xrf1)  }
0x83b: {  	v48, v49, _ =	vpop (xrf1)  }
0x83c: {  	vm8 =	vge.f32 v48, v17  }
0x83d: {  	v17 =	vsel vm8, v48, v17  }
0x83e: {  	v18 =	vperm.xlane v18, v5  }
0x83f: {  	v30 =	vperm.xlane v46, v5  }
0x840: {  	v31 =	vperm.xlane v47, v5;
	v50, v51, _ =	vpop (xrf1);
	v18 =	vsel vm8, v49, v18  }
0x841: {  	vm9 =	vge.f32 v50, v30;
	(xrf1) =	vsort.dscd.msk.f32 $0xffff, v17, v18;
	v52, v17, _ =	vpop (xrf1)  }
0x842: {  	v53 =	vsel vm9, v50, v30;
	v54 =	vsel vm9, v51, v31;
	v55 =	vperm.xlane v52, v6  }
0x843: {  	(xrf1) =	vsort.dscd.msk.f32 $0xffff, v53, v54  }
0x844: {  	v56 =	vmax.f32 v55, v9  }
0x845: {  	v57 =	vsub.f32 v26, v56  }
0x846: {  	v24 =	vsub.f32 v24, v56  }
0x847: {  	v18 =	vmul.f32 $1.442695020e+00, v57  }
0x848: {  	v25 =	vsub.f32 v25, v56;
	v24 =	vmul.f32 $1.442695020e+00, v24  }
0x849: {  	(erf) = vpow2.f32 v18  }
0x84a: {  	v23 =	vsub.f32 v23, v56;
	v58 =	vmul.f32 $1.442695020e+00, v25;
	(erf) = vpow2.f32 v24;
	_ =	sdelay $0x1  }
0x84b: {  	v23 =	vmul.f32 $1.442695020e+00, v23;
	(erf) = vpow2.f32 v58;
	_ =	sdelay $0x1  }
0x84c: {  	(erf) = vpow2.f32 v23  }
0x84d: {  	v59, v60, _ =	vpop (xrf1)  }
0x84e: {  	v18 =	vperm.xlane v59, v5  }
0x84f: {  	v23 =	vperm.xlane v60, v5;
	v62, v61, _ =	vpop (xrf1)  }
0x850: {  	vm11 =	vge.f32 v62, v18;
	v63 =	vpop (erf)  }
0x851: {  	v18 =	vsel vm11, v62, v18;
	v23 =	vsel vm11, v61, v23;
	v31 =	vpop (erf)  }
0x852: {  	(xrf1) =	vsort.dscd.msk.f32 $0xffff, v18, v23;
	v32 =	vadd.f32 v31, v63  }
0x853: {  	v33 =	vpop (erf)  }
0x854: {  	v35 =	vsub.f32 v9, v56;
	v18 =	vadd.f32 v32, v33  }
0x855: {  	v36 =	vpop (erf)  }
0x856: {  	v23 =	vmul.f32 $1.442695020e+00, v35;
	v18 =	vadd.f32 v18, v36;
	_ =	sdelay $0x1  }
0x857: {  	(erf) = vpow2.f32 v23;
	(xrf2) =	vadd.scan.msk.f32 $0xffff, v18;
	_ =	sdelay $0x7  }
0x858: {  	v37, v18, _ =	vpop (xrf1)  }
0x859: {  	v39 =	vpop (erf);
	v38 =	vperm.xlane v37, v6  }
0x85a: {  	v40 =	vsub.f32 v52, v56;
	v41, _, _ =	vpop (xrf2)  }
0x85b: {  	v25 =	vmul.f32 $6.400000000e+01, v39;
	v24 =	vmax.f32 v38, v9;
	v30 =	vbroadcast v41, $0xF  }
0x85c: {  	v26 =	vmul.f32 $1.442695020e+00, v40;
	v29 =	vsub.f32 v29, v24  }
0x85d: {  	v27 =	vsub.f32 v27, v24;
	v25 =	vadd.f32 v30, v25  }
0x85e: {  	(erf) = vpow2.f32 v26;
	v29 =	vmul.f32 $1.442695020e+00, v29  }
0x85f: {  	v43 =	vsub.f32 v28, v24;
	v42 =	vmul.f32 $1.442695020e+00, v27;
	(erf) = vrcp.f32 v25  }
0x860: {  	(erf) = vpow2.f32 v29  }
0x861: {  	v22 =	vsub.f32 v22, v24;
	v44 =	vmul.f32 $1.442695020e+00, v43;
	(erf) = vpow2.f32 v42;
	_ =	sdelay $0x1  }
0x862: {  	v22 =	vmul.f32 $1.442695020e+00, v22;
	(erf) = vpow2.f32 v44;
	_ =	sdelay $0x1  }
0x863: {  	(erf) = vpow2.f32 v22;
	_ =	sdelay $0x1  }
0x864: {  	v45 =	vpop (erf)  }
0x865: {  	v46 =	vpop (erf)  }
0x866: {  	v47 =	vpop (erf)  }
0x867: {  	v48 =	vpop (erf)  }
0x868: {  	vm12 =	vlt.f32 v52, v9;
	v26 =	vadd.f32 v48, v47  }
0x869: {  	vm9 =	vmand vm12, vm14;
	v22 =	vmul.f32 v46, v45;
	v49 =	vpop (erf)  }
0x86a: {  	vm8 =	vmxor vm9, vm14;
	v50 =	vsub.f32 v9, v24;
	v25 =	vadd.f32 v26, v49  }
0x86b: {  	v22 =	vnsel vm8, $0x0, v22;
	v51 =	vpop (erf)  }
0x86c: {  	(xrf2) =	vadd.scan.msk.f32 $0xffff, v22;
	v26 =	vmul.f32 $1.442695020e+00, v50;
	v25 =	vadd.f32 v25, v51;
	_ =	sdelay $0x1  }
0x86d: {  	(erf) = vpow2.f32 v26;
	(xrf2) =	vadd.scan.msk.f32 $0xffff, v25;
	_ =	sdelay $0x7  }
0x86e: {  	v52, _, _ =	vpop (xrf2)  }
0x86f: {  	v26 =	vpop (erf)  }
0x870: {  	v24 =	vsub.f32 v37, v24;
	v53, _, _ =	vpop (xrf2)  }
0x871: {  	v26 =	vmul.f32 $6.400000000e+01, v26;
	v27 =	vbroadcast v53, $0xF  }
0x872: {  	v24 =	vmul.f32 $1.442695020e+00, v24  }
0x873: {  	v26 =	vadd.f32 v27, v26  }
0x874: {  	(erf) = vpow2.f32 v24  }
0x875: {  	(erf) = vrcp.f32 v26;
	_ =	sdelay $0x7  }
0x876: {  	v24 =	vpop (erf)  }
0x877: {  	vm13 =	vlt.f32 v37, v9;
	v54 =	vpop (erf)  }
0x878: {  	vm0 =	vmand vm13, vm14;
	v23 =	vmul.f32 v54, v24  }
0x879: {  	vm15 =	vmxor vm0, vm14  }
0x87a: {  	v23 =	vnsel vm15, $0x0, v23  }
0x87b: {  	(xrf2) =	vadd.scan.msk.f32 $0xffff, v23;
	_ =	sdelay $0x9  }
0x87c: {  	(v2sf) =	vpush v52, $0xF;
	v55, _, _ =	vpop (xrf2)  }
0x87d: {  	(v2sf) =	vpush v55, $0xF;
	_ =	sdelay $0xd  }
0x87e: {  	s11 =	spop (v2sf)  }
0x87f: {  	s0 =	smax.f32 s11, $9.999999970e-07;
	s12 =	spop (v2sf)  }
0x880: {  	v56 =	vmov s0;
	s13 =	smax.f32 s12, $9.999999970e-07  }
0x881: {  	(erf) = vrcp.f32 v56;
	v57 =	vmov s13  }
0x882: {  	(erf) = vrcp.f32 v57;
	_ =	sdelay $0x5  }
0x883: {  	vm11 =	vmmov vm15  }
0x884: {  	v58 =	vmpcnt.ones.xlane vm11  }
0x885: {  	v25 =	vpop (erf)  }
0x886: {  	v24 =	vsub.s32 v7, v58;
	v59 =	vpop (erf)  }
0x887: {  	[tilespmem:v21+s20+$0x0] =	vst.idx.add.f32.msk vm10, v8;
	v60 =	vsel vm0, v24, v18;
	v23 =	vmul.f32 v59, v23  }
0x888: {  	[tilespmem:s31+$0x10] =	vst.msk $0xff, v60  }
0x889: {  	v61 =	vsel vm0, $0x1, v6;
	[tilespmem:s16+$0x10] =	vst.msk $0xff, v23  }
0x88a: {  	s15 =	sor.u32 $0x70, s3;
	[tilespmem:s10+$0x10] =	vst.msk $0xff, v61  }
0x88b: {  	s17 =	sor.u32 $0x50, s3;
	v21 =	vld [tilespmem:s15+$0x0]  }
0x88c: {  	s18 =	sor.u32 $0x60, s3;
	v23 =	vld [tilespmem:s17+$0x0]  }
0x88d: {  	v62 =	vld [tilespmem:s18+$0x0];
	_ =	sdelay $0x1  }
0x88e: {  	v63 =	vld [tilespmem:s19+$0xC0]  }
0x88f: {  	(xrf1) =	vsort.dscd.msk.f32 $0xffff, v21, v4  }
0x890: {  	(xrf1) =	vsort.dscd.msk.f32 $0xffff, v23, v2  }
0x891: {  	(xrf1) =	vsort.dscd.msk.f32 $0xffff, v62, v3;
	_ =	sdelay $0x1  }
0x892: {  	(xrf1) =	vsort.dscd.msk.f32 $0xffff, v63, v0;
	_ =	sdelay $0x9  }
0x893: {  	v35, v34, _ =	vpop (xrf1)  }
0x894: {  	v27 =	vperm.xlane v35, v5;
	v37, v36, _ =	vpop (xrf1)  }
0x895: {  	v28 =	vperm.xlane v34, v5;
	v39, v38, _ =	vpop (xrf1)  }
0x896: {  	v29 =	vperm.xlane v37, v5;
	vm10 =	vge.f32 v39, v27  }
0x897: {  	v30 =	vperm.xlane v36, v5;
	v40, v41, _ =	vpop (xrf1);
	v27 =	vsel vm10, v39, v27;
	v28 =	vsel vm10, v38, v28  }
0x898: {  	vm12 =	vge.f32 v40, v29;
	(xrf1) =	vsort.dscd.msk.f32 $0xffff, v27, v28  }
0x899: {  	v42 =	vsel vm12, v40, v29;
	v43 =	vsel vm12, v41, v30  }
0x89a: {  	(xrf1) =	vsort.dscd.msk.f32 $0xffff, v42, v43;
	_ =	sdelay $0xb  }
0x89b: {  	v27, v28, _ =	vpop (xrf1)  }
0x89c: {  	v27 =	vperm.xlane v27, v5  }
0x89d: {  	v28 =	vperm.xlane v28, v5;
	v44, v45, _ =	vpop (xrf1)  }
0x89e: {  	vm13 =	vge.f32 v44, v27  }
0x89f: {  	v27 =	vsel vm13, v44, v27;
	v28 =	vsel vm13, v45, v28  }
0x8a0: {  	(xrf1) =	vsort.dscd.msk.f32 $0xffff, v27, v28;
	_ =	sdelay $0xd  }
0x8a1: {  	v27, v28, _ =	vpop (xrf1)  }
0x8a2: {  	v46 =	vperm.xlane v27, v6;
	_ =	sdelay $0x1  }
0x8a3: {  	v29 =	vmax.f32 v46, v9  }
0x8a4: {  	v26 =	vsub.f32 v63, v29  }
0x8a5: {  	v23 =	vsub.f32 v23, v29  }
0x8a6: {  	v26 =	vmul.f32 $1.442695020e+00, v26  }
0x8a7: {  	v24 =	vsub.f32 v62, v29;
	v23 =	vmul.f32 $1.442695020e+00, v23  }
0x8a8: {  	(erf) = vpow2.f32 v26  }
0x8a9: {  	v21 =	vsub.f32 v21, v29;
	v24 =	vmul.f32 $1.442695020e+00, v24;
	(erf) = vpow2.f32 v23;
	_ =	sdelay $0x1  }
0x8aa: {  	v21 =	vmul.f32 $1.442695020e+00, v21;
	(erf) = vpow2.f32 v24;
	_ =	sdelay $0x1  }
0x8ab: {  	(erf) = vpow2.f32 v21;
	_ =	sdelay $0x3  }
0x8ac: {  	v47 =	vpop (erf)  }
0x8ad: {  	v23 =	vpop (erf)  }
0x8ae: {  	v21 =	vadd.f32 v23, v47  }
0x8af: {  	v48 =	vpop (erf)  }
0x8b0: {  	v49 =	vsub.f32 v9, v29;
	v21 =	vadd.f32 v21, v48  }
0x8b1: {  	v50 =	vpop (erf)  }
0x8b2: {  	v23 =	vmul.f32 $1.442695020e+00, v49;
	v21 =	vadd.f32 v21, v50;
	_ =	sdelay $0x1  }
0x8b3: {  	(erf) = vpow2.f32 v23;
	(xrf2) =	vadd.scan.msk.f32 $0xffff, v21;
	_ =	sdelay $0x8  }
0x8b4: {  	v51 =	vpop (erf)  }
0x8b5: {  	v52 =	vsub.f32 v27, v29;
	v53, _, _ =	vpop (xrf2)  }
0x8b6: {  	v21 =	vmul.f32 $6.400000000e+01, v51;
	v24 =	vbroadcast v53, $0xF  }
0x8b7: {  	v23 =	vmul.f32 $1.442695020e+00, v52  }
0x8b8: {  	v21 =	vadd.f32 v24, v21  }
0x8b9: {  	(erf) = vpow2.f32 v23  }
0x8ba: {  	(erf) = vrcp.f32 v21;
	_ =	sdelay $0x7  }
0x8bb: {  	v54 =	vpop (erf)  }
0x8bc: {  	vm15 =	vlt.f32 v27, v9;
	v9 =	vpop (erf)  }
0x8bd: {  	vm0 =	vmand vm15, vm14;
	v9 =	vmul.f32 v9, v54  }
0x8be: {  	vm15 =	vmxor vm0, vm14  }
0x8bf: {  	v9 =	vnsel vm15, $0x0, v9  }
0x8c0: {  	(xrf2) =	vadd.scan.msk.f32 $0xffff, v9;
	_ =	sdelay $0x9  }
0x8c1: {  	v55, _, _ =	vpop (xrf2)  }
0x8c2: {  	(v2sf) =	vpush v55, $0xF;
	_ =	sdelay $0xc  }
0x8c3: {  	[tilespmem:v10+s20+$0x0] =	vst.idx.add.f32.msk vm1, v8;
	v56 =	vmpcnt.ones.xlane vm2  }
0x8c4: {  	[tilespmem:v12+s20+$0x0] =	vst.idx.add.f32.msk vm4, v8  }
0x8c5: {  	[tilespmem:v15+s20+$0x0] =	vst.idx.add.f32.msk vm7, v8;
	v21 =	vsub.s32 v7, v56;
	s19 =	spop (v2sf)  }
0x8c6: {  	v13 =	vmul.f32 v14, v13;
	[tilespmem:v18+s20+$0x0] =	vst.idx.add.f32.msk vm11, v8;
	v10 =	vsel vm3, v21, v11;
	s0 =	smax.f32 s19, $9.999999970e-07  }
0x8c7: {  	v57 =	vmpcnt.ones.xlane vm5;
	[tilespmem:s21+$0x18] =	vst.msk $0xff, v10;
	v10 =	vmov s0  }
0x8c8: {  	v58 =	vsel vm3, $0x1, v6;
	[tilespmem:s22+$0x18] =	vst.msk $0xff, v13;
	(erf) = vrcp.f32 v10  }
0x8c9: {  	[tilespmem:s29+$0x18] =	vst.msk $0xff, v58;
	v10 =	vsub.s32 v7, v57  }
0x8ca: {  	v59 =	vmul.f32 v20, v19;
	[tilespmem:v11+s20+$0x0] =	vst.idx.add.f32.msk vm2, v8;
	v10 =	vsel vm6, v10, v16  }
0x8cb: {  	[tilespmem:s23+$0x18] =	vst.msk $0xff, v10;
	v10 =	vmpcnt.ones.xlane vm8  }
0x8cc: {  	v60 =	vsel vm6, $0x1, v6;
	[tilespmem:s26+$0x18] =	vst.msk $0xff, v59  }
0x8cd: {  	[tilespmem:s24+$0x18] =	vst.msk $0xff, v60;
	v10 =	vsub.s32 v7, v10  }
0x8ce: {  	v61 =	vmul.f32 v25, v22;
	v10 =	vsel vm9, v10, v17;
	[tilespmem:v16+s20+$0x0] =	vst.idx.add.f32.msk vm5, v8  }
0x8cf: {  	[tilespmem:s7+$0x18] =	vst.msk $0xff, v10;
	v10 =	vmpcnt.ones.xlane vm15  }
0x8d0: {  	v62 =	vsel vm9, $0x1, v6;
	[tilespmem:s6+$0x18] =	vst.msk $0xff, v61  }
0x8d1: {  	[tilespmem:s14+$0x18] =	vst.msk $0xff, v62;
	v10 =	vsub.s32 v7, v10;
	v63 =	vpop (erf)  }
0x8d2: {  	v10 =	vsel vm0, v10, v28;
	[tilespmem:v17+s20+$0x0] =	vst.idx.add.f32.msk vm8, v8;
	v9 =	vmul.f32 v63, v9  }
0x8d3: {  	[tilespmem:s31+$0x18] =	vst.msk $0xff, v10  }
0x8d4: {  	[tilespmem:s16+$0x18] =	vst.msk $0xff, v9;
	v9 =	vsel vm0, $0x1, v6  }
0x8d5: {  	[tilespmem:s10+$0x18] =	vst.msk $0xff, v9  }
0x8d6: {  	s1 =	simm.s32 $0x1;
	[tilespmem:v28+s20+$0x0] =	vst.idx.add.f32.msk vm15, v8  }
0x8d7: {  	s9 =	simm.s32 $0x0;
	s23 =	simm.s32 $0x4080;
	s22 =	rddreg [dreg:$0x16]  }
0x8d8: {  	[hbm4b:s22+s9] =	stream.linear.scatter [tilespmem:s23], [sflag:$0x1], $0x800, $0x38;
	[tilespmem:$0x5A80] =	vst v63  }
0x8d9: {  	_ =	swait.ge [sflag:s1], $0x800  }
0x8da: {  	[sflag:s1] =	ssyncset.done $0x0  }
0x8db: {  	s25 =	simm.s32 $0x4900;
	s24 =	rddreg [dreg:$0x17];
	[sflag:s1] =	ssyncadd.s32 $0xFFFFF800  }
0x8dc: {  	[hbm4b:s24+s9] =	stream.linear.scatter [tilespmem:s25], [sflag:$0x1], $0x800, $0x38;
	[tilespmem:$0x5A80] =	vst v63  }
0x8dd: {  	_ =	swait.ge [sflag:s1], $0x800  }
0x8de: {  	[sflag:s1] =	ssyncset.done $0x0  }
0x8df: {  	s28 =	simm.s32 $0x5180;
	s26 =	rddreg [dreg:$0x18];
	[sflag:s1] =	ssyncadd.s32 $0xFFFFF800  }
0x8e0: {  	[hbm4b:s26+s9] =	stream.linear.scatter [tilespmem:s28], [sflag:$0x1], $0x800, $0x38;
	[tilespmem:$0x5A80] =	vst v63  }
0x8e1: {  	_ =	swait.ge [sflag:s1], $0x800  }
0x8e2: {  	[sflag:s1] =	ssyncset.done $0x0  }
0x8e3: {  	s29 =	rddreg [dreg:$0x19];
	[sflag:s1] =	ssyncadd.s32 $0xFFFFF800  }
0x8e4: {  	[hbm4b:s29+s9] =	stream.linear.scatter [tilespmem:s20], [sflag:$0x1], $0x40, $0x38;
	[tilespmem:$0x5A80] =	vst v63  }
0x8e5: {  	_ =	swait.ge [sflag:s1], $0x40  }
0x8e6: {  	s30 =	rddreg [dreg:$0x1b]  }
0x8e7: {  	s31 =	rddreg [dreg:$0x1a];
	s2 =	sadd.s32 $0x1, s30  }
0x8e8: {  	p0 =	sne.s32 s2, s31  }
.Ltmp1:
0x8e9: {  	_ = 	snop;
	(pc) =	sbr.rel @p0 .LBB2_1-.Ltmp1, $3  }
0x8ea: {  	_ =	sdelay $0x1  }
0x8eb: {  	[sflag:s1] =	ssyncset.done $0x0  }
0x8ec: {  	[sflag:s1] =	ssyncadd.s32 $0xFFFFFFC0  }
0x8ed: {  	_ =	sfence.sel $0x180000  }
0x8ee: {  	[bflag:$0x0] =	sbarrier.arrive $0xFFFF  }
0x8ef: {  	_ =	strace $0x90000047  }
0x8f0: {  	s0 =	stileid.u32;
	[bflag:$0x2] =	sbarrier.arrive $0xFFFF  }
0x8f1: {  	p0 =	sne.s32 s0, $0x0;
	s0 =	rddreg [dreg:$0x4]  }
0x8f2: {  	s0 =	sadd.s32 @!p0 $0x100000, s0  }
0x8f3: {  	[sflag:s0] =	ssyncadd.tile.s32 @!p0 $0x1;
	_ =	shalt  }
.Lfunc_end2:
_tile_overlayer_lowered:
.L_overlay_start_2:
0x8f4: {  	(tag) =	ssettag $0x2  }
0x8f5: {  	s0 =	rddreg [dreg:$0x0];
	s2 =	stileid.u32  }
0x8f6: {  	s1 =	rddreg [dreg:$0x1];
	p0 =	sne.s32 s2, $0x0  }
0x8f7: {  	s3 =	rddreg [dreg:$0x2];
	[bflag:$0x3] =	sbarrier.arrive $0xFFFF;
	s2 =	simm.s32 @!p0 $0x1C01  }
0x8f8: {  	[timem:s3], [sflag:s2] =	dma.local @!p0 [hbm:s0], s1  }
0x8f9: {  	s0 =	simm.s32 @!p0 $0x1  }
0x8fa: {  	_ =	swait.ge @!p0 [sflag:s0], s1  }
0x8fb: {  	s1 =	ssub.s32 @!p0 $0x0, s1;
	[sflag:s0] =	ssyncset.done @!p0 $0x0  }
0x8fc: {  	[sflag:s0] =	ssyncadd.s32 @!p0 s1  }
0x8fd: {  	[bflag:$0x3] =	sbarrier.arrive $0xFFFF  }
0x8fe: {  	_ =	shalt  }

</sc_bundles>
